<compile_context>
chip_gen: v7x
topology: tpu7x:2x2x1
jax: 0.10.2.dev20260603
libtpu: 0.0.44.dev20260713+nightly
codegen_flags: <defaults>
</compile_context>

<pallas_src>
import functools

import jax
import jax.numpy as jnp
from jax import lax
from jax.experimental import pallas as pl
from jax.experimental.pallas import tpu as pltpu
from jax.experimental.pallas import tpu_sc as plsc

N_OBJ = 1000
N_REL = 5000
NUM_OBJ_CLS = 151
NUM_REL_CLS = 51
OBJ_DIM = 4096
REL_DIM = 4096
HID = 512
T_STEPS = 3
NMS_THRESH = 0.3

NP_OBJ = 1024
CP = 256
NP_REL = 5120
RB = 512
NEG = -1e30


def _probs_body(logits_ref, out_ref):
    x = logits_ref[...]
    m = jnp.max(x, axis=1, keepdims=True)
    e = jnp.exp(x - m)
    out_ref[...] = e / jnp.sum(e, axis=1, keepdims=True)


def _probs_call(logits_p):
    return pl.pallas_call(
        _probs_body,
        out_shape=jax.ShapeDtypeStruct((N_OBJ, CP), jnp.float32),
    )(logits_p)


CB = 10


def _nms_body(rowp_ref, colp_ref, keep_ref, qs_ref, kept_ref, supp_ref,
              und_ref):
    ii = lax.broadcasted_iota(jnp.int32, (NP_OBJ, NP_OBJ), 0)
    jj = lax.broadcasted_iota(jnp.int32, (NP_OBJ, NP_OBJ), 1)
    for c in range(CB):
        b = c * 5
        x1_r = rowp_ref[0, b + 0:b + 1, :]
        y1_r = rowp_ref[0, b + 1:b + 2, :]
        x2_r = rowp_ref[0, b + 2:b + 3, :]
        y2_r = rowp_ref[0, b + 3:b + 4, :]
        s_r = rowp_ref[0, b + 4:b + 5, :]
        x1_c = colp_ref[0, :, b + 0:b + 1]
        y1_c = colp_ref[0, :, b + 1:b + 2]
        x2_c = colp_ref[0, :, b + 2:b + 3]
        y2_c = colp_ref[0, :, b + 3:b + 4]
        s_c = colp_ref[0, :, b + 4:b + 5]

        area_r = (x2_r - x1_r) * (y2_r - y1_r)
        area_c = (x2_c - x1_c) * (y2_c - y1_c)
        xx1 = jnp.maximum(x1_c, x1_r)
        yy1 = jnp.maximum(y1_c, y1_r)
        xx2 = jnp.minimum(x2_c, x2_r)
        yy2 = jnp.minimum(y2_c, y2_r)
        w = jnp.maximum(xx2 - xx1, 0.0)
        h = jnp.maximum(yy2 - yy1, 0.0)
        inter = w * h
        iou = inter / (area_c + area_r - inter + 1e-8)

        prec = (s_c > s_r) | ((s_c == s_r) & (ii < jj))
        qs_ref[c] = ((iou > NMS_THRESH) & prec & (ii < N_OBJ) & (jj < N_OBJ)
                     ).astype(jnp.bfloat16)

    lane = lax.broadcasted_iota(jnp.int32, (CB, NP_OBJ), 1)
    valid = (lane < N_OBJ).astype(jnp.float32)
    kept_ref[...] = jnp.zeros((CB, NP_OBJ), jnp.float32)
    supp_ref[...] = 1.0 - valid
    und_ref[...] = valid

    def cond(tot):
        return tot > 0.0

    def body(tot):
        del tot
        for c in range(CB):
            und_c = und_ref[c:c + 1, :]

            @pl.when(jnp.sum(und_c) > 0.0)
            def _step(c=c, und_c=und_c):
                kept_c = kept_ref[c:c + 1, :]
                notsupp_c = valid[c:c + 1] - supp_ref[c:c + 1, :]
                lhs = jnp.concatenate(
                    [kept_c, notsupp_c], axis=0).astype(jnp.bfloat16)
                bp = jnp.dot(lhs, qs_ref[c],
                             preferred_element_type=jnp.float32)
                new_supp = und_c * (bp[0:1] > 0.0)
                new_kept = und_c * (bp[1:2] == 0.0)
                kept_ref[c:c + 1, :] = kept_c + new_kept
                supp_ref[c:c + 1, :] = supp_ref[c:c + 1, :] + new_supp
                und_ref[c:c + 1, :] = und_c - new_kept - new_supp

        return jnp.sum(und_ref[...])

    lax.while_loop(cond, body, jnp.float32(1.0))
    keep_ref[...] = kept_ref[...][:, None, :]


def _nms_call(rowp, colp):
    nclass = NUM_OBJ_CLS - 1
    nb = nclass // CB
    return pl.pallas_call(
        _nms_body,
        grid=(nb,),
        in_specs=[pl.BlockSpec((1, CB * 5, NP_OBJ), lambda g: (g, 0, 0)),
                  pl.BlockSpec((1, NP_OBJ, CB * 5), lambda g: (g, 0, 0))],
        out_specs=pl.BlockSpec((CB, 1, NP_OBJ), lambda g: (g, 0, 0)),
        out_shape=jax.ShapeDtypeStruct((nclass, 1, NP_OBJ), jnp.float32),
        scratch_shapes=[pltpu.VMEM((CB, NP_OBJ, NP_OBJ), jnp.bfloat16),
                        pltpu.VMEM((CB, NP_OBJ), jnp.float32),
                        pltpu.VMEM((CB, NP_OBJ), jnp.float32),
                        pltpu.VMEM((CB, NP_OBJ), jnp.float32)],
    )(rowp, colp)


def _relmm_body(x_ref, w_ref, b_ref, o_ref):
    o_ref[...] = (
        jnp.dot(x_ref[...], w_ref[...], preferred_element_type=jnp.float32)
        + b_ref[...]
    )


def _relmm_call(vr, w, b):
    mb = 200
    return pl.pallas_call(
        _relmm_body,
        grid=(N_REL // mb,),
        in_specs=[
            pl.BlockSpec((mb, REL_DIM), lambda i: (i, 0)),
            pl.BlockSpec((REL_DIM, HID), lambda i: (0, 0)),
            pl.BlockSpec((1, HID), lambda i: (0, 0)),
        ],
        out_specs=pl.BlockSpec((mb, HID), lambda i: (i, 0)),
        out_shape=jax.ShapeDtypeStruct((N_REL, HID), jnp.float32),
    )(vr, w, b)


def _objmm_body(f_ref, w_ref, b_ref, lg_ref, mask_ref, probs_ref, wemb_ref,
                h_ref, pred_ref):
    lg = lg_ref[...]
    mask = mask_ref[...]
    lane = lax.broadcasted_iota(jnp.int32, lg.shape, 1)
    lp = mask * lg + (1.0 - mask) * (-1000.0)
    lp = jnp.where(lane < NUM_OBJ_CLS, lp, NEG)
    m = jnp.max(lp, axis=1, keepdims=True)
    e = jnp.exp(lp - m)
    p2 = e / jnp.sum(e, axis=1, keepdims=True)
    emb = jnp.dot(p2, wemb_ref[...], preferred_element_type=jnp.float32)
    h = jnp.dot(f_ref[...], w_ref[...], preferred_element_type=jnp.float32)
    h_ref[...] = jnp.tanh(h + b_ref[...] + emb)

    mp = mask * probs_ref[...]
    adj = jnp.where((lane >= 1) & (lane < NUM_OBJ_CLS), mp, -1.0)
    mx = jnp.max(adj, axis=1, keepdims=True)
    cand = jnp.where(adj == mx, lane, NUM_OBJ_CLS + 1)
    pred_ref[...] = jnp.min(cand, axis=1, keepdims=True)


def _objmm_call(fmaps, w, b, logits_p, mask_p, probs, wemb_p):
    mb = 200
    return pl.pallas_call(
        _objmm_body,
        grid=(N_OBJ // mb,),
        in_specs=[
            pl.BlockSpec((mb, OBJ_DIM), lambda i: (i, 0)),
            pl.BlockSpec((OBJ_DIM, HID), lambda i: (0, 0)),
            pl.BlockSpec((1, HID), lambda i: (0, 0)),
            pl.BlockSpec((mb, CP), lambda i: (i, 0)),
            pl.BlockSpec((mb, CP), lambda i: (i, 0)),
            pl.BlockSpec((mb, CP), lambda i: (i, 0)),
            pl.BlockSpec((CP, HID), lambda i: (0, 0)),
        ],
        out_specs=[
            pl.BlockSpec((mb, HID), lambda i: (i, 0)),
            pl.BlockSpec((mb, 1), lambda i: (i, 0)),
        ],
        out_shape=[
            jax.ShapeDtypeStruct((N_OBJ, HID), jnp.float32),
            jax.ShapeDtypeStruct((N_OBJ, 1), jnp.int32),
        ],
    )(fmaps, w, b, logits_p, mask_p, probs, wemb_p)


CHUNK = 80
NCHUNK = NP_REL // CHUNK
_NC = 2
_NS = 16
_ROWS_PER_SUB = NP_OBJ // _NS


def _sc_gather_body(objh_hbm, sub_hbm, ob_hbm, ga_hbm, gb_hbm,
                    idx_a0, idx_b0, idx_a1, idx_b1,
                    rows_a, rows_b, sem_a, sem_b):
    cid = lax.axis_index("c")
    sid = lax.axis_index("s")
    wid = sid * _NC + cid
    k0 = wid * 2
    k1 = k0 + 1
    pltpu.sync_copy(sub_hbm.at[k0], idx_a0)
    pltpu.sync_copy(ob_hbm.at[k0], idx_b0)
    pltpu.sync_copy(sub_hbm.at[k1], idx_a1)
    pltpu.sync_copy(ob_hbm.at[k1], idx_b1)
    cp_a = pltpu.async_copy(objh_hbm.at[idx_a0], rows_a, sem_a)
    cp_b = pltpu.async_copy(objh_hbm.at[idx_b0], rows_b, sem_b)
    cp_a.wait()
    pltpu.sync_copy(rows_a, ga_hbm.at[pl.ds(k0 * CHUNK, CHUNK)])
    cp_a = pltpu.async_copy(objh_hbm.at[idx_a1], rows_a, sem_a)
    cp_b.wait()
    pltpu.sync_copy(rows_b, gb_hbm.at[pl.ds(k0 * CHUNK, CHUNK)])
    cp_b = pltpu.async_copy(objh_hbm.at[idx_b1], rows_b, sem_b)
    cp_a.wait()
    pltpu.sync_copy(rows_a, ga_hbm.at[pl.ds(k1 * CHUNK, CHUNK)])
    cp_b.wait()
    pltpu.sync_copy(rows_b, gb_hbm.at[pl.ds(k1 * CHUNK, CHUNK)])


@functools.cache
def _sc_kernels():
    mesh = plsc.VectorSubcoreMesh(core_axis_name="c", subcore_axis_name="s",
                                  num_cores=_NC)
    gather = pl.kernel(
        _sc_gather_body,
        mesh=mesh,
        out_type=[jax.ShapeDtypeStruct((NP_REL, HID), jnp.float32),
                  jax.ShapeDtypeStruct((NP_REL, HID), jnp.float32)],
        scratch_types=(
            [pltpu.VMEM((CHUNK,), jnp.int32)] * 4
            + [pltpu.VMEM((CHUNK, HID), jnp.float32)] * 2
            + [pltpu.SemaphoreType.DMA] * 2
        ),
    )
    return gather


def _segsum(vr_get, subr_ref, obr_ref, objh, wmsg_ref):
    iota_obj_row = lax.broadcasted_iota(jnp.int32, (NP_OBJ, RB), 0)
    msg = jnp.zeros((NP_OBJ, HID), jnp.float32)
    for rb in range(NP_REL // RB):
        sub_blk = subr_ref[:, rb * RB:(rb + 1) * RB]
        ob_blk = obr_ref[:, rb * RB:(rb + 1) * RB]
        oh = ((sub_blk == iota_obj_row).astype(jnp.float32)
              + (ob_blk == iota_obj_row).astype(jnp.float32))
        msg = msg + jnp.dot(oh, vr_get(rb), preferred_element_type=jnp.float32)
    nrm = jnp.sqrt(jnp.sum(msg * msg, axis=1, keepdims=True))
    msg = msg / (nrm + 1e-8)
    return jnp.tanh(
        objh + jnp.dot(msg, wmsg_ref[...], preferred_element_type=jnp.float32))


def _seg0_body(vr_ref, subr_ref, obr_ref, objh_ref, wmsg_ref, out_ref):
    out_ref[...] = _segsum(
        lambda rb: vr_ref[rb * RB:(rb + 1) * RB, :],
        subr_ref, obr_ref, objh_ref[...], wmsg_ref)


def _seg0_call(vr, subr, obr, objh, wmsg):
    return pl.pallas_call(
        _seg0_body,
        out_shape=jax.ShapeDtypeStruct((NP_OBJ, HID), jnp.float32),
    )(vr, subr, obr, objh, wmsg)


def _segup_body(vr0_ref, ga_ref, gb_ref, subr_ref, obr_ref, objh_ref,
                wmsg_ref, objh_out, vr_out):
    for rb in range(NP_REL // RB):
        s = pl.ds(rb * RB, RB)
        vr_out[s, :] = jnp.tanh(vr0_ref[s, :] + ga_ref[s, :] + gb_ref[s, :])
    objh_out[...] = _segsum(
        lambda rb: vr_out[rb * RB:(rb + 1) * RB, :],
        subr_ref, obr_ref, objh_ref[...], wmsg_ref)


def _segup_call(vr0, ga, gb, subr, obr, objh, wmsg):
    return pl.pallas_call(
        _segup_body,
        out_shape=[jax.ShapeDtypeStruct((NP_OBJ, HID), jnp.float32),
                   jax.ShapeDtypeStruct((NP_REL, HID), jnp.float32)],
    )(vr0, ga, gb, subr, obr, objh, wmsg)


def _final_body(vr_ref, ga_ref, gb_ref, wout_ref, bout_ref, out_ref):
    ga = ga_ref[...]
    gb = gb_ref[...]
    vrn = jnp.tanh(vr_ref[...] + ga + gb)
    w1 = wout_ref[0:HID, :]
    w2 = wout_ref[HID:2 * HID, :]
    w3 = wout_ref[2 * HID:3 * HID, :]
    out_ref[...] = (
        jnp.dot(ga, w1, preferred_element_type=jnp.float32)
        + jnp.dot(gb, w2, preferred_element_type=jnp.float32)
        + jnp.dot(vrn, w3, preferred_element_type=jnp.float32)
        + bout_ref[...])


def _final_call(vr, ga, gb, wout_p, bout_p):
    blk = pl.BlockSpec((RB, HID), lambda i: (i, 0))
    return pl.pallas_call(
        _final_body,
        grid=(NP_REL // RB,),
        in_specs=[blk, blk, blk,
                  pl.BlockSpec((3 * HID, 128), lambda i: (0, 0)),
                  pl.BlockSpec((1, 128), lambda i: (0, 0))],
        out_specs=pl.BlockSpec((RB, 128), lambda i: (i, 0)),
        out_shape=jax.ShapeDtypeStruct((NP_REL, 128), jnp.float32),
    )(vr, ga, gb, wout_p, bout_p)


def kernel(im_inds, obj_fmaps, obj_logits, rel_inds, vr, boxes_per_cls,
           W_obj, b_obj, W_rel, b_rel, W_emb, W_msg, W_out, b_out):
    f32 = jnp.float32
    nclass = NUM_OBJ_CLS - 1

    logits_p = jnp.pad(obj_logits, ((0, 0), (0, CP - NUM_OBJ_CLS)),
                       constant_values=NEG)
    probs = _probs_call(logits_p)

    nb = nclass // CB
    bt = jnp.transpose(boxes_per_cls[:, 1:, :], (1, 2, 0))
    bt = jnp.pad(bt, ((0, 0), (0, 0), (0, NP_OBJ - N_OBJ)))
    st = jnp.transpose(probs[:, 1:NUM_OBJ_CLS])
    st = jnp.pad(st, ((0, 0), (0, NP_OBJ - N_OBJ)), constant_values=-1.0)
    arr5 = jnp.concatenate([bt, st[:, None, :]], axis=1)
    rowp = arr5.reshape(nb, CB * 5, NP_OBJ)
    colp = (arr5.reshape(nb, CB, 5, NP_OBJ)
            .transpose(0, 3, 1, 2).reshape(nb, NP_OBJ, CB * 5))
    keep = _nms_call(rowp, colp)
    keep2 = jnp.transpose(keep[:, 0, :N_OBJ])
    mask = jnp.concatenate([jnp.zeros((N_OBJ, 1), f32), keep2], axis=1)
    mask_p = jnp.pad(mask, ((0, 0), (0, CP - NUM_OBJ_CLS)))

    vr_h0 = _relmm_call(vr, W_rel, b_rel.reshape(1, HID))
    wemb_p = jnp.pad(W_emb, ((0, CP - NUM_OBJ_CLS), (0, 0)))
    obj_h0, preds = _objmm_call(obj_fmaps, W_obj, b_obj.reshape(1, HID),
                                logits_p, mask_p, probs, wemb_p)

    sub = rel_inds[:, 1]
    ob = rel_inds[:, 2]
    sub2 = jnp.pad(sub, (0, NP_REL - N_REL),
                   constant_values=NP_OBJ - 1).reshape(NCHUNK, CHUNK)
    ob2 = jnp.pad(ob, (0, NP_REL - N_REL),
                  constant_values=NP_OBJ - 1).reshape(NCHUNK, CHUNK)
    vr_hp = jnp.pad(vr_h0, ((0, NP_REL - N_REL), (0, 0)))
    objh_p = jnp.pad(obj_h0, ((0, NP_OBJ - N_OBJ), (0, 0)))
    wout_p = jnp.pad(W_out, ((0, 0), (0, 128 - NUM_REL_CLS)))
    bout_p = jnp.pad(b_out, (0, 128 - NUM_REL_CLS)).reshape(1, 128)

    sc_gather = _sc_kernels()
    subr = sub2.reshape(1, NP_REL)
    obr = ob2.reshape(1, NP_REL)
    objh_p = _seg0_call(vr_hp, subr, obr, objh_p, W_msg)
    for t in range(1, T_STEPS):
        ga, gb = sc_gather(objh_p, sub2, ob2)
        objh_p, vr_hp = _segup_call(vr_hp, ga, gb, subr, obr, objh_p, W_msg)
    ga, gb = sc_gather(objh_p, sub2, ob2)
    rel_p = _final_call(vr_hp, ga, gb, wout_p, bout_p)
    rel_logits = rel_p[:N_REL, :NUM_REL_CLS]

    obj_preds = preds.reshape(N_OBJ).astype(jnp.int32)
    return (obj_logits, obj_preds, rel_logits)

# --- scband reference (transcript-rebuilt; emitter-appended) ---
"""Pipeline reference for scband-ggnnrel-reason-13357348291348 (READ-ONLY COPY).

The authoritative reference and input builder live on the scoring server;
editing this copy changes nothing except your own understanding.
"""

import jax, jax.numpy as jnp
import numpy as np
from jax import lax

N_OBJ = 1000
N_REL = 5000
NUM_OBJ_CLS = 151
NUM_REL_CLS = 51
OBJ_DIM = 4096
REL_DIM = 4096
HID = 512
T_STEPS = 3
NMS_THRESH = 0.3


def _pairwise_iou(boxes):
    x1, y1, x2, y2 = boxes[:, 0], boxes[:, 1], boxes[:, 2], boxes[:, 3]
    area = (x2 - x1) * (y2 - y1)
    xx1 = jnp.maximum(x1[:, None], x1[None, :])
    yy1 = jnp.maximum(y1[:, None], y1[None, :])
    xx2 = jnp.minimum(x2[:, None], x2[None, :])
    yy2 = jnp.minimum(y2[:, None], y2[None, :])
    w = jnp.maximum(xx2 - xx1, 0.0)
    h = jnp.maximum(yy2 - yy1, 0.0)
    inter = w * h
    return inter / (area[:, None] + area[None, :] - inter + 1e-8)


def _nms_keep(scores, boxes, thresh):
    n = scores.shape[0]
    order = jnp.argsort(-scores)
    b = boxes[order]
    iou = _pairwise_iou(b)
    idx = jnp.arange(n)
    def step(supp, i):
        row = iou[i]
        new = supp | ((~supp[i]) & (row > thresh) & (idx > i))
        return new, None
    supp, _ = lax.scan(step, jnp.zeros((n,), bool), idx)
    keep = jnp.zeros((n,), bool).at[order].set(~supp)
    return keep


def _nms_mask(obj_probs, boxes_per_cls):
    # per-class greedy NMS for classes 1..C-1 (background class 0 always masked)
    keep = jax.vmap(lambda s, b: _nms_keep(s, b, NMS_THRESH), in_axes=(1, 1), out_axes=1)(
        obj_probs[:, 1:], boxes_per_cls[:, 1:])
    mask = jnp.concatenate(
        [jnp.zeros((obj_probs.shape[0], 1), obj_probs.dtype), keep.astype(obj_probs.dtype)], axis=1)
    return mask


def setup_inputs(seed: int = 0) -> dict:
    key = jax.random.key(seed)
    ks = jax.random.split(key, 16)
    im_inds = jnp.zeros((N_OBJ,), jnp.int32)  # single image
    obj_fmaps = jax.random.normal(ks[0], (N_OBJ, OBJ_DIM), jnp.float32)
    obj_logits = jax.random.normal(ks[1], (N_OBJ, NUM_OBJ_CLS), jnp.float32) * 2.0
    pairs = jax.random.randint(ks[2], (N_REL, 2), 0, N_OBJ, jnp.int32)
    rel_inds = jnp.concatenate([jnp.zeros((N_REL, 1), jnp.int32), pairs], axis=1)  # col 0 = image idx 0
    vr = jax.random.normal(ks[3], (N_REL, REL_DIM), jnp.float32)
    xy = jax.random.uniform(ks[4], (N_OBJ, NUM_OBJ_CLS, 2), jnp.float32) * 400.0
    wh = jax.random.uniform(ks[5], (N_OBJ, NUM_OBJ_CLS, 2), jnp.float32) * 100.0 + 1.0
    boxes_per_cls = jnp.concatenate([xy, xy + wh], axis=2)
    W_obj = jax.random.normal(ks[6], (OBJ_DIM, HID), jnp.float32) * 0.02
    b_obj = jnp.zeros((HID,), jnp.float32)
    W_rel = jax.random.normal(ks[7], (REL_DIM, HID), jnp.float32) * 0.02
    b_rel = jnp.zeros((HID,), jnp.float32)
    W_emb = jax.random.normal(ks[8], (NUM_OBJ_CLS, HID), jnp.float32) * 0.02
    W_msg = jax.random.normal(ks[9], (HID, HID), jnp.float32) * 0.02
    W_out = jax.random.normal(ks[10], (3 * HID, NUM_REL_CLS), jnp.float32) * 0.02
    b_out = jnp.zeros((NUM_REL_CLS,), jnp.float32)
    return {"im_inds": im_inds, "obj_fmaps": obj_fmaps, "obj_logits": obj_logits,
            "rel_inds": rel_inds, "vr": vr, "boxes_per_cls": boxes_per_cls,
            "W_obj": W_obj, "b_obj": b_obj, "W_rel": W_rel, "b_rel": b_rel,
            "W_emb": W_emb, "W_msg": W_msg, "W_out": W_out, "b_out": b_out}


def reference(im_inds, obj_fmaps, obj_logits, rel_inds, vr, boxes_per_cls,
              W_obj, b_obj, W_rel, b_rel, W_emb, W_msg, W_out, b_out):
    obj_probs = jax.nn.softmax(obj_logits, axis=1)
    # original uses .data (detached) tensors for NMS masking -> stop_gradient
    nms_mask = _nms_mask(lax.stop_gradient(obj_probs), lax.stop_gradient(boxes_per_cls))
    neg = jnp.full_like(obj_logits, -1000.0)
    logits_pass = nms_mask * lax.stop_gradient(obj_logits) + (1.0 - nms_mask) * neg
    obj_h = obj_fmaps @ W_obj + b_obj
    vr_h = vr @ W_rel + b_rel
    obj_h = jnp.tanh(obj_h + jax.nn.softmax(logits_pass, axis=1) @ W_emb)
    sub = rel_inds[:, 1]
    ob = rel_inds[:, 2]
    for _ in range(T_STEPS):
        msg = (jax.ops.segment_sum(vr_h, sub, num_segments=N_OBJ)
               + jax.ops.segment_sum(vr_h, ob, num_segments=N_OBJ))
        msg = msg / (jnp.linalg.norm(msg, axis=1, keepdims=True) + 1e-8)  # normalize_messages
        obj_h = jnp.tanh(obj_h + msg @ W_msg)
        vr_h = jnp.tanh(vr_h + obj_h[sub] + obj_h[ob])
    rel_logits = jnp.concatenate([obj_h[sub], obj_h[ob], vr_h], axis=1) @ W_out + b_out
    # eval-path second NMS pass: refine_obj_cls=False so obj_probs unchanged -> mask identical
    masked_probs = nms_mask * lax.stop_gradient(obj_probs)
    obj_preds = jnp.argmax(masked_probs[:, 1:], axis=1) + 1
    return (obj_logits, obj_preds, rel_logits)

if __name__ == "__main__":
    import jax
    _d = setup_inputs()
    print(jax.jit(kernel)(*tuple(_d.values())))

</pallas_src>

<mosaic_0001>
#map = affine_map<(d0, d1) -> (0, 0)>
module attributes {stable_mosaic.version = 14 : i64} {
  func.func @_sc_gather_body(%arg0: i32, %arg1: i32, %arg2: memref<1024x512xf32, #tpu.memory_space<hbm>>, %arg3: memref<64x80xi32, #tpu.memory_space<hbm>>, %arg4: memref<64x80xi32, #tpu.memory_space<hbm>>, %arg5: memref<5120x512xf32, #tpu.memory_space<hbm>>, %arg6: memref<5120x512xf32, #tpu.memory_space<hbm>>, %arg7: memref<80xi32, #tpu.memory_space<vmem>>, %arg8: memref<80xi32, #tpu.memory_space<vmem>>, %arg9: memref<80xi32, #tpu.memory_space<vmem>>, %arg10: memref<80xi32, #tpu.memory_space<vmem>>, %arg11: memref<80x512xf32, #tpu.memory_space<vmem>>, %arg12: memref<80x512xf32, #tpu.memory_space<vmem>>, %arg13: memref<!tpu.dma_semaphore, #tpu.memory_space<semaphore_mem>>, %arg14: memref<!tpu.dma_semaphore, #tpu.memory_space<semaphore_mem>>) attributes {dimension_semantics = [#tpu.dimension_semantics<core_parallel>, #tpu.dimension_semantics<subcore_parallel>], iteration_bounds = array<i64: 2, 16>, scalar_prefetch = 0 : i64, scratch_operands = 8 : i64, tpu.core_type = #tpu.core_type<sc_vector_subcore>, window_params = [{transform_indices = #map}, {transform_indices = #map}, {transform_indices = #map}, {transform_indices = #map}, {transform_indices = #map}]} {
    %mul3A = arith.constant 2 : i32
    %mul3A_0 = arith.muli %arg1, %mul3A : i32
    %add3A = arith.addi %mul3A_0, %arg0 : i32
    %mul3A_1 = arith.constant 2 : i32
    %mul3A_2 = arith.muli %add3A, %mul3A_1 : i32
    %add3A_3 = arith.constant 1 : i32
    %add3A_4 = arith.addi %mul3A_2, %add3A_3 : i32
    "tpu.region"() ({
      %run_scoped3A = tpu.sem_alloc : memref<!tpu.dma_semaphore, #tpu.memory_space<semaphore_mem>>
      %dma_start3A_35 = arith.constant 0 : i32
      %dma_start3A_36 = tpu.memref_slice %arg3[%mul3A_2, %dma_start3A_35] : memref<64x80xi32, #tpu.memory_space<hbm>> -> memref<1x80xi32, #tpu.memory_space<hbm>>
      %dma_start3A_37 = tpu.memref_squeeze %dma_start3A_36 : memref<1x80xi32, #tpu.memory_space<hbm>> -> memref<80xi32, #tpu.memory_space<hbm>>
      %dma_start3A_38 = arith.constant 0 : i32
      %dma_start3A_39 = tpu.memref_slice %arg3[%mul3A_2, %dma_start3A_38] : memref<64x80xi32, #tpu.memory_space<hbm>> -> memref<1x80xi32, #tpu.memory_space<hbm>>
      %dma_start3A_40 = tpu.memref_squeeze %dma_start3A_39 : memref<1x80xi32, #tpu.memory_space<hbm>> -> memref<80xi32, #tpu.memory_space<hbm>>
      tpu.enqueue_dma source(%dma_start3A_40 : memref<80xi32, #tpu.memory_space<hbm>>) target(%arg7 : memref<80xi32, #tpu.memory_space<vmem>>) target_semaphore(%run_scoped3A : memref<!tpu.dma_semaphore, #tpu.memory_space<semaphore_mem>>)
      %dma_wait3A_41 = arith.constant 0 : i32
      %dma_wait3A_42 = tpu.memref_slice %arg3[%mul3A_2, %dma_wait3A_41] : memref<64x80xi32, #tpu.memory_space<hbm>> -> memref<1x80xi32, #tpu.memory_space<hbm>>
      %dma_wait3A_43 = tpu.memref_squeeze %dma_wait3A_42 : memref<1x80xi32, #tpu.memory_space<hbm>> -> memref<80xi32, #tpu.memory_space<hbm>>
      %dma_wait3A_44 = arith.constant 0 : i32
      %dma_wait3A_45 = tpu.memref_slice %arg3[%mul3A_2, %dma_wait3A_44] : memref<64x80xi32, #tpu.memory_space<hbm>> -> memref<1x80xi32, #tpu.memory_space<hbm>>
      %dma_wait3A_46 = tpu.memref_squeeze %dma_wait3A_45 : memref<1x80xi32, #tpu.memory_space<hbm>> -> memref<80xi32, #tpu.memory_space<hbm>>
      tpu.wait_dma2 semaphore(%run_scoped3A : memref<!tpu.dma_semaphore, #tpu.memory_space<semaphore_mem>>) src(%dma_wait3A_46 : memref<80xi32, #tpu.memory_space<hbm>>) dst(%arg7 : memref<80xi32, #tpu.memory_space<vmem>>)
      tpu.yield
    }) : () -> ()
    "tpu.region"() ({
      %run_scoped3A = tpu.sem_alloc : memref<!tpu.dma_semaphore, #tpu.memory_space<semaphore_mem>>
      %dma_start3A_35 = arith.constant 0 : i32
      %dma_start3A_36 = tpu.memref_slice %arg4[%mul3A_2, %dma_start3A_35] : memref<64x80xi32, #tpu.memory_space<hbm>> -> memref<1x80xi32, #tpu.memory_space<hbm>>
      %dma_start3A_37 = tpu.memref_squeeze %dma_start3A_36 : memref<1x80xi32, #tpu.memory_space<hbm>> -> memref<80xi32, #tpu.memory_space<hbm>>
      %dma_start3A_38 = arith.constant 0 : i32
      %dma_start3A_39 = tpu.memref_slice %arg4[%mul3A_2, %dma_start3A_38] : memref<64x80xi32, #tpu.memory_space<hbm>> -> memref<1x80xi32, #tpu.memory_space<hbm>>
      %dma_start3A_40 = tpu.memref_squeeze %dma_start3A_39 : memref<1x80xi32, #tpu.memory_space<hbm>> -> memref<80xi32, #tpu.memory_space<hbm>>
      tpu.enqueue_dma source(%dma_start3A_40 : memref<80xi32, #tpu.memory_space<hbm>>) target(%arg8 : memref<80xi32, #tpu.memory_space<vmem>>) target_semaphore(%run_scoped3A : memref<!tpu.dma_semaphore, #tpu.memory_space<semaphore_mem>>)
      %dma_wait3A_41 = arith.constant 0 : i32
      %dma_wait3A_42 = tpu.memref_slice %arg4[%mul3A_2, %dma_wait3A_41] : memref<64x80xi32, #tpu.memory_space<hbm>> -> memref<1x80xi32, #tpu.memory_space<hbm>>
      %dma_wait3A_43 = tpu.memref_squeeze %dma_wait3A_42 : memref<1x80xi32, #tpu.memory_space<hbm>> -> memref<80xi32, #tpu.memory_space<hbm>>
      %dma_wait3A_44 = arith.constant 0 : i32
      %dma_wait3A_45 = tpu.memref_slice %arg4[%mul3A_2, %dma_wait3A_44] : memref<64x80xi32, #tpu.memory_space<hbm>> -> memref<1x80xi32, #tpu.memory_space<hbm>>
      %dma_wait3A_46 = tpu.memref_squeeze %dma_wait3A_45 : memref<1x80xi32, #tpu.memory_space<hbm>> -> memref<80xi32, #tpu.memory_space<hbm>>
      tpu.wait_dma2 semaphore(%run_scoped3A : memref<!tpu.dma_semaphore, #tpu.memory_space<semaphore_mem>>) src(%dma_wait3A_46 : memref<80xi32, #tpu.memory_space<hbm>>) dst(%arg8 : memref<80xi32, #tpu.memory_space<vmem>>)
      tpu.yield
    }) : () -> ()
    "tpu.region"() ({
      %run_scoped3A = tpu.sem_alloc : memref<!tpu.dma_semaphore, #tpu.memory_space<semaphore_mem>>
      %dma_start3A_35 = arith.constant 0 : i32
      %dma_start3A_36 = tpu.memref_slice %arg3[%add3A_4, %dma_start3A_35] : memref<64x80xi32, #tpu.memory_space<hbm>> -> memref<1x80xi32, #tpu.memory_space<hbm>>
      %dma_start3A_37 = tpu.memref_squeeze %dma_start3A_36 : memref<1x80xi32, #tpu.memory_space<hbm>> -> memref<80xi32, #tpu.memory_space<hbm>>
      %dma_start3A_38 = arith.constant 0 : i32
      %dma_start3A_39 = tpu.memref_slice %arg3[%add3A_4, %dma_start3A_38] : memref<64x80xi32, #tpu.memory_space<hbm>> -> memref<1x80xi32, #tpu.memory_space<hbm>>
      %dma_start3A_40 = tpu.memref_squeeze %dma_start3A_39 : memref<1x80xi32, #tpu.memory_space<hbm>> -> memref<80xi32, #tpu.memory_space<hbm>>
      tpu.enqueue_dma source(%dma_start3A_40 : memref<80xi32, #tpu.memory_space<hbm>>) target(%arg9 : memref<80xi32, #tpu.memory_space<vmem>>) target_semaphore(%run_scoped3A : memref<!tpu.dma_semaphore, #tpu.memory_space<semaphore_mem>>)
      %dma_wait3A_41 = arith.constant 0 : i32
      %dma_wait3A_42 = tpu.memref_slice %arg3[%add3A_4, %dma_wait3A_41] : memref<64x80xi32, #tpu.memory_space<hbm>> -> memref<1x80xi32, #tpu.memory_space<hbm>>
      %dma_wait3A_43 = tpu.memref_squeeze %dma_wait3A_42 : memref<1x80xi32, #tpu.memory_space<hbm>> -> memref<80xi32, #tpu.memory_space<hbm>>
      %dma_wait3A_44 = arith.constant 0 : i32
      %dma_wait3A_45 = tpu.memref_slice %arg3[%add3A_4, %dma_wait3A_44] : memref<64x80xi32, #tpu.memory_space<hbm>> -> memref<1x80xi32, #tpu.memory_space<hbm>>
      %dma_wait3A_46 = tpu.memref_squeeze %dma_wait3A_45 : memref<1x80xi32, #tpu.memory_space<hbm>> -> memref<80xi32, #tpu.memory_space<hbm>>
      tpu.wait_dma2 semaphore(%run_scoped3A : memref<!tpu.dma_semaphore, #tpu.memory_space<semaphore_mem>>) src(%dma_wait3A_46 : memref<80xi32, #tpu.memory_space<hbm>>) dst(%arg9 : memref<80xi32, #tpu.memory_space<vmem>>)
      tpu.yield
    }) : () -> ()
    "tpu.region"() ({
      %run_scoped3A = tpu.sem_alloc : memref<!tpu.dma_semaphore, #tpu.memory_space<semaphore_mem>>
      %dma_start3A_35 = arith.constant 0 : i32
      %dma_start3A_36 = tpu.memref_slice %arg4[%add3A_4, %dma_start3A_35] : memref<64x80xi32, #tpu.memory_space<hbm>> -> memref<1x80xi32, #tpu.memory_space<hbm>>
      %dma_start3A_37 = tpu.memref_squeeze %dma_start3A_36 : memref<1x80xi32, #tpu.memory_space<hbm>> -> memref<80xi32, #tpu.memory_space<hbm>>
      %dma_start3A_38 = arith.constant 0 : i32
      %dma_start3A_39 = tpu.memref_slice %arg4[%add3A_4, %dma_start3A_38] : memref<64x80xi32, #tpu.memory_space<hbm>> -> memref<1x80xi32, #tpu.memory_space<hbm>>
      %dma_start3A_40 = tpu.memref_squeeze %dma_start3A_39 : memref<1x80xi32, #tpu.memory_space<hbm>> -> memref<80xi32, #tpu.memory_space<hbm>>
      tpu.enqueue_dma source(%dma_start3A_40 : memref<80xi32, #tpu.memory_space<hbm>>) target(%arg10 : memref<80xi32, #tpu.memory_space<vmem>>) target_semaphore(%run_scoped3A : memref<!tpu.dma_semaphore, #tpu.memory_space<semaphore_mem>>)
      %dma_wait3A_41 = arith.constant 0 : i32
      %dma_wait3A_42 = tpu.memref_slice %arg4[%add3A_4, %dma_wait3A_41] : memref<64x80xi32, #tpu.memory_space<hbm>> -> memref<1x80xi32, #tpu.memory_space<hbm>>
      %dma_wait3A_43 = tpu.memref_squeeze %dma_wait3A_42 : memref<1x80xi32, #tpu.memory_space<hbm>> -> memref<80xi32, #tpu.memory_space<hbm>>
      %dma_wait3A_44 = arith.constant 0 : i32
      %dma_wait3A_45 = tpu.memref_slice %arg4[%add3A_4, %dma_wait3A_44] : memref<64x80xi32, #tpu.memory_space<hbm>> -> memref<1x80xi32, #tpu.memory_space<hbm>>
      %dma_wait3A_46 = tpu.memref_squeeze %dma_wait3A_45 : memref<1x80xi32, #tpu.memory_space<hbm>> -> memref<80xi32, #tpu.memory_space<hbm>>
      tpu.wait_dma2 semaphore(%run_scoped3A : memref<!tpu.dma_semaphore, #tpu.memory_space<semaphore_mem>>) src(%dma_wait3A_46 : memref<80xi32, #tpu.memory_space<hbm>>) dst(%arg10 : memref<80xi32, #tpu.memory_space<vmem>>)
      tpu.yield
    }) : () -> ()
    %dma_start3A = arith.constant 0 : i32
    %dma_start3A_5 = arith.constant 0 : i32
    %dma_start3A_6 = tpu.memref_slice %arg2[%dma_start3A, %dma_start3A_5] : memref<1024x512xf32, #tpu.memory_space<hbm>> -> memref<1024x512xf32, #tpu.memory_space<hbm>>
    tpu.enqueue_indirect_dma source(%dma_start3A_6 : memref<1024x512xf32, #tpu.memory_space<hbm>>) target(%arg11 : memref<80x512xf32, #tpu.memory_space<vmem>>) offsets(%arg7 : memref<80xi32, #tpu.memory_space<vmem>>) semaphore(%arg13 : memref<!tpu.dma_semaphore, #tpu.memory_space<semaphore_mem>>)
    %dma_start3A_7 = arith.constant 0 : i32
    %dma_start3A_8 = arith.constant 0 : i32
    %dma_start3A_9 = tpu.memref_slice %arg2[%dma_start3A_7, %dma_start3A_8] : memref<1024x512xf32, #tpu.memory_space<hbm>> -> memref<1024x512xf32, #tpu.memory_space<hbm>>
    tpu.enqueue_indirect_dma source(%dma_start3A_9 : memref<1024x512xf32, #tpu.memory_space<hbm>>) target(%arg12 : memref<80x512xf32, #tpu.memory_space<vmem>>) offsets(%arg8 : memref<80xi32, #tpu.memory_space<vmem>>) semaphore(%arg14 : memref<!tpu.dma_semaphore, #tpu.memory_space<semaphore_mem>>)
    %dma_wait3A = arith.constant 0 : i32
    %dma_wait3A_10 = arith.constant 0 : i32
    %dma_wait3A_11 = tpu.memref_slice %arg2[%dma_wait3A, %dma_wait3A_10] : memref<1024x512xf32, #tpu.memory_space<hbm>> -> memref<1024x512xf32, #tpu.memory_space<hbm>>
    tpu.wait_indirect_dma semaphore(%arg13 : memref<!tpu.dma_semaphore, #tpu.memory_space<semaphore_mem>>) src(%dma_wait3A_11 : memref<1024x512xf32, #tpu.memory_space<hbm>>) dst(%arg11 : memref<80x512xf32, #tpu.memory_space<vmem>>)
    %mul3A_12 = arith.constant 80 : i32
    %mul3A_13 = arith.muli %mul3A_2, %mul3A_12 : i32
    "tpu.region"() ({
      %run_scoped3A = tpu.sem_alloc : memref<!tpu.dma_semaphore, #tpu.memory_space<semaphore_mem>>
      %dma_start3A_35 = arith.constant 0 : i32
      %dma_start3A_36 = tpu.memref_slice %arg5[%mul3A_13, %dma_start3A_35] : memref<5120x512xf32, #tpu.memory_space<hbm>> -> memref<80x512xf32, #tpu.memory_space<hbm>>
      %dma_start3A_37 = arith.constant 0 : i32
      %dma_start3A_38 = tpu.memref_slice %arg5[%mul3A_13, %dma_start3A_37] : memref<5120x512xf32, #tpu.memory_space<hbm>> -> memref<80x512xf32, #tpu.memory_space<hbm>>
      tpu.enqueue_dma source(%arg11 : memref<80x512xf32, #tpu.memory_space<vmem>>) target(%dma_start3A_38 : memref<80x512xf32, #tpu.memory_space<hbm>>) target_semaphore(%run_scoped3A : memref<!tpu.dma_semaphore, #tpu.memory_space<semaphore_mem>>)
      %dma_wait3A_39 = arith.constant 0 : i32
      %dma_wait3A_40 = tpu.memref_slice %arg5[%mul3A_13, %dma_wait3A_39] : memref<5120x512xf32, #tpu.memory_space<hbm>> -> memref<80x512xf32, #tpu.memory_space<hbm>>
      %dma_wait3A_41 = arith.constant 0 : i32
      %dma_wait3A_42 = tpu.memref_slice %arg5[%mul3A_13, %dma_wait3A_41] : memref<5120x512xf32, #tpu.memory_space<hbm>> -> memref<80x512xf32, #tpu.memory_space<hbm>>
      tpu.wait_dma2 semaphore(%run_scoped3A : memref<!tpu.dma_semaphore, #tpu.memory_space<semaphore_mem>>) src(%arg11 : memref<80x512xf32, #tpu.memory_space<vmem>>) dst(%dma_wait3A_42 : memref<80x512xf32, #tpu.memory_space<hbm>>)
      tpu.yield
    }) : () -> ()
    %dma_start3A_14 = arith.constant 0 : i32
    %dma_start3A_15 = arith.constant 0 : i32
    %dma_start3A_16 = tpu.memref_slice %arg2[%dma_start3A_14, %dma_start3A_15] : memref<1024x512xf32, #tpu.memory_space<hbm>> -> memref<1024x512xf32, #tpu.memory_space<hbm>>
    tpu.enqueue_indirect_dma source(%dma_start3A_16 : memref<1024x512xf32, #tpu.memory_space<hbm>>) target(%arg11 : memref<80x512xf32, #tpu.memory_space<vmem>>) offsets(%arg9 : memref<80xi32, #tpu.memory_space<vmem>>) semaphore(%arg13 : memref<!tpu.dma_semaphore, #tpu.memory_space<semaphore_mem>>)
    %dma_wait3A_17 = arith.constant 0 : i32
    %dma_wait3A_18 = arith.constant 0 : i32
    %dma_wait3A_19 = tpu.memref_slice %arg2[%dma_wait3A_17, %dma_wait3A_18] : memref<1024x512xf32, #tpu.memory_space<hbm>> -> memref<1024x512xf32, #tpu.memory_space<hbm>>
    tpu.wait_indirect_dma semaphore(%arg14 : memref<!tpu.dma_semaphore, #tpu.memory_space<semaphore_mem>>) src(%dma_wait3A_19 : memref<1024x512xf32, #tpu.memory_space<hbm>>) dst(%arg12 : memref<80x512xf32, #tpu.memory_space<vmem>>)
    %mul3A_20 = arith.constant 80 : i32
    %mul3A_21 = arith.muli %mul3A_2, %mul3A_20 : i32
    "tpu.region"() ({
      %run_scoped3A = tpu.sem_alloc : memref<!tpu.dma_semaphore, #tpu.memory_space<semaphore_mem>>
      %dma_start3A_35 = arith.constant 0 : i32
      %dma_start3A_36 = tpu.memref_slice %arg6[%mul3A_21, %dma_start3A_35] : memref<5120x512xf32, #tpu.memory_space<hbm>> -> memref<80x512xf32, #tpu.memory_space<hbm>>
      %dma_start3A_37 = arith.constant 0 : i32
      %dma_start3A_38 = tpu.memref_slice %arg6[%mul3A_21, %dma_start3A_37] : memref<5120x512xf32, #tpu.memory_space<hbm>> -> memref<80x512xf32, #tpu.memory_space<hbm>>
      tpu.enqueue_dma source(%arg12 : memref<80x512xf32, #tpu.memory_space<vmem>>) target(%dma_start3A_38 : memref<80x512xf32, #tpu.memory_space<hbm>>) target_semaphore(%run_scoped3A : memref<!tpu.dma_semaphore, #tpu.memory_space<semaphore_mem>>)
      %dma_wait3A_39 = arith.constant 0 : i32
      %dma_wait3A_40 = tpu.memref_slice %arg6[%mul3A_21, %dma_wait3A_39] : memref<5120x512xf32, #tpu.memory_space<hbm>> -> memref<80x512xf32, #tpu.memory_space<hbm>>
      %dma_wait3A_41 = arith.constant 0 : i32
      %dma_wait3A_42 = tpu.memref_slice %arg6[%mul3A_21, %dma_wait3A_41] : memref<5120x512xf32, #tpu.memory_space<hbm>> -> memref<80x512xf32, #tpu.memory_space<hbm>>
      tpu.wait_dma2 semaphore(%run_scoped3A : memref<!tpu.dma_semaphore, #tpu.memory_space<semaphore_mem>>) src(%arg12 : memref<80x512xf32, #tpu.memory_space<vmem>>) dst(%dma_wait3A_42 : memref<80x512xf32, #tpu.memory_space<hbm>>)
      tpu.yield
    }) : () -> ()
    %dma_start3A_22 = arith.constant 0 : i32
    %dma_start3A_23 = arith.constant 0 : i32
    %dma_start3A_24 = tpu.memref_slice %arg2[%dma_start3A_22, %dma_start3A_23] : memref<1024x512xf32, #tpu.memory_space<hbm>> -> memref<1024x512xf32, #tpu.memory_space<hbm>>
    tpu.enqueue_indirect_dma source(%dma_start3A_24 : memref<1024x512xf32, #tpu.memory_space<hbm>>) target(%arg12 : memref<80x512xf32, #tpu.memory_space<vmem>>) offsets(%arg10 : memref<80xi32, #tpu.memory_space<vmem>>) semaphore(%arg14 : memref<!tpu.dma_semaphore, #tpu.memory_space<semaphore_mem>>)
    %dma_wait3A_25 = arith.constant 0 : i32
    %dma_wait3A_26 = arith.constant 0 : i32
    %dma_wait3A_27 = tpu.memref_slice %arg2[%dma_wait3A_25, %dma_wait3A_26] : memref<1024x512xf32, #tpu.memory_space<hbm>> -> memref<1024x512xf32, #tpu.memory_space<hbm>>
    tpu.wait_indirect_dma semaphore(%arg13 : memref<!tpu.dma_semaphore, #tpu.memory_space<semaphore_mem>>) src(%dma_wait3A_27 : memref<1024x512xf32, #tpu.memory_space<hbm>>) dst(%arg11 : memref<80x512xf32, #tpu.memory_space<vmem>>)
    %mul3A_28 = arith.constant 80 : i32
    %mul3A_29 = arith.muli %add3A_4, %mul3A_28 : i32
    "tpu.region"() ({
      %run_scoped3A = tpu.sem_alloc : memref<!tpu.dma_semaphore, #tpu.memory_space<semaphore_mem>>
      %dma_start3A_35 = arith.constant 0 : i32
      %dma_start3A_36 = tpu.memref_slice %arg5[%mul3A_29, %dma_start3A_35] : memref<5120x512xf32, #tpu.memory_space<hbm>> -> memref<80x512xf32, #tpu.memory_space<hbm>>
      %dma_start3A_37 = arith.constant 0 : i32
      %dma_start3A_38 = tpu.memref_slice %arg5[%mul3A_29, %dma_start3A_37] : memref<5120x512xf32, #tpu.memory_space<hbm>> -> memref<80x512xf32, #tpu.memory_space<hbm>>
      tpu.enqueue_dma source(%arg11 : memref<80x512xf32, #tpu.memory_space<vmem>>) target(%dma_start3A_38 : memref<80x512xf32, #tpu.memory_space<hbm>>) target_semaphore(%run_scoped3A : memref<!tpu.dma_semaphore, #tpu.memory_space<semaphore_mem>>)
      %dma_wait3A_39 = arith.constant 0 : i32
      %dma_wait3A_40 = tpu.memref_slice %arg5[%mul3A_29, %dma_wait3A_39] : memref<5120x512xf32, #tpu.memory_space<hbm>> -> memref<80x512xf32, #tpu.memory_space<hbm>>
      %dma_wait3A_41 = arith.constant 0 : i32
      %dma_wait3A_42 = tpu.memref_slice %arg5[%mul3A_29, %dma_wait3A_41] : memref<5120x512xf32, #tpu.memory_space<hbm>> -> memref<80x512xf32, #tpu.memory_space<hbm>>
      tpu.wait_dma2 semaphore(%run_scoped3A : memref<!tpu.dma_semaphore, #tpu.memory_space<semaphore_mem>>) src(%arg11 : memref<80x512xf32, #tpu.memory_space<vmem>>) dst(%dma_wait3A_42 : memref<80x512xf32, #tpu.memory_space<hbm>>)
      tpu.yield
    }) : () -> ()
    %dma_wait3A_30 = arith.constant 0 : i32
    %dma_wait3A_31 = arith.constant 0 : i32
    %dma_wait3A_32 = tpu.memref_slice %arg2[%dma_wait3A_30, %dma_wait3A_31] : memref<1024x512xf32, #tpu.memory_space<hbm>> -> memref<1024x512xf32, #tpu.memory_space<hbm>>
    tpu.wait_indirect_dma semaphore(%arg14 : memref<!tpu.dma_semaphore, #tpu.memory_space<semaphore_mem>>) src(%dma_wait3A_32 : memref<1024x512xf32, #tpu.memory_space<hbm>>) dst(%arg12 : memref<80x512xf32, #tpu.memory_space<vmem>>)
    %mul3A_33 = arith.constant 80 : i32
    %mul3A_34 = arith.muli %add3A_4, %mul3A_33 : i32
    "tpu.region"() ({
      %run_scoped3A = tpu.sem_alloc : memref<!tpu.dma_semaphore, #tpu.memory_space<semaphore_mem>>
      %dma_start3A_35 = arith.constant 0 : i32
      %dma_start3A_36 = tpu.memref_slice %arg6[%mul3A_34, %dma_start3A_35] : memref<5120x512xf32, #tpu.memory_space<hbm>> -> memref<80x512xf32, #tpu.memory_space<hbm>>
      %dma_start3A_37 = arith.constant 0 : i32
      %dma_start3A_38 = tpu.memref_slice %arg6[%mul3A_34, %dma_start3A_37] : memref<5120x512xf32, #tpu.memory_space<hbm>> -> memref<80x512xf32, #tpu.memory_space<hbm>>
      tpu.enqueue_dma source(%arg12 : memref<80x512xf32, #tpu.memory_space<vmem>>) target(%dma_start3A_38 : memref<80x512xf32, #tpu.memory_space<hbm>>) target_semaphore(%run_scoped3A : memref<!tpu.dma_semaphore, #tpu.memory_space<semaphore_mem>>)
      %dma_wait3A_39 = arith.constant 0 : i32
      %dma_wait3A_40 = tpu.memref_slice %arg6[%mul3A_34, %dma_wait3A_39] : memref<5120x512xf32, #tpu.memory_space<hbm>> -> memref<80x512xf32, #tpu.memory_space<hbm>>
      %dma_wait3A_41 = arith.constant 0 : i32
      %dma_wait3A_42 = tpu.memref_slice %arg6[%mul3A_34, %dma_wait3A_41] : memref<5120x512xf32, #tpu.memory_space<hbm>> -> memref<80x512xf32, #tpu.memory_space<hbm>>
      tpu.wait_dma2 semaphore(%run_scoped3A : memref<!tpu.dma_semaphore, #tpu.memory_space<semaphore_mem>>) src(%arg12 : memref<80x512xf32, #tpu.memory_space<vmem>>) dst(%dma_wait3A_42 : memref<80x512xf32, #tpu.memory_space<hbm>>)
      tpu.yield
    }) : () -> ()
    return
  }
}

#map = affine_map<(d0, d1) -> (0, 0)>
module attributes {stable_mosaic.version = 14 : i64} {
  func.func @_sc_gather_body(%arg0: i32, %arg1: i32, %arg2: memref<1024x512xf32, #tpu.memory_space<hbm>>, %arg3: memref<64x80xi32, #tpu.memory_space<hbm>>, %arg4: memref<64x80xi32, #tpu.memory_space<hbm>>, %arg5: memref<5120x512xf32, #tpu.memory_space<hbm>>, %arg6: memref<5120x512xf32, #tpu.memory_space<hbm>>, %arg7: memref<80xi32, #tpu.memory_space<vmem>>, %arg8: memref<80xi32, #tpu.memory_space<vmem>>, %arg9: memref<80xi32, #tpu.memory_space<vmem>>, %arg10: memref<80xi32, #tpu.memory_space<vmem>>, %arg11: memref<80x512xf32, #tpu.memory_space<vmem>>, %arg12: memref<80x512xf32, #tpu.memory_space<vmem>>, %arg13: memref<!tpu.dma_semaphore, #tpu.memory_space<semaphore_mem>>, %arg14: memref<!tpu.dma_semaphore, #tpu.memory_space<semaphore_mem>>) attributes {dimension_semantics = [#tpu.dimension_semantics<core_parallel>, #tpu.dimension_semantics<subcore_parallel>], iteration_bounds = array<i64: 2, 16>, scalar_prefetch = 0 : i64, scratch_operands = 8 : i64, tpu.core_type = #tpu.core_type<sc_vector_subcore>, window_params = [{transform_indices = #map}, {transform_indices = #map}, {transform_indices = #map}, {transform_indices = #map}, {transform_indices = #map}]} {
    %mul3A = arith.constant 2 : i32
    %mul3A_0 = arith.muli %arg1, %mul3A : i32
    %add3A = arith.addi %mul3A_0, %arg0 : i32
    %mul3A_1 = arith.constant 2 : i32
    %mul3A_2 = arith.muli %add3A, %mul3A_1 : i32
    %add3A_3 = arith.constant 1 : i32
    %add3A_4 = arith.addi %mul3A_2, %add3A_3 : i32
    "tpu.region"() ({
      %run_scoped3A = tpu.sem_alloc : memref<!tpu.dma_semaphore, #tpu.memory_space<semaphore_mem>>
      %dma_start3A_35 = arith.constant 0 : i32
      %dma_start3A_36 = tpu.memref_slice %arg3[%mul3A_2, %dma_start3A_35] : memref<64x80xi32, #tpu.memory_space<hbm>> -> memref<1x80xi32, #tpu.memory_space<hbm>>
      %dma_start3A_37 = tpu.memref_squeeze %dma_start3A_36 : memref<1x80xi32, #tpu.memory_space<hbm>> -> memref<80xi32, #tpu.memory_space<hbm>>
      %dma_start3A_38 = arith.constant 0 : i32
      %dma_start3A_39 = tpu.memref_slice %arg3[%mul3A_2, %dma_start3A_38] : memref<64x80xi32, #tpu.memory_space<hbm>> -> memref<1x80xi32, #tpu.memory_space<hbm>>
      %dma_start3A_40 = tpu.memref_squeeze %dma_start3A_39 : memref<1x80xi32, #tpu.memory_space<hbm>> -> memref<80xi32, #tpu.memory_space<hbm>>
      tpu.enqueue_dma source(%dma_start3A_40 : memref<80xi32, #tpu.memory_space<hbm>>) target(%arg7 : memref<80xi32, #tpu.memory_space<vmem>>) target_semaphore(%run_scoped3A : memref<!tpu.dma_semaphore, #tpu.memory_space<semaphore_mem>>)
      %dma_wait3A_41 = arith.constant 0 : i32
      %dma_wait3A_42 = tpu.memref_slice %arg3[%mul3A_2, %dma_wait3A_41] : memref<64x80xi32, #tpu.memory_space<hbm>> -> memref<1x80xi32, #tpu.memory_space<hbm>>
      %dma_wait3A_43 = tpu.memref_squeeze %dma_wait3A_42 : memref<1x80xi32, #tpu.memory_space<hbm>> -> memref<80xi32, #tpu.memory_space<hbm>>
      %dma_wait3A_44 = arith.constant 0 : i32
      %dma_wait3A_45 = tpu.memref_slice %arg3[%mul3A_2, %dma_wait3A_44] : memref<64x80xi32, #tpu.memory_space<hbm>> -> memref<1x80xi32, #tpu.memory_space<hbm>>
      %dma_wait3A_46 = tpu.memref_squeeze %dma_wait3A_45 : memref<1x80xi32, #tpu.memory_space<hbm>> -> memref<80xi32, #tpu.memory_space<hbm>>
      tpu.wait_dma2 semaphore(%run_scoped3A : memref<!tpu.dma_semaphore, #tpu.memory_space<semaphore_mem>>) src(%dma_wait3A_46 : memref<80xi32, #tpu.memory_space<hbm>>) dst(%arg7 : memref<80xi32, #tpu.memory_space<vmem>>)
      tpu.yield
    }) : () -> ()
    "tpu.region"() ({
      %run_scoped3A = tpu.sem_alloc : memref<!tpu.dma_semaphore, #tpu.memory_space<semaphore_mem>>
      %dma_start3A_35 = arith.constant 0 : i32
      %dma_start3A_36 = tpu.memref_slice %arg4[%mul3A_2, %dma_start3A_35] : memref<64x80xi32, #tpu.memory_space<hbm>> -> memref<1x80xi32, #tpu.memory_space<hbm>>
      %dma_start3A_37 = tpu.memref_squeeze %dma_start3A_36 : memref<1x80xi32, #tpu.memory_space<hbm>> -> memref<80xi32, #tpu.memory_space<hbm>>
      %dma_start3A_38 = arith.constant 0 : i32
      %dma_start3A_39 = tpu.memref_slice %arg4[%mul3A_2, %dma_start3A_38] : memref<64x80xi32, #tpu.memory_space<hbm>> -> memref<1x80xi32, #tpu.memory_space<hbm>>
      %dma_start3A_40 = tpu.memref_squeeze %dma_start3A_39 : memref<1x80xi32, #tpu.memory_space<hbm>> -> memref<80xi32, #tpu.memory_space<hbm>>
      tpu.enqueue_dma source(%dma_start3A_40 : memref<80xi32, #tpu.memory_space<hbm>>) target(%arg8 : memref<80xi32, #tpu.memory_space<vmem>>) target_semaphore(%run_scoped3A : memref<!tpu.dma_semaphore, #tpu.memory_space<semaphore_mem>>)
      %dma_wait3A_41 = arith.constant 0 : i32
      %dma_wait3A_42 = tpu.memref_slice %arg4[%mul3A_2, %dma_wait3A_41] : memref<64x80xi32, #tpu.memory_space<hbm>> -> memref<1x80xi32, #tpu.memory_space<hbm>>
      %dma_wait3A_43 = tpu.memref_squeeze %dma_wait3A_42 : memref<1x80xi32, #tpu.memory_space<hbm>> -> memref<80xi32, #tpu.memory_space<hbm>>
      %dma_wait3A_44 = arith.constant 0 : i32
      %dma_wait3A_45 = tpu.memref_slice %arg4[%mul3A_2, %dma_wait3A_44] : memref<64x80xi32, #tpu.memory_space<hbm>> -> memref<1x80xi32, #tpu.memory_space<hbm>>
      %dma_wait3A_46 = tpu.memref_squeeze %dma_wait3A_45 : memref<1x80xi32, #tpu.memory_space<hbm>> -> memref<80xi32, #tpu.memory_space<hbm>>
      tpu.wait_dma2 semaphore(%run_scoped3A : memref<!tpu.dma_semaphore, #tpu.memory_space<semaphore_mem>>) src(%dma_wait3A_46 : memref<80xi32, #tpu.memory_space<hbm>>) dst(%arg8 : memref<80xi32, #tpu.memory_space<vmem>>)
      tpu.yield
    }) : () -> ()
    "tpu.region"() ({
      %run_scoped3A = tpu.sem_alloc : memref<!tpu.dma_semaphore, #tpu.memory_space<semaphore_mem>>
      %dma_start3A_35 = arith.constant 0 : i32
      %dma_start3A_36 = tpu.memref_slice %arg3[%add3A_4, %dma_start3A_35] : memref<64x80xi32, #tpu.memory_space<hbm>> -> memref<1x80xi32, #tpu.memory_space<hbm>>
      %dma_start3A_37 = tpu.memref_squeeze %dma_start3A_36 : memref<1x80xi32, #tpu.memory_space<hbm>> -> memref<80xi32, #tpu.memory_space<hbm>>
      %dma_start3A_38 = arith.constant 0 : i32
      %dma_start3A_39 = tpu.memref_slice %arg3[%add3A_4, %dma_start3A_38] : memref<64x80xi32, #tpu.memory_space<hbm>> -> memref<1x80xi32, #tpu.memory_space<hbm>>
      %dma_start3A_40 = tpu.memref_squeeze %dma_start3A_39 : memref<1x80xi32, #tpu.memory_space<hbm>> -> memref<80xi32, #tpu.memory_space<hbm>>
      tpu.enqueue_dma source(%dma_start3A_40 : memref<80xi32, #tpu.memory_space<hbm>>) target(%arg9 : memref<80xi32, #tpu.memory_space<vmem>>) target_semaphore(%run_scoped3A : memref<!tpu.dma_semaphore, #tpu.memory_space<semaphore_mem>>)
      %dma_wait3A_41 = arith.constant 0 : i32
      %dma_wait3A_42 = tpu.memref_slice %arg3[%add3A_4, %dma_wait3A_41] : memref<64x80xi32, #tpu.memory_space<hbm>> -> memref<1x80xi32, #tpu.memory_space<hbm>>
      %dma_wait3A_43 = tpu.memref_squeeze %dma_wait3A_42 : memref<1x80xi32, #tpu.memory_space<hbm>> -> memref<80xi32, #tpu.memory_space<hbm>>
      %dma_wait3A_44 = arith.constant 0 : i32
      %dma_wait3A_45 = tpu.memref_slice %arg3[%add3A_4, %dma_wait3A_44] : memref<64x80xi32, #tpu.memory_space<hbm>> -> memref<1x80xi32, #tpu.memory_space<hbm>>
      %dma_wait3A_46 = tpu.memref_squeeze %dma_wait3A_45 : memref<1x80xi32, #tpu.memory_space<hbm>> -> memref<80xi32, #tpu.memory_space<hbm>>
      tpu.wait_dma2 semaphore(%run_scoped3A : memref<!tpu.dma_semaphore, #tpu.memory_space<semaphore_mem>>) src(%dma_wait3A_46 : memref<80xi32, #tpu.memory_space<hbm>>) dst(%arg9 : memref<80xi32, #tpu.memory_space<vmem>>)
      tpu.yield
    }) : () -> ()
    "tpu.region"() ({
      %run_scoped3A = tpu.sem_alloc : memref<!tpu.dma_semaphore, #tpu.memory_space<semaphore_mem>>
      %dma_start3A_35 = arith.constant 0 : i32
      %dma_start3A_36 = tpu.memref_slice %arg4[%add3A_4, %dma_start3A_35] : memref<64x80xi32, #tpu.memory_space<hbm>> -> memref<1x80xi32, #tpu.memory_space<hbm>>
      %dma_start3A_37 = tpu.memref_squeeze %dma_start3A_36 : memref<1x80xi32, #tpu.memory_space<hbm>> -> memref<80xi32, #tpu.memory_space<hbm>>
      %dma_start3A_38 = arith.constant 0 : i32
      %dma_start3A_39 = tpu.memref_slice %arg4[%add3A_4, %dma_start3A_38] : memref<64x80xi32, #tpu.memory_space<hbm>> -> memref<1x80xi32, #tpu.memory_space<hbm>>
      %dma_start3A_40 = tpu.memref_squeeze %dma_start3A_39 : memref<1x80xi32, #tpu.memory_space<hbm>> -> memref<80xi32, #tpu.memory_space<hbm>>
      tpu.enqueue_dma source(%dma_start3A_40 : memref<80xi32, #tpu.memory_space<hbm>>) target(%arg10 : memref<80xi32, #tpu.memory_space<vmem>>) target_semaphore(%run_scoped3A : memref<!tpu.dma_semaphore, #tpu.memory_space<semaphore_mem>>)
      %dma_wait3A_41 = arith.constant 0 : i32
      %dma_wait3A_42 = tpu.memref_slice %arg4[%add3A_4, %dma_wait3A_41] : memref<64x80xi32, #tpu.memory_space<hbm>> -> memref<1x80xi32, #tpu.memory_space<hbm>>
      %dma_wait3A_43 = tpu.memref_squeeze %dma_wait3A_42 : memref<1x80xi32, #tpu.memory_space<hbm>> -> memref<80xi32, #tpu.memory_space<hbm>>
      %dma_wait3A_44 = arith.constant 0 : i32
      %dma_wait3A_45 = tpu.memref_slice %arg4[%add3A_4, %dma_wait3A_44] : memref<64x80xi32, #tpu.memory_space<hbm>> -> memref<1x80xi32, #tpu.memory_space<hbm>>
      %dma_wait3A_46 = tpu.memref_squeeze %dma_wait3A_45 : memref<1x80xi32, #tpu.memory_space<hbm>> -> memref<80xi32, #tpu.memory_space<hbm>>
      tpu.wait_dma2 semaphore(%run_scoped3A : memref<!tpu.dma_semaphore, #tpu.memory_space<semaphore_mem>>) src(%dma_wait3A_46 : memref<80xi32, #tpu.memory_space<hbm>>) dst(%arg10 : memref<80xi32, #tpu.memory_space<vmem>>)
      tpu.yield
    }) : () -> ()
    %dma_start3A = arith.constant 0 : i32
    %dma_start3A_5 = arith.constant 0 : i32
    %dma_start3A_6 = tpu.memref_slice %arg2[%dma_start3A, %dma_start3A_5] : memref<1024x512xf32, #tpu.memory_space<hbm>> -> memref<1024x512xf32, #tpu.memory_space<hbm>>
    tpu.enqueue_indirect_dma source(%dma_start3A_6 : memref<1024x512xf32, #tpu.memory_space<hbm>>) target(%arg11 : memref<80x512xf32, #tpu.memory_space<vmem>>) offsets(%arg7 : memref<80xi32, #tpu.memory_space<vmem>>) semaphore(%arg13 : memref<!tpu.dma_semaphore, #tpu.memory_space<semaphore_mem>>)
    %dma_start3A_7 = arith.constant 0 : i32
    %dma_start3A_8 = arith.constant 0 : i32
    %dma_start3A_9 = tpu.memref_slice %arg2[%dma_start3A_7, %dma_start3A_8] : memref<1024x512xf32, #tpu.memory_space<hbm>> -> memref<1024x512xf32, #tpu.memory_space<hbm>>
    tpu.enqueue_indirect_dma source(%dma_start3A_9 : memref<1024x512xf32, #tpu.memory_space<hbm>>) target(%arg12 : memref<80x512xf32, #tpu.memory_space<vmem>>) offsets(%arg8 : memref<80xi32, #tpu.memory_space<vmem>>) semaphore(%arg14 : memref<!tpu.dma_semaphore, #tpu.memory_space<semaphore_mem>>)
    %dma_wait3A = arith.constant 0 : i32
    %dma_wait3A_10 = arith.constant 0 : i32
    %dma_wait3A_11 = tpu.memref_slice %arg2[%dma_wait3A, %dma_wait3A_10] : memref<1024x512xf32, #tpu.memory_space<hbm>> -> memref<1024x512xf32, #tpu.memory_space<hbm>>
    tpu.wait_indirect_dma semaphore(%arg13 : memref<!tpu.dma_semaphore, #tpu.memory_space<semaphore_mem>>) src(%dma_wait3A_11 : memref<1024x512xf32, #tpu.memory_space<hbm>>) dst(%arg11 : memref<80x512xf32, #tpu.memory_space<vmem>>)
    %mul3A_12 = arith.constant 80 : i32
    %mul3A_13 = arith.muli %mul3A_2, %mul3A_12 : i32
    "tpu.region"() ({
      %run_scoped3A = tpu.sem_alloc : memref<!tpu.dma_semaphore, #tpu.memory_space<semaphore_mem>>
      %dma_start3A_35 = arith.constant 0 : i32
      %dma_start3A_36 = tpu.memref_slice %arg5[%mul3A_13, %dma_start3A_35] : memref<5120x512xf32, #tpu.memory_space<hbm>> -> memref<80x512xf32, #tpu.memory_space<hbm>>
      %dma_start3A_37 = arith.constant 0 : i32
      %dma_start3A_38 = tpu.memref_slice %arg5[%mul3A_13, %dma_start3A_37] : memref<5120x512xf32, #tpu.memory_space<hbm>> -> memref<80x512xf32, #tpu.memory_space<hbm>>
      tpu.enqueue_dma source(%arg11 : memref<80x512xf32, #tpu.memory_space<vmem>>) target(%dma_start3A_38 : memref<80x512xf32, #tpu.memory_space<hbm>>) target_semaphore(%run_scoped3A : memref<!tpu.dma_semaphore, #tpu.memory_space<semaphore_mem>>)
      %dma_wait3A_39 = arith.constant 0 : i32
      %dma_wait3A_40 = tpu.memref_slice %arg5[%mul3A_13, %dma_wait3A_39] : memref<5120x512xf32, #tpu.memory_space<hbm>> -> memref<80x512xf32, #tpu.memory_space<hbm>>
      %dma_wait3A_41 = arith.constant 0 : i32
      %dma_wait3A_42 = tpu.memref_slice %arg5[%mul3A_13, %dma_wait3A_41] : memref<5120x512xf32, #tpu.memory_space<hbm>> -> memref<80x512xf32, #tpu.memory_space<hbm>>
      tpu.wait_dma2 semaphore(%run_scoped3A : memref<!tpu.dma_semaphore, #tpu.memory_space<semaphore_mem>>) src(%arg11 : memref<80x512xf32, #tpu.memory_space<vmem>>) dst(%dma_wait3A_42 : memref<80x512xf32, #tpu.memory_space<hbm>>)
      tpu.yield
    }) : () -> ()
    %dma_start3A_14 = arith.constant 0 : i32
    %dma_start3A_15 = arith.constant 0 : i32
    %dma_start3A_16 = tpu.memref_slice %arg2[%dma_start3A_14, %dma_start3A_15] : memref<1024x512xf32, #tpu.memory_space<hbm>> -> memref<1024x512xf32, #tpu.memory_space<hbm>>
    tpu.enqueue_indirect_dma source(%dma_start3A_16 : memref<1024x512xf32, #tpu.memory_space<hbm>>) target(%arg11 : memref<80x512xf32, #tpu.memory_space<vmem>>) offsets(%arg9 : memref<80xi32, #tpu.memory_space<vmem>>) semaphore(%arg13 : memref<!tpu.dma_semaphore, #tpu.memory_space<semaphore_mem>>)
    %dma_wait3A_17 = arith.constant 0 : i32
    %dma_wait3A_18 = arith.constant 0 : i32
    %dma_wait3A_19 = tpu.memref_slice %arg2[%dma_wait3A_17, %dma_wait3A_18] : memref<1024x512xf32, #tpu.memory_space<hbm>> -> memref<1024x512xf32, #tpu.memory_space<hbm>>
    tpu.wait_indirect_dma semaphore(%arg14 : memref<!tpu.dma_semaphore, #tpu.memory_space<semaphore_mem>>) src(%dma_wait3A_19 : memref<1024x512xf32, #tpu.memory_space<hbm>>) dst(%arg12 : memref<80x512xf32, #tpu.memory_space<vmem>>)
    %mul3A_20 = arith.constant 80 : i32
    %mul3A_21 = arith.muli %mul3A_2, %mul3A_20 : i32
    "tpu.region"() ({
      %run_scoped3A = tpu.sem_alloc : memref<!tpu.dma_semaphore, #tpu.memory_space<semaphore_mem>>
      %dma_start3A_35 = arith.constant 0 : i32
      %dma_start3A_36 = tpu.memref_slice %arg6[%mul3A_21, %dma_start3A_35] : memref<5120x512xf32, #tpu.memory_space<hbm>> -> memref<80x512xf32, #tpu.memory_space<hbm>>
      %dma_start3A_37 = arith.constant 0 : i32
      %dma_start3A_38 = tpu.memref_slice %arg6[%mul3A_21, %dma_start3A_37] : memref<5120x512xf32, #tpu.memory_space<hbm>> -> memref<80x512xf32, #tpu.memory_space<hbm>>
      tpu.enqueue_dma source(%arg12 : memref<80x512xf32, #tpu.memory_space<vmem>>) target(%dma_start3A_38 : memref<80x512xf32, #tpu.memory_space<hbm>>) target_semaphore(%run_scoped3A : memref<!tpu.dma_semaphore, #tpu.memory_space<semaphore_mem>>)
      %dma_wait3A_39 = arith.constant 0 : i32
      %dma_wait3A_40 = tpu.memref_slice %arg6[%mul3A_21, %dma_wait3A_39] : memref<5120x512xf32, #tpu.memory_space<hbm>> -> memref<80x512xf32, #tpu.memory_space<hbm>>
      %dma_wait3A_41 = arith.constant 0 : i32
      %dma_wait3A_42 = tpu.memref_slice %arg6[%mul3A_21, %dma_wait3A_41] : memref<5120x512xf32, #tpu.memory_space<hbm>> -> memref<80x512xf32, #tpu.memory_space<hbm>>
      tpu.wait_dma2 semaphore(%run_scoped3A : memref<!tpu.dma_semaphore, #tpu.memory_space<semaphore_mem>>) src(%arg12 : memref<80x512xf32, #tpu.memory_space<vmem>>) dst(%dma_wait3A_42 : memref<80x512xf32, #tpu.memory_space<hbm>>)
      tpu.yield
    }) : () -> ()
    %dma_start3A_22 = arith.constant 0 : i32
    %dma_start3A_23 = arith.constant 0 : i32
    %dma_start3A_24 = tpu.memref_slice %arg2[%dma_start3A_22, %dma_start3A_23] : memref<1024x512xf32, #tpu.memory_space<hbm>> -> memref<1024x512xf32, #tpu.memory_space<hbm>>
    tpu.enqueue_indirect_dma source(%dma_start3A_24 : memref<1024x512xf32, #tpu.memory_space<hbm>>) target(%arg12 : memref<80x512xf32, #tpu.memory_space<vmem>>) offsets(%arg10 : memref<80xi32, #tpu.memory_space<vmem>>) semaphore(%arg14 : memref<!tpu.dma_semaphore, #tpu.memory_space<semaphore_mem>>)
    %dma_wait3A_25 = arith.constant 0 : i32
    %dma_wait3A_26 = arith.constant 0 : i32
    %dma_wait3A_27 = tpu.memref_slice %arg2[%dma_wait3A_25, %dma_wait3A_26] : memref<1024x512xf32, #tpu.memory_space<hbm>> -> memref<1024x512xf32, #tpu.memory_space<hbm>>
    tpu.wait_indirect_dma semaphore(%arg13 : memref<!tpu.dma_semaphore, #tpu.memory_space<semaphore_mem>>) src(%dma_wait3A_27 : memref<1024x512xf32, #tpu.memory_space<hbm>>) dst(%arg11 : memref<80x512xf32, #tpu.memory_space<vmem>>)
    %mul3A_28 = arith.constant 80 : i32
    %mul3A_29 = arith.muli %add3A_4, %mul3A_28 : i32
    "tpu.region"() ({
      %run_scoped3A = tpu.sem_alloc : memref<!tpu.dma_semaphore, #tpu.memory_space<semaphore_mem>>
      %dma_start3A_35 = arith.constant 0 : i32
      %dma_start3A_36 = tpu.memref_slice %arg5[%mul3A_29, %dma_start3A_35] : memref<5120x512xf32, #tpu.memory_space<hbm>> -> memref<80x512xf32, #tpu.memory_space<hbm>>
      %dma_start3A_37 = arith.constant 0 : i32
      %dma_start3A_38 = tpu.memref_slice %arg5[%mul3A_29, %dma_start3A_37] : memref<5120x512xf32, #tpu.memory_space<hbm>> -> memref<80x512xf32, #tpu.memory_space<hbm>>
      tpu.enqueue_dma source(%arg11 : memref<80x512xf32, #tpu.memory_space<vmem>>) target(%dma_start3A_38 : memref<80x512xf32, #tpu.memory_space<hbm>>) target_semaphore(%run_scoped3A : memref<!tpu.dma_semaphore, #tpu.memory_space<semaphore_mem>>)
      %dma_wait3A_39 = arith.constant 0 : i32
      %dma_wait3A_40 = tpu.memref_slice %arg5[%mul3A_29, %dma_wait3A_39] : memref<5120x512xf32, #tpu.memory_space<hbm>> -> memref<80x512xf32, #tpu.memory_space<hbm>>
      %dma_wait3A_41 = arith.constant 0 : i32
      %dma_wait3A_42 = tpu.memref_slice %arg5[%mul3A_29, %dma_wait3A_41] : memref<5120x512xf32, #tpu.memory_space<hbm>> -> memref<80x512xf32, #tpu.memory_space<hbm>>
      tpu.wait_dma2 semaphore(%run_scoped3A : memref<!tpu.dma_semaphore, #tpu.memory_space<semaphore_mem>>) src(%arg11 : memref<80x512xf32, #tpu.memory_space<vmem>>) dst(%dma_wait3A_42 : memref<80x512xf32, #tpu.memory_space<hbm>>)
      tpu.yield
    }) : () -> ()
    %dma_wait3A_30 = arith.constant 0 : i32
    %dma_wait3A_31 = arith.constant 0 : i32
    %dma_wait3A_32 = tpu.memref_slice %arg2[%dma_wait3A_30, %dma_wait3A_31] : memref<1024x512xf32, #tpu.memory_space<hbm>> -> memref<1024x512xf32, #tpu.memory_space<hbm>>
    tpu.wait_indirect_dma semaphore(%arg14 : memref<!tpu.dma_semaphore, #tpu.memory_space<semaphore_mem>>) src(%dma_wait3A_32 : memref<1024x512xf32, #tpu.memory_space<hbm>>) dst(%arg12 : memref<80x512xf32, #tpu.memory_space<vmem>>)
    %mul3A_33 = arith.constant 80 : i32
    %mul3A_34 = arith.muli %add3A_4, %mul3A_33 : i32
    "tpu.region"() ({
      %run_scoped3A = tpu.sem_alloc : memref<!tpu.dma_semaphore, #tpu.memory_space<semaphore_mem>>
      %dma_start3A_35 = arith.constant 0 : i32
      %dma_start3A_36 = tpu.memref_slice %arg6[%mul3A_34, %dma_start3A_35] : memref<5120x512xf32, #tpu.memory_space<hbm>> -> memref<80x512xf32, #tpu.memory_space<hbm>>
      %dma_start3A_37 = arith.constant 0 : i32
      %dma_start3A_38 = tpu.memref_slice %arg6[%mul3A_34, %dma_start3A_37] : memref<5120x512xf32, #tpu.memory_space<hbm>> -> memref<80x512xf32, #tpu.memory_space<hbm>>
      tpu.enqueue_dma source(%arg12 : memref<80x512xf32, #tpu.memory_space<vmem>>) target(%dma_start3A_38 : memref<80x512xf32, #tpu.memory_space<hbm>>) target_semaphore(%run_scoped3A : memref<!tpu.dma_semaphore, #tpu.memory_space<semaphore_mem>>)
      %dma_wait3A_39 = arith.constant 0 : i32
      %dma_wait3A_40 = tpu.memref_slice %arg6[%mul3A_34, %dma_wait3A_39] : memref<5120x512xf32, #tpu.memory_space<hbm>> -> memref<80x512xf32, #tpu.memory_space<hbm>>
      %dma_wait3A_41 = arith.constant 0 : i32
      %dma_wait3A_42 = tpu.memref_slice %arg6[%mul3A_34, %dma_wait3A_41] : memref<5120x512xf32, #tpu.memory_space<hbm>> -> memref<80x512xf32, #tpu.memory_space<hbm>>
      tpu.wait_dma2 semaphore(%run_scoped3A : memref<!tpu.dma_semaphore, #tpu.memory_space<semaphore_mem>>) src(%arg12 : memref<80x512xf32, #tpu.memory_space<vmem>>) dst(%dma_wait3A_42 : memref<80x512xf32, #tpu.memory_space<hbm>>)
      tpu.yield
    }) : () -> ()
    return
  }
}

#map = affine_map<(d0, d1) -> (0, 0)>
module attributes {stable_mosaic.version = 14 : i64} {
  func.func @_sc_gather_body(%arg0: i32, %arg1: i32, %arg2: memref<1024x512xf32, #tpu.memory_space<hbm>>, %arg3: memref<64x80xi32, #tpu.memory_space<hbm>>, %arg4: memref<64x80xi32, #tpu.memory_space<hbm>>, %arg5: memref<5120x512xf32, #tpu.memory_space<hbm>>, %arg6: memref<5120x512xf32, #tpu.memory_space<hbm>>, %arg7: memref<80xi32, #tpu.memory_space<vmem>>, %arg8: memref<80xi32, #tpu.memory_space<vmem>>, %arg9: memref<80xi32, #tpu.memory_space<vmem>>, %arg10: memref<80xi32, #tpu.memory_space<vmem>>, %arg11: memref<80x512xf32, #tpu.memory_space<vmem>>, %arg12: memref<80x512xf32, #tpu.memory_space<vmem>>, %arg13: memref<!tpu.dma_semaphore, #tpu.memory_space<semaphore_mem>>, %arg14: memref<!tpu.dma_semaphore, #tpu.memory_space<semaphore_mem>>) attributes {dimension_semantics = [#tpu.dimension_semantics<core_parallel>, #tpu.dimension_semantics<subcore_parallel>], iteration_bounds = array<i64: 2, 16>, scalar_prefetch = 0 : i64, scratch_operands = 8 : i64, tpu.core_type = #tpu.core_type<sc_vector_subcore>, window_params = [{transform_indices = #map}, {transform_indices = #map}, {transform_indices = #map}, {transform_indices = #map}, {transform_indices = #map}]} {
    %mul3A = arith.constant 2 : i32
    %mul3A_0 = arith.muli %arg1, %mul3A : i32
    %add3A = arith.addi %mul3A_0, %arg0 : i32
    %mul3A_1 = arith.constant 2 : i32
    %mul3A_2 = arith.muli %add3A, %mul3A_1 : i32
    %add3A_3 = arith.constant 1 : i32
    %add3A_4 = arith.addi %mul3A_2, %add3A_3 : i32
    "tpu.region"() ({
      %run_scoped3A = tpu.sem_alloc : memref<!tpu.dma_semaphore, #tpu.memory_space<semaphore_mem>>
      %dma_start3A_35 = arith.constant 0 : i32
      %dma_start3A_36 = tpu.memref_slice %arg3[%mul3A_2, %dma_start3A_35] : memref<64x80xi32, #tpu.memory_space<hbm>> -> memref<1x80xi32, #tpu.memory_space<hbm>>
      %dma_start3A_37 = tpu.memref_squeeze %dma_start3A_36 : memref<1x80xi32, #tpu.memory_space<hbm>> -> memref<80xi32, #tpu.memory_space<hbm>>
      %dma_start3A_38 = arith.constant 0 : i32
      %dma_start3A_39 = tpu.memref_slice %arg3[%mul3A_2, %dma_start3A_38] : memref<64x80xi32, #tpu.memory_space<hbm>> -> memref<1x80xi32, #tpu.memory_space<hbm>>
      %dma_start3A_40 = tpu.memref_squeeze %dma_start3A_39 : memref<1x80xi32, #tpu.memory_space<hbm>> -> memref<80xi32, #tpu.memory_space<hbm>>
      tpu.enqueue_dma source(%dma_start3A_40 : memref<80xi32, #tpu.memory_space<hbm>>) target(%arg7 : memref<80xi32, #tpu.memory_space<vmem>>) target_semaphore(%run_scoped3A : memref<!tpu.dma_semaphore, #tpu.memory_space<semaphore_mem>>)
      %dma_wait3A_41 = arith.constant 0 : i32
      %dma_wait3A_42 = tpu.memref_slice %arg3[%mul3A_2, %dma_wait3A_41] : memref<64x80xi32, #tpu.memory_space<hbm>> -> memref<1x80xi32, #tpu.memory_space<hbm>>
      %dma_wait3A_43 = tpu.memref_squeeze %dma_wait3A_42 : memref<1x80xi32, #tpu.memory_space<hbm>> -> memref<80xi32, #tpu.memory_space<hbm>>
      %dma_wait3A_44 = arith.constant 0 : i32
      %dma_wait3A_45 = tpu.memref_slice %arg3[%mul3A_2, %dma_wait3A_44] : memref<64x80xi32, #tpu.memory_space<hbm>> -> memref<1x80xi32, #tpu.memory_space<hbm>>
      %dma_wait3A_46 = tpu.memref_squeeze %dma_wait3A_45 : memref<1x80xi32, #tpu.memory_space<hbm>> -> memref<80xi32, #tpu.memory_space<hbm>>
      tpu.wait_dma2 semaphore(%run_scoped3A : memref<!tpu.dma_semaphore, #tpu.memory_space<semaphore_mem>>) src(%dma_wait3A_46 : memref<80xi32, #tpu.memory_space<hbm>>) dst(%arg7 : memref<80xi32, #tpu.memory_space<vmem>>)
      tpu.yield
    }) : () -> ()
    "tpu.region"() ({
      %run_scoped3A = tpu.sem_alloc : memref<!tpu.dma_semaphore, #tpu.memory_space<semaphore_mem>>
      %dma_start3A_35 = arith.constant 0 : i32
      %dma_start3A_36 = tpu.memref_slice %arg4[%mul3A_2, %dma_start3A_35] : memref<64x80xi32, #tpu.memory_space<hbm>> -> memref<1x80xi32, #tpu.memory_space<hbm>>
      %dma_start3A_37 = tpu.memref_squeeze %dma_start3A_36 : memref<1x80xi32, #tpu.memory_space<hbm>> -> memref<80xi32, #tpu.memory_space<hbm>>
      %dma_start3A_38 = arith.constant 0 : i32
      %dma_start3A_39 = tpu.memref_slice %arg4[%mul3A_2, %dma_start3A_38] : memref<64x80xi32, #tpu.memory_space<hbm>> -> memref<1x80xi32, #tpu.memory_space<hbm>>
      %dma_start3A_40 = tpu.memref_squeeze %dma_start3A_39 : memref<1x80xi32, #tpu.memory_space<hbm>> -> memref<80xi32, #tpu.memory_space<hbm>>
      tpu.enqueue_dma source(%dma_start3A_40 : memref<80xi32, #tpu.memory_space<hbm>>) target(%arg8 : memref<80xi32, #tpu.memory_space<vmem>>) target_semaphore(%run_scoped3A : memref<!tpu.dma_semaphore, #tpu.memory_space<semaphore_mem>>)
      %dma_wait3A_41 = arith.constant 0 : i32
      %dma_wait3A_42 = tpu.memref_slice %arg4[%mul3A_2, %dma_wait3A_41] : memref<64x80xi32, #tpu.memory_space<hbm>> -> memref<1x80xi32, #tpu.memory_space<hbm>>
      %dma_wait3A_43 = tpu.memref_squeeze %dma_wait3A_42 : memref<1x80xi32, #tpu.memory_space<hbm>> -> memref<80xi32, #tpu.memory_space<hbm>>
      %dma_wait3A_44 = arith.constant 0 : i32
      %dma_wait3A_45 = tpu.memref_slice %arg4[%mul3A_2, %dma_wait3A_44] : memref<64x80xi32, #tpu.memory_space<hbm>> -> memref<1x80xi32, #tpu.memory_space<hbm>>
      %dma_wait3A_46 = tpu.memref_squeeze %dma_wait3A_45 : memref<1x80xi32, #tpu.memory_space<hbm>> -> memref<80xi32, #tpu.memory_space<hbm>>
      tpu.wait_dma2 semaphore(%run_scoped3A : memref<!tpu.dma_semaphore, #tpu.memory_space<semaphore_mem>>) src(%dma_wait3A_46 : memref<80xi32, #tpu.memory_space<hbm>>) dst(%arg8 : memref<80xi32, #tpu.memory_space<vmem>>)
      tpu.yield
    }) : () -> ()
    "tpu.region"() ({
      %run_scoped3A = tpu.sem_alloc : memref<!tpu.dma_semaphore, #tpu.memory_space<semaphore_mem>>
      %dma_start3A_35 = arith.constant 0 : i32
      %dma_start3A_36 = tpu.memref_slice %arg3[%add3A_4, %dma_start3A_35] : memref<64x80xi32, #tpu.memory_space<hbm>> -> memref<1x80xi32, #tpu.memory_space<hbm>>
      %dma_start3A_37 = tpu.memref_squeeze %dma_start3A_36 : memref<1x80xi32, #tpu.memory_space<hbm>> -> memref<80xi32, #tpu.memory_space<hbm>>
      %dma_start3A_38 = arith.constant 0 : i32
      %dma_start3A_39 = tpu.memref_slice %arg3[%add3A_4, %dma_start3A_38] : memref<64x80xi32, #tpu.memory_space<hbm>> -> memref<1x80xi32, #tpu.memory_space<hbm>>
      %dma_start3A_40 = tpu.memref_squeeze %dma_start3A_39 : memref<1x80xi32, #tpu.memory_space<hbm>> -> memref<80xi32, #tpu.memory_space<hbm>>
      tpu.enqueue_dma source(%dma_start3A_40 : memref<80xi32, #tpu.memory_space<hbm>>) target(%arg9 : memref<80xi32, #tpu.memory_space<vmem>>) target_semaphore(%run_scoped3A : memref<!tpu.dma_semaphore, #tpu.memory_space<semaphore_mem>>)
      %dma_wait3A_41 = arith.constant 0 : i32
      %dma_wait3A_42 = tpu.memref_slice %arg3[%add3A_4, %dma_wait3A_41] : memref<64x80xi32, #tpu.memory_space<hbm>> -> memref<1x80xi32, #tpu.memory_space<hbm>>
      %dma_wait3A_43 = tpu.memref_squeeze %dma_wait3A_42 : memref<1x80xi32, #tpu.memory_space<hbm>> -> memref<80xi32, #tpu.memory_space<hbm>>
      %dma_wait3A_44 = arith.constant 0 : i32
      %dma_wait3A_45 = tpu.memref_slice %arg3[%add3A_4, %dma_wait3A_44] : memref<64x80xi32, #tpu.memory_space<hbm>> -> memref<1x80xi32, #tpu.memory_space<hbm>>
      %dma_wait3A_46 = tpu.memref_squeeze %dma_wait3A_45 : memref<1x80xi32, #tpu.memory_space<hbm>> -> memref<80xi32, #tpu.memory_space<hbm>>
      tpu.wait_dma2 semaphore(%run_scoped3A : memref<!tpu.dma_semaphore, #tpu.memory_space<semaphore_mem>>) src(%dma_wait3A_46 : memref<80xi32, #tpu.memory_space<hbm>>) dst(%arg9 : memref<80xi32, #tpu.memory_space<vmem>>)
      tpu.yield
    }) : () -> ()
    "tpu.region"() ({
      %run_scoped3A = tpu.sem_alloc : memref<!tpu.dma_semaphore, #tpu.memory_space<semaphore_mem>>
      %dma_start3A_35 = arith.constant 0 : i32
      %dma_start3A_36 = tpu.memref_slice %arg4[%add3A_4, %dma_start3A_35] : memref<64x80xi32, #tpu.memory_space<hbm>> -> memref<1x80xi32, #tpu.memory_space<hbm>>
      %dma_start3A_37 = tpu.memref_squeeze %dma_start3A_36 : memref<1x80xi32, #tpu.memory_space<hbm>> -> memref<80xi32, #tpu.memory_space<hbm>>
      %dma_start3A_38 = arith.constant 0 : i32
      %dma_start3A_39 = tpu.memref_slice %arg4[%add3A_4, %dma_start3A_38] : memref<64x80xi32, #tpu.memory_space<hbm>> -> memref<1x80xi32, #tpu.memory_space<hbm>>
      %dma_start3A_40 = tpu.memref_squeeze %dma_start3A_39 : memref<1x80xi32, #tpu.memory_space<hbm>> -> memref<80xi32, #tpu.memory_space<hbm>>
      tpu.enqueue_dma source(%dma_start3A_40 : memref<80xi32, #tpu.memory_space<hbm>>) target(%arg10 : memref<80xi32, #tpu.memory_space<vmem>>) target_semaphore(%run_scoped3A : memref<!tpu.dma_semaphore, #tpu.memory_space<semaphore_mem>>)
      %dma_wait3A_41 = arith.constant 0 : i32
      %dma_wait3A_42 = tpu.memref_slice %arg4[%add3A_4, %dma_wait3A_41] : memref<64x80xi32, #tpu.memory_space<hbm>> -> memref<1x80xi32, #tpu.memory_space<hbm>>
      %dma_wait3A_43 = tpu.memref_squeeze %dma_wait3A_42 : memref<1x80xi32, #tpu.memory_space<hbm>> -> memref<80xi32, #tpu.memory_space<hbm>>
      %dma_wait3A_44 = arith.constant 0 : i32
      %dma_wait3A_45 = tpu.memref_slice %arg4[%add3A_4, %dma_wait3A_44] : memref<64x80xi32, #tpu.memory_space<hbm>> -> memref<1x80xi32, #tpu.memory_space<hbm>>
      %dma_wait3A_46 = tpu.memref_squeeze %dma_wait3A_45 : memref<1x80xi32, #tpu.memory_space<hbm>> -> memref<80xi32, #tpu.memory_space<hbm>>
      tpu.wait_dma2 semaphore(%run_scoped3A : memref<!tpu.dma_semaphore, #tpu.memory_space<semaphore_mem>>) src(%dma_wait3A_46 : memref<80xi32, #tpu.memory_space<hbm>>) dst(%arg10 : memref<80xi32, #tpu.memory_space<vmem>>)
      tpu.yield
    }) : () -> ()
    %dma_start3A = arith.constant 0 : i32
    %dma_start3A_5 = arith.constant 0 : i32
    %dma_start3A_6 = tpu.memref_slice %arg2[%dma_start3A, %dma_start3A_5] : memref<1024x512xf32, #tpu.memory_space<hbm>> -> memref<1024x512xf32, #tpu.memory_space<hbm>>
    tpu.enqueue_indirect_dma source(%dma_start3A_6 : memref<1024x512xf32, #tpu.memory_space<hbm>>) target(%arg11 : memref<80x512xf32, #tpu.memory_space<vmem>>) offsets(%arg7 : memref<80xi32, #tpu.memory_space<vmem>>) semaphore(%arg13 : memref<!tpu.dma_semaphore, #tpu.memory_space<semaphore_mem>>)
    %dma_start3A_7 = arith.constant 0 : i32
    %dma_start3A_8 = arith.constant 0 : i32
    %dma_start3A_9 = tpu.memref_slice %arg2[%dma_start3A_7, %dma_start3A_8] : memref<1024x512xf32, #tpu.memory_space<hbm>> -> memref<1024x512xf32, #tpu.memory_space<hbm>>
    tpu.enqueue_indirect_dma source(%dma_start3A_9 : memref<1024x512xf32, #tpu.memory_space<hbm>>) target(%arg12 : memref<80x512xf32, #tpu.memory_space<vmem>>) offsets(%arg8 : memref<80xi32, #tpu.memory_space<vmem>>) semaphore(%arg14 : memref<!tpu.dma_semaphore, #tpu.memory_space<semaphore_mem>>)
    %dma_wait3A = arith.constant 0 : i32
    %dma_wait3A_10 = arith.constant 0 : i32
    %dma_wait3A_11 = tpu.memref_slice %arg2[%dma_wait3A, %dma_wait3A_10] : memref<1024x512xf32, #tpu.memory_space<hbm>> -> memref<1024x512xf32, #tpu.memory_space<hbm>>
    tpu.wait_indirect_dma semaphore(%arg13 : memref<!tpu.dma_semaphore, #tpu.memory_space<semaphore_mem>>) src(%dma_wait3A_11 : memref<1024x512xf32, #tpu.memory_space<hbm>>) dst(%arg11 : memref<80x512xf32, #tpu.memory_space<vmem>>)
    %mul3A_12 = arith.constant 80 : i32
    %mul3A_13 = arith.muli %mul3A_2, %mul3A_12 : i32
    "tpu.region"() ({
      %run_scoped3A = tpu.sem_alloc : memref<!tpu.dma_semaphore, #tpu.memory_space<semaphore_mem>>
      %dma_start3A_35 = arith.constant 0 : i32
      %dma_start3A_36 = tpu.memref_slice %arg5[%mul3A_13, %dma_start3A_35] : memref<5120x512xf32, #tpu.memory_space<hbm>> -> memref<80x512xf32, #tpu.memory_space<hbm>>
      %dma_start3A_37 = arith.constant 0 : i32
      %dma_start3A_38 = tpu.memref_slice %arg5[%mul3A_13, %dma_start3A_37] : memref<5120x512xf32, #tpu.memory_space<hbm>> -> memref<80x512xf32, #tpu.memory_space<hbm>>
      tpu.enqueue_dma source(%arg11 : memref<80x512xf32, #tpu.memory_space<vmem>>) target(%dma_start3A_38 : memref<80x512xf32, #tpu.memory_space<hbm>>) target_semaphore(%run_scoped3A : memref<!tpu.dma_semaphore, #tpu.memory_space<semaphore_mem>>)
      %dma_wait3A_39 = arith.constant 0 : i32
      %dma_wait3A_40 = tpu.memref_slice %arg5[%mul3A_13, %dma_wait3A_39] : memref<5120x512xf32, #tpu.memory_space<hbm>> -> memref<80x512xf32, #tpu.memory_space<hbm>>
      %dma_wait3A_41 = arith.constant 0 : i32
      %dma_wait3A_42 = tpu.memref_slice %arg5[%mul3A_13, %dma_wait3A_41] : memref<5120x512xf32, #tpu.memory_space<hbm>> -> memref<80x512xf32, #tpu.memory_space<hbm>>
      tpu.wait_dma2 semaphore(%run_scoped3A : memref<!tpu.dma_semaphore, #tpu.memory_space<semaphore_mem>>) src(%arg11 : memref<80x512xf32, #tpu.memory_space<vmem>>) dst(%dma_wait3A_42 : memref<80x512xf32, #tpu.memory_space<hbm>>)
      tpu.yield
    }) : () -> ()
    %dma_start3A_14 = arith.constant 0 : i32
    %dma_start3A_15 = arith.constant 0 : i32
    %dma_start3A_16 = tpu.memref_slice %arg2[%dma_start3A_14, %dma_start3A_15] : memref<1024x512xf32, #tpu.memory_space<hbm>> -> memref<1024x512xf32, #tpu.memory_space<hbm>>
    tpu.enqueue_indirect_dma source(%dma_start3A_16 : memref<1024x512xf32, #tpu.memory_space<hbm>>) target(%arg11 : memref<80x512xf32, #tpu.memory_space<vmem>>) offsets(%arg9 : memref<80xi32, #tpu.memory_space<vmem>>) semaphore(%arg13 : memref<!tpu.dma_semaphore, #tpu.memory_space<semaphore_mem>>)
    %dma_wait3A_17 = arith.constant 0 : i32
    %dma_wait3A_18 = arith.constant 0 : i32
    %dma_wait3A_19 = tpu.memref_slice %arg2[%dma_wait3A_17, %dma_wait3A_18] : memref<1024x512xf32, #tpu.memory_space<hbm>> -> memref<1024x512xf32, #tpu.memory_space<hbm>>
    tpu.wait_indirect_dma semaphore(%arg14 : memref<!tpu.dma_semaphore, #tpu.memory_space<semaphore_mem>>) src(%dma_wait3A_19 : memref<1024x512xf32, #tpu.memory_space<hbm>>) dst(%arg12 : memref<80x512xf32, #tpu.memory_space<vmem>>)
    %mul3A_20 = arith.constant 80 : i32
    %mul3A_21 = arith.muli %mul3A_2, %mul3A_20 : i32
    "tpu.region"() ({
      %run_scoped3A = tpu.sem_alloc : memref<!tpu.dma_semaphore, #tpu.memory_space<semaphore_mem>>
      %dma_start3A_35 = arith.constant 0 : i32
      %dma_start3A_36 = tpu.memref_slice %arg6[%mul3A_21, %dma_start3A_35] : memref<5120x512xf32, #tpu.memory_space<hbm>> -> memref<80x512xf32, #tpu.memory_space<hbm>>
      %dma_start3A_37 = arith.constant 0 : i32
      %dma_start3A_38 = tpu.memref_slice %arg6[%mul3A_21, %dma_start3A_37] : memref<5120x512xf32, #tpu.memory_space<hbm>> -> memref<80x512xf32, #tpu.memory_space<hbm>>
      tpu.enqueue_dma source(%arg12 : memref<80x512xf32, #tpu.memory_space<vmem>>) target(%dma_start3A_38 : memref<80x512xf32, #tpu.memory_space<hbm>>) target_semaphore(%run_scoped3A : memref<!tpu.dma_semaphore, #tpu.memory_space<semaphore_mem>>)
      %dma_wait3A_39 = arith.constant 0 : i32
      %dma_wait3A_40 = tpu.memref_slice %arg6[%mul3A_21, %dma_wait3A_39] : memref<5120x512xf32, #tpu.memory_space<hbm>> -> memref<80x512xf32, #tpu.memory_space<hbm>>
      %dma_wait3A_41 = arith.constant 0 : i32
      %dma_wait3A_42 = tpu.memref_slice %arg6[%mul3A_21, %dma_wait3A_41] : memref<5120x512xf32, #tpu.memory_space<hbm>> -> memref<80x512xf32, #tpu.memory_space<hbm>>
      tpu.wait_dma2 semaphore(%run_scoped3A : memref<!tpu.dma_semaphore, #tpu.memory_space<semaphore_mem>>) src(%arg12 : memref<80x512xf32, #tpu.memory_space<vmem>>) dst(%dma_wait3A_42 : memref<80x512xf32, #tpu.memory_space<hbm>>)
      tpu.yield
    }) : () -> ()
    %dma_start3A_22 = arith.constant 0 : i32
    %dma_start3A_23 = arith.constant 0 : i32
    %dma_start3A_24 = tpu.memref_slice %arg2[%dma_start3A_22, %dma_start3A_23] : memref<1024x512xf32, #tpu.memory_space<hbm>> -> memref<1024x512xf32, #tpu.memory_space<hbm>>
    tpu.enqueue_indirect_dma source(%dma_start3A_24 : memref<1024x512xf32, #tpu.memory_space<hbm>>) target(%arg12 : memref<80x512xf32, #tpu.memory_space<vmem>>) offsets(%arg10 : memref<80xi32, #tpu.memory_space<vmem>>) semaphore(%arg14 : memref<!tpu.dma_semaphore, #tpu.memory_space<semaphore_mem>>)
    %dma_wait3A_25 = arith.constant 0 : i32
    %dma_wait3A_26 = arith.constant 0 : i32
    %dma_wait3A_27 = tpu.memref_slice %arg2[%dma_wait3A_25, %dma_wait3A_26] : memref<1024x512xf32, #tpu.memory_space<hbm>> -> memref<1024x512xf32, #tpu.memory_space<hbm>>
    tpu.wait_indirect_dma semaphore(%arg13 : memref<!tpu.dma_semaphore, #tpu.memory_space<semaphore_mem>>) src(%dma_wait3A_27 : memref<1024x512xf32, #tpu.memory_space<hbm>>) dst(%arg11 : memref<80x512xf32, #tpu.memory_space<vmem>>)
    %mul3A_28 = arith.constant 80 : i32
    %mul3A_29 = arith.muli %add3A_4, %mul3A_28 : i32
    "tpu.region"() ({
      %run_scoped3A = tpu.sem_alloc : memref<!tpu.dma_semaphore, #tpu.memory_space<semaphore_mem>>
      %dma_start3A_35 = arith.constant 0 : i32
      %dma_start3A_36 = tpu.memref_slice %arg5[%mul3A_29, %dma_start3A_35] : memref<5120x512xf32, #tpu.memory_space<hbm>> -> memref<80x512xf32, #tpu.memory_space<hbm>>
      %dma_start3A_37 = arith.constant 0 : i32
      %dma_start3A_38 = tpu.memref_slice %arg5[%mul3A_29, %dma_start3A_37] : memref<5120x512xf32, #tpu.memory_space<hbm>> -> memref<80x512xf32, #tpu.memory_space<hbm>>
      tpu.enqueue_dma source(%arg11 : memref<80x512xf32, #tpu.memory_space<vmem>>) target(%dma_start3A_38 : memref<80x512xf32, #tpu.memory_space<hbm>>) target_semaphore(%run_scoped3A : memref<!tpu.dma_semaphore, #tpu.memory_space<semaphore_mem>>)
      %dma_wait3A_39 = arith.constant 0 : i32
      %dma_wait3A_40 = tpu.memref_slice %arg5[%mul3A_29, %dma_wait3A_39] : memref<5120x512xf32, #tpu.memory_space<hbm>> -> memref<80x512xf32, #tpu.memory_space<hbm>>
      %dma_wait3A_41 = arith.constant 0 : i32
      %dma_wait3A_42 = tpu.memref_slice %arg5[%mul3A_29, %dma_wait3A_41] : memref<5120x512xf32, #tpu.memory_space<hbm>> -> memref<80x512xf32, #tpu.memory_space<hbm>>
      tpu.wait_dma2 semaphore(%run_scoped3A : memref<!tpu.dma_semaphore, #tpu.memory_space<semaphore_mem>>) src(%arg11 : memref<80x512xf32, #tpu.memory_space<vmem>>) dst(%dma_wait3A_42 : memref<80x512xf32, #tpu.memory_space<hbm>>)
      tpu.yield
    }) : () -> ()
    %dma_wait3A_30 = arith.constant 0 : i32
    %dma_wait3A_31 = arith.constant 0 : i32
    %dma_wait3A_32 = tpu.memref_slice %arg2[%dma_wait3A_30, %dma_wait3A_31] : memref<1024x512xf32, #tpu.memory_space<hbm>> -> memref<1024x512xf32, #tpu.memory_space<hbm>>
    tpu.wait_indirect_dma semaphore(%arg14 : memref<!tpu.dma_semaphore, #tpu.memory_space<semaphore_mem>>) src(%dma_wait3A_32 : memref<1024x512xf32, #tpu.memory_space<hbm>>) dst(%arg12 : memref<80x512xf32, #tpu.memory_space<vmem>>)
    %mul3A_33 = arith.constant 80 : i32
    %mul3A_34 = arith.muli %add3A_4, %mul3A_33 : i32
    "tpu.region"() ({
      %run_scoped3A = tpu.sem_alloc : memref<!tpu.dma_semaphore, #tpu.memory_space<semaphore_mem>>
      %dma_start3A_35 = arith.constant 0 : i32
      %dma_start3A_36 = tpu.memref_slice %arg6[%mul3A_34, %dma_start3A_35] : memref<5120x512xf32, #tpu.memory_space<hbm>> -> memref<80x512xf32, #tpu.memory_space<hbm>>
      %dma_start3A_37 = arith.constant 0 : i32
      %dma_start3A_38 = tpu.memref_slice %arg6[%mul3A_34, %dma_start3A_37] : memref<5120x512xf32, #tpu.memory_space<hbm>> -> memref<80x512xf32, #tpu.memory_space<hbm>>
      tpu.enqueue_dma source(%arg12 : memref<80x512xf32, #tpu.memory_space<vmem>>) target(%dma_start3A_38 : memref<80x512xf32, #tpu.memory_space<hbm>>) target_semaphore(%run_scoped3A : memref<!tpu.dma_semaphore, #tpu.memory_space<semaphore_mem>>)
      %dma_wait3A_39 = arith.constant 0 : i32
      %dma_wait3A_40 = tpu.memref_slice %arg6[%mul3A_34, %dma_wait3A_39] : memref<5120x512xf32, #tpu.memory_space<hbm>> -> memref<80x512xf32, #tpu.memory_space<hbm>>
      %dma_wait3A_41 = arith.constant 0 : i32
      %dma_wait3A_42 = tpu.memref_slice %arg6[%mul3A_34, %dma_wait3A_41] : memref<5120x512xf32, #tpu.memory_space<hbm>> -> memref<80x512xf32, #tpu.memory_space<hbm>>
      tpu.wait_dma2 semaphore(%run_scoped3A : memref<!tpu.dma_semaphore, #tpu.memory_space<semaphore_mem>>) src(%arg12 : memref<80x512xf32, #tpu.memory_space<vmem>>) dst(%dma_wait3A_42 : memref<80x512xf32, #tpu.memory_space<hbm>>)
      tpu.yield
    }) : () -> ()
    return
  }
}

module attributes {stable_mosaic.version = 14 : i64} {
  func.func @_probs_body(%arg0: memref<1000x256xf32, #tpu.memory_space<vmem>>, %arg1: memref<1000x256xf32, #tpu.memory_space<vmem>>) attributes {dimension_semantics = [], scalar_prefetch = 0 : i64, scratch_operands = 0 : i64, tpu.core_type = #tpu.core_type<tc>} {
    %get3A = arith.constant 0 : index
    %get3A_0 = arith.constant 0 : index
    %get3A_1 = vector.load %arg0[%get3A, %get3A_0] : memref<1000x256xf32, #tpu.memory_space<vmem>>, vector<1000x256xf32>
    %reduce_max3A = arith.constant dense<0xFF800000> : vector<1000xf32>
    %reduce_max3A_2 = vector.multi_reduction <maximumf>, %get3A_1, %reduce_max3A [1] : vector<1000x256xf32> to vector<1000xf32>
    %broadcast_in_dim3A = vector.shape_cast %reduce_max3A_2 : vector<1000xf32> to vector<1000x1xf32>
    %sub3A = vector.broadcast %broadcast_in_dim3A : vector<1000x1xf32> to vector<1000x256xf32>
    %sub3A_3 = arith.subf %get3A_1, %sub3A : vector<1000x256xf32>
    %exp3A = math.exp %sub3A_3 : vector<1000x256xf32>
    %reduce_sum3A = arith.constant dense<0.000000e+00> : vector<1000xf32>
    %reduce_sum3A_4 = vector.multi_reduction <add>, %exp3A, %reduce_sum3A [1] : vector<1000x256xf32> to vector<1000xf32>
    %broadcast_in_dim3A_5 = vector.shape_cast %reduce_sum3A_4 : vector<1000xf32> to vector<1000x1xf32>
    %div3A = vector.broadcast %broadcast_in_dim3A_5 : vector<1000x1xf32> to vector<1000x256xf32>
    %div3A_6 = arith.divf %exp3A, %div3A : vector<1000x256xf32>
    %swap3A = arith.constant 0 : index
    %swap3A_7 = arith.constant 0 : index
    %swap3A_8 = vector.load %arg1[%swap3A, %swap3A_7] : memref<1000x256xf32, #tpu.memory_space<vmem>>, vector<1000x256xf32>
    tpu.vector_store %arg1[%swap3A, %swap3A_7], %div3A_6 {strides = array<i32>} : memref<1000x256xf32, #tpu.memory_space<vmem>>, vector<1000x256xf32>,
    return
  }
}

module attributes {stable_mosaic.version = 14 : i64} {
  func.func @_nms_body(%arg0: i32, %arg1: memref<1x50x1024xf32, #tpu.memory_space<vmem>>, %arg2: memref<1x1024x50xf32, #tpu.memory_space<vmem>>, %arg3: memref<10x1x1024xf32, #tpu.memory_space<vmem>>, %arg4: memref<10x1024x1024xbf16, #tpu.memory_space<vmem>>, %arg5: memref<10x1024xf32, #tpu.memory_space<vmem>>, %arg6: memref<10x1024xf32, #tpu.memory_space<vmem>>, %arg7: memref<10x1024xf32, #tpu.memory_space<vmem>>) attributes {dimension_semantics = [#tpu.dimension_semantics<arbitrary>], iteration_bounds = array<i64: 15>, scalar_prefetch = 0 : i64, scratch_operands = 4 : i64, tpu.core_type = #tpu.core_type<tc>, window_params = [{transform_indices = @transform_0, window_bounds = array<i64: 1, 50, 1024>}, {transform_indices = @transform_1, window_bounds = array<i64: 1, 1024, 50>}, {transform_indices = @transform_2, window_bounds = array<i64: 10, 1, 1024>}]} {
    %iota3A = tpu.iota {dimensions = array<i32: 0>} : vector<1024x1024xi32>
    %iota3A_0 = tpu.iota {dimensions = array<i32: 1>} : vector<1024x1024xi32>
    %get3A = arith.constant 0 : index
    %get3A_1 = arith.constant 0 : index
    %get3A_2 = arith.constant 0 : index
    %get3A_3 = vector.load %arg1[%get3A, %get3A_1, %get3A_2] : memref<1x50x1024xf32, #tpu.memory_space<vmem>>, vector<1x1x1024xf32>
    %get3A_4 = vector.shape_cast %get3A_3 : vector<1x1x1024xf32> to vector<1x1024xf32>
    %get3A_5 = arith.constant 0 : index
    %get3A_6 = arith.constant 1 : index
    %get3A_7 = arith.constant 0 : index
    %get3A_8 = vector.load %arg1[%get3A_5, %get3A_6, %get3A_7] : memref<1x50x1024xf32, #tpu.memory_space<vmem>>, vector<1x1x1024xf32>
    %get3A_9 = vector.shape_cast %get3A_8 : vector<1x1x1024xf32> to vector<1x1024xf32>
    %get3A_10 = arith.constant 0 : index
    %get3A_11 = arith.constant 2 : index
    %get3A_12 = arith.constant 0 : index
    %get3A_13 = vector.load %arg1[%get3A_10, %get3A_11, %get3A_12] : memref<1x50x1024xf32, #tpu.memory_space<vmem>>, vector<1x1x1024xf32>
    %get3A_14 = vector.shape_cast %get3A_13 : vector<1x1x1024xf32> to vector<1x1024xf32>
    %get3A_15 = arith.constant 0 : index
    %get3A_16 = arith.constant 3 : index
    %get3A_17 = arith.constant 0 : index
    %get3A_18 = vector.load %arg1[%get3A_15, %get3A_16, %get3A_17] : memref<1x50x1024xf32, #tpu.memory_space<vmem>>, vector<1x1x1024xf32>
    %get3A_19 = vector.shape_cast %get3A_18 : vector<1x1x1024xf32> to vector<1x1024xf32>
    %get3A_20 = arith.constant 0 : index
    %get3A_21 = arith.constant 4 : index
    %get3A_22 = arith.constant 0 : index
    %get3A_23 = vector.load %arg1[%get3A_20, %get3A_21, %get3A_22] : memref<1x50x1024xf32, #tpu.memory_space<vmem>>, vector<1x1x1024xf32>
    %get3A_24 = vector.shape_cast %get3A_23 : vector<1x1x1024xf32> to vector<1x1024xf32>
    %get3A_25 = arith.constant 0 : index
    %get3A_26 = arith.constant 0 : index
    %get3A_27 = arith.constant 0 : index
    %get3A_28 = vector.load %arg2[%get3A_25, %get3A_26, %get3A_27] : memref<1x1024x50xf32, #tpu.memory_space<vmem>>, vector<1x1024x1xf32>
    %get3A_29 = vector.shape_cast %get3A_28 : vector<1x1024x1xf32> to vector<1024x1xf32>
    %get3A_30 = arith.constant 0 : index
    %get3A_31 = arith.constant 0 : index
    %get3A_32 = arith.constant 1 : index
    %get3A_33 = vector.load %arg2[%get3A_30, %get3A_31, %get3A_32] : memref<1x1024x50xf32, #tpu.memory_space<vmem>>, vector<1x1024x1xf32>
    %get3A_34 = vector.shape_cast %get3A_33 : vector<1x1024x1xf32> to vector<1024x1xf32>
    %get3A_35 = arith.constant 0 : index
    %get3A_36 = arith.constant 0 : index
    %get3A_37 = arith.constant 2 : index
    %get3A_38 = vector.load %arg2[%get3A_35, %get3A_36, %get3A_37] : memref<1x1024x50xf32, #tpu.memory_space<vmem>>, vector<1x1024x1xf32>
    %get3A_39 = vector.shape_cast %get3A_38 : vector<1x1024x1xf32> to vector<1024x1xf32>
    %get3A_40 = arith.constant 0 : index
    %get3A_41 = arith.constant 0 : index
    %get3A_42 = arith.constant 3 : index
    %get3A_43 = vector.load %arg2[%get3A_40, %get3A_41, %get3A_42] : memref<1x1024x50xf32, #tpu.memory_space<vmem>>, vector<1x1024x1xf32>
    %get3A_44 = vector.shape_cast %get3A_43 : vector<1x1024x1xf32> to vector<1024x1xf32>
    %get3A_45 = arith.constant 0 : index
    %get3A_46 = arith.constant 0 : index
    %get3A_47 = arith.constant 4 : index
    %get3A_48 = vector.load %arg2[%get3A_45, %get3A_46, %get3A_47] : memref<1x1024x50xf32, #tpu.memory_space<vmem>>, vector<1x1024x1xf32>
    %get3A_49 = vector.shape_cast %get3A_48 : vector<1x1024x1xf32> to vector<1024x1xf32>
    %sub3A = arith.subf %get3A_14, %get3A_4 : vector<1x1024xf32>
    %sub3A_50 = arith.subf %get3A_19, %get3A_9 : vector<1x1024xf32>
    %mul3A = arith.mulf %sub3A, %sub3A_50 : vector<1x1024xf32>
    %sub3A_51 = arith.subf %get3A_39, %get3A_29 : vector<1024x1xf32>
    %sub3A_52 = arith.subf %get3A_44, %get3A_34 : vector<1024x1xf32>
    %mul3A_53 = arith.mulf %sub3A_51, %sub3A_52 : vector<1024x1xf32>
    %max3A = vector.broadcast %get3A_29 : vector<1024x1xf32> to vector<1024x1024xf32>
    %max3A_54 = vector.broadcast %get3A_4 : vector<1x1024xf32> to vector<1024x1024xf32>
    %max3A_55 = arith.maximumf %max3A, %max3A_54 : vector<1024x1024xf32>
    %max3A_56 = vector.broadcast %get3A_34 : vector<1024x1xf32> to vector<1024x1024xf32>
    %max3A_57 = vector.broadcast %get3A_9 : vector<1x1024xf32> to vector<1024x1024xf32>
    %max3A_58 = arith.maximumf %max3A_56, %max3A_57 : vector<1024x1024xf32>
    %min3A = vector.broadcast %get3A_39 : vector<1024x1xf32> to vector<1024x1024xf32>
    %min3A_59 = vector.broadcast %get3A_14 : vector<1x1024xf32> to vector<1024x1024xf32>
    %min3A_60 = arith.minimumf %min3A, %min3A_59 : vector<1024x1024xf32>
    %min3A_61 = vector.broadcast %get3A_44 : vector<1024x1xf32> to vector<1024x1024xf32>
    %min3A_62 = vector.broadcast %get3A_19 : vector<1x1024xf32> to vector<1024x1024xf32>
    %min3A_63 = arith.minimumf %min3A_61, %min3A_62 : vector<1024x1024xf32>
    %sub3A_64 = arith.subf %min3A_60, %max3A_55 : vector<1024x1024xf32>
    %max3A_65 = arith.constant 0.000000e+00 : f32
    %max3A_66 = vector.broadcast %max3A_65 : f32 to vector<1024x1024xf32>
    %max3A_67 = arith.maximumf %sub3A_64, %max3A_66 : vector<1024x1024xf32>
    %sub3A_68 = arith.subf %min3A_63, %max3A_58 : vector<1024x1024xf32>
    %max3A_69 = arith.constant 0.000000e+00 : f32
    %max3A_70 = vector.broadcast %max3A_69 : f32 to vector<1024x1024xf32>
    %max3A_71 = arith.maximumf %sub3A_68, %max3A_70 : vector<1024x1024xf32>
    %mul3A_72 = arith.mulf %max3A_67, %max3A_71 : vector<1024x1024xf32>
    %add3A = vector.broadcast %mul3A_53 : vector<1024x1xf32> to vector<1024x1024xf32>
    %add3A_73 = vector.broadcast %mul3A : vector<1x1024xf32> to vector<1024x1024xf32>
    %add3A_74 = arith.addf %add3A, %add3A_73 : vector<1024x1024xf32>
    %sub3A_75 = arith.subf %add3A_74, %mul3A_72 : vector<1024x1024xf32>
    %add3A_76 = arith.constant 9.99999993E-9 : f32
    %add3A_77 = vector.broadcast %add3A_76 : f32 to vector<1024x1024xf32>
    %add3A_78 = arith.addf %sub3A_75, %add3A_77 : vector<1024x1024xf32>
    %div3A = arith.divf %mul3A_72, %add3A_78 : vector<1024x1024xf32>
    %gt3A = vector.broadcast %get3A_49 : vector<1024x1xf32> to vector<1024x1024xf32>
    %gt3A_79 = vector.broadcast %get3A_24 : vector<1x1024xf32> to vector<1024x1024xf32>
    %gt3A_80 = arith.cmpf ogt, %gt3A, %gt3A_79 : vector<1024x1024xf32>
    %eq3A = vector.broadcast %get3A_49 : vector<1024x1xf32> to vector<1024x1024xf32>
    %eq3A_81 = vector.broadcast %get3A_24 : vector<1x1024xf32> to vector<1024x1024xf32>
    %eq3A_82 = arith.cmpf oeq, %eq3A, %eq3A_81 : vector<1024x1024xf32>
    %lt3A = arith.cmpi slt, %iota3A, %iota3A_0 : vector<1024x1024xi32>
    %and3A = arith.andi %eq3A_82, %lt3A : vector<1024x1024xi1>
    %or3A = arith.ori %gt3A_80, %and3A : vector<1024x1024xi1>
    %gt3A_83 = arith.constant 3.000000e-01 : f32
    %gt3A_84 = vector.broadcast %gt3A_83 : f32 to vector<1024x1024xf32>
    %gt3A_85 = arith.cmpf ogt, %div3A, %gt3A_84 : vector<1024x1024xf32>
    %and3A_86 = arith.andi %gt3A_85, %or3A : vector<1024x1024xi1>
    %lt3A_87 = arith.constant 1000 : i32
    %lt3A_88 = vector.broadcast %lt3A_87 : i32 to vector<1024x1024xi32>
    %lt3A_89 = arith.cmpi slt, %iota3A, %lt3A_88 : vector<1024x1024xi32>
    %and3A_90 = arith.andi %and3A_86, %lt3A_89 : vector<1024x1024xi1>
    %lt3A_91 = arith.constant 1000 : i32
    %lt3A_92 = vector.broadcast %lt3A_91 : i32 to vector<1024x1024xi32>
    %lt3A_93 = arith.cmpi slt, %iota3A_0, %lt3A_92 : vector<1024x1024xi32>
    %and3A_94 = arith.andi %and3A_90, %lt3A_93 : vector<1024x1024xi1>
    %convert_element_type3A = arith.extui %and3A_94 : vector<1024x1024xi1> to vector<1024x1024xi32>
    %convert_element_type3A_95 = arith.sitofp %convert_element_type3A : vector<1024x1024xi32> to vector<1024x1024xf32>
    %convert_element_type3A_96 = arith.truncf %convert_element_type3A_95 : vector<1024x1024xf32> to vector<1024x1024xbf16>
    %swap3A = arith.constant 0 : index
    %swap3A_97 = arith.constant 0 : index
    %swap3A_98 = arith.constant 0 : index
    %swap3A_99 = vector.load %arg4[%swap3A, %swap3A_97, %swap3A_98] : memref<10x1024x1024xbf16, #tpu.memory_space<vmem>>, vector<1x1024x1024xbf16>
    %swap3A_100 = vector.shape_cast %swap3A_99 : vector<1x1024x1024xbf16> to vector<1024x1024xbf16>
    %swap3A_101 = vector.shape_cast %convert_element_type3A_96 : vector<1024x1024xbf16> to vector<1x1024x1024xbf16>
    tpu.vector_store %arg4[%swap3A, %swap3A_97, %swap3A_98], %swap3A_101 {strides = array<i32>} : memref<10x1024x1024xbf16, #tpu.memory_space<vmem>>, vector<1x1024x1024xbf16>,
    %get3A_102 = arith.constant 0 : index
    %get3A_103 = arith.constant 5 : index
    %get3A_104 = arith.constant 0 : index
    %get3A_105 = vector.load %arg1[%get3A_102, %get3A_103, %get3A_104] : memref<1x50x1024xf32, #tpu.memory_space<vmem>>, vector<1x1x1024xf32>
    %get3A_106 = vector.shape_cast %get3A_105 : vector<1x1x1024xf32> to vector<1x1024xf32>
    %get3A_107 = arith.constant 0 : index
    %get3A_108 = arith.constant 6 : index
    %get3A_109 = arith.constant 0 : index
    %get3A_110 = vector.load %arg1[%get3A_107, %get3A_108, %get3A_109] : memref<1x50x1024xf32, #tpu.memory_space<vmem>>, vector<1x1x1024xf32>
    %get3A_111 = vector.shape_cast %get3A_110 : vector<1x1x1024xf32> to vector<1x1024xf32>
    %get3A_112 = arith.constant 0 : index
    %get3A_113 = arith.constant 7 : index
    %get3A_114 = arith.constant 0 : index
    %get3A_115 = vector.load %arg1[%get3A_112, %get3A_113, %get3A_114] : memref<1x50x1024xf32, #tpu.memory_space<vmem>>, vector<1x1x1024xf32>
    %get3A_116 = vector.shape_cast %get3A_115 : vector<1x1x1024xf32> to vector<1x1024xf32>
    %get3A_117 = arith.constant 0 : index
    %get3A_118 = arith.constant 8 : index
    %get3A_119 = arith.constant 0 : index
    %get3A_120 = vector.load %arg1[%get3A_117, %get3A_118, %get3A_119] : memref<1x50x1024xf32, #tpu.memory_space<vmem>>, vector<1x1x1024xf32>
    %get3A_121 = vector.shape_cast %get3A_120 : vector<1x1x1024xf32> to vector<1x1024xf32>
    %get3A_122 = arith.constant 0 : index
    %get3A_123 = arith.constant 9 : index
    %get3A_124 = arith.constant 0 : index
    %get3A_125 = vector.load %arg1[%get3A_122, %get3A_123, %get3A_124] : memref<1x50x1024xf32, #tpu.memory_space<vmem>>, vector<1x1x1024xf32>
    %get3A_126 = vector.shape_cast %get3A_125 : vector<1x1x1024xf32> to vector<1x1024xf32>
    %get3A_127 = arith.constant 0 : index
    %get3A_128 = arith.constant 0 : index
    %get3A_129 = arith.constant 5 : index
    %get3A_130 = vector.load %arg2[%get3A_127, %get3A_128, %get3A_129] : memref<1x1024x50xf32, #tpu.memory_space<vmem>>, vector<1x1024x1xf32>
    %get3A_131 = vector.shape_cast %get3A_130 : vector<1x1024x1xf32> to vector<1024x1xf32>
    %get3A_132 = arith.constant 0 : index
    %get3A_133 = arith.constant 0 : index
    %get3A_134 = arith.constant 6 : index
    %get3A_135 = vector.load %arg2[%get3A_132, %get3A_133, %get3A_134] : memref<1x1024x50xf32, #tpu.memory_space<vmem>>, vector<1x1024x1xf32>
    %get3A_136 = vector.shape_cast %get3A_135 : vector<1x1024x1xf32> to vector<1024x1xf32>
    %get3A_137 = arith.constant 0 : index
    %get3A_138 = arith.constant 0 : index
    %get3A_139 = arith.constant 7 : index
    %get3A_140 = vector.load %arg2[%get3A_137, %get3A_138, %get3A_139] : memref<1x1024x50xf32, #tpu.memory_space<vmem>>, vector<1x1024x1xf32>
    %get3A_141 = vector.shape_cast %get3A_140 : vector<1x1024x1xf32> to vector<1024x1xf32>
    %get3A_142 = arith.constant 0 : index
    %get3A_143 = arith.constant 0 : index
    %get3A_144 = arith.constant 8 : index
    %get3A_145 = vector.load %arg2[%get3A_142, %get3A_143, %get3A_144] : memref<1x1024x50xf32, #tpu.memory_space<vmem>>, vector<1x1024x1xf32>
    %get3A_146 = vector.shape_cast %get3A_145 : vector<1x1024x1xf32> to vector<1024x1xf32>
    %get3A_147 = arith.constant 0 : index
    %get3A_148 = arith.constant 0 : index
    %get3A_149 = arith.constant 9 : index
    %get3A_150 = vector.load %arg2[%get3A_147, %get3A_148, %get3A_149] : memref<1x1024x50xf32, #tpu.memory_space<vmem>>, vector<1x1024x1xf32>
    %get3A_151 = vector.shape_cast %get3A_150 : vector<1x1024x1xf32> to vector<1024x1xf32>
    %sub3A_152 = arith.subf %get3A_116, %get3A_106 : vector<1x1024xf32>
    %sub3A_153 = arith.subf %get3A_121, %get3A_111 : vector<1x1024xf32>
    %mul3A_154 = arith.mulf %sub3A_152, %sub3A_153 : vector<1x1024xf32>
    %sub3A_155 = arith.subf %get3A_141, %get3A_131 : vector<1024x1xf32>
    %sub3A_156 = arith.subf %get3A_146, %get3A_136 : vector<1024x1xf32>
    %mul3A_157 = arith.mulf %sub3A_155, %sub3A_156 : vector<1024x1xf32>
    %max3A_158 = vector.broadcast %get3A_131 : vector<1024x1xf32> to vector<1024x1024xf32>
    %max3A_159 = vector.broadcast %get3A_106 : vector<1x1024xf32> to vector<1024x1024xf32>
    %max3A_160 = arith.maximumf %max3A_158, %max3A_159 : vector<1024x1024xf32>
    %max3A_161 = vector.broadcast %get3A_136 : vector<1024x1xf32> to vector<1024x1024xf32>
    %max3A_162 = vector.broadcast %get3A_111 : vector<1x1024xf32> to vector<1024x1024xf32>
    %max3A_163 = arith.maximumf %max3A_161, %max3A_162 : vector<1024x1024xf32>
    %min3A_164 = vector.broadcast %get3A_141 : vector<1024x1xf32> to vector<1024x1024xf32>
    %min3A_165 = vector.broadcast %get3A_116 : vector<1x1024xf32> to vector<1024x1024xf32>
    %min3A_166 = arith.minimumf %min3A_164, %min3A_165 : vector<1024x1024xf32>
    %min3A_167 = vector.broadcast %get3A_146 : vector<1024x1xf32> to vector<1024x1024xf32>
    %min3A_168 = vector.broadcast %get3A_121 : vector<1x1024xf32> to vector<1024x1024xf32>
    %min3A_169 = arith.minimumf %min3A_167, %min3A_168 : vector<1024x1024xf32>
    %sub3A_170 = arith.subf %min3A_166, %max3A_160 : vector<1024x1024xf32>
    %max3A_171 = arith.constant 0.000000e+00 : f32
    %max3A_172 = vector.broadcast %max3A_171 : f32 to vector<1024x1024xf32>
    %max3A_173 = arith.maximumf %sub3A_170, %max3A_172 : vector<1024x1024xf32>
    %sub3A_174 = arith.subf %min3A_169, %max3A_163 : vector<1024x1024xf32>
    %max3A_175 = arith.constant 0.000000e+00 : f32
    %max3A_176 = vector.broadcast %max3A_175 : f32 to vector<1024x1024xf32>
    %max3A_177 = arith.maximumf %sub3A_174, %max3A_176 : vector<1024x1024xf32>
    %mul3A_178 = arith.mulf %max3A_173, %max3A_177 : vector<1024x1024xf32>
    %add3A_179 = vector.broadcast %mul3A_157 : vector<1024x1xf32> to vector<1024x1024xf32>
    %add3A_180 = vector.broadcast %mul3A_154 : vector<1x1024xf32> to vector<1024x1024xf32>
    %add3A_181 = arith.addf %add3A_179, %add3A_180 : vector<1024x1024xf32>
    %sub3A_182 = arith.subf %add3A_181, %mul3A_178 : vector<1024x1024xf32>
    %add3A_183 = arith.constant 9.99999993E-9 : f32
    %add3A_184 = vector.broadcast %add3A_183 : f32 to vector<1024x1024xf32>
    %add3A_185 = arith.addf %sub3A_182, %add3A_184 : vector<1024x1024xf32>
    %div3A_186 = arith.divf %mul3A_178, %add3A_185 : vector<1024x1024xf32>
    %gt3A_187 = vector.broadcast %get3A_151 : vector<1024x1xf32> to vector<1024x1024xf32>
    %gt3A_188 = vector.broadcast %get3A_126 : vector<1x1024xf32> to vector<1024x1024xf32>
    %gt3A_189 = arith.cmpf ogt, %gt3A_187, %gt3A_188 : vector<1024x1024xf32>
    %eq3A_190 = vector.broadcast %get3A_151 : vector<1024x1xf32> to vector<1024x1024xf32>
    %eq3A_191 = vector.broadcast %get3A_126 : vector<1x1024xf32> to vector<1024x1024xf32>
    %eq3A_192 = arith.cmpf oeq, %eq3A_190, %eq3A_191 : vector<1024x1024xf32>
    %lt3A_193 = arith.cmpi slt, %iota3A, %iota3A_0 : vector<1024x1024xi32>
    %and3A_194 = arith.andi %eq3A_192, %lt3A_193 : vector<1024x1024xi1>
    %or3A_195 = arith.ori %gt3A_189, %and3A_194 : vector<1024x1024xi1>
    %gt3A_196 = arith.constant 3.000000e-01 : f32
    %gt3A_197 = vector.broadcast %gt3A_196 : f32 to vector<1024x1024xf32>
    %gt3A_198 = arith.cmpf ogt, %div3A_186, %gt3A_197 : vector<1024x1024xf32>
    %and3A_199 = arith.andi %gt3A_198, %or3A_195 : vector<1024x1024xi1>
    %lt3A_200 = arith.constant 1000 : i32
    %lt3A_201 = vector.broadcast %lt3A_200 : i32 to vector<1024x1024xi32>
    %lt3A_202 = arith.cmpi slt, %iota3A, %lt3A_201 : vector<1024x1024xi32>
    %and3A_203 = arith.andi %and3A_199, %lt3A_202 : vector<1024x1024xi1>
    %lt3A_204 = arith.constant 1000 : i32
    %lt3A_205 = vector.broadcast %lt3A_204 : i32 to vector<1024x1024xi32>
    %lt3A_206 = arith.cmpi slt, %iota3A_0, %lt3A_205 : vector<1024x1024xi32>
    %and3A_207 = arith.andi %and3A_203, %lt3A_206 : vector<1024x1024xi1>
    %convert_element_type3A_208 = arith.extui %and3A_207 : vector<1024x1024xi1> to vector<1024x1024xi32>
    %convert_element_type3A_209 = arith.sitofp %convert_element_type3A_208 : vector<1024x1024xi32> to vector<1024x1024xf32>
    %convert_element_type3A_210 = arith.truncf %convert_element_type3A_209 : vector<1024x1024xf32> to vector<1024x1024xbf16>
    %swap3A_211 = arith.constant 1 : index
    %swap3A_212 = arith.constant 0 : index
    %swap3A_213 = arith.constant 0 : index
    %swap3A_214 = vector.load %arg4[%swap3A_211, %swap3A_212, %swap3A_213] : memref<10x1024x1024xbf16, #tpu.memory_space<vmem>>, vector<1x1024x1024xbf16>
    %swap3A_215 = vector.shape_cast %swap3A_214 : vector<1x1024x1024xbf16> to vector<1024x1024xbf16>
    %swap3A_216 = vector.shape_cast %convert_element_type3A_210 : vector<1024x1024xbf16> to vector<1x1024x1024xbf16>
    tpu.vector_store %arg4[%swap3A_211, %swap3A_212, %swap3A_213], %swap3A_216 {strides = array<i32>} : memref<10x1024x1024xbf16, #tpu.memory_space<vmem>>, vector<1x1024x1024xbf16>,
    %get3A_217 = arith.constant 0 : index
    %get3A_218 = arith.constant 10 : index
    %get3A_219 = arith.constant 0 : index
    %get3A_220 = vector.load %arg1[%get3A_217, %get3A_218, %get3A_219] : memref<1x50x1024xf32, #tpu.memory_space<vmem>>, vector<1x1x1024xf32>
    %get3A_221 = vector.shape_cast %get3A_220 : vector<1x1x1024xf32> to vector<1x1024xf32>
    %get3A_222 = arith.constant 0 : index
    %get3A_223 = arith.constant 11 : index
    %get3A_224 = arith.constant 0 : index
    %get3A_225 = vector.load %arg1[%get3A_222, %get3A_223, %get3A_224] : memref<1x50x1024xf32, #tpu.memory_space<vmem>>, vector<1x1x1024xf32>
    %get3A_226 = vector.shape_cast %get3A_225 : vector<1x1x1024xf32> to vector<1x1024xf32>
    %get3A_227 = arith.constant 0 : index
    %get3A_228 = arith.constant 12 : index
    %get3A_229 = arith.constant 0 : index
    %get3A_230 = vector.load %arg1[%get3A_227, %get3A_228, %get3A_229] : memref<1x50x1024xf32, #tpu.memory_space<vmem>>, vector<1x1x1024xf32>
    %get3A_231 = vector.shape_cast %get3A_230 : vector<1x1x1024xf32> to vector<1x1024xf32>
    %get3A_232 = arith.constant 0 : index
    %get3A_233 = arith.constant 13 : index
    %get3A_234 = arith.constant 0 : index
    %get3A_235 = vector.load %arg1[%get3A_232, %get3A_233, %get3A_234] : memref<1x50x1024xf32, #tpu.memory_space<vmem>>, vector<1x1x1024xf32>
    %get3A_236 = vector.shape_cast %get3A_235 : vector<1x1x1024xf32> to vector<1x1024xf32>
    %get3A_237 = arith.constant 0 : index
    %get3A_238 = arith.constant 14 : index
    %get3A_239 = arith.constant 0 : index
    %get3A_240 = vector.load %arg1[%get3A_237, %get3A_238, %get3A_239] : memref<1x50x1024xf32, #tpu.memory_space<vmem>>, vector<1x1x1024xf32>
    %get3A_241 = vector.shape_cast %get3A_240 : vector<1x1x1024xf32> to vector<1x1024xf32>
    %get3A_242 = arith.constant 0 : index
    %get3A_243 = arith.constant 0 : index
    %get3A_244 = arith.constant 10 : index
    %get3A_245 = vector.load %arg2[%get3A_242, %get3A_243, %get3A_244] : memref<1x1024x50xf32, #tpu.memory_space<vmem>>, vector<1x1024x1xf32>
    %get3A_246 = vector.shape_cast %get3A_245 : vector<1x1024x1xf32> to vector<1024x1xf32>
    %get3A_247 = arith.constant 0 : index
    %get3A_248 = arith.constant 0 : index
    %get3A_249 = arith.constant 11 : index
    %get3A_250 = vector.load %arg2[%get3A_247, %get3A_248, %get3A_249] : memref<1x1024x50xf32, #tpu.memory_space<vmem>>, vector<1x1024x1xf32>
    %get3A_251 = vector.shape_cast %get3A_250 : vector<1x1024x1xf32> to vector<1024x1xf32>
    %get3A_252 = arith.constant 0 : index
    %get3A_253 = arith.constant 0 : index
    %get3A_254 = arith.constant 12 : index
    %get3A_255 = vector.load %arg2[%get3A_252, %get3A_253, %get3A_254] : memref<1x1024x50xf32, #tpu.memory_space<vmem>>, vector<1x1024x1xf32>
    %get3A_256 = vector.shape_cast %get3A_255 : vector<1x1024x1xf32> to vector<1024x1xf32>
    %get3A_257 = arith.constant 0 : index
    %get3A_258 = arith.constant 0 : index
    %get3A_259 = arith.constant 13 : index
    %get3A_260 = vector.load %arg2[%get3A_257, %get3A_258, %get3A_259] : memref<1x1024x50xf32, #tpu.memory_space<vmem>>, vector<1x1024x1xf32>
    %get3A_261 = vector.shape_cast %get3A_260 : vector<1x1024x1xf32> to vector<1024x1xf32>
    %get3A_262 = arith.constant 0 : index
    %get3A_263 = arith.constant 0 : index
    %get3A_264 = arith.constant 14 : index
    %get3A_265 = vector.load %arg2[%get3A_262, %get3A_263, %get3A_264] : memref<1x1024x50xf32, #tpu.memory_space<vmem>>, vector<1x1024x1xf32>
    %get3A_266 = vector.shape_cast %get3A_265 : vector<1x1024x1xf32> to vector<1024x1xf32>
    %sub3A_267 = arith.subf %get3A_231, %get3A_221 : vector<1x1024xf32>
    %sub3A_268 = arith.subf %get3A_236, %get3A_226 : vector<1x1024xf32>
    %mul3A_269 = arith.mulf %sub3A_267, %sub3A_268 : vector<1x1024xf32>
    %sub3A_270 = arith.subf %get3A_256, %get3A_246 : vector<1024x1xf32>
    %sub3A_271 = arith.subf %get3A_261, %get3A_251 : vector<1024x1xf32>
    %mul3A_272 = arith.mulf %sub3A_270, %sub3A_271 : vector<1024x1xf32>
    %max3A_273 = vector.broadcast %get3A_246 : vector<1024x1xf32> to vector<1024x1024xf32>
    %max3A_274 = vector.broadcast %get3A_221 : vector<1x1024xf32> to vector<1024x1024xf32>
    %max3A_275 = arith.maximumf %max3A_273, %max3A_274 : vector<1024x1024xf32>
    %max3A_276 = vector.broadcast %get3A_251 : vector<1024x1xf32> to vector<1024x1024xf32>
    %max3A_277 = vector.broadcast %get3A_226 : vector<1x1024xf32> to vector<1024x1024xf32>
    %max3A_278 = arith.maximumf %max3A_276, %max3A_277 : vector<1024x1024xf32>
    %min3A_279 = vector.broadcast %get3A_256 : vector<1024x1xf32> to vector<1024x1024xf32>
    %min3A_280 = vector.broadcast %get3A_231 : vector<1x1024xf32> to vector<1024x1024xf32>
    %min3A_281 = arith.minimumf %min3A_279, %min3A_280 : vector<1024x1024xf32>
    %min3A_282 = vector.broadcast %get3A_261 : vector<1024x1xf32> to vector<1024x1024xf32>
    %min3A_283 = vector.broadcast %get3A_236 : vector<1x1024xf32> to vector<1024x1024xf32>
    %min3A_284 = arith.minimumf %min3A_282, %min3A_283 : vector<1024x1024xf32>
    %sub3A_285 = arith.subf %min3A_281, %max3A_275 : vector<1024x1024xf32>
    %max3A_286 = arith.constant 0.000000e+00 : f32
    %max3A_287 = vector.broadcast %max3A_286 : f32 to vector<1024x1024xf32>
    %max3A_288 = arith.maximumf %sub3A_285, %max3A_287 : vector<1024x1024xf32>
    %sub3A_289 = arith.subf %min3A_284, %max3A_278 : vector<1024x1024xf32>
    %max3A_290 = arith.constant 0.000000e+00 : f32
    %max3A_291 = vector.broadcast %max3A_290 : f32 to vector<1024x1024xf32>
    %max3A_292 = arith.maximumf %sub3A_289, %max3A_291 : vector<1024x1024xf32>
    %mul3A_293 = arith.mulf %max3A_288, %max3A_292 : vector<1024x1024xf32>
    %add3A_294 = vector.broadcast %mul3A_272 : vector<1024x1xf32> to vector<1024x1024xf32>
    %add3A_295 = vector.broadcast %mul3A_269 : vector<1x1024xf32> to vector<1024x1024xf32>
    %add3A_296 = arith.addf %add3A_294, %add3A_295 : vector<1024x1024xf32>
    %sub3A_297 = arith.subf %add3A_296, %mul3A_293 : vector<1024x1024xf32>
    %add3A_298 = arith.constant 9.99999993E-9 : f32
    %add3A_299 = vector.broadcast %add3A_298 : f32 to vector<1024x1024xf32>
    %add3A_300 = arith.addf %sub3A_297, %add3A_299 : vector<1024x1024xf32>
    %div3A_301 = arith.divf %mul3A_293, %add3A_300 : vector<1024x1024xf32>
    %gt3A_302 = vector.broadcast %get3A_266 : vector<1024x1xf32> to vector<1024x1024xf32>
    %gt3A_303 = vector.broadcast %get3A_241 : vector<1x1024xf32> to vector<1024x1024xf32>
    %gt3A_304 = arith.cmpf ogt, %gt3A_302, %gt3A_303 : vector<1024x1024xf32>
    %eq3A_305 = vector.broadcast %get3A_266 : vector<1024x1xf32> to vector<1024x1024xf32>
    %eq3A_306 = vector.broadcast %get3A_241 : vector<1x1024xf32> to vector<1024x1024xf32>
    %eq3A_307 = arith.cmpf oeq, %eq3A_305, %eq3A_306 : vector<1024x1024xf32>
    %lt3A_308 = arith.cmpi slt, %iota3A, %iota3A_0 : vector<1024x1024xi32>
    %and3A_309 = arith.andi %eq3A_307, %lt3A_308 : vector<1024x1024xi1>
    %or3A_310 = arith.ori %gt3A_304, %and3A_309 : vector<1024x1024xi1>
    %gt3A_311 = arith.constant 3.000000e-01 : f32
    %gt3A_312 = vector.broadcast %gt3A_311 : f32 to vector<1024x1024xf32>
    %gt3A_313 = arith.cmpf ogt, %div3A_301, %gt3A_312 : vector<1024x1024xf32>
    %and3A_314 = arith.andi %gt3A_313, %or3A_310 : vector<1024x1024xi1>
    %lt3A_315 = arith.constant 1000 : i32
    %lt3A_316 = vector.broadcast %lt3A_315 : i32 to vector<1024x1024xi32>
    %lt3A_317 = arith.cmpi slt, %iota3A, %lt3A_316 : vector<1024x1024xi32>
    %and3A_318 = arith.andi %and3A_314, %lt3A_317 : vector<1024x1024xi1>
    %lt3A_319 = arith.constant 1000 : i32
    %lt3A_320 = vector.broadcast %lt3A_319 : i32 to vector<1024x1024xi32>
    %lt3A_321 = arith.cmpi slt, %iota3A_0, %lt3A_320 : vector<1024x1024xi32>
    %and3A_322 = arith.andi %and3A_318, %lt3A_321 : vector<1024x1024xi1>
    %convert_element_type3A_323 = arith.extui %and3A_322 : vector<1024x1024xi1> to vector<1024x1024xi32>
    %convert_element_type3A_324 = arith.sitofp %convert_element_type3A_323 : vector<1024x1024xi32> to vector<1024x1024xf32>
    %convert_element_type3A_325 = arith.truncf %convert_element_type3A_324 : vector<1024x1024xf32> to vector<1024x1024xbf16>
    %swap3A_326 = arith.constant 2 : index
    %swap3A_327 = arith.constant 0 : index
    %swap3A_328 = arith.constant 0 : index
    %swap3A_329 = vector.load %arg4[%swap3A_326, %swap3A_327, %swap3A_328] : memref<10x1024x1024xbf16, #tpu.memory_space<vmem>>, vector<1x1024x1024xbf16>
    %swap3A_330 = vector.shape_cast %swap3A_329 : vector<1x1024x1024xbf16> to vector<1024x1024xbf16>
    %swap3A_331 = vector.shape_cast %convert_element_type3A_325 : vector<1024x1024xbf16> to vector<1x1024x1024xbf16>
    tpu.vector_store %arg4[%swap3A_326, %swap3A_327, %swap3A_328], %swap3A_331 {strides = array<i32>} : memref<10x1024x1024xbf16, #tpu.memory_space<vmem>>, vector<1x1024x1024xbf16>,
    %get3A_332 = arith.constant 0 : index
    %get3A_333 = arith.constant 15 : index
    %get3A_334 = arith.constant 0 : index
    %get3A_335 = vector.load %arg1[%get3A_332, %get3A_333, %get3A_334] : memref<1x50x1024xf32, #tpu.memory_space<vmem>>, vector<1x1x1024xf32>
    %get3A_336 = vector.shape_cast %get3A_335 : vector<1x1x1024xf32> to vector<1x1024xf32>
    %get3A_337 = arith.constant 0 : index
    %get3A_338 = arith.constant 16 : index
    %get3A_339 = arith.constant 0 : index
    %get3A_340 = vector.load %arg1[%get3A_337, %get3A_338, %get3A_339] : memref<1x50x1024xf32, #tpu.memory_space<vmem>>, vector<1x1x1024xf32>
    %get3A_341 = vector.shape_cast %get3A_340 : vector<1x1x1024xf32> to vector<1x1024xf32>
    %get3A_342 = arith.constant 0 : index
    %get3A_343 = arith.constant 17 : index
    %get3A_344 = arith.constant 0 : index
    %get3A_345 = vector.load %arg1[%get3A_342, %get3A_343, %get3A_344] : memref<1x50x1024xf32, #tpu.memory_space<vmem>>, vector<1x1x1024xf32>
    %get3A_346 = vector.shape_cast %get3A_345 : vector<1x1x1024xf32> to vector<1x1024xf32>
    %get3A_347 = arith.constant 0 : index
    %get3A_348 = arith.constant 18 : index
    %get3A_349 = arith.constant 0 : index
    %get3A_350 = vector.load %arg1[%get3A_347, %get3A_348, %get3A_349] : memref<1x50x1024xf32, #tpu.memory_space<vmem>>, vector<1x1x1024xf32>
    %get3A_351 = vector.shape_cast %get3A_350 : vector<1x1x1024xf32> to vector<1x1024xf32>
    %get3A_352 = arith.constant 0 : index
    %get3A_353 = arith.constant 19 : index
    %get3A_354 = arith.constant 0 : index
    %get3A_355 = vector.load %arg1[%get3A_352, %get3A_353, %get3A_354] : memref<1x50x1024xf32, #tpu.memory_space<vmem>>, vector<1x1x1024xf32>
    %get3A_356 = vector.shape_cast %get3A_355 : vector<1x1x1024xf32> to vector<1x1024xf32>
    %get3A_357 = arith.constant 0 : index
    %get3A_358 = arith.constant 0 : index
    %get3A_359 = arith.constant 15 : index
    %get3A_360 = vector.load %arg2[%get3A_357, %get3A_358, %get3A_359] : memref<1x1024x50xf32, #tpu.memory_space<vmem>>, vector<1x1024x1xf32>
    %get3A_361 = vector.shape_cast %get3A_360 : vector<1x1024x1xf32> to vector<1024x1xf32>
    %get3A_362 = arith.constant 0 : index
    %get3A_363 = arith.constant 0 : index
    %get3A_364 = arith.constant 16 : index
    %get3A_365 = vector.load %arg2[%get3A_362, %get3A_363, %get3A_364] : memref<1x1024x50xf32, #tpu.memory_space<vmem>>, vector<1x1024x1xf32>
    %get3A_366 = vector.shape_cast %get3A_365 : vector<1x1024x1xf32> to vector<1024x1xf32>
    %get3A_367 = arith.constant 0 : index
    %get3A_368 = arith.constant 0 : index
    %get3A_369 = arith.constant 17 : index
    %get3A_370 = vector.load %arg2[%get3A_367, %get3A_368, %get3A_369] : memref<1x1024x50xf32, #tpu.memory_space<vmem>>, vector<1x1024x1xf32>
    %get3A_371 = vector.shape_cast %get3A_370 : vector<1x1024x1xf32> to vector<1024x1xf32>
    %get3A_372 = arith.constant 0 : index
    %get3A_373 = arith.constant 0 : index
    %get3A_374 = arith.constant 18 : index
    %get3A_375 = vector.load %arg2[%get3A_372, %get3A_373, %get3A_374] : memref<1x1024x50xf32, #tpu.memory_space<vmem>>, vector<1x1024x1xf32>
    %get3A_376 = vector.shape_cast %get3A_375 : vector<1x1024x1xf32> to vector<1024x1xf32>
    %get3A_377 = arith.constant 0 : index
    %get3A_378 = arith.constant 0 : index
    %get3A_379 = arith.constant 19 : index
    %get3A_380 = vector.load %arg2[%get3A_377, %get3A_378, %get3A_379] : memref<1x1024x50xf32, #tpu.memory_space<vmem>>, vector<1x1024x1xf32>
    %get3A_381 = vector.shape_cast %get3A_380 : vector<1x1024x1xf32> to vector<1024x1xf32>
    %sub3A_382 = arith.subf %get3A_346, %get3A_336 : vector<1x1024xf32>
    %sub3A_383 = arith.subf %get3A_351, %get3A_341 : vector<1x1024xf32>
    %mul3A_384 = arith.mulf %sub3A_382, %sub3A_383 : vector<1x1024xf32>
    %sub3A_385 = arith.subf %get3A_371, %get3A_361 : vector<1024x1xf32>
    %sub3A_386 = arith.subf %get3A_376, %get3A_366 : vector<1024x1xf32>
    %mul3A_387 = arith.mulf %sub3A_385, %sub3A_386 : vector<1024x1xf32>
    %max3A_388 = vector.broadcast %get3A_361 : vector<1024x1xf32> to vector<1024x1024xf32>
    %max3A_389 = vector.broadcast %get3A_336 : vector<1x1024xf32> to vector<1024x1024xf32>
    %max3A_390 = arith.maximumf %max3A_388, %max3A_389 : vector<1024x1024xf32>
    %max3A_391 = vector.broadcast %get3A_366 : vector<1024x1xf32> to vector<1024x1024xf32>
    %max3A_392 = vector.broadcast %get3A_341 : vector<1x1024xf32> to vector<1024x1024xf32>
    %max3A_393 = arith.maximumf %max3A_391, %max3A_392 : vector<1024x1024xf32>
    %min3A_394 = vector.broadcast %get3A_371 : vector<1024x1xf32> to vector<1024x1024xf32>
    %min3A_395 = vector.broadcast %get3A_346 : vector<1x1024xf32> to vector<1024x1024xf32>
    %min3A_396 = arith.minimumf %min3A_394, %min3A_395 : vector<1024x1024xf32>
    %min3A_397 = vector.broadcast %get3A_376 : vector<1024x1xf32> to vector<1024x1024xf32>
    %min3A_398 = vector.broadcast %get3A_351 : vector<1x1024xf32> to vector<1024x1024xf32>
    %min3A_399 = arith.minimumf %min3A_397, %min3A_398 : vector<1024x1024xf32>
    %sub3A_400 = arith.subf %min3A_396, %max3A_390 : vector<1024x1024xf32>
    %max3A_401 = arith.constant 0.000000e+00 : f32
    %max3A_402 = vector.broadcast %max3A_401 : f32 to vector<1024x1024xf32>
    %max3A_403 = arith.maximumf %sub3A_400, %max3A_402 : vector<1024x1024xf32>
    %sub3A_404 = arith.subf %min3A_399, %max3A_393 : vector<1024x1024xf32>
    %max3A_405 = arith.constant 0.000000e+00 : f32
    %max3A_406 = vector.broadcast %max3A_405 : f32 to vector<1024x1024xf32>
    %max3A_407 = arith.maximumf %sub3A_404, %max3A_406 : vector<1024x1024xf32>
    %mul3A_408 = arith.mulf %max3A_403, %max3A_407 : vector<1024x1024xf32>
    %add3A_409 = vector.broadcast %mul3A_387 : vector<1024x1xf32> to vector<1024x1024xf32>
    %add3A_410 = vector.broadcast %mul3A_384 : vector<1x1024xf32> to vector<1024x1024xf32>
    %add3A_411 = arith.addf %add3A_409, %add3A_410 : vector<1024x1024xf32>
    %sub3A_412 = arith.subf %add3A_411, %mul3A_408 : vector<1024x1024xf32>
    %add3A_413 = arith.constant 9.99999993E-9 : f32
    %add3A_414 = vector.broadcast %add3A_413 : f32 to vector<1024x1024xf32>
    %add3A_415 = arith.addf %sub3A_412, %add3A_414 : vector<1024x1024xf32>
    %div3A_416 = arith.divf %mul3A_408, %add3A_415 : vector<1024x1024xf32>
    %gt3A_417 = vector.broadcast %get3A_381 : vector<1024x1xf32> to vector<1024x1024xf32>
    %gt3A_418 = vector.broadcast %get3A_356 : vector<1x1024xf32> to vector<1024x1024xf32>
    %gt3A_419 = arith.cmpf ogt, %gt3A_417, %gt3A_418 : vector<1024x1024xf32>
    %eq3A_420 = vector.broadcast %get3A_381 : vector<1024x1xf32> to vector<1024x1024xf32>
    %eq3A_421 = vector.broadcast %get3A_356 : vector<1x1024xf32> to vector<1024x1024xf32>
    %eq3A_422 = arith.cmpf oeq, %eq3A_420, %eq3A_421 : vector<1024x1024xf32>
    %lt3A_423 = arith.cmpi slt, %iota3A, %iota3A_0 : vector<1024x1024xi32>
    %and3A_424 = arith.andi %eq3A_422, %lt3A_423 : vector<1024x1024xi1>
    %or3A_425 = arith.ori %gt3A_419, %and3A_424 : vector<1024x1024xi1>
    %gt3A_426 = arith.constant 3.000000e-01 : f32
    %gt3A_427 = vector.broadcast %gt3A_426 : f32 to vector<1024x1024xf32>
    %gt3A_428 = arith.cmpf ogt, %div3A_416, %gt3A_427 : vector<1024x1024xf32>
    %and3A_429 = arith.andi %gt3A_428, %or3A_425 : vector<1024x1024xi1>
    %lt3A_430 = arith.constant 1000 : i32
    %lt3A_431 = vector.broadcast %lt3A_430 : i32 to vector<1024x1024xi32>
    %lt3A_432 = arith.cmpi slt, %iota3A, %lt3A_431 : vector<1024x1024xi32>
    %and3A_433 = arith.andi %and3A_429, %lt3A_432 : vector<1024x1024xi1>
    %lt3A_434 = arith.constant 1000 : i32
    %lt3A_435 = vector.broadcast %lt3A_434 : i32 to vector<1024x1024xi32>
    %lt3A_436 = arith.cmpi slt, %iota3A_0, %lt3A_435 : vector<1024x1024xi32>
    %and3A_437 = arith.andi %and3A_433, %lt3A_436 : vector<1024x1024xi1>
    %convert_element_type3A_438 = arith.extui %and3A_437 : vector<1024x1024xi1> to vector<1024x1024xi32>
    %convert_element_type3A_439 = arith.sitofp %convert_element_type3A_438 : vector<1024x1024xi32> to vector<1024x1024xf32>
    %convert_element_type3A_440 = arith.truncf %convert_element_type3A_439 : vector<1024x1024xf32> to vector<1024x1024xbf16>
    %swap3A_441 = arith.constant 3 : index
    %swap3A_442 = arith.constant 0 : index
    %swap3A_443 = arith.constant 0 : index
    %swap3A_444 = vector.load %arg4[%swap3A_441, %swap3A_442, %swap3A_443] : memref<10x1024x1024xbf16, #tpu.memory_space<vmem>>, vector<1x1024x1024xbf16>
    %swap3A_445 = vector.shape_cast %swap3A_444 : vector<1x1024x1024xbf16> to vector<1024x1024xbf16>
    %swap3A_446 = vector.shape_cast %convert_element_type3A_440 : vector<1024x1024xbf16> to vector<1x1024x1024xbf16>
    tpu.vector_store %arg4[%swap3A_441, %swap3A_442, %swap3A_443], %swap3A_446 {strides = array<i32>} : memref<10x1024x1024xbf16, #tpu.memory_space<vmem>>, vector<1x1024x1024xbf16>,
    %get3A_447 = arith.constant 0 : index
    %get3A_448 = arith.constant 20 : index
    %get3A_449 = arith.constant 0 : index
    %get3A_450 = vector.load %arg1[%get3A_447, %get3A_448, %get3A_449] : memref<1x50x1024xf32, #tpu.memory_space<vmem>>, vector<1x1x1024xf32>
    %get3A_451 = vector.shape_cast %get3A_450 : vector<1x1x1024xf32> to vector<1x1024xf32>
    %get3A_452 = arith.constant 0 : index
    %get3A_453 = arith.constant 21 : index
    %get3A_454 = arith.constant 0 : index
    %get3A_455 = vector.load %arg1[%get3A_452, %get3A_453, %get3A_454] : memref<1x50x1024xf32, #tpu.memory_space<vmem>>, vector<1x1x1024xf32>
    %get3A_456 = vector.shape_cast %get3A_455 : vector<1x1x1024xf32> to vector<1x1024xf32>
    %get3A_457 = arith.constant 0 : index
    %get3A_458 = arith.constant 22 : index
    %get3A_459 = arith.constant 0 : index
    %get3A_460 = vector.load %arg1[%get3A_457, %get3A_458, %get3A_459] : memref<1x50x1024xf32, #tpu.memory_space<vmem>>, vector<1x1x1024xf32>
    %get3A_461 = vector.shape_cast %get3A_460 : vector<1x1x1024xf32> to vector<1x1024xf32>
    %get3A_462 = arith.constant 0 : index
    %get3A_463 = arith.constant 23 : index
    %get3A_464 = arith.constant 0 : index
    %get3A_465 = vector.load %arg1[%get3A_462, %get3A_463, %get3A_464] : memref<1x50x1024xf32, #tpu.memory_space<vmem>>, vector<1x1x1024xf32>
    %get3A_466 = vector.shape_cast %get3A_465 : vector<1x1x1024xf32> to vector<1x1024xf32>
    %get3A_467 = arith.constant 0 : index
    %get3A_468 = arith.constant 24 : index
    %get3A_469 = arith.constant 0 : index
    %get3A_470 = vector.load %arg1[%get3A_467, %get3A_468, %get3A_469] : memref<1x50x1024xf32, #tpu.memory_space<vmem>>, vector<1x1x1024xf32>
    %get3A_471 = vector.shape_cast %get3A_470 : vector<1x1x1024xf32> to vector<1x1024xf32>
    %get3A_472 = arith.constant 0 : index
    %get3A_473 = arith.constant 0 : index
    %get3A_474 = arith.constant 20 : index
    %get3A_475 = vector.load %arg2[%get3A_472, %get3A_473, %get3A_474] : memref<1x1024x50xf32, #tpu.memory_space<vmem>>, vector<1x1024x1xf32>
    %get3A_476 = vector.shape_cast %get3A_475 : vector<1x1024x1xf32> to vector<1024x1xf32>
    %get3A_477 = arith.constant 0 : index
    %get3A_478 = arith.constant 0 : index
    %get3A_479 = arith.constant 21 : index
    %get3A_480 = vector.load %arg2[%get3A_477, %get3A_478, %get3A_479] : memref<1x1024x50xf32, #tpu.memory_space<vmem>>, vector<1x1024x1xf32>
    %get3A_481 = vector.shape_cast %get3A_480 : vector<1x1024x1xf32> to vector<1024x1xf32>
    %get3A_482 = arith.constant 0 : index
    %get3A_483 = arith.constant 0 : index
    %get3A_484 = arith.constant 22 : index
    %get3A_485 = vector.load %arg2[%get3A_482, %get3A_483, %get3A_484] : memref<1x1024x50xf32, #tpu.memory_space<vmem>>, vector<1x1024x1xf32>
    %get3A_486 = vector.shape_cast %get3A_485 : vector<1x1024x1xf32> to vector<1024x1xf32>
    %get3A_487 = arith.constant 0 : index
    %get3A_488 = arith.constant 0 : index
    %get3A_489 = arith.constant 23 : index
    %get3A_490 = vector.load %arg2[%get3A_487, %get3A_488, %get3A_489] : memref<1x1024x50xf32, #tpu.memory_space<vmem>>, vector<1x1024x1xf32>
    %get3A_491 = vector.shape_cast %get3A_490 : vector<1x1024x1xf32> to vector<1024x1xf32>
    %get3A_492 = arith.constant 0 : index
    %get3A_493 = arith.constant 0 : index
    %get3A_494 = arith.constant 24 : index
    %get3A_495 = vector.load %arg2[%get3A_492, %get3A_493, %get3A_494] : memref<1x1024x50xf32, #tpu.memory_space<vmem>>, vector<1x1024x1xf32>
    %get3A_496 = vector.shape_cast %get3A_495 : vector<1x1024x1xf32> to vector<1024x1xf32>
    %sub3A_497 = arith.subf %get3A_461, %get3A_451 : vector<1x1024xf32>
    %sub3A_498 = arith.subf %get3A_466, %get3A_456 : vector<1x1024xf32>
    %mul3A_499 = arith.mulf %sub3A_497, %sub3A_498 : vector<1x1024xf32>
    %sub3A_500 = arith.subf %get3A_486, %get3A_476 : vector<1024x1xf32>
    %sub3A_501 = arith.subf %get3A_491, %get3A_481 : vector<1024x1xf32>
    %mul3A_502 = arith.mulf %sub3A_500, %sub3A_501 : vector<1024x1xf32>
    %max3A_503 = vector.broadcast %get3A_476 : vector<1024x1xf32> to vector<1024x1024xf32>
    %max3A_504 = vector.broadcast %get3A_451 : vector<1x1024xf32> to vector<1024x1024xf32>
    %max3A_505 = arith.maximumf %max3A_503, %max3A_504 : vector<1024x1024xf32>
    %max3A_506 = vector.broadcast %get3A_481 : vector<1024x1xf32> to vector<1024x1024xf32>
    %max3A_507 = vector.broadcast %get3A_456 : vector<1x1024xf32> to vector<1024x1024xf32>
    %max3A_508 = arith.maximumf %max3A_506, %max3A_507 : vector<1024x1024xf32>
    %min3A_509 = vector.broadcast %get3A_486 : vector<1024x1xf32> to vector<1024x1024xf32>
    %min3A_510 = vector.broadcast %get3A_461 : vector<1x1024xf32> to vector<1024x1024xf32>
    %min3A_511 = arith.minimumf %min3A_509, %min3A_510 : vector<1024x1024xf32>
    %min3A_512 = vector.broadcast %get3A_491 : vector<1024x1xf32> to vector<1024x1024xf32>
    %min3A_513 = vector.broadcast %get3A_466 : vector<1x1024xf32> to vector<1024x1024xf32>
    %min3A_514 = arith.minimumf %min3A_512, %min3A_513 : vector<1024x1024xf32>
    %sub3A_515 = arith.subf %min3A_511, %max3A_505 : vector<1024x1024xf32>
    %max3A_516 = arith.constant 0.000000e+00 : f32
    %max3A_517 = vector.broadcast %max3A_516 : f32 to vector<1024x1024xf32>
    %max3A_518 = arith.maximumf %sub3A_515, %max3A_517 : vector<1024x1024xf32>
    %sub3A_519 = arith.subf %min3A_514, %max3A_508 : vector<1024x1024xf32>
    %max3A_520 = arith.constant 0.000000e+00 : f32
    %max3A_521 = vector.broadcast %max3A_520 : f32 to vector<1024x1024xf32>
    %max3A_522 = arith.maximumf %sub3A_519, %max3A_521 : vector<1024x1024xf32>
    %mul3A_523 = arith.mulf %max3A_518, %max3A_522 : vector<1024x1024xf32>
    %add3A_524 = vector.broadcast %mul3A_502 : vector<1024x1xf32> to vector<1024x1024xf32>
    %add3A_525 = vector.broadcast %mul3A_499 : vector<1x1024xf32> to vector<1024x1024xf32>
    %add3A_526 = arith.addf %add3A_524, %add3A_525 : vector<1024x1024xf32>
    %sub3A_527 = arith.subf %add3A_526, %mul3A_523 : vector<1024x1024xf32>
    %add3A_528 = arith.constant 9.99999993E-9 : f32
    %add3A_529 = vector.broadcast %add3A_528 : f32 to vector<1024x1024xf32>
    %add3A_530 = arith.addf %sub3A_527, %add3A_529 : vector<1024x1024xf32>
    %div3A_531 = arith.divf %mul3A_523, %add3A_530 : vector<1024x1024xf32>
    %gt3A_532 = vector.broadcast %get3A_496 : vector<1024x1xf32> to vector<1024x1024xf32>
    %gt3A_533 = vector.broadcast %get3A_471 : vector<1x1024xf32> to vector<1024x1024xf32>
    %gt3A_534 = arith.cmpf ogt, %gt3A_532, %gt3A_533 : vector<1024x1024xf32>
    %eq3A_535 = vector.broadcast %get3A_496 : vector<1024x1xf32> to vector<1024x1024xf32>
    %eq3A_536 = vector.broadcast %get3A_471 : vector<1x1024xf32> to vector<1024x1024xf32>
    %eq3A_537 = arith.cmpf oeq, %eq3A_535, %eq3A_536 : vector<1024x1024xf32>
    %lt3A_538 = arith.cmpi slt, %iota3A, %iota3A_0 : vector<1024x1024xi32>
    %and3A_539 = arith.andi %eq3A_537, %lt3A_538 : vector<1024x1024xi1>
    %or3A_540 = arith.ori %gt3A_534, %and3A_539 : vector<1024x1024xi1>
    %gt3A_541 = arith.constant 3.000000e-01 : f32
    %gt3A_542 = vector.broadcast %gt3A_541 : f32 to vector<1024x1024xf32>
    %gt3A_543 = arith.cmpf ogt, %div3A_531, %gt3A_542 : vector<1024x1024xf32>
    %and3A_544 = arith.andi %gt3A_543, %or3A_540 : vector<1024x1024xi1>
    %lt3A_545 = arith.constant 1000 : i32
    %lt3A_546 = vector.broadcast %lt3A_545 : i32 to vector<1024x1024xi32>
    %lt3A_547 = arith.cmpi slt, %iota3A, %lt3A_546 : vector<1024x1024xi32>
    %and3A_548 = arith.andi %and3A_544, %lt3A_547 : vector<1024x1024xi1>
    %lt3A_549 = arith.constant 1000 : i32
    %lt3A_550 = vector.broadcast %lt3A_549 : i32 to vector<1024x1024xi32>
    %lt3A_551 = arith.cmpi slt, %iota3A_0, %lt3A_550 : vector<1024x1024xi32>
    %and3A_552 = arith.andi %and3A_548, %lt3A_551 : vector<1024x1024xi1>
    %convert_element_type3A_553 = arith.extui %and3A_552 : vector<1024x1024xi1> to vector<1024x1024xi32>
    %convert_element_type3A_554 = arith.sitofp %convert_element_type3A_553 : vector<1024x1024xi32> to vector<1024x1024xf32>
    %convert_element_type3A_555 = arith.truncf %convert_element_type3A_554 : vector<1024x1024xf32> to vector<1024x1024xbf16>
    %swap3A_556 = arith.constant 4 : index
    %swap3A_557 = arith.constant 0 : index
    %swap3A_558 = arith.constant 0 : index
    %swap3A_559 = vector.load %arg4[%swap3A_556, %swap3A_557, %swap3A_558] : memref<10x1024x1024xbf16, #tpu.memory_space<vmem>>, vector<1x1024x1024xbf16>
    %swap3A_560 = vector.shape_cast %swap3A_559 : vector<1x1024x1024xbf16> to vector<1024x1024xbf16>
    %swap3A_561 = vector.shape_cast %convert_element_type3A_555 : vector<1024x1024xbf16> to vector<1x1024x1024xbf16>
    tpu.vector_store %arg4[%swap3A_556, %swap3A_557, %swap3A_558], %swap3A_561 {strides = array<i32>} : memref<10x1024x1024xbf16, #tpu.memory_space<vmem>>, vector<1x1024x1024xbf16>,
    %get3A_562 = arith.constant 0 : index
    %get3A_563 = arith.constant 25 : index
    %get3A_564 = arith.constant 0 : index
    %get3A_565 = vector.load %arg1[%get3A_562, %get3A_563, %get3A_564] : memref<1x50x1024xf32, #tpu.memory_space<vmem>>, vector<1x1x1024xf32>
    %get3A_566 = vector.shape_cast %get3A_565 : vector<1x1x1024xf32> to vector<1x1024xf32>
    %get3A_567 = arith.constant 0 : index
    %get3A_568 = arith.constant 26 : index
    %get3A_569 = arith.constant 0 : index
    %get3A_570 = vector.load %arg1[%get3A_567, %get3A_568, %get3A_569] : memref<1x50x1024xf32, #tpu.memory_space<vmem>>, vector<1x1x1024xf32>
    %get3A_571 = vector.shape_cast %get3A_570 : vector<1x1x1024xf32> to vector<1x1024xf32>
    %get3A_572 = arith.constant 0 : index
    %get3A_573 = arith.constant 27 : index
    %get3A_574 = arith.constant 0 : index
    %get3A_575 = vector.load %arg1[%get3A_572, %get3A_573, %get3A_574] : memref<1x50x1024xf32, #tpu.memory_space<vmem>>, vector<1x1x1024xf32>
    %get3A_576 = vector.shape_cast %get3A_575 : vector<1x1x1024xf32> to vector<1x1024xf32>
    %get3A_577 = arith.constant 0 : index
    %get3A_578 = arith.constant 28 : index
    %get3A_579 = arith.constant 0 : index
    %get3A_580 = vector.load %arg1[%get3A_577, %get3A_578, %get3A_579] : memref<1x50x1024xf32, #tpu.memory_space<vmem>>, vector<1x1x1024xf32>
    %get3A_581 = vector.shape_cast %get3A_580 : vector<1x1x1024xf32> to vector<1x1024xf32>
    %get3A_582 = arith.constant 0 : index
    %get3A_583 = arith.constant 29 : index
    %get3A_584 = arith.constant 0 : index
    %get3A_585 = vector.load %arg1[%get3A_582, %get3A_583, %get3A_584] : memref<1x50x1024xf32, #tpu.memory_space<vmem>>, vector<1x1x1024xf32>
    %get3A_586 = vector.shape_cast %get3A_585 : vector<1x1x1024xf32> to vector<1x1024xf32>
    %get3A_587 = arith.constant 0 : index
    %get3A_588 = arith.constant 0 : index
    %get3A_589 = arith.constant 25 : index
    %get3A_590 = vector.load %arg2[%get3A_587, %get3A_588, %get3A_589] : memref<1x1024x50xf32, #tpu.memory_space<vmem>>, vector<1x1024x1xf32>
    %get3A_591 = vector.shape_cast %get3A_590 : vector<1x1024x1xf32> to vector<1024x1xf32>
    %get3A_592 = arith.constant 0 : index
    %get3A_593 = arith.constant 0 : index
    %get3A_594 = arith.constant 26 : index
    %get3A_595 = vector.load %arg2[%get3A_592, %get3A_593, %get3A_594] : memref<1x1024x50xf32, #tpu.memory_space<vmem>>, vector<1x1024x1xf32>
    %get3A_596 = vector.shape_cast %get3A_595 : vector<1x1024x1xf32> to vector<1024x1xf32>
    %get3A_597 = arith.constant 0 : index
    %get3A_598 = arith.constant 0 : index
    %get3A_599 = arith.constant 27 : index
    %get3A_600 = vector.load %arg2[%get3A_597, %get3A_598, %get3A_599] : memref<1x1024x50xf32, #tpu.memory_space<vmem>>, vector<1x1024x1xf32>
    %get3A_601 = vector.shape_cast %get3A_600 : vector<1x1024x1xf32> to vector<1024x1xf32>
    %get3A_602 = arith.constant 0 : index
    %get3A_603 = arith.constant 0 : index
    %get3A_604 = arith.constant 28 : index
    %get3A_605 = vector.load %arg2[%get3A_602, %get3A_603, %get3A_604] : memref<1x1024x50xf32, #tpu.memory_space<vmem>>, vector<1x1024x1xf32>
    %get3A_606 = vector.shape_cast %get3A_605 : vector<1x1024x1xf32> to vector<1024x1xf32>
    %get3A_607 = arith.constant 0 : index
    %get3A_608 = arith.constant 0 : index
    %get3A_609 = arith.constant 29 : index
    %get3A_610 = vector.load %arg2[%get3A_607, %get3A_608, %get3A_609] : memref<1x1024x50xf32, #tpu.memory_space<vmem>>, vector<1x1024x1xf32>
    %get3A_611 = vector.shape_cast %get3A_610 : vector<1x1024x1xf32> to vector<1024x1xf32>
    %sub3A_612 = arith.subf %get3A_576, %get3A_566 : vector<1x1024xf32>
    %sub3A_613 = arith.subf %get3A_581, %get3A_571 : vector<1x1024xf32>
    %mul3A_614 = arith.mulf %sub3A_612, %sub3A_613 : vector<1x1024xf32>
    %sub3A_615 = arith.subf %get3A_601, %get3A_591 : vector<1024x1xf32>
    %sub3A_616 = arith.subf %get3A_606, %get3A_596 : vector<1024x1xf32>
    %mul3A_617 = arith.mulf %sub3A_615, %sub3A_616 : vector<1024x1xf32>
    %max3A_618 = vector.broadcast %get3A_591 : vector<1024x1xf32> to vector<1024x1024xf32>
    %max3A_619 = vector.broadcast %get3A_566 : vector<1x1024xf32> to vector<1024x1024xf32>
    %max3A_620 = arith.maximumf %max3A_618, %max3A_619 : vector<1024x1024xf32>
    %max3A_621 = vector.broadcast %get3A_596 : vector<1024x1xf32> to vector<1024x1024xf32>
    %max3A_622 = vector.broadcast %get3A_571 : vector<1x1024xf32> to vector<1024x1024xf32>
    %max3A_623 = arith.maximumf %max3A_621, %max3A_622 : vector<1024x1024xf32>
    %min3A_624 = vector.broadcast %get3A_601 : vector<1024x1xf32> to vector<1024x1024xf32>
    %min3A_625 = vector.broadcast %get3A_576 : vector<1x1024xf32> to vector<1024x1024xf32>
    %min3A_626 = arith.minimumf %min3A_624, %min3A_625 : vector<1024x1024xf32>
    %min3A_627 = vector.broadcast %get3A_606 : vector<1024x1xf32> to vector<1024x1024xf32>
    %min3A_628 = vector.broadcast %get3A_581 : vector<1x1024xf32> to vector<1024x1024xf32>
    %min3A_629 = arith.minimumf %min3A_627, %min3A_628 : vector<1024x1024xf32>
    %sub3A_630 = arith.subf %min3A_626, %max3A_620 : vector<1024x1024xf32>
    %max3A_631 = arith.constant 0.000000e+00 : f32
    %max3A_632 = vector.broadcast %max3A_631 : f32 to vector<1024x1024xf32>
    %max3A_633 = arith.maximumf %sub3A_630, %max3A_632 : vector<1024x1024xf32>
    %sub3A_634 = arith.subf %min3A_629, %max3A_623 : vector<1024x1024xf32>
    %max3A_635 = arith.constant 0.000000e+00 : f32
    %max3A_636 = vector.broadcast %max3A_635 : f32 to vector<1024x1024xf32>
    %max3A_637 = arith.maximumf %sub3A_634, %max3A_636 : vector<1024x1024xf32>
    %mul3A_638 = arith.mulf %max3A_633, %max3A_637 : vector<1024x1024xf32>
    %add3A_639 = vector.broadcast %mul3A_617 : vector<1024x1xf32> to vector<1024x1024xf32>
    %add3A_640 = vector.broadcast %mul3A_614 : vector<1x1024xf32> to vector<1024x1024xf32>
    %add3A_641 = arith.addf %add3A_639, %add3A_640 : vector<1024x1024xf32>
    %sub3A_642 = arith.subf %add3A_641, %mul3A_638 : vector<1024x1024xf32>
    %add3A_643 = arith.constant 9.99999993E-9 : f32
    %add3A_644 = vector.broadcast %add3A_643 : f32 to vector<1024x1024xf32>
    %add3A_645 = arith.addf %sub3A_642, %add3A_644 : vector<1024x1024xf32>
    %div3A_646 = arith.divf %mul3A_638, %add3A_645 : vector<1024x1024xf32>
    %gt3A_647 = vector.broadcast %get3A_611 : vector<1024x1xf32> to vector<1024x1024xf32>
    %gt3A_648 = vector.broadcast %get3A_586 : vector<1x1024xf32> to vector<1024x1024xf32>
    %gt3A_649 = arith.cmpf ogt, %gt3A_647, %gt3A_648 : vector<1024x1024xf32>
    %eq3A_650 = vector.broadcast %get3A_611 : vector<1024x1xf32> to vector<1024x1024xf32>
    %eq3A_651 = vector.broadcast %get3A_586 : vector<1x1024xf32> to vector<1024x1024xf32>
    %eq3A_652 = arith.cmpf oeq, %eq3A_650, %eq3A_651 : vector<1024x1024xf32>
    %lt3A_653 = arith.cmpi slt, %iota3A, %iota3A_0 : vector<1024x1024xi32>
    %and3A_654 = arith.andi %eq3A_652, %lt3A_653 : vector<1024x1024xi1>
    %or3A_655 = arith.ori %gt3A_649, %and3A_654 : vector<1024x1024xi1>
    %gt3A_656 = arith.constant 3.000000e-01 : f32
    %gt3A_657 = vector.broadcast %gt3A_656 : f32 to vector<1024x1024xf32>
    %gt3A_658 = arith.cmpf ogt, %div3A_646, %gt3A_657 : vector<1024x1024xf32>
    %and3A_659 = arith.andi %gt3A_658, %or3A_655 : vector<1024x1024xi1>
    %lt3A_660 = arith.constant 1000 : i32
    %lt3A_661 = vector.broadcast %lt3A_660 : i32 to vector<1024x1024xi32>
    %lt3A_662 = arith.cmpi slt, %iota3A, %lt3A_661 : vector<1024x1024xi32>
    %and3A_663 = arith.andi %and3A_659, %lt3A_662 : vector<1024x1024xi1>
    %lt3A_664 = arith.constant 1000 : i32
    %lt3A_665 = vector.broadcast %lt3A_664 : i32 to vector<1024x1024xi32>
    %lt3A_666 = arith.cmpi slt, %iota3A_0, %lt3A_665 : vector<1024x1024xi32>
    %and3A_667 = arith.andi %and3A_663, %lt3A_666 : vector<1024x1024xi1>
    %convert_element_type3A_668 = arith.extui %and3A_667 : vector<1024x1024xi1> to vector<1024x1024xi32>
    %convert_element_type3A_669 = arith.sitofp %convert_element_type3A_668 : vector<1024x1024xi32> to vector<1024x1024xf32>
    %convert_element_type3A_670 = arith.truncf %convert_element_type3A_669 : vector<1024x1024xf32> to vector<1024x1024xbf16>
    %swap3A_671 = arith.constant 5 : index
    %swap3A_672 = arith.constant 0 : index
    %swap3A_673 = arith.constant 0 : index
    %swap3A_674 = vector.load %arg4[%swap3A_671, %swap3A_672, %swap3A_673] : memref<10x1024x1024xbf16, #tpu.memory_space<vmem>>, vector<1x1024x1024xbf16>
    %swap3A_675 = vector.shape_cast %swap3A_674 : vector<1x1024x1024xbf16> to vector<1024x1024xbf16>
    %swap3A_676 = vector.shape_cast %convert_element_type3A_670 : vector<1024x1024xbf16> to vector<1x1024x1024xbf16>
    tpu.vector_store %arg4[%swap3A_671, %swap3A_672, %swap3A_673], %swap3A_676 {strides = array<i32>} : memref<10x1024x1024xbf16, #tpu.memory_space<vmem>>, vector<1x1024x1024xbf16>,
    %get3A_677 = arith.constant 0 : index
    %get3A_678 = arith.constant 30 : index
    %get3A_679 = arith.constant 0 : index
    %get3A_680 = vector.load %arg1[%get3A_677, %get3A_678, %get3A_679] : memref<1x50x1024xf32, #tpu.memory_space<vmem>>, vector<1x1x1024xf32>
    %get3A_681 = vector.shape_cast %get3A_680 : vector<1x1x1024xf32> to vector<1x1024xf32>
    %get3A_682 = arith.constant 0 : index
    %get3A_683 = arith.constant 31 : index
    %get3A_684 = arith.constant 0 : index
    %get3A_685 = vector.load %arg1[%get3A_682, %get3A_683, %get3A_684] : memref<1x50x1024xf32, #tpu.memory_space<vmem>>, vector<1x1x1024xf32>
    %get3A_686 = vector.shape_cast %get3A_685 : vector<1x1x1024xf32> to vector<1x1024xf32>
    %get3A_687 = arith.constant 0 : index
    %get3A_688 = arith.constant 32 : index
    %get3A_689 = arith.constant 0 : index
    %get3A_690 = vector.load %arg1[%get3A_687, %get3A_688, %get3A_689] : memref<1x50x1024xf32, #tpu.memory_space<vmem>>, vector<1x1x1024xf32>
    %get3A_691 = vector.shape_cast %get3A_690 : vector<1x1x1024xf32> to vector<1x1024xf32>
    %get3A_692 = arith.constant 0 : index
    %get3A_693 = arith.constant 33 : index
    %get3A_694 = arith.constant 0 : index
    %get3A_695 = vector.load %arg1[%get3A_692, %get3A_693, %get3A_694] : memref<1x50x1024xf32, #tpu.memory_space<vmem>>, vector<1x1x1024xf32>
    %get3A_696 = vector.shape_cast %get3A_695 : vector<1x1x1024xf32> to vector<1x1024xf32>
    %get3A_697 = arith.constant 0 : index
    %get3A_698 = arith.constant 34 : index
    %get3A_699 = arith.constant 0 : index
    %get3A_700 = vector.load %arg1[%get3A_697, %get3A_698, %get3A_699] : memref<1x50x1024xf32, #tpu.memory_space<vmem>>, vector<1x1x1024xf32>
    %get3A_701 = vector.shape_cast %get3A_700 : vector<1x1x1024xf32> to vector<1x1024xf32>
    %get3A_702 = arith.constant 0 : index
    %get3A_703 = arith.constant 0 : index
    %get3A_704 = arith.constant 30 : index
    %get3A_705 = vector.load %arg2[%get3A_702, %get3A_703, %get3A_704] : memref<1x1024x50xf32, #tpu.memory_space<vmem>>, vector<1x1024x1xf32>
    %get3A_706 = vector.shape_cast %get3A_705 : vector<1x1024x1xf32> to vector<1024x1xf32>
    %get3A_707 = arith.constant 0 : index
    %get3A_708 = arith.constant 0 : index
    %get3A_709 = arith.constant 31 : index
    %get3A_710 = vector.load %arg2[%get3A_707, %get3A_708, %get3A_709] : memref<1x1024x50xf32, #tpu.memory_space<vmem>>, vector<1x1024x1xf32>
    %get3A_711 = vector.shape_cast %get3A_710 : vector<1x1024x1xf32> to vector<1024x1xf32>
    %get3A_712 = arith.constant 0 : index
    %get3A_713 = arith.constant 0 : index
    %get3A_714 = arith.constant 32 : index
    %get3A_715 = vector.load %arg2[%get3A_712, %get3A_713, %get3A_714] : memref<1x1024x50xf32, #tpu.memory_space<vmem>>, vector<1x1024x1xf32>
    %get3A_716 = vector.shape_cast %get3A_715 : vector<1x1024x1xf32> to vector<1024x1xf32>
    %get3A_717 = arith.constant 0 : index
    %get3A_718 = arith.constant 0 : index
    %get3A_719 = arith.constant 33 : index
    %get3A_720 = vector.load %arg2[%get3A_717, %get3A_718, %get3A_719] : memref<1x1024x50xf32, #tpu.memory_space<vmem>>, vector<1x1024x1xf32>
    %get3A_721 = vector.shape_cast %get3A_720 : vector<1x1024x1xf32> to vector<1024x1xf32>
    %get3A_722 = arith.constant 0 : index
    %get3A_723 = arith.constant 0 : index
    %get3A_724 = arith.constant 34 : index
    %get3A_725 = vector.load %arg2[%get3A_722, %get3A_723, %get3A_724] : memref<1x1024x50xf32, #tpu.memory_space<vmem>>, vector<1x1024x1xf32>
    %get3A_726 = vector.shape_cast %get3A_725 : vector<1x1024x1xf32> to vector<1024x1xf32>
    %sub3A_727 = arith.subf %get3A_691, %get3A_681 : vector<1x1024xf32>
    %sub3A_728 = arith.subf %get3A_696, %get3A_686 : vector<1x1024xf32>
    %mul3A_729 = arith.mulf %sub3A_727, %sub3A_728 : vector<1x1024xf32>
    %sub3A_730 = arith.subf %get3A_716, %get3A_706 : vector<1024x1xf32>
    %sub3A_731 = arith.subf %get3A_721, %get3A_711 : vector<1024x1xf32>
    %mul3A_732 = arith.mulf %sub3A_730, %sub3A_731 : vector<1024x1xf32>
    %max3A_733 = vector.broadcast %get3A_706 : vector<1024x1xf32> to vector<1024x1024xf32>
    %max3A_734 = vector.broadcast %get3A_681 : vector<1x1024xf32> to vector<1024x1024xf32>
    %max3A_735 = arith.maximumf %max3A_733, %max3A_734 : vector<1024x1024xf32>
    %max3A_736 = vector.broadcast %get3A_711 : vector<1024x1xf32> to vector<1024x1024xf32>
    %max3A_737 = vector.broadcast %get3A_686 : vector<1x1024xf32> to vector<1024x1024xf32>
    %max3A_738 = arith.maximumf %max3A_736, %max3A_737 : vector<1024x1024xf32>
    %min3A_739 = vector.broadcast %get3A_716 : vector<1024x1xf32> to vector<1024x1024xf32>
    %min3A_740 = vector.broadcast %get3A_691 : vector<1x1024xf32> to vector<1024x1024xf32>
    %min3A_741 = arith.minimumf %min3A_739, %min3A_740 : vector<1024x1024xf32>
    %min3A_742 = vector.broadcast %get3A_721 : vector<1024x1xf32> to vector<1024x1024xf32>
    %min3A_743 = vector.broadcast %get3A_696 : vector<1x1024xf32> to vector<1024x1024xf32>
    %min3A_744 = arith.minimumf %min3A_742, %min3A_743 : vector<1024x1024xf32>
    %sub3A_745 = arith.subf %min3A_741, %max3A_735 : vector<1024x1024xf32>
    %max3A_746 = arith.constant 0.000000e+00 : f32
    %max3A_747 = vector.broadcast %max3A_746 : f32 to vector<1024x1024xf32>
    %max3A_748 = arith.maximumf %sub3A_745, %max3A_747 : vector<1024x1024xf32>
    %sub3A_749 = arith.subf %min3A_744, %max3A_738 : vector<1024x1024xf32>
    %max3A_750 = arith.constant 0.000000e+00 : f32
    %max3A_751 = vector.broadcast %max3A_750 : f32 to vector<1024x1024xf32>
    %max3A_752 = arith.maximumf %sub3A_749, %max3A_751 : vector<1024x1024xf32>
    %mul3A_753 = arith.mulf %max3A_748, %max3A_752 : vector<1024x1024xf32>
    %add3A_754 = vector.broadcast %mul3A_732 : vector<1024x1xf32> to vector<1024x1024xf32>
    %add3A_755 = vector.broadcast %mul3A_729 : vector<1x1024xf32> to vector<1024x1024xf32>
    %add3A_756 = arith.addf %add3A_754, %add3A_755 : vector<1024x1024xf32>
    %sub3A_757 = arith.subf %add3A_756, %mul3A_753 : vector<1024x1024xf32>
    %add3A_758 = arith.constant 9.99999993E-9 : f32
    %add3A_759 = vector.broadcast %add3A_758 : f32 to vector<1024x1024xf32>
    %add3A_760 = arith.addf %sub3A_757, %add3A_759 : vector<1024x1024xf32>
    %div3A_761 = arith.divf %mul3A_753, %add3A_760 : vector<1024x1024xf32>
    %gt3A_762 = vector.broadcast %get3A_726 : vector<1024x1xf32> to vector<1024x1024xf32>
    %gt3A_763 = vector.broadcast %get3A_701 : vector<1x1024xf32> to vector<1024x1024xf32>
    %gt3A_764 = arith.cmpf ogt, %gt3A_762, %gt3A_763 : vector<1024x1024xf32>
    %eq3A_765 = vector.broadcast %get3A_726 : vector<1024x1xf32> to vector<1024x1024xf32>
    %eq3A_766 = vector.broadcast %get3A_701 : vector<1x1024xf32> to vector<1024x1024xf32>
    %eq3A_767 = arith.cmpf oeq, %eq3A_765, %eq3A_766 : vector<1024x1024xf32>
    %lt3A_768 = arith.cmpi slt, %iota3A, %iota3A_0 : vector<1024x1024xi32>
    %and3A_769 = arith.andi %eq3A_767, %lt3A_768 : vector<1024x1024xi1>
    %or3A_770 = arith.ori %gt3A_764, %and3A_769 : vector<1024x1024xi1>
    %gt3A_771 = arith.constant 3.000000e-01 : f32
    %gt3A_772 = vector.broadcast %gt3A_771 : f32 to vector<1024x1024xf32>
    %gt3A_773 = arith.cmpf ogt, %div3A_761, %gt3A_772 : vector<1024x1024xf32>
    %and3A_774 = arith.andi %gt3A_773, %or3A_770 : vector<1024x1024xi1>
    %lt3A_775 = arith.constant 1000 : i32
    %lt3A_776 = vector.broadcast %lt3A_775 : i32 to vector<1024x1024xi32>
    %lt3A_777 = arith.cmpi slt, %iota3A, %lt3A_776 : vector<1024x1024xi32>
    %and3A_778 = arith.andi %and3A_774, %lt3A_777 : vector<1024x1024xi1>
    %lt3A_779 = arith.constant 1000 : i32
    %lt3A_780 = vector.broadcast %lt3A_779 : i32 to vector<1024x1024xi32>
    %lt3A_781 = arith.cmpi slt, %iota3A_0, %lt3A_780 : vector<1024x1024xi32>
    %and3A_782 = arith.andi %and3A_778, %lt3A_781 : vector<1024x1024xi1>
    %convert_element_type3A_783 = arith.extui %and3A_782 : vector<1024x1024xi1> to vector<1024x1024xi32>
    %convert_element_type3A_784 = arith.sitofp %convert_element_type3A_783 : vector<1024x1024xi32> to vector<1024x1024xf32>
    %convert_element_type3A_785 = arith.truncf %convert_element_type3A_784 : vector<1024x1024xf32> to vector<1024x1024xbf16>
    %swap3A_786 = arith.constant 6 : index
    %swap3A_787 = arith.constant 0 : index
    %swap3A_788 = arith.constant 0 : index
    %swap3A_789 = vector.load %arg4[%swap3A_786, %swap3A_787, %swap3A_788] : memref<10x1024x1024xbf16, #tpu.memory_space<vmem>>, vector<1x1024x1024xbf16>
    %swap3A_790 = vector.shape_cast %swap3A_789 : vector<1x1024x1024xbf16> to vector<1024x1024xbf16>
    %swap3A_791 = vector.shape_cast %convert_element_type3A_785 : vector<1024x1024xbf16> to vector<1x1024x1024xbf16>
    tpu.vector_store %arg4[%swap3A_786, %swap3A_787, %swap3A_788], %swap3A_791 {strides = array<i32>} : memref<10x1024x1024xbf16, #tpu.memory_space<vmem>>, vector<1x1024x1024xbf16>,
    %get3A_792 = arith.constant 0 : index
    %get3A_793 = arith.constant 35 : index
    %get3A_794 = arith.constant 0 : index
    %get3A_795 = vector.load %arg1[%get3A_792, %get3A_793, %get3A_794] : memref<1x50x1024xf32, #tpu.memory_space<vmem>>, vector<1x1x1024xf32>
    %get3A_796 = vector.shape_cast %get3A_795 : vector<1x1x1024xf32> to vector<1x1024xf32>
    %get3A_797 = arith.constant 0 : index
    %get3A_798 = arith.constant 36 : index
    %get3A_799 = arith.constant 0 : index
    %get3A_800 = vector.load %arg1[%get3A_797, %get3A_798, %get3A_799] : memref<1x50x1024xf32, #tpu.memory_space<vmem>>, vector<1x1x1024xf32>
    %get3A_801 = vector.shape_cast %get3A_800 : vector<1x1x1024xf32> to vector<1x1024xf32>
    %get3A_802 = arith.constant 0 : index
    %get3A_803 = arith.constant 37 : index
    %get3A_804 = arith.constant 0 : index
    %get3A_805 = vector.load %arg1[%get3A_802, %get3A_803, %get3A_804] : memref<1x50x1024xf32, #tpu.memory_space<vmem>>, vector<1x1x1024xf32>
    %get3A_806 = vector.shape_cast %get3A_805 : vector<1x1x1024xf32> to vector<1x1024xf32>
    %get3A_807 = arith.constant 0 : index
    %get3A_808 = arith.constant 38 : index
    %get3A_809 = arith.constant 0 : index
    %get3A_810 = vector.load %arg1[%get3A_807, %get3A_808, %get3A_809] : memref<1x50x1024xf32, #tpu.memory_space<vmem>>, vector<1x1x1024xf32>
    %get3A_811 = vector.shape_cast %get3A_810 : vector<1x1x1024xf32> to vector<1x1024xf32>
    %get3A_812 = arith.constant 0 : index
    %get3A_813 = arith.constant 39 : index
    %get3A_814 = arith.constant 0 : index
    %get3A_815 = vector.load %arg1[%get3A_812, %get3A_813, %get3A_814] : memref<1x50x1024xf32, #tpu.memory_space<vmem>>, vector<1x1x1024xf32>
    %get3A_816 = vector.shape_cast %get3A_815 : vector<1x1x1024xf32> to vector<1x1024xf32>
    %get3A_817 = arith.constant 0 : index
    %get3A_818 = arith.constant 0 : index
    %get3A_819 = arith.constant 35 : index
    %get3A_820 = vector.load %arg2[%get3A_817, %get3A_818, %get3A_819] : memref<1x1024x50xf32, #tpu.memory_space<vmem>>, vector<1x1024x1xf32>
    %get3A_821 = vector.shape_cast %get3A_820 : vector<1x1024x1xf32> to vector<1024x1xf32>
    %get3A_822 = arith.constant 0 : index
    %get3A_823 = arith.constant 0 : index
    %get3A_824 = arith.constant 36 : index
    %get3A_825 = vector.load %arg2[%get3A_822, %get3A_823, %get3A_824] : memref<1x1024x50xf32, #tpu.memory_space<vmem>>, vector<1x1024x1xf32>
    %get3A_826 = vector.shape_cast %get3A_825 : vector<1x1024x1xf32> to vector<1024x1xf32>
    %get3A_827 = arith.constant 0 : index
    %get3A_828 = arith.constant 0 : index
    %get3A_829 = arith.constant 37 : index
    %get3A_830 = vector.load %arg2[%get3A_827, %get3A_828, %get3A_829] : memref<1x1024x50xf32, #tpu.memory_space<vmem>>, vector<1x1024x1xf32>
    %get3A_831 = vector.shape_cast %get3A_830 : vector<1x1024x1xf32> to vector<1024x1xf32>
    %get3A_832 = arith.constant 0 : index
    %get3A_833 = arith.constant 0 : index
    %get3A_834 = arith.constant 38 : index
    %get3A_835 = vector.load %arg2[%get3A_832, %get3A_833, %get3A_834] : memref<1x1024x50xf32, #tpu.memory_space<vmem>>, vector<1x1024x1xf32>
    %get3A_836 = vector.shape_cast %get3A_835 : vector<1x1024x1xf32> to vector<1024x1xf32>
    %get3A_837 = arith.constant 0 : index
    %get3A_838 = arith.constant 0 : index
    %get3A_839 = arith.constant 39 : index
    %get3A_840 = vector.load %arg2[%get3A_837, %get3A_838, %get3A_839] : memref<1x1024x50xf32, #tpu.memory_space<vmem>>, vector<1x1024x1xf32>
    %get3A_841 = vector.shape_cast %get3A_840 : vector<1x1024x1xf32> to vector<1024x1xf32>
    %sub3A_842 = arith.subf %get3A_806, %get3A_796 : vector<1x1024xf32>
    %sub3A_843 = arith.subf %get3A_811, %get3A_801 : vector<1x1024xf32>
    %mul3A_844 = arith.mulf %sub3A_842, %sub3A_843 : vector<1x1024xf32>
    %sub3A_845 = arith.subf %get3A_831, %get3A_821 : vector<1024x1xf32>
    %sub3A_846 = arith.subf %get3A_836, %get3A_826 : vector<1024x1xf32>
    %mul3A_847 = arith.mulf %sub3A_845, %sub3A_846 : vector<1024x1xf32>
    %max3A_848 = vector.broadcast %get3A_821 : vector<1024x1xf32> to vector<1024x1024xf32>
    %max3A_849 = vector.broadcast %get3A_796 : vector<1x1024xf32> to vector<1024x1024xf32>
    %max3A_850 = arith.maximumf %max3A_848, %max3A_849 : vector<1024x1024xf32>
    %max3A_851 = vector.broadcast %get3A_826 : vector<1024x1xf32> to vector<1024x1024xf32>
    %max3A_852 = vector.broadcast %get3A_801 : vector<1x1024xf32> to vector<1024x1024xf32>
    %max3A_853 = arith.maximumf %max3A_851, %max3A_852 : vector<1024x1024xf32>
    %min3A_854 = vector.broadcast %get3A_831 : vector<1024x1xf32> to vector<1024x1024xf32>
    %min3A_855 = vector.broadcast %get3A_806 : vector<1x1024xf32> to vector<1024x1024xf32>
    %min3A_856 = arith.minimumf %min3A_854, %min3A_855 : vector<1024x1024xf32>
    %min3A_857 = vector.broadcast %get3A_836 : vector<1024x1xf32> to vector<1024x1024xf32>
    %min3A_858 = vector.broadcast %get3A_811 : vector<1x1024xf32> to vector<1024x1024xf32>
    %min3A_859 = arith.minimumf %min3A_857, %min3A_858 : vector<1024x1024xf32>
    %sub3A_860 = arith.subf %min3A_856, %max3A_850 : vector<1024x1024xf32>
    %max3A_861 = arith.constant 0.000000e+00 : f32
    %max3A_862 = vector.broadcast %max3A_861 : f32 to vector<1024x1024xf32>
    %max3A_863 = arith.maximumf %sub3A_860, %max3A_862 : vector<1024x1024xf32>
    %sub3A_864 = arith.subf %min3A_859, %max3A_853 : vector<1024x1024xf32>
    %max3A_865 = arith.constant 0.000000e+00 : f32
    %max3A_866 = vector.broadcast %max3A_865 : f32 to vector<1024x1024xf32>
    %max3A_867 = arith.maximumf %sub3A_864, %max3A_866 : vector<1024x1024xf32>
    %mul3A_868 = arith.mulf %max3A_863, %max3A_867 : vector<1024x1024xf32>
    %add3A_869 = vector.broadcast %mul3A_847 : vector<1024x1xf32> to vector<1024x1024xf32>
    %add3A_870 = vector.broadcast %mul3A_844 : vector<1x1024xf32> to vector<1024x1024xf32>
    %add3A_871 = arith.addf %add3A_869, %add3A_870 : vector<1024x1024xf32>
    %sub3A_872 = arith.subf %add3A_871, %mul3A_868 : vector<1024x1024xf32>
    %add3A_873 = arith.constant 9.99999993E-9 : f32
    %add3A_874 = vector.broadcast %add3A_873 : f32 to vector<1024x1024xf32>
    %add3A_875 = arith.addf %sub3A_872, %add3A_874 : vector<1024x1024xf32>
    %div3A_876 = arith.divf %mul3A_868, %add3A_875 : vector<1024x1024xf32>
    %gt3A_877 = vector.broadcast %get3A_841 : vector<1024x1xf32> to vector<1024x1024xf32>
    %gt3A_878 = vector.broadcast %get3A_816 : vector<1x1024xf32> to vector<1024x1024xf32>
    %gt3A_879 = arith.cmpf ogt, %gt3A_877, %gt3A_878 : vector<1024x1024xf32>
    %eq3A_880 = vector.broadcast %get3A_841 : vector<1024x1xf32> to vector<1024x1024xf32>
    %eq3A_881 = vector.broadcast %get3A_816 : vector<1x1024xf32> to vector<1024x1024xf32>
    %eq3A_882 = arith.cmpf oeq, %eq3A_880, %eq3A_881 : vector<1024x1024xf32>
    %lt3A_883 = arith.cmpi slt, %iota3A, %iota3A_0 : vector<1024x1024xi32>
    %and3A_884 = arith.andi %eq3A_882, %lt3A_883 : vector<1024x1024xi1>
    %or3A_885 = arith.ori %gt3A_879, %and3A_884 : vector<1024x1024xi1>
    %gt3A_886 = arith.constant 3.000000e-01 : f32
    %gt3A_887 = vector.broadcast %gt3A_886 : f32 to vector<1024x1024xf32>
    %gt3A_888 = arith.cmpf ogt, %div3A_876, %gt3A_887 : vector<1024x1024xf32>
    %and3A_889 = arith.andi %gt3A_888, %or3A_885 : vector<1024x1024xi1>
    %lt3A_890 = arith.constant 1000 : i32
    %lt3A_891 = vector.broadcast %lt3A_890 : i32 to vector<1024x1024xi32>
    %lt3A_892 = arith.cmpi slt, %iota3A, %lt3A_891 : vector<1024x1024xi32>
    %and3A_893 = arith.andi %and3A_889, %lt3A_892 : vector<1024x1024xi1>
    %lt3A_894 = arith.constant 1000 : i32
    %lt3A_895 = vector.broadcast %lt3A_894 : i32 to vector<1024x1024xi32>
    %lt3A_896 = arith.cmpi slt, %iota3A_0, %lt3A_895 : vector<1024x1024xi32>
    %and3A_897 = arith.andi %and3A_893, %lt3A_896 : vector<1024x1024xi1>
    %convert_element_type3A_898 = arith.extui %and3A_897 : vector<1024x1024xi1> to vector<1024x1024xi32>
    %convert_element_type3A_899 = arith.sitofp %convert_element_type3A_898 : vector<1024x1024xi32> to vector<1024x1024xf32>
    %convert_element_type3A_900 = arith.truncf %convert_element_type3A_899 : vector<1024x1024xf32> to vector<1024x1024xbf16>
    %swap3A_901 = arith.constant 7 : index
    %swap3A_902 = arith.constant 0 : index
    %swap3A_903 = arith.constant 0 : index
    %swap3A_904 = vector.load %arg4[%swap3A_901, %swap3A_902, %swap3A_903] : memref<10x1024x1024xbf16, #tpu.memory_space<vmem>>, vector<1x1024x1024xbf16>
    %swap3A_905 = vector.shape_cast %swap3A_904 : vector<1x1024x1024xbf16> to vector<1024x1024xbf16>
    %swap3A_906 = vector.shape_cast %convert_element_type3A_900 : vector<1024x1024xbf16> to vector<1x1024x1024xbf16>
    tpu.vector_store %arg4[%swap3A_901, %swap3A_902, %swap3A_903], %swap3A_906 {strides = array<i32>} : memref<10x1024x1024xbf16, #tpu.memory_space<vmem>>, vector<1x1024x1024xbf16>,
    %get3A_907 = arith.constant 0 : index
    %get3A_908 = arith.constant 40 : index
    %get3A_909 = arith.constant 0 : index
    %get3A_910 = vector.load %arg1[%get3A_907, %get3A_908, %get3A_909] : memref<1x50x1024xf32, #tpu.memory_space<vmem>>, vector<1x1x1024xf32>
    %get3A_911 = vector.shape_cast %get3A_910 : vector<1x1x1024xf32> to vector<1x1024xf32>
    %get3A_912 = arith.constant 0 : index
    %get3A_913 = arith.constant 41 : index
    %get3A_914 = arith.constant 0 : index
    %get3A_915 = vector.load %arg1[%get3A_912, %get3A_913, %get3A_914] : memref<1x50x1024xf32, #tpu.memory_space<vmem>>, vector<1x1x1024xf32>
    %get3A_916 = vector.shape_cast %get3A_915 : vector<1x1x1024xf32> to vector<1x1024xf32>
    %get3A_917 = arith.constant 0 : index
    %get3A_918 = arith.constant 42 : index
    %get3A_919 = arith.constant 0 : index
    %get3A_920 = vector.load %arg1[%get3A_917, %get3A_918, %get3A_919] : memref<1x50x1024xf32, #tpu.memory_space<vmem>>, vector<1x1x1024xf32>
    %get3A_921 = vector.shape_cast %get3A_920 : vector<1x1x1024xf32> to vector<1x1024xf32>
    %get3A_922 = arith.constant 0 : index
    %get3A_923 = arith.constant 43 : index
    %get3A_924 = arith.constant 0 : index
    %get3A_925 = vector.load %arg1[%get3A_922, %get3A_923, %get3A_924] : memref<1x50x1024xf32, #tpu.memory_space<vmem>>, vector<1x1x1024xf32>
    %get3A_926 = vector.shape_cast %get3A_925 : vector<1x1x1024xf32> to vector<1x1024xf32>
    %get3A_927 = arith.constant 0 : index
    %get3A_928 = arith.constant 44 : index
    %get3A_929 = arith.constant 0 : index
    %get3A_930 = vector.load %arg1[%get3A_927, %get3A_928, %get3A_929] : memref<1x50x1024xf32, #tpu.memory_space<vmem>>, vector<1x1x1024xf32>
    %get3A_931 = vector.shape_cast %get3A_930 : vector<1x1x1024xf32> to vector<1x1024xf32>
    %get3A_932 = arith.constant 0 : index
    %get3A_933 = arith.constant 0 : index
    %get3A_934 = arith.constant 40 : index
    %get3A_935 = vector.load %arg2[%get3A_932, %get3A_933, %get3A_934] : memref<1x1024x50xf32, #tpu.memory_space<vmem>>, vector<1x1024x1xf32>
    %get3A_936 = vector.shape_cast %get3A_935 : vector<1x1024x1xf32> to vector<1024x1xf32>
    %get3A_937 = arith.constant 0 : index
    %get3A_938 = arith.constant 0 : index
    %get3A_939 = arith.constant 41 : index
    %get3A_940 = vector.load %arg2[%get3A_937, %get3A_938, %get3A_939] : memref<1x1024x50xf32, #tpu.memory_space<vmem>>, vector<1x1024x1xf32>
    %get3A_941 = vector.shape_cast %get3A_940 : vector<1x1024x1xf32> to vector<1024x1xf32>
    %get3A_942 = arith.constant 0 : index
    %get3A_943 = arith.constant 0 : index
    %get3A_944 = arith.constant 42 : index
    %get3A_945 = vector.load %arg2[%get3A_942, %get3A_943, %get3A_944] : memref<1x1024x50xf32, #tpu.memory_space<vmem>>, vector<1x1024x1xf32>
    %get3A_946 = vector.shape_cast %get3A_945 : vector<1x1024x1xf32> to vector<1024x1xf32>
    %get3A_947 = arith.constant 0 : index
    %get3A_948 = arith.constant 0 : index
    %get3A_949 = arith.constant 43 : index
    %get3A_950 = vector.load %arg2[%get3A_947, %get3A_948, %get3A_949] : memref<1x1024x50xf32, #tpu.memory_space<vmem>>, vector<1x1024x1xf32>
    %get3A_951 = vector.shape_cast %get3A_950 : vector<1x1024x1xf32> to vector<1024x1xf32>
    %get3A_952 = arith.constant 0 : index
    %get3A_953 = arith.constant 0 : index
    %get3A_954 = arith.constant 44 : index
    %get3A_955 = vector.load %arg2[%get3A_952, %get3A_953, %get3A_954] : memref<1x1024x50xf32, #tpu.memory_space<vmem>>, vector<1x1024x1xf32>
    %get3A_956 = vector.shape_cast %get3A_955 : vector<1x1024x1xf32> to vector<1024x1xf32>
    %sub3A_957 = arith.subf %get3A_921, %get3A_911 : vector<1x1024xf32>
    %sub3A_958 = arith.subf %get3A_926, %get3A_916 : vector<1x1024xf32>
    %mul3A_959 = arith.mulf %sub3A_957, %sub3A_958 : vector<1x1024xf32>
    %sub3A_960 = arith.subf %get3A_946, %get3A_936 : vector<1024x1xf32>
    %sub3A_961 = arith.subf %get3A_951, %get3A_941 : vector<1024x1xf32>
    %mul3A_962 = arith.mulf %sub3A_960, %sub3A_961 : vector<1024x1xf32>
    %max3A_963 = vector.broadcast %get3A_936 : vector<1024x1xf32> to vector<1024x1024xf32>
    %max3A_964 = vector.broadcast %get3A_911 : vector<1x1024xf32> to vector<1024x1024xf32>
    %max3A_965 = arith.maximumf %max3A_963, %max3A_964 : vector<1024x1024xf32>
    %max3A_966 = vector.broadcast %get3A_941 : vector<1024x1xf32> to vector<1024x1024xf32>
    %max3A_967 = vector.broadcast %get3A_916 : vector<1x1024xf32> to vector<1024x1024xf32>
    %max3A_968 = arith.maximumf %max3A_966, %max3A_967 : vector<1024x1024xf32>
    %min3A_969 = vector.broadcast %get3A_946 : vector<1024x1xf32> to vector<1024x1024xf32>
    %min3A_970 = vector.broadcast %get3A_921 : vector<1x1024xf32> to vector<1024x1024xf32>
    %min3A_971 = arith.minimumf %min3A_969, %min3A_970 : vector<1024x1024xf32>
    %min3A_972 = vector.broadcast %get3A_951 : vector<1024x1xf32> to vector<1024x1024xf32>
    %min3A_973 = vector.broadcast %get3A_926 : vector<1x1024xf32> to vector<1024x1024xf32>
    %min3A_974 = arith.minimumf %min3A_972, %min3A_973 : vector<1024x1024xf32>
    %sub3A_975 = arith.subf %min3A_971, %max3A_965 : vector<1024x1024xf32>
    %max3A_976 = arith.constant 0.000000e+00 : f32
    %max3A_977 = vector.broadcast %max3A_976 : f32 to vector<1024x1024xf32>
    %max3A_978 = arith.maximumf %sub3A_975, %max3A_977 : vector<1024x1024xf32>
    %sub3A_979 = arith.subf %min3A_974, %max3A_968 : vector<1024x1024xf32>
    %max3A_980 = arith.constant 0.000000e+00 : f32
    %max3A_981 = vector.broadcast %max3A_980 : f32 to vector<1024x1024xf32>
    %max3A_982 = arith.maximumf %sub3A_979, %max3A_981 : vector<1024x1024xf32>
    %mul3A_983 = arith.mulf %max3A_978, %max3A_982 : vector<1024x1024xf32>
    %add3A_984 = vector.broadcast %mul3A_962 : vector<1024x1xf32> to vector<1024x1024xf32>
    %add3A_985 = vector.broadcast %mul3A_959 : vector<1x1024xf32> to vector<1024x1024xf32>
    %add3A_986 = arith.addf %add3A_984, %add3A_985 : vector<1024x1024xf32>
    %sub3A_987 = arith.subf %add3A_986, %mul3A_983 : vector<1024x1024xf32>
    %add3A_988 = arith.constant 9.99999993E-9 : f32
    %add3A_989 = vector.broadcast %add3A_988 : f32 to vector<1024x1024xf32>
    %add3A_990 = arith.addf %sub3A_987, %add3A_989 : vector<1024x1024xf32>
    %div3A_991 = arith.divf %mul3A_983, %add3A_990 : vector<1024x1024xf32>
    %gt3A_992 = vector.broadcast %get3A_956 : vector<1024x1xf32> to vector<1024x1024xf32>
    %gt3A_993 = vector.broadcast %get3A_931 : vector<1x1024xf32> to vector<1024x1024xf32>
    %gt3A_994 = arith.cmpf ogt, %gt3A_992, %gt3A_993 : vector<1024x1024xf32>
    %eq3A_995 = vector.broadcast %get3A_956 : vector<1024x1xf32> to vector<1024x1024xf32>
    %eq3A_996 = vector.broadcast %get3A_931 : vector<1x1024xf32> to vector<1024x1024xf32>
    %eq3A_997 = arith.cmpf oeq, %eq3A_995, %eq3A_996 : vector<1024x1024xf32>
    %lt3A_998 = arith.cmpi slt, %iota3A, %iota3A_0 : vector<1024x1024xi32>
    %and3A_999 = arith.andi %eq3A_997, %lt3A_998 : vector<1024x1024xi1>
    %or3A_1000 = arith.ori %gt3A_994, %and3A_999 : vector<1024x1024xi1>
    %gt3A_1001 = arith.constant 3.000000e-01 : f32
    %gt3A_1002 = vector.broadcast %gt3A_1001 : f32 to vector<1024x1024xf32>
    %gt3A_1003 = arith.cmpf ogt, %div3A_991, %gt3A_1002 : vector<1024x1024xf32>
    %and3A_1004 = arith.andi %gt3A_1003, %or3A_1000 : vector<1024x1024xi1>
    %lt3A_1005 = arith.constant 1000 : i32
    %lt3A_1006 = vector.broadcast %lt3A_1005 : i32 to vector<1024x1024xi32>
    %lt3A_1007 = arith.cmpi slt, %iota3A, %lt3A_1006 : vector<1024x1024xi32>
    %and3A_1008 = arith.andi %and3A_1004, %lt3A_1007 : vector<1024x1024xi1>
    %lt3A_1009 = arith.constant 1000 : i32
    %lt3A_1010 = vector.broadcast %lt3A_1009 : i32 to vector<1024x1024xi32>
    %lt3A_1011 = arith.cmpi slt, %iota3A_0, %lt3A_1010 : vector<1024x1024xi32>
    %and3A_1012 = arith.andi %and3A_1008, %lt3A_1011 : vector<1024x1024xi1>
    %convert_element_type3A_1013 = arith.extui %and3A_1012 : vector<1024x1024xi1> to vector<1024x1024xi32>
    %convert_element_type3A_1014 = arith.sitofp %convert_element_type3A_1013 : vector<1024x1024xi32> to vector<1024x1024xf32>
    %convert_element_type3A_1015 = arith.truncf %convert_element_type3A_1014 : vector<1024x1024xf32> to vector<1024x1024xbf16>
    %swap3A_1016 = arith.constant 8 : index
    %swap3A_1017 = arith.constant 0 : index
    %swap3A_1018 = arith.constant 0 : index
    %swap3A_1019 = vector.load %arg4[%swap3A_1016, %swap3A_1017, %swap3A_1018] : memref<10x1024x1024xbf16, #tpu.memory_space<vmem>>, vector<1x1024x1024xbf16>
    %swap3A_1020 = vector.shape_cast %swap3A_1019 : vector<1x1024x1024xbf16> to vector<1024x1024xbf16>
    %swap3A_1021 = vector.shape_cast %convert_element_type3A_1015 : vector<1024x1024xbf16> to vector<1x1024x1024xbf16>
    tpu.vector_store %arg4[%swap3A_1016, %swap3A_1017, %swap3A_1018], %swap3A_1021 {strides = array<i32>} : memref<10x1024x1024xbf16, #tpu.memory_space<vmem>>, vector<1x1024x1024xbf16>,
    %get3A_1022 = arith.constant 0 : index
    %get3A_1023 = arith.constant 45 : index
    %get3A_1024 = arith.constant 0 : index
    %get3A_1025 = vector.load %arg1[%get3A_1022, %get3A_1023, %get3A_1024] : memref<1x50x1024xf32, #tpu.memory_space<vmem>>, vector<1x1x1024xf32>
    %get3A_1026 = vector.shape_cast %get3A_1025 : vector<1x1x1024xf32> to vector<1x1024xf32>
    %get3A_1027 = arith.constant 0 : index
    %get3A_1028 = arith.constant 46 : index
    %get3A_1029 = arith.constant 0 : index
    %get3A_1030 = vector.load %arg1[%get3A_1027, %get3A_1028, %get3A_1029] : memref<1x50x1024xf32, #tpu.memory_space<vmem>>, vector<1x1x1024xf32>
    %get3A_1031 = vector.shape_cast %get3A_1030 : vector<1x1x1024xf32> to vector<1x1024xf32>
    %get3A_1032 = arith.constant 0 : index
    %get3A_1033 = arith.constant 47 : index
    %get3A_1034 = arith.constant 0 : index
    %get3A_1035 = vector.load %arg1[%get3A_1032, %get3A_1033, %get3A_1034] : memref<1x50x1024xf32, #tpu.memory_space<vmem>>, vector<1x1x1024xf32>
    %get3A_1036 = vector.shape_cast %get3A_1035 : vector<1x1x1024xf32> to vector<1x1024xf32>
    %get3A_1037 = arith.constant 0 : index
    %get3A_1038 = arith.constant 48 : index
    %get3A_1039 = arith.constant 0 : index
    %get3A_1040 = vector.load %arg1[%get3A_1037, %get3A_1038, %get3A_1039] : memref<1x50x1024xf32, #tpu.memory_space<vmem>>, vector<1x1x1024xf32>
    %get3A_1041 = vector.shape_cast %get3A_1040 : vector<1x1x1024xf32> to vector<1x1024xf32>
    %get3A_1042 = arith.constant 0 : index
    %get3A_1043 = arith.constant 49 : index
    %get3A_1044 = arith.constant 0 : index
    %get3A_1045 = vector.load %arg1[%get3A_1042, %get3A_1043, %get3A_1044] : memref<1x50x1024xf32, #tpu.memory_space<vmem>>, vector<1x1x1024xf32>
    %get3A_1046 = vector.shape_cast %get3A_1045 : vector<1x1x1024xf32> to vector<1x1024xf32>
    %get3A_1047 = arith.constant 0 : index
    %get3A_1048 = arith.constant 0 : index
    %get3A_1049 = arith.constant 45 : index
    %get3A_1050 = vector.load %arg2[%get3A_1047, %get3A_1048, %get3A_1049] : memref<1x1024x50xf32, #tpu.memory_space<vmem>>, vector<1x1024x1xf32>
    %get3A_1051 = vector.shape_cast %get3A_1050 : vector<1x1024x1xf32> to vector<1024x1xf32>
    %get3A_1052 = arith.constant 0 : index
    %get3A_1053 = arith.constant 0 : index
    %get3A_1054 = arith.constant 46 : index
    %get3A_1055 = vector.load %arg2[%get3A_1052, %get3A_1053, %get3A_1054] : memref<1x1024x50xf32, #tpu.memory_space<vmem>>, vector<1x1024x1xf32>
    %get3A_1056 = vector.shape_cast %get3A_1055 : vector<1x1024x1xf32> to vector<1024x1xf32>
    %get3A_1057 = arith.constant 0 : index
    %get3A_1058 = arith.constant 0 : index
    %get3A_1059 = arith.constant 47 : index
    %get3A_1060 = vector.load %arg2[%get3A_1057, %get3A_1058, %get3A_1059] : memref<1x1024x50xf32, #tpu.memory_space<vmem>>, vector<1x1024x1xf32>
    %get3A_1061 = vector.shape_cast %get3A_1060 : vector<1x1024x1xf32> to vector<1024x1xf32>
    %get3A_1062 = arith.constant 0 : index
    %get3A_1063 = arith.constant 0 : index
    %get3A_1064 = arith.constant 48 : index
    %get3A_1065 = vector.load %arg2[%get3A_1062, %get3A_1063, %get3A_1064] : memref<1x1024x50xf32, #tpu.memory_space<vmem>>, vector<1x1024x1xf32>
    %get3A_1066 = vector.shape_cast %get3A_1065 : vector<1x1024x1xf32> to vector<1024x1xf32>
    %get3A_1067 = arith.constant 0 : index
    %get3A_1068 = arith.constant 0 : index
    %get3A_1069 = arith.constant 49 : index
    %get3A_1070 = vector.load %arg2[%get3A_1067, %get3A_1068, %get3A_1069] : memref<1x1024x50xf32, #tpu.memory_space<vmem>>, vector<1x1024x1xf32>
    %get3A_1071 = vector.shape_cast %get3A_1070 : vector<1x1024x1xf32> to vector<1024x1xf32>
    %sub3A_1072 = arith.subf %get3A_1036, %get3A_1026 : vector<1x1024xf32>
    %sub3A_1073 = arith.subf %get3A_1041, %get3A_1031 : vector<1x1024xf32>
    %mul3A_1074 = arith.mulf %sub3A_1072, %sub3A_1073 : vector<1x1024xf32>
    %sub3A_1075 = arith.subf %get3A_1061, %get3A_1051 : vector<1024x1xf32>
    %sub3A_1076 = arith.subf %get3A_1066, %get3A_1056 : vector<1024x1xf32>
    %mul3A_1077 = arith.mulf %sub3A_1075, %sub3A_1076 : vector<1024x1xf32>
    %max3A_1078 = vector.broadcast %get3A_1051 : vector<1024x1xf32> to vector<1024x1024xf32>
    %max3A_1079 = vector.broadcast %get3A_1026 : vector<1x1024xf32> to vector<1024x1024xf32>
    %max3A_1080 = arith.maximumf %max3A_1078, %max3A_1079 : vector<1024x1024xf32>
    %max3A_1081 = vector.broadcast %get3A_1056 : vector<1024x1xf32> to vector<1024x1024xf32>
    %max3A_1082 = vector.broadcast %get3A_1031 : vector<1x1024xf32> to vector<1024x1024xf32>
    %max3A_1083 = arith.maximumf %max3A_1081, %max3A_1082 : vector<1024x1024xf32>
    %min3A_1084 = vector.broadcast %get3A_1061 : vector<1024x1xf32> to vector<1024x1024xf32>
    %min3A_1085 = vector.broadcast %get3A_1036 : vector<1x1024xf32> to vector<1024x1024xf32>
    %min3A_1086 = arith.minimumf %min3A_1084, %min3A_1085 : vector<1024x1024xf32>
    %min3A_1087 = vector.broadcast %get3A_1066 : vector<1024x1xf32> to vector<1024x1024xf32>
    %min3A_1088 = vector.broadcast %get3A_1041 : vector<1x1024xf32> to vector<1024x1024xf32>
    %min3A_1089 = arith.minimumf %min3A_1087, %min3A_1088 : vector<1024x1024xf32>
    %sub3A_1090 = arith.subf %min3A_1086, %max3A_1080 : vector<1024x1024xf32>
    %max3A_1091 = arith.constant 0.000000e+00 : f32
    %max3A_1092 = vector.broadcast %max3A_1091 : f32 to vector<1024x1024xf32>
    %max3A_1093 = arith.maximumf %sub3A_1090, %max3A_1092 : vector<1024x1024xf32>
    %sub3A_1094 = arith.subf %min3A_1089, %max3A_1083 : vector<1024x1024xf32>
    %max3A_1095 = arith.constant 0.000000e+00 : f32
    %max3A_1096 = vector.broadcast %max3A_1095 : f32 to vector<1024x1024xf32>
    %max3A_1097 = arith.maximumf %sub3A_1094, %max3A_1096 : vector<1024x1024xf32>
    %mul3A_1098 = arith.mulf %max3A_1093, %max3A_1097 : vector<1024x1024xf32>
    %add3A_1099 = vector.broadcast %mul3A_1077 : vector<1024x1xf32> to vector<1024x1024xf32>
    %add3A_1100 = vector.broadcast %mul3A_1074 : vector<1x1024xf32> to vector<1024x1024xf32>
    %add3A_1101 = arith.addf %add3A_1099, %add3A_1100 : vector<1024x1024xf32>
    %sub3A_1102 = arith.subf %add3A_1101, %mul3A_1098 : vector<1024x1024xf32>
    %add3A_1103 = arith.constant 9.99999993E-9 : f32
    %add3A_1104 = vector.broadcast %add3A_1103 : f32 to vector<1024x1024xf32>
    %add3A_1105 = arith.addf %sub3A_1102, %add3A_1104 : vector<1024x1024xf32>
    %div3A_1106 = arith.divf %mul3A_1098, %add3A_1105 : vector<1024x1024xf32>
    %gt3A_1107 = vector.broadcast %get3A_1071 : vector<1024x1xf32> to vector<1024x1024xf32>
    %gt3A_1108 = vector.broadcast %get3A_1046 : vector<1x1024xf32> to vector<1024x1024xf32>
    %gt3A_1109 = arith.cmpf ogt, %gt3A_1107, %gt3A_1108 : vector<1024x1024xf32>
    %eq3A_1110 = vector.broadcast %get3A_1071 : vector<1024x1xf32> to vector<1024x1024xf32>
    %eq3A_1111 = vector.broadcast %get3A_1046 : vector<1x1024xf32> to vector<1024x1024xf32>
    %eq3A_1112 = arith.cmpf oeq, %eq3A_1110, %eq3A_1111 : vector<1024x1024xf32>
    %lt3A_1113 = arith.cmpi slt, %iota3A, %iota3A_0 : vector<1024x1024xi32>
    %and3A_1114 = arith.andi %eq3A_1112, %lt3A_1113 : vector<1024x1024xi1>
    %or3A_1115 = arith.ori %gt3A_1109, %and3A_1114 : vector<1024x1024xi1>
    %gt3A_1116 = arith.constant 3.000000e-01 : f32
    %gt3A_1117 = vector.broadcast %gt3A_1116 : f32 to vector<1024x1024xf32>
    %gt3A_1118 = arith.cmpf ogt, %div3A_1106, %gt3A_1117 : vector<1024x1024xf32>
    %and3A_1119 = arith.andi %gt3A_1118, %or3A_1115 : vector<1024x1024xi1>
    %lt3A_1120 = arith.constant 1000 : i32
    %lt3A_1121 = vector.broadcast %lt3A_1120 : i32 to vector<1024x1024xi32>
    %lt3A_1122 = arith.cmpi slt, %iota3A, %lt3A_1121 : vector<1024x1024xi32>
    %and3A_1123 = arith.andi %and3A_1119, %lt3A_1122 : vector<1024x1024xi1>
    %lt3A_1124 = arith.constant 1000 : i32
    %lt3A_1125 = vector.broadcast %lt3A_1124 : i32 to vector<1024x1024xi32>
    %lt3A_1126 = arith.cmpi slt, %iota3A_0, %lt3A_1125 : vector<1024x1024xi32>
    %and3A_1127 = arith.andi %and3A_1123, %lt3A_1126 : vector<1024x1024xi1>
    %convert_element_type3A_1128 = arith.extui %and3A_1127 : vector<1024x1024xi1> to vector<1024x1024xi32>
    %convert_element_type3A_1129 = arith.sitofp %convert_element_type3A_1128 : vector<1024x1024xi32> to vector<1024x1024xf32>
    %convert_element_type3A_1130 = arith.truncf %convert_element_type3A_1129 : vector<1024x1024xf32> to vector<1024x1024xbf16>
    %swap3A_1131 = arith.constant 9 : index
    %swap3A_1132 = arith.constant 0 : index
    %swap3A_1133 = arith.constant 0 : index
    %swap3A_1134 = vector.load %arg4[%swap3A_1131, %swap3A_1132, %swap3A_1133] : memref<10x1024x1024xbf16, #tpu.memory_space<vmem>>, vector<1x1024x1024xbf16>
    %swap3A_1135 = vector.shape_cast %swap3A_1134 : vector<1x1024x1024xbf16> to vector<1024x1024xbf16>
    %swap3A_1136 = vector.shape_cast %convert_element_type3A_1130 : vector<1024x1024xbf16> to vector<1x1024x1024xbf16>
    tpu.vector_store %arg4[%swap3A_1131, %swap3A_1132, %swap3A_1133], %swap3A_1136 {strides = array<i32>} : memref<10x1024x1024xbf16, #tpu.memory_space<vmem>>, vector<1x1024x1024xbf16>,
    %iota3A_1137 = tpu.iota {dimensions = array<i32: 1>} : vector<10x1024xi32>
    %lt3A_1138 = arith.constant 1000 : i32
    %lt3A_1139 = vector.broadcast %lt3A_1138 : i32 to vector<10x1024xi32>
    %lt3A_1140 = arith.cmpi slt, %iota3A_1137, %lt3A_1139 : vector<10x1024xi32>
    %convert_element_type3A_1141 = arith.extui %lt3A_1140 : vector<10x1024xi1> to vector<10x1024xi32>
    %convert_element_type3A_1142 = arith.sitofp %convert_element_type3A_1141 : vector<10x1024xi32> to vector<10x1024xf32>
    %broadcast_in_dim3A = arith.constant 0.000000e+00 : f32
    %broadcast_in_dim3A_1143 = vector.broadcast %broadcast_in_dim3A : f32 to vector<10x1024xf32>
    %swap3A_1144 = arith.constant 0 : index
    %swap3A_1145 = arith.constant 0 : index
    %swap3A_1146 = vector.load %arg5[%swap3A_1144, %swap3A_1145] : memref<10x1024xf32, #tpu.memory_space<vmem>>, vector<10x1024xf32>
    tpu.vector_store %arg5[%swap3A_1144, %swap3A_1145], %broadcast_in_dim3A_1143 {strides = array<i32>} : memref<10x1024xf32, #tpu.memory_space<vmem>>, vector<10x1024xf32>,
    %sub3A_1147 = arith.constant 1.000000e+00 : f32
    %sub3A_1148 = vector.broadcast %sub3A_1147 : f32 to vector<10x1024xf32>
    %sub3A_1149 = arith.subf %sub3A_1148, %convert_element_type3A_1142 : vector<10x1024xf32>
    %swap3A_1150 = arith.constant 0 : index
    %swap3A_1151 = arith.constant 0 : index
    %swap3A_1152 = vector.load %arg6[%swap3A_1150, %swap3A_1151] : memref<10x1024xf32, #tpu.memory_space<vmem>>, vector<10x1024xf32>
    tpu.vector_store %arg6[%swap3A_1150, %swap3A_1151], %sub3A_1149 {strides = array<i32>} : memref<10x1024xf32, #tpu.memory_space<vmem>>, vector<10x1024xf32>,
    %swap3A_1153 = arith.constant 0 : index
    %swap3A_1154 = arith.constant 0 : index
    %swap3A_1155 = vector.load %arg7[%swap3A_1153, %swap3A_1154] : memref<10x1024xf32, #tpu.memory_space<vmem>>, vector<10x1024xf32>
    tpu.vector_store %arg7[%swap3A_1153, %swap3A_1154], %convert_element_type3A_1142 {strides = array<i32>} : memref<10x1024xf32, #tpu.memory_space<vmem>>, vector<10x1024xf32>,
    %while3A = arith.constant 1.000000e+00 : f32
    %while3A_1156 = scf.while (%while3A_1165 = %while3A) : (f32) -> f32 {
      %gt3A_1166 = arith.constant 0.000000e+00 : f32
      %gt3A_1167 = arith.cmpf ogt, %while3A_1165, %gt3A_1166 : f32
      scf.condition(%gt3A_1167) %while3A_1165 : f32
    } do {
    ^bb0(%while3A_1165: f32):
      %get3A_1166 = arith.constant 0 : index
      %get3A_1167 = arith.constant 0 : index
      %get3A_1168 = vector.load %arg7[%get3A_1166, %get3A_1167] : memref<10x1024xf32, #tpu.memory_space<vmem>>, vector<1x1024xf32>
      %reduce_sum3A = vector.shape_cast %get3A_1168 : vector<1x1024xf32> to vector<1x1x1024xf32>
      %reduce_sum3A_1169 = arith.constant dense<0.000000e+00> : vector<1xf32>
      %reduce_sum3A_1170 = vector.multi_reduction <add>, %reduce_sum3A, %reduce_sum3A_1169 [1, 2] : vector<1x1x1024xf32> to vector<1xf32>
      %reduce_sum3A_1171 = vector.shape_cast %reduce_sum3A_1170 : vector<1xf32> to vector<1x1x1xf32>
      %reduce_sum3A_1172 = vector.extract %reduce_sum3A_1171[0, 0, 0] : f32 from vector<1x1x1xf32>
      %gt3A_1173 = arith.constant 0.000000e+00 : f32
      %gt3A_1174 = arith.cmpf ogt, %reduce_sum3A_1172, %gt3A_1173 : f32
      %convert_element_type3A_1175 = arith.extui %gt3A_1174 : i1 to i32
      %cond3A = arith.constant 0 : i32
      %cond3A_1176 = arith.cmpi ne, %convert_element_type3A_1175, %cond3A : i32
      scf.if %cond3A_1176 {
        %get3A_1302 = arith.constant 0 : index
        %get3A_1303 = arith.constant 0 : index
        %get3A_1304 = vector.load %arg5[%get3A_1302, %get3A_1303] : memref<10x1024xf32, #tpu.memory_space<vmem>>, vector<1x1024xf32>
        %slice3A = vector.extract_strided_slice %convert_element_type3A_1142 {offsets = [0, 0], sizes = [1, 1024], strides = [1, 1]} : vector<10x1024xf32> to vector<1x1024xf32>
        %get3A_1305 = arith.constant 0 : index
        %get3A_1306 = arith.constant 0 : index
        %get3A_1307 = vector.load %arg6[%get3A_1305, %get3A_1306] : memref<10x1024xf32, #tpu.memory_space<vmem>>, vector<1x1024xf32>
        %sub3A_1308 = arith.subf %slice3A, %get3A_1307 : vector<1x1024xf32>
        %concatenate3A = tpu.concatenate %get3A_1304, %sub3A_1308 in 0 : vector<1x1024xf32>, vector<1x1024xf32> -> vector<2x1024xf32>
        %convert_element_type3A_1309 = arith.truncf %concatenate3A : vector<2x1024xf32> to vector<2x1024xbf16>
        %get3A_1310 = arith.constant 0 : index
        %get3A_1311 = arith.constant 0 : index
        %get3A_1312 = arith.constant 0 : index
        %get3A_1313 = vector.load %arg4[%get3A_1310, %get3A_1311, %get3A_1312] : memref<10x1024x1024xbf16, #tpu.memory_space<vmem>>, vector<1x1024x1024xbf16>
        %get3A_1314 = vector.shape_cast %get3A_1313 : vector<1x1024x1024xbf16> to vector<1024x1024xbf16>
        %dot_general3A = arith.constant dense<0.000000e+00> : vector<2x1024xf32>
        %dot_general3A_1315 = tpu.matmul %convert_element_type3A_1309, %get3A_1314, %dot_general3A {dimension_numbers = #tpu.dot_dimension_numbers<[1], [0], [0], [1], [0, 0, 1, 1], [], []>, transpose_lhs_hint = false} : vector<2x1024xbf16>, vector<1024x1024xbf16>, vector<2x1024xf32> -> vector<2x1024xf32>
        %slice3A_1316 = vector.extract_strided_slice %dot_general3A_1315 {offsets = [0, 0], sizes = [1, 1024], strides = [1, 1]} : vector<2x1024xf32> to vector<1x1024xf32>
        %gt3A_1317 = arith.constant 0.000000e+00 : f32
        %gt3A_1318 = vector.broadcast %gt3A_1317 : f32 to vector<1x1024xf32>
        %gt3A_1319 = arith.cmpf ogt, %slice3A_1316, %gt3A_1318 : vector<1x1024xf32>
        %convert_element_type3A_1320 = arith.extui %gt3A_1319 : vector<1x1024xi1> to vector<1x1024xi32>
        %convert_element_type3A_1321 = arith.sitofp %convert_element_type3A_1320 : vector<1x1024xi32> to vector<1x1024xf32>
        %mul3A_1322 = arith.mulf %get3A_1168, %convert_element_type3A_1321 : vector<1x1024xf32>
        %slice3A_1323 = vector.extract_strided_slice %dot_general3A_1315 {offsets = [1, 0], sizes = [1, 1024], strides = [1, 1]} : vector<2x1024xf32> to vector<1x1024xf32>
        %eq3A_1324 = arith.constant 0.000000e+00 : f32
        %eq3A_1325 = vector.broadcast %eq3A_1324 : f32 to vector<1x1024xf32>
        %eq3A_1326 = arith.cmpf oeq, %slice3A_1323, %eq3A_1325 : vector<1x1024xf32>
        %convert_element_type3A_1327 = arith.extui %eq3A_1326 : vector<1x1024xi1> to vector<1x1024xi32>
        %convert_element_type3A_1328 = arith.sitofp %convert_element_type3A_1327 : vector<1x1024xi32> to vector<1x1024xf32>
        %mul3A_1329 = arith.mulf %get3A_1168, %convert_element_type3A_1328 : vector<1x1024xf32>
        %add3A_1330 = arith.addf %get3A_1304, %mul3A_1329 : vector<1x1024xf32>
        %swap3A_1331 = arith.constant 0 : index
        %swap3A_1332 = arith.constant 0 : index
        %swap3A_1333 = vector.load %arg5[%swap3A_1331, %swap3A_1332] : memref<10x1024xf32, #tpu.memory_space<vmem>>, vector<1x1024xf32>
        tpu.vector_store %arg5[%swap3A_1331, %swap3A_1332], %add3A_1330 {strides = array<i32>} : memref<10x1024xf32, #tpu.memory_space<vmem>>, vector<1x1024xf32>,
        %get3A_1334 = arith.constant 0 : index
        %get3A_1335 = arith.constant 0 : index
        %get3A_1336 = vector.load %arg6[%get3A_1334, %get3A_1335] : memref<10x1024xf32, #tpu.memory_space<vmem>>, vector<1x1024xf32>
        %add3A_1337 = arith.addf %get3A_1336, %mul3A_1322 : vector<1x1024xf32>
        %swap3A_1338 = arith.constant 0 : index
        %swap3A_1339 = arith.constant 0 : index
        %swap3A_1340 = vector.load %arg6[%swap3A_1338, %swap3A_1339] : memref<10x1024xf32, #tpu.memory_space<vmem>>, vector<1x1024xf32>
        tpu.vector_store %arg6[%swap3A_1338, %swap3A_1339], %add3A_1337 {strides = array<i32>} : memref<10x1024xf32, #tpu.memory_space<vmem>>, vector<1x1024xf32>,
        %sub3A_1341 = arith.subf %get3A_1168, %mul3A_1329 : vector<1x1024xf32>
        %sub3A_1342 = arith.subf %sub3A_1341, %mul3A_1322 : vector<1x1024xf32>
        %swap3A_1343 = arith.constant 0 : index
        %swap3A_1344 = arith.constant 0 : index
        %swap3A_1345 = vector.load %arg7[%swap3A_1343, %swap3A_1344] : memref<10x1024xf32, #tpu.memory_space<vmem>>, vector<1x1024xf32>
        tpu.vector_store %arg7[%swap3A_1343, %swap3A_1344], %sub3A_1342 {strides = array<i32>} : memref<10x1024xf32, #tpu.memory_space<vmem>>, vector<1x1024xf32>,
      } else {
      }
      %get3A_1177 = arith.constant 1 : index
      %get3A_1178 = arith.constant 0 : index
      %get3A_1179 = vector.load %arg7[%get3A_1177, %get3A_1178] : memref<10x1024xf32, #tpu.memory_space<vmem>>, vector<1x1024xf32>
      %reduce_sum3A_1180 = vector.shape_cast %get3A_1179 : vector<1x1024xf32> to vector<1x1x1024xf32>
      %reduce_sum3A_1181 = arith.constant dense<0.000000e+00> : vector<1xf32>
      %reduce_sum3A_1182 = vector.multi_reduction <add>, %reduce_sum3A_1180, %reduce_sum3A_1181 [1, 2] : vector<1x1x1024xf32> to vector<1xf32>
      %reduce_sum3A_1183 = vector.shape_cast %reduce_sum3A_1182 : vector<1xf32> to vector<1x1x1xf32>
      %reduce_sum3A_1184 = vector.extract %reduce_sum3A_1183[0, 0, 0] : f32 from vector<1x1x1xf32>
      %gt3A_1185 = arith.constant 0.000000e+00 : f32
      %gt3A_1186 = arith.cmpf ogt, %reduce_sum3A_1184, %gt3A_1185 : f32
      %convert_element_type3A_1187 = arith.extui %gt3A_1186 : i1 to i32
      %cond3A_1188 = arith.constant 0 : i32
      %cond3A_1189 = arith.cmpi ne, %convert_element_type3A_1187, %cond3A_1188 : i32
      scf.if %cond3A_1189 {
        %get3A_1302 = arith.constant 1 : index
        %get3A_1303 = arith.constant 0 : index
        %get3A_1304 = vector.load %arg5[%get3A_1302, %get3A_1303] : memref<10x1024xf32, #tpu.memory_space<vmem>>, vector<1x1024xf32>
        %slice3A = vector.extract_strided_slice %convert_element_type3A_1142 {offsets = [1, 0], sizes = [1, 1024], strides = [1, 1]} : vector<10x1024xf32> to vector<1x1024xf32>
        %get3A_1305 = arith.constant 1 : index
        %get3A_1306 = arith.constant 0 : index
        %get3A_1307 = vector.load %arg6[%get3A_1305, %get3A_1306] : memref<10x1024xf32, #tpu.memory_space<vmem>>, vector<1x1024xf32>
        %sub3A_1308 = arith.subf %slice3A, %get3A_1307 : vector<1x1024xf32>
        %concatenate3A = tpu.concatenate %get3A_1304, %sub3A_1308 in 0 : vector<1x1024xf32>, vector<1x1024xf32> -> vector<2x1024xf32>
        %convert_element_type3A_1309 = arith.truncf %concatenate3A : vector<2x1024xf32> to vector<2x1024xbf16>
        %get3A_1310 = arith.constant 1 : index
        %get3A_1311 = arith.constant 0 : index
        %get3A_1312 = arith.constant 0 : index
        %get3A_1313 = vector.load %arg4[%get3A_1310, %get3A_1311, %get3A_1312] : memref<10x1024x1024xbf16, #tpu.memory_space<vmem>>, vector<1x1024x1024xbf16>
        %get3A_1314 = vector.shape_cast %get3A_1313 : vector<1x1024x1024xbf16> to vector<1024x1024xbf16>
        %dot_general3A = arith.constant dense<0.000000e+00> : vector<2x1024xf32>
        %dot_general3A_1315 = tpu.matmul %convert_element_type3A_1309, %get3A_1314, %dot_general3A {dimension_numbers = #tpu.dot_dimension_numbers<[1], [0], [0], [1], [0, 0, 1, 1], [], []>, transpose_lhs_hint = false} : vector<2x1024xbf16>, vector<1024x1024xbf16>, vector<2x1024xf32> -> vector<2x1024xf32>
        %slice3A_1316 = vector.extract_strided_slice %dot_general3A_1315 {offsets = [0, 0], sizes = [1, 1024], strides = [1, 1]} : vector<2x1024xf32> to vector<1x1024xf32>
        %gt3A_1317 = arith.constant 0.000000e+00 : f32
        %gt3A_1318 = vector.broadcast %gt3A_1317 : f32 to vector<1x1024xf32>
        %gt3A_1319 = arith.cmpf ogt, %slice3A_1316, %gt3A_1318 : vector<1x1024xf32>
        %convert_element_type3A_1320 = arith.extui %gt3A_1319 : vector<1x1024xi1> to vector<1x1024xi32>
        %convert_element_type3A_1321 = arith.sitofp %convert_element_type3A_1320 : vector<1x1024xi32> to vector<1x1024xf32>
        %mul3A_1322 = arith.mulf %get3A_1179, %convert_element_type3A_1321 : vector<1x1024xf32>
        %slice3A_1323 = vector.extract_strided_slice %dot_general3A_1315 {offsets = [1, 0], sizes = [1, 1024], strides = [1, 1]} : vector<2x1024xf32> to vector<1x1024xf32>
        %eq3A_1324 = arith.constant 0.000000e+00 : f32
        %eq3A_1325 = vector.broadcast %eq3A_1324 : f32 to vector<1x1024xf32>
        %eq3A_1326 = arith.cmpf oeq, %slice3A_1323, %eq3A_1325 : vector<1x1024xf32>
        %convert_element_type3A_1327 = arith.extui %eq3A_1326 : vector<1x1024xi1> to vector<1x1024xi32>
        %convert_element_type3A_1328 = arith.sitofp %convert_element_type3A_1327 : vector<1x1024xi32> to vector<1x1024xf32>
        %mul3A_1329 = arith.mulf %get3A_1179, %convert_element_type3A_1328 : vector<1x1024xf32>
        %add3A_1330 = arith.addf %get3A_1304, %mul3A_1329 : vector<1x1024xf32>
        %swap3A_1331 = arith.constant 1 : index
        %swap3A_1332 = arith.constant 0 : index
        %swap3A_1333 = vector.load %arg5[%swap3A_1331, %swap3A_1332] : memref<10x1024xf32, #tpu.memory_space<vmem>>, vector<1x1024xf32>
        tpu.vector_store %arg5[%swap3A_1331, %swap3A_1332], %add3A_1330 {strides = array<i32>} : memref<10x1024xf32, #tpu.memory_space<vmem>>, vector<1x1024xf32>,
        %get3A_1334 = arith.constant 1 : index
        %get3A_1335 = arith.constant 0 : index
        %get3A_1336 = vector.load %arg6[%get3A_1334, %get3A_1335] : memref<10x1024xf32, #tpu.memory_space<vmem>>, vector<1x1024xf32>
        %add3A_1337 = arith.addf %get3A_1336, %mul3A_1322 : vector<1x1024xf32>
        %swap3A_1338 = arith.constant 1 : index
        %swap3A_1339 = arith.constant 0 : index
        %swap3A_1340 = vector.load %arg6[%swap3A_1338, %swap3A_1339] : memref<10x1024xf32, #tpu.memory_space<vmem>>, vector<1x1024xf32>
        tpu.vector_store %arg6[%swap3A_1338, %swap3A_1339], %add3A_1337 {strides = array<i32>} : memref<10x1024xf32, #tpu.memory_space<vmem>>, vector<1x1024xf32>,
        %sub3A_1341 = arith.subf %get3A_1179, %mul3A_1329 : vector<1x1024xf32>
        %sub3A_1342 = arith.subf %sub3A_1341, %mul3A_1322 : vector<1x1024xf32>
        %swap3A_1343 = arith.constant 1 : index
        %swap3A_1344 = arith.constant 0 : index
        %swap3A_1345 = vector.load %arg7[%swap3A_1343, %swap3A_1344] : memref<10x1024xf32, #tpu.memory_space<vmem>>, vector<1x1024xf32>
        tpu.vector_store %arg7[%swap3A_1343, %swap3A_1344], %sub3A_1342 {strides = array<i32>} : memref<10x1024xf32, #tpu.memory_space<vmem>>, vector<1x1024xf32>,
      } else {
      }
      %get3A_1190 = arith.constant 2 : index
      %get3A_1191 = arith.constant 0 : index
      %get3A_1192 = vector.load %arg7[%get3A_1190, %get3A_1191] : memref<10x1024xf32, #tpu.memory_space<vmem>>, vector<1x1024xf32>
      %reduce_sum3A_1193 = vector.shape_cast %get3A_1192 : vector<1x1024xf32> to vector<1x1x1024xf32>
      %reduce_sum3A_1194 = arith.constant dense<0.000000e+00> : vector<1xf32>
      %reduce_sum3A_1195 = vector.multi_reduction <add>, %reduce_sum3A_1193, %reduce_sum3A_1194 [1, 2] : vector<1x1x1024xf32> to vector<1xf32>
      %reduce_sum3A_1196 = vector.shape_cast %reduce_sum3A_1195 : vector<1xf32> to vector<1x1x1xf32>
      %reduce_sum3A_1197 = vector.extract %reduce_sum3A_1196[0, 0, 0] : f32 from vector<1x1x1xf32>
      %gt3A_1198 = arith.constant 0.000000e+00 : f32
      %gt3A_1199 = arith.cmpf ogt, %reduce_sum3A_1197, %gt3A_1198 : f32
      %convert_element_type3A_1200 = arith.extui %gt3A_1199 : i1 to i32
      %cond3A_1201 = arith.constant 0 : i32
      %cond3A_1202 = arith.cmpi ne, %convert_element_type3A_1200, %cond3A_1201 : i32
      scf.if %cond3A_1202 {
        %get3A_1302 = arith.constant 2 : index
        %get3A_1303 = arith.constant 0 : index
        %get3A_1304 = vector.load %arg5[%get3A_1302, %get3A_1303] : memref<10x1024xf32, #tpu.memory_space<vmem>>, vector<1x1024xf32>
        %slice3A = vector.extract_strided_slice %convert_element_type3A_1142 {offsets = [2, 0], sizes = [1, 1024], strides = [1, 1]} : vector<10x1024xf32> to vector<1x1024xf32>
        %get3A_1305 = arith.constant 2 : index
        %get3A_1306 = arith.constant 0 : index
        %get3A_1307 = vector.load %arg6[%get3A_1305, %get3A_1306] : memref<10x1024xf32, #tpu.memory_space<vmem>>, vector<1x1024xf32>
        %sub3A_1308 = arith.subf %slice3A, %get3A_1307 : vector<1x1024xf32>
        %concatenate3A = tpu.concatenate %get3A_1304, %sub3A_1308 in 0 : vector<1x1024xf32>, vector<1x1024xf32> -> vector<2x1024xf32>
        %convert_element_type3A_1309 = arith.truncf %concatenate3A : vector<2x1024xf32> to vector<2x1024xbf16>
        %get3A_1310 = arith.constant 2 : index
        %get3A_1311 = arith.constant 0 : index
        %get3A_1312 = arith.constant 0 : index
        %get3A_1313 = vector.load %arg4[%get3A_1310, %get3A_1311, %get3A_1312] : memref<10x1024x1024xbf16, #tpu.memory_space<vmem>>, vector<1x1024x1024xbf16>
        %get3A_1314 = vector.shape_cast %get3A_1313 : vector<1x1024x1024xbf16> to vector<1024x1024xbf16>
        %dot_general3A = arith.constant dense<0.000000e+00> : vector<2x1024xf32>
        %dot_general3A_1315 = tpu.matmul %convert_element_type3A_1309, %get3A_1314, %dot_general3A {dimension_numbers = #tpu.dot_dimension_numbers<[1], [0], [0], [1], [0, 0, 1, 1], [], []>, transpose_lhs_hint = false} : vector<2x1024xbf16>, vector<1024x1024xbf16>, vector<2x1024xf32> -> vector<2x1024xf32>
        %slice3A_1316 = vector.extract_strided_slice %dot_general3A_1315 {offsets = [0, 0], sizes = [1, 1024], strides = [1, 1]} : vector<2x1024xf32> to vector<1x1024xf32>
        %gt3A_1317 = arith.constant 0.000000e+00 : f32
        %gt3A_1318 = vector.broadcast %gt3A_1317 : f32 to vector<1x1024xf32>
        %gt3A_1319 = arith.cmpf ogt, %slice3A_1316, %gt3A_1318 : vector<1x1024xf32>
        %convert_element_type3A_1320 = arith.extui %gt3A_1319 : vector<1x1024xi1> to vector<1x1024xi32>
        %convert_element_type3A_1321 = arith.sitofp %convert_element_type3A_1320 : vector<1x1024xi32> to vector<1x1024xf32>
        %mul3A_1322 = arith.mulf %get3A_1192, %convert_element_type3A_1321 : vector<1x1024xf32>
        %slice3A_1323 = vector.extract_strided_slice %dot_general3A_1315 {offsets = [1, 0], sizes = [1, 1024], strides = [1, 1]} : vector<2x1024xf32> to vector<1x1024xf32>
        %eq3A_1324 = arith.constant 0.000000e+00 : f32
        %eq3A_1325 = vector.broadcast %eq3A_1324 : f32 to vector<1x1024xf32>
        %eq3A_1326 = arith.cmpf oeq, %slice3A_1323, %eq3A_1325 : vector<1x1024xf32>
        %convert_element_type3A_1327 = arith.extui %eq3A_1326 : vector<1x1024xi1> to vector<1x1024xi32>
        %convert_element_type3A_1328 = arith.sitofp %convert_element_type3A_1327 : vector<1x1024xi32> to vector<1x1024xf32>
        %mul3A_1329 = arith.mulf %get3A_1192, %convert_element_type3A_1328 : vector<1x1024xf32>
        %add3A_1330 = arith.addf %get3A_1304, %mul3A_1329 : vector<1x1024xf32>
        %swap3A_1331 = arith.constant 2 : index
        %swap3A_1332 = arith.constant 0 : index
        %swap3A_1333 = vector.load %arg5[%swap3A_1331, %swap3A_1332] : memref<10x1024xf32, #tpu.memory_space<vmem>>, vector<1x1024xf32>
        tpu.vector_store %arg5[%swap3A_1331, %swap3A_1332], %add3A_1330 {strides = array<i32>} : memref<10x1024xf32, #tpu.memory_space<vmem>>, vector<1x1024xf32>,
        %get3A_1334 = arith.constant 2 : index
        %get3A_1335 = arith.constant 0 : index
        %get3A_1336 = vector.load %arg6[%get3A_1334, %get3A_1335] : memref<10x1024xf32, #tpu.memory_space<vmem>>, vector<1x1024xf32>
        %add3A_1337 = arith.addf %get3A_1336, %mul3A_1322 : vector<1x1024xf32>
        %swap3A_1338 = arith.constant 2 : index
        %swap3A_1339 = arith.constant 0 : index
        %swap3A_1340 = vector.load %arg6[%swap3A_1338, %swap3A_1339] : memref<10x1024xf32, #tpu.memory_space<vmem>>, vector<1x1024xf32>
        tpu.vector_store %arg6[%swap3A_1338, %swap3A_1339], %add3A_1337 {strides = array<i32>} : memref<10x1024xf32, #tpu.memory_space<vmem>>, vector<1x1024xf32>,
        %sub3A_1341 = arith.subf %get3A_1192, %mul3A_1329 : vector<1x1024xf32>
        %sub3A_1342 = arith.subf %sub3A_1341, %mul3A_1322 : vector<1x1024xf32>
        %swap3A_1343 = arith.constant 2 : index
        %swap3A_1344 = arith.constant 0 : index
        %swap3A_1345 = vector.load %arg7[%swap3A_1343, %swap3A_1344] : memref<10x1024xf32, #tpu.memory_space<vmem>>, vector<1x1024xf32>
        tpu.vector_store %arg7[%swap3A_1343, %swap3A_1344], %sub3A_1342 {strides = array<i32>} : memref<10x1024xf32, #tpu.memory_space<vmem>>, vector<1x1024xf32>,
      } else {
      }
      %get3A_1203 = arith.constant 3 : index
      %get3A_1204 = arith.constant 0 : index
      %get3A_1205 = vector.load %arg7[%get3A_1203, %get3A_1204] : memref<10x1024xf32, #tpu.memory_space<vmem>>, vector<1x1024xf32>
      %reduce_sum3A_1206 = vector.shape_cast %get3A_1205 : vector<1x1024xf32> to vector<1x1x1024xf32>
      %reduce_sum3A_1207 = arith.constant dense<0.000000e+00> : vector<1xf32>
      %reduce_sum3A_1208 = vector.multi_reduction <add>, %reduce_sum3A_1206, %reduce_sum3A_1207 [1, 2] : vector<1x1x1024xf32> to vector<1xf32>
      %reduce_sum3A_1209 = vector.shape_cast %reduce_sum3A_1208 : vector<1xf32> to vector<1x1x1xf32>
      %reduce_sum3A_1210 = vector.extract %reduce_sum3A_1209[0, 0, 0] : f32 from vector<1x1x1xf32>
      %gt3A_1211 = arith.constant 0.000000e+00 : f32
      %gt3A_1212 = arith.cmpf ogt, %reduce_sum3A_1210, %gt3A_1211 : f32
      %convert_element_type3A_1213 = arith.extui %gt3A_1212 : i1 to i32
      %cond3A_1214 = arith.constant 0 : i32
      %cond3A_1215 = arith.cmpi ne, %convert_element_type3A_1213, %cond3A_1214 : i32
      scf.if %cond3A_1215 {
        %get3A_1302 = arith.constant 3 : index
        %get3A_1303 = arith.constant 0 : index
        %get3A_1304 = vector.load %arg5[%get3A_1302, %get3A_1303] : memref<10x1024xf32, #tpu.memory_space<vmem>>, vector<1x1024xf32>
        %slice3A = vector.extract_strided_slice %convert_element_type3A_1142 {offsets = [3, 0], sizes = [1, 1024], strides = [1, 1]} : vector<10x1024xf32> to vector<1x1024xf32>
        %get3A_1305 = arith.constant 3 : index
        %get3A_1306 = arith.constant 0 : index
        %get3A_1307 = vector.load %arg6[%get3A_1305, %get3A_1306] : memref<10x1024xf32, #tpu.memory_space<vmem>>, vector<1x1024xf32>
        %sub3A_1308 = arith.subf %slice3A, %get3A_1307 : vector<1x1024xf32>
        %concatenate3A = tpu.concatenate %get3A_1304, %sub3A_1308 in 0 : vector<1x1024xf32>, vector<1x1024xf32> -> vector<2x1024xf32>
        %convert_element_type3A_1309 = arith.truncf %concatenate3A : vector<2x1024xf32> to vector<2x1024xbf16>
        %get3A_1310 = arith.constant 3 : index
        %get3A_1311 = arith.constant 0 : index
        %get3A_1312 = arith.constant 0 : index
        %get3A_1313 = vector.load %arg4[%get3A_1310, %get3A_1311, %get3A_1312] : memref<10x1024x1024xbf16, #tpu.memory_space<vmem>>, vector<1x1024x1024xbf16>
        %get3A_1314 = vector.shape_cast %get3A_1313 : vector<1x1024x1024xbf16> to vector<1024x1024xbf16>
        %dot_general3A = arith.constant dense<0.000000e+00> : vector<2x1024xf32>
        %dot_general3A_1315 = tpu.matmul %convert_element_type3A_1309, %get3A_1314, %dot_general3A {dimension_numbers = #tpu.dot_dimension_numbers<[1], [0], [0], [1], [0, 0, 1, 1], [], []>, transpose_lhs_hint = false} : vector<2x1024xbf16>, vector<1024x1024xbf16>, vector<2x1024xf32> -> vector<2x1024xf32>
        %slice3A_1316 = vector.extract_strided_slice %dot_general3A_1315 {offsets = [0, 0], sizes = [1, 1024], strides = [1, 1]} : vector<2x1024xf32> to vector<1x1024xf32>
        %gt3A_1317 = arith.constant 0.000000e+00 : f32
        %gt3A_1318 = vector.broadcast %gt3A_1317 : f32 to vector<1x1024xf32>
        %gt3A_1319 = arith.cmpf ogt, %slice3A_1316, %gt3A_1318 : vector<1x1024xf32>
        %convert_element_type3A_1320 = arith.extui %gt3A_1319 : vector<1x1024xi1> to vector<1x1024xi32>
        %convert_element_type3A_1321 = arith.sitofp %convert_element_type3A_1320 : vector<1x1024xi32> to vector<1x1024xf32>
        %mul3A_1322 = arith.mulf %get3A_1205, %convert_element_type3A_1321 : vector<1x1024xf32>
        %slice3A_1323 = vector.extract_strided_slice %dot_general3A_1315 {offsets = [1, 0], sizes = [1, 1024], strides = [1, 1]} : vector<2x1024xf32> to vector<1x1024xf32>
        %eq3A_1324 = arith.constant 0.000000e+00 : f32
        %eq3A_1325 = vector.broadcast %eq3A_1324 : f32 to vector<1x1024xf32>
        %eq3A_1326 = arith.cmpf oeq, %slice3A_1323, %eq3A_1325 : vector<1x1024xf32>
        %convert_element_type3A_1327 = arith.extui %eq3A_1326 : vector<1x1024xi1> to vector<1x1024xi32>
        %convert_element_type3A_1328 = arith.sitofp %convert_element_type3A_1327 : vector<1x1024xi32> to vector<1x1024xf32>
        %mul3A_1329 = arith.mulf %get3A_1205, %convert_element_type3A_1328 : vector<1x1024xf32>
        %add3A_1330 = arith.addf %get3A_1304, %mul3A_1329 : vector<1x1024xf32>
        %swap3A_1331 = arith.constant 3 : index
        %swap3A_1332 = arith.constant 0 : index
        %swap3A_1333 = vector.load %arg5[%swap3A_1331, %swap3A_1332] : memref<10x1024xf32, #tpu.memory_space<vmem>>, vector<1x1024xf32>
        tpu.vector_store %arg5[%swap3A_1331, %swap3A_1332], %add3A_1330 {strides = array<i32>} : memref<10x1024xf32, #tpu.memory_space<vmem>>, vector<1x1024xf32>,
        %get3A_1334 = arith.constant 3 : index
        %get3A_1335 = arith.constant 0 : index
        %get3A_1336 = vector.load %arg6[%get3A_1334, %get3A_1335] : memref<10x1024xf32, #tpu.memory_space<vmem>>, vector<1x1024xf32>
        %add3A_1337 = arith.addf %get3A_1336, %mul3A_1322 : vector<1x1024xf32>
        %swap3A_1338 = arith.constant 3 : index
        %swap3A_1339 = arith.constant 0 : index
        %swap3A_1340 = vector.load %arg6[%swap3A_1338, %swap3A_1339] : memref<10x1024xf32, #tpu.memory_space<vmem>>, vector<1x1024xf32>
        tpu.vector_store %arg6[%swap3A_1338, %swap3A_1339], %add3A_1337 {strides = array<i32>} : memref<10x1024xf32, #tpu.memory_space<vmem>>, vector<1x1024xf32>,
        %sub3A_1341 = arith.subf %get3A_1205, %mul3A_1329 : vector<1x1024xf32>
        %sub3A_1342 = arith.subf %sub3A_1341, %mul3A_1322 : vector<1x1024xf32>
        %swap3A_1343 = arith.constant 3 : index
        %swap3A_1344 = arith.constant 0 : index
        %swap3A_1345 = vector.load %arg7[%swap3A_1343, %swap3A_1344] : memref<10x1024xf32, #tpu.memory_space<vmem>>, vector<1x1024xf32>
        tpu.vector_store %arg7[%swap3A_1343, %swap3A_1344], %sub3A_1342 {strides = array<i32>} : memref<10x1024xf32, #tpu.memory_space<vmem>>, vector<1x1024xf32>,
      } else {
      }
      %get3A_1216 = arith.constant 4 : index
      %get3A_1217 = arith.constant 0 : index
      %get3A_1218 = vector.load %arg7[%get3A_1216, %get3A_1217] : memref<10x1024xf32, #tpu.memory_space<vmem>>, vector<1x1024xf32>
      %reduce_sum3A_1219 = vector.shape_cast %get3A_1218 : vector<1x1024xf32> to vector<1x1x1024xf32>
      %reduce_sum3A_1220 = arith.constant dense<0.000000e+00> : vector<1xf32>
      %reduce_sum3A_1221 = vector.multi_reduction <add>, %reduce_sum3A_1219, %reduce_sum3A_1220 [1, 2] : vector<1x1x1024xf32> to vector<1xf32>
      %reduce_sum3A_1222 = vector.shape_cast %reduce_sum3A_1221 : vector<1xf32> to vector<1x1x1xf32>
      %reduce_sum3A_1223 = vector.extract %reduce_sum3A_1222[0, 0, 0] : f32 from vector<1x1x1xf32>
      %gt3A_1224 = arith.constant 0.000000e+00 : f32
      %gt3A_1225 = arith.cmpf ogt, %reduce_sum3A_1223, %gt3A_1224 : f32
      %convert_element_type3A_1226 = arith.extui %gt3A_1225 : i1 to i32
      %cond3A_1227 = arith.constant 0 : i32
      %cond3A_1228 = arith.cmpi ne, %convert_element_type3A_1226, %cond3A_1227 : i32
      scf.if %cond3A_1228 {
        %get3A_1302 = arith.constant 4 : index
        %get3A_1303 = arith.constant 0 : index
        %get3A_1304 = vector.load %arg5[%get3A_1302, %get3A_1303] : memref<10x1024xf32, #tpu.memory_space<vmem>>, vector<1x1024xf32>
        %slice3A = vector.extract_strided_slice %convert_element_type3A_1142 {offsets = [4, 0], sizes = [1, 1024], strides = [1, 1]} : vector<10x1024xf32> to vector<1x1024xf32>
        %get3A_1305 = arith.constant 4 : index
        %get3A_1306 = arith.constant 0 : index
        %get3A_1307 = vector.load %arg6[%get3A_1305, %get3A_1306] : memref<10x1024xf32, #tpu.memory_space<vmem>>, vector<1x1024xf32>
        %sub3A_1308 = arith.subf %slice3A, %get3A_1307 : vector<1x1024xf32>
        %concatenate3A = tpu.concatenate %get3A_1304, %sub3A_1308 in 0 : vector<1x1024xf32>, vector<1x1024xf32> -> vector<2x1024xf32>
        %convert_element_type3A_1309 = arith.truncf %concatenate3A : vector<2x1024xf32> to vector<2x1024xbf16>
        %get3A_1310 = arith.constant 4 : index
        %get3A_1311 = arith.constant 0 : index
        %get3A_1312 = arith.constant 0 : index
        %get3A_1313 = vector.load %arg4[%get3A_1310, %get3A_1311, %get3A_1312] : memref<10x1024x1024xbf16, #tpu.memory_space<vmem>>, vector<1x1024x1024xbf16>
        %get3A_1314 = vector.shape_cast %get3A_1313 : vector<1x1024x1024xbf16> to vector<1024x1024xbf16>
        %dot_general3A = arith.constant dense<0.000000e+00> : vector<2x1024xf32>
        %dot_general3A_1315 = tpu.matmul %convert_element_type3A_1309, %get3A_1314, %dot_general3A {dimension_numbers = #tpu.dot_dimension_numbers<[1], [0], [0], [1], [0, 0, 1, 1], [], []>, transpose_lhs_hint = false} : vector<2x1024xbf16>, vector<1024x1024xbf16>, vector<2x1024xf32> -> vector<2x1024xf32>
        %slice3A_1316 = vector.extract_strided_slice %dot_general3A_1315 {offsets = [0, 0], sizes = [1, 1024], strides = [1, 1]} : vector<2x1024xf32> to vector<1x1024xf32>
        %gt3A_1317 = arith.constant 0.000000e+00 : f32
        %gt3A_1318 = vector.broadcast %gt3A_1317 : f32 to vector<1x1024xf32>
        %gt3A_1319 = arith.cmpf ogt, %slice3A_1316, %gt3A_1318 : vector<1x1024xf32>
        %convert_element_type3A_1320 = arith.extui %gt3A_1319 : vector<1x1024xi1> to vector<1x1024xi32>
        %convert_element_type3A_1321 = arith.sitofp %convert_element_type3A_1320 : vector<1x1024xi32> to vector<1x1024xf32>
        %mul3A_1322 = arith.mulf %get3A_1218, %convert_element_type3A_1321 : vector<1x1024xf32>
        %slice3A_1323 = vector.extract_strided_slice %dot_general3A_1315 {offsets = [1, 0], sizes = [1, 1024], strides = [1, 1]} : vector<2x1024xf32> to vector<1x1024xf32>
        %eq3A_1324 = arith.constant 0.000000e+00 : f32
        %eq3A_1325 = vector.broadcast %eq3A_1324 : f32 to vector<1x1024xf32>
        %eq3A_1326 = arith.cmpf oeq, %slice3A_1323, %eq3A_1325 : vector<1x1024xf32>
        %convert_element_type3A_1327 = arith.extui %eq3A_1326 : vector<1x1024xi1> to vector<1x1024xi32>
        %convert_element_type3A_1328 = arith.sitofp %convert_element_type3A_1327 : vector<1x1024xi32> to vector<1x1024xf32>
        %mul3A_1329 = arith.mulf %get3A_1218, %convert_element_type3A_1328 : vector<1x1024xf32>
        %add3A_1330 = arith.addf %get3A_1304, %mul3A_1329 : vector<1x1024xf32>
        %swap3A_1331 = arith.constant 4 : index
        %swap3A_1332 = arith.constant 0 : index
        %swap3A_1333 = vector.load %arg5[%swap3A_1331, %swap3A_1332] : memref<10x1024xf32, #tpu.memory_space<vmem>>, vector<1x1024xf32>
        tpu.vector_store %arg5[%swap3A_1331, %swap3A_1332], %add3A_1330 {strides = array<i32>} : memref<10x1024xf32, #tpu.memory_space<vmem>>, vector<1x1024xf32>,
        %get3A_1334 = arith.constant 4 : index
        %get3A_1335 = arith.constant 0 : index
        %get3A_1336 = vector.load %arg6[%get3A_1334, %get3A_1335] : memref<10x1024xf32, #tpu.memory_space<vmem>>, vector<1x1024xf32>
        %add3A_1337 = arith.addf %get3A_1336, %mul3A_1322 : vector<1x1024xf32>
        %swap3A_1338 = arith.constant 4 : index
        %swap3A_1339 = arith.constant 0 : index
        %swap3A_1340 = vector.load %arg6[%swap3A_1338, %swap3A_1339] : memref<10x1024xf32, #tpu.memory_space<vmem>>, vector<1x1024xf32>
        tpu.vector_store %arg6[%swap3A_1338, %swap3A_1339], %add3A_1337 {strides = array<i32>} : memref<10x1024xf32, #tpu.memory_space<vmem>>, vector<1x1024xf32>,
        %sub3A_1341 = arith.subf %get3A_1218, %mul3A_1329 : vector<1x1024xf32>
        %sub3A_1342 = arith.subf %sub3A_1341, %mul3A_1322 : vector<1x1024xf32>
        %swap3A_1343 = arith.constant 4 : index
        %swap3A_1344 = arith.constant 0 : index
        %swap3A_1345 = vector.load %arg7[%swap3A_1343, %swap3A_1344] : memref<10x1024xf32, #tpu.memory_space<vmem>>, vector<1x1024xf32>
        tpu.vector_store %arg7[%swap3A_1343, %swap3A_1344], %sub3A_1342 {strides = array<i32>} : memref<10x1024xf32, #tpu.memory_space<vmem>>, vector<1x1024xf32>,
      } else {
      }
      %get3A_1229 = arith.constant 5 : index
      %get3A_1230 = arith.constant 0 : index
      %get3A_1231 = vector.load %arg7[%get3A_1229, %get3A_1230] : memref<10x1024xf32, #tpu.memory_space<vmem>>, vector<1x1024xf32>
      %reduce_sum3A_1232 = vector.shape_cast %get3A_1231 : vector<1x1024xf32> to vector<1x1x1024xf32>
      %reduce_sum3A_1233 = arith.constant dense<0.000000e+00> : vector<1xf32>
      %reduce_sum3A_1234 = vector.multi_reduction <add>, %reduce_sum3A_1232, %reduce_sum3A_1233 [1, 2] : vector<1x1x1024xf32> to vector<1xf32>
      %reduce_sum3A_1235 = vector.shape_cast %reduce_sum3A_1234 : vector<1xf32> to vector<1x1x1xf32>
      %reduce_sum3A_1236 = vector.extract %reduce_sum3A_1235[0, 0, 0] : f32 from vector<1x1x1xf32>
      %gt3A_1237 = arith.constant 0.000000e+00 : f32
      %gt3A_1238 = arith.cmpf ogt, %reduce_sum3A_1236, %gt3A_1237 : f32
      %convert_element_type3A_1239 = arith.extui %gt3A_1238 : i1 to i32
      %cond3A_1240 = arith.constant 0 : i32
      %cond3A_1241 = arith.cmpi ne, %convert_element_type3A_1239, %cond3A_1240 : i32
      scf.if %cond3A_1241 {
        %get3A_1302 = arith.constant 5 : index
        %get3A_1303 = arith.constant 0 : index
        %get3A_1304 = vector.load %arg5[%get3A_1302, %get3A_1303] : memref<10x1024xf32, #tpu.memory_space<vmem>>, vector<1x1024xf32>
        %slice3A = vector.extract_strided_slice %convert_element_type3A_1142 {offsets = [5, 0], sizes = [1, 1024], strides = [1, 1]} : vector<10x1024xf32> to vector<1x1024xf32>
        %get3A_1305 = arith.constant 5 : index
        %get3A_1306 = arith.constant 0 : index
        %get3A_1307 = vector.load %arg6[%get3A_1305, %get3A_1306] : memref<10x1024xf32, #tpu.memory_space<vmem>>, vector<1x1024xf32>
        %sub3A_1308 = arith.subf %slice3A, %get3A_1307 : vector<1x1024xf32>
        %concatenate3A = tpu.concatenate %get3A_1304, %sub3A_1308 in 0 : vector<1x1024xf32>, vector<1x1024xf32> -> vector<2x1024xf32>
        %convert_element_type3A_1309 = arith.truncf %concatenate3A : vector<2x1024xf32> to vector<2x1024xbf16>
        %get3A_1310 = arith.constant 5 : index
        %get3A_1311 = arith.constant 0 : index
        %get3A_1312 = arith.constant 0 : index
        %get3A_1313 = vector.load %arg4[%get3A_1310, %get3A_1311, %get3A_1312] : memref<10x1024x1024xbf16, #tpu.memory_space<vmem>>, vector<1x1024x1024xbf16>
        %get3A_1314 = vector.shape_cast %get3A_1313 : vector<1x1024x1024xbf16> to vector<1024x1024xbf16>
        %dot_general3A = arith.constant dense<0.000000e+00> : vector<2x1024xf32>
        %dot_general3A_1315 = tpu.matmul %convert_element_type3A_1309, %get3A_1314, %dot_general3A {dimension_numbers = #tpu.dot_dimension_numbers<[1], [0], [0], [1], [0, 0, 1, 1], [], []>, transpose_lhs_hint = false} : vector<2x1024xbf16>, vector<1024x1024xbf16>, vector<2x1024xf32> -> vector<2x1024xf32>
        %slice3A_1316 = vector.extract_strided_slice %dot_general3A_1315 {offsets = [0, 0], sizes = [1, 1024], strides = [1, 1]} : vector<2x1024xf32> to vector<1x1024xf32>
        %gt3A_1317 = arith.constant 0.000000e+00 : f32
        %gt3A_1318 = vector.broadcast %gt3A_1317 : f32 to vector<1x1024xf32>
        %gt3A_1319 = arith.cmpf ogt, %slice3A_1316, %gt3A_1318 : vector<1x1024xf32>
        %convert_element_type3A_1320 = arith.extui %gt3A_1319 : vector<1x1024xi1> to vector<1x1024xi32>
        %convert_element_type3A_1321 = arith.sitofp %convert_element_type3A_1320 : vector<1x1024xi32> to vector<1x1024xf32>
        %mul3A_1322 = arith.mulf %get3A_1231, %convert_element_type3A_1321 : vector<1x1024xf32>
        %slice3A_1323 = vector.extract_strided_slice %dot_general3A_1315 {offsets = [1, 0], sizes = [1, 1024], strides = [1, 1]} : vector<2x1024xf32> to vector<1x1024xf32>
        %eq3A_1324 = arith.constant 0.000000e+00 : f32
        %eq3A_1325 = vector.broadcast %eq3A_1324 : f32 to vector<1x1024xf32>
        %eq3A_1326 = arith.cmpf oeq, %slice3A_1323, %eq3A_1325 : vector<1x1024xf32>
        %convert_element_type3A_1327 = arith.extui %eq3A_1326 : vector<1x1024xi1> to vector<1x1024xi32>
        %convert_element_type3A_1328 = arith.sitofp %convert_element_type3A_1327 : vector<1x1024xi32> to vector<1x1024xf32>
        %mul3A_1329 = arith.mulf %get3A_1231, %convert_element_type3A_1328 : vector<1x1024xf32>
        %add3A_1330 = arith.addf %get3A_1304, %mul3A_1329 : vector<1x1024xf32>
        %swap3A_1331 = arith.constant 5 : index
        %swap3A_1332 = arith.constant 0 : index
        %swap3A_1333 = vector.load %arg5[%swap3A_1331, %swap3A_1332] : memref<10x1024xf32, #tpu.memory_space<vmem>>, vector<1x1024xf32>
        tpu.vector_store %arg5[%swap3A_1331, %swap3A_1332], %add3A_1330 {strides = array<i32>} : memref<10x1024xf32, #tpu.memory_space<vmem>>, vector<1x1024xf32>,
        %get3A_1334 = arith.constant 5 : index
        %get3A_1335 = arith.constant 0 : index
        %get3A_1336 = vector.load %arg6[%get3A_1334, %get3A_1335] : memref<10x1024xf32, #tpu.memory_space<vmem>>, vector<1x1024xf32>
        %add3A_1337 = arith.addf %get3A_1336, %mul3A_1322 : vector<1x1024xf32>
        %swap3A_1338 = arith.constant 5 : index
        %swap3A_1339 = arith.constant 0 : index
        %swap3A_1340 = vector.load %arg6[%swap3A_1338, %swap3A_1339] : memref<10x1024xf32, #tpu.memory_space<vmem>>, vector<1x1024xf32>
        tpu.vector_store %arg6[%swap3A_1338, %swap3A_1339], %add3A_1337 {strides = array<i32>} : memref<10x1024xf32, #tpu.memory_space<vmem>>, vector<1x1024xf32>,
        %sub3A_1341 = arith.subf %get3A_1231, %mul3A_1329 : vector<1x1024xf32>
        %sub3A_1342 = arith.subf %sub3A_1341, %mul3A_1322 : vector<1x1024xf32>
        %swap3A_1343 = arith.constant 5 : index
        %swap3A_1344 = arith.constant 0 : index
        %swap3A_1345 = vector.load %arg7[%swap3A_1343, %swap3A_1344] : memref<10x1024xf32, #tpu.memory_space<vmem>>, vector<1x1024xf32>
        tpu.vector_store %arg7[%swap3A_1343, %swap3A_1344], %sub3A_1342 {strides = array<i32>} : memref<10x1024xf32, #tpu.memory_space<vmem>>, vector<1x1024xf32>,
      } else {
      }
      %get3A_1242 = arith.constant 6 : index
      %get3A_1243 = arith.constant 0 : index
      %get3A_1244 = vector.load %arg7[%get3A_1242, %get3A_1243] : memref<10x1024xf32, #tpu.memory_space<vmem>>, vector<1x1024xf32>
      %reduce_sum3A_1245 = vector.shape_cast %get3A_1244 : vector<1x1024xf32> to vector<1x1x1024xf32>
      %reduce_sum3A_1246 = arith.constant dense<0.000000e+00> : vector<1xf32>
      %reduce_sum3A_1247 = vector.multi_reduction <add>, %reduce_sum3A_1245, %reduce_sum3A_1246 [1, 2] : vector<1x1x1024xf32> to vector<1xf32>
      %reduce_sum3A_1248 = vector.shape_cast %reduce_sum3A_1247 : vector<1xf32> to vector<1x1x1xf32>
      %reduce_sum3A_1249 = vector.extract %reduce_sum3A_1248[0, 0, 0] : f32 from vector<1x1x1xf32>
      %gt3A_1250 = arith.constant 0.000000e+00 : f32
      %gt3A_1251 = arith.cmpf ogt, %reduce_sum3A_1249, %gt3A_1250 : f32
      %convert_element_type3A_1252 = arith.extui %gt3A_1251 : i1 to i32
      %cond3A_1253 = arith.constant 0 : i32
      %cond3A_1254 = arith.cmpi ne, %convert_element_type3A_1252, %cond3A_1253 : i32
      scf.if %cond3A_1254 {
        %get3A_1302 = arith.constant 6 : index
        %get3A_1303 = arith.constant 0 : index
        %get3A_1304 = vector.load %arg5[%get3A_1302, %get3A_1303] : memref<10x1024xf32, #tpu.memory_space<vmem>>, vector<1x1024xf32>
        %slice3A = vector.extract_strided_slice %convert_element_type3A_1142 {offsets = [6, 0], sizes = [1, 1024], strides = [1, 1]} : vector<10x1024xf32> to vector<1x1024xf32>
        %get3A_1305 = arith.constant 6 : index
        %get3A_1306 = arith.constant 0 : index
        %get3A_1307 = vector.load %arg6[%get3A_1305, %get3A_1306] : memref<10x1024xf32, #tpu.memory_space<vmem>>, vector<1x1024xf32>
        %sub3A_1308 = arith.subf %slice3A, %get3A_1307 : vector<1x1024xf32>
        %concatenate3A = tpu.concatenate %get3A_1304, %sub3A_1308 in 0 : vector<1x1024xf32>, vector<1x1024xf32> -> vector<2x1024xf32>
        %convert_element_type3A_1309 = arith.truncf %concatenate3A : vector<2x1024xf32> to vector<2x1024xbf16>
        %get3A_1310 = arith.constant 6 : index
        %get3A_1311 = arith.constant 0 : index
        %get3A_1312 = arith.constant 0 : index
        %get3A_1313 = vector.load %arg4[%get3A_1310, %get3A_1311, %get3A_1312] : memref<10x1024x1024xbf16, #tpu.memory_space<vmem>>, vector<1x1024x1024xbf16>
        %get3A_1314 = vector.shape_cast %get3A_1313 : vector<1x1024x1024xbf16> to vector<1024x1024xbf16>
        %dot_general3A = arith.constant dense<0.000000e+00> : vector<2x1024xf32>
        %dot_general3A_1315 = tpu.matmul %convert_element_type3A_1309, %get3A_1314, %dot_general3A {dimension_numbers = #tpu.dot_dimension_numbers<[1], [0], [0], [1], [0, 0, 1, 1], [], []>, transpose_lhs_hint = false} : vector<2x1024xbf16>, vector<1024x1024xbf16>, vector<2x1024xf32> -> vector<2x1024xf32>
        %slice3A_1316 = vector.extract_strided_slice %dot_general3A_1315 {offsets = [0, 0], sizes = [1, 1024], strides = [1, 1]} : vector<2x1024xf32> to vector<1x1024xf32>
        %gt3A_1317 = arith.constant 0.000000e+00 : f32
        %gt3A_1318 = vector.broadcast %gt3A_1317 : f32 to vector<1x1024xf32>
        %gt3A_1319 = arith.cmpf ogt, %slice3A_1316, %gt3A_1318 : vector<1x1024xf32>
        %convert_element_type3A_1320 = arith.extui %gt3A_1319 : vector<1x1024xi1> to vector<1x1024xi32>
        %convert_element_type3A_1321 = arith.sitofp %convert_element_type3A_1320 : vector<1x1024xi32> to vector<1x1024xf32>
        %mul3A_1322 = arith.mulf %get3A_1244, %convert_element_type3A_1321 : vector<1x1024xf32>
        %slice3A_1323 = vector.extract_strided_slice %dot_general3A_1315 {offsets = [1, 0], sizes = [1, 1024], strides = [1, 1]} : vector<2x1024xf32> to vector<1x1024xf32>
        %eq3A_1324 = arith.constant 0.000000e+00 : f32
        %eq3A_1325 = vector.broadcast %eq3A_1324 : f32 to vector<1x1024xf32>
        %eq3A_1326 = arith.cmpf oeq, %slice3A_1323, %eq3A_1325 : vector<1x1024xf32>
        %convert_element_type3A_1327 = arith.extui %eq3A_1326 : vector<1x1024xi1> to vector<1x1024xi32>
        %convert_element_type3A_1328 = arith.sitofp %convert_element_type3A_1327 : vector<1x1024xi32> to vector<1x1024xf32>
        %mul3A_1329 = arith.mulf %get3A_1244, %convert_element_type3A_1328 : vector<1x1024xf32>
        %add3A_1330 = arith.addf %get3A_1304, %mul3A_1329 : vector<1x1024xf32>
        %swap3A_1331 = arith.constant 6 : index
        %swap3A_1332 = arith.constant 0 : index
        %swap3A_1333 = vector.load %arg5[%swap3A_1331, %swap3A_1332] : memref<10x1024xf32, #tpu.memory_space<vmem>>, vector<1x1024xf32>
        tpu.vector_store %arg5[%swap3A_1331, %swap3A_1332], %add3A_1330 {strides = array<i32>} : memref<10x1024xf32, #tpu.memory_space<vmem>>, vector<1x1024xf32>,
        %get3A_1334 = arith.constant 6 : index
        %get3A_1335 = arith.constant 0 : index
        %get3A_1336 = vector.load %arg6[%get3A_1334, %get3A_1335] : memref<10x1024xf32, #tpu.memory_space<vmem>>, vector<1x1024xf32>
        %add3A_1337 = arith.addf %get3A_1336, %mul3A_1322 : vector<1x1024xf32>
        %swap3A_1338 = arith.constant 6 : index
        %swap3A_1339 = arith.constant 0 : index
        %swap3A_1340 = vector.load %arg6[%swap3A_1338, %swap3A_1339] : memref<10x1024xf32, #tpu.memory_space<vmem>>, vector<1x1024xf32>
        tpu.vector_store %arg6[%swap3A_1338, %swap3A_1339], %add3A_1337 {strides = array<i32>} : memref<10x1024xf32, #tpu.memory_space<vmem>>, vector<1x1024xf32>,
        %sub3A_1341 = arith.subf %get3A_1244, %mul3A_1329 : vector<1x1024xf32>
        %sub3A_1342 = arith.subf %sub3A_1341, %mul3A_1322 : vector<1x1024xf32>
        %swap3A_1343 = arith.constant 6 : index
        %swap3A_1344 = arith.constant 0 : index
        %swap3A_1345 = vector.load %arg7[%swap3A_1343, %swap3A_1344] : memref<10x1024xf32, #tpu.memory_space<vmem>>, vector<1x1024xf32>
        tpu.vector_store %arg7[%swap3A_1343, %swap3A_1344], %sub3A_1342 {strides = array<i32>} : memref<10x1024xf32, #tpu.memory_space<vmem>>, vector<1x1024xf32>,
      } else {
      }
      %get3A_1255 = arith.constant 7 : index
      %get3A_1256 = arith.constant 0 : index
      %get3A_1257 = vector.load %arg7[%get3A_1255, %get3A_1256] : memref<10x1024xf32, #tpu.memory_space<vmem>>, vector<1x1024xf32>
      %reduce_sum3A_1258 = vector.shape_cast %get3A_1257 : vector<1x1024xf32> to vector<1x1x1024xf32>
      %reduce_sum3A_1259 = arith.constant dense<0.000000e+00> : vector<1xf32>
      %reduce_sum3A_1260 = vector.multi_reduction <add>, %reduce_sum3A_1258, %reduce_sum3A_1259 [1, 2] : vector<1x1x1024xf32> to vector<1xf32>
      %reduce_sum3A_1261 = vector.shape_cast %reduce_sum3A_1260 : vector<1xf32> to vector<1x1x1xf32>
      %reduce_sum3A_1262 = vector.extract %reduce_sum3A_1261[0, 0, 0] : f32 from vector<1x1x1xf32>
      %gt3A_1263 = arith.constant 0.000000e+00 : f32
      %gt3A_1264 = arith.cmpf ogt, %reduce_sum3A_1262, %gt3A_1263 : f32
      %convert_element_type3A_1265 = arith.extui %gt3A_1264 : i1 to i32
      %cond3A_1266 = arith.constant 0 : i32
      %cond3A_1267 = arith.cmpi ne, %convert_element_type3A_1265, %cond3A_1266 : i32
      scf.if %cond3A_1267 {
        %get3A_1302 = arith.constant 7 : index
        %get3A_1303 = arith.constant 0 : index
        %get3A_1304 = vector.load %arg5[%get3A_1302, %get3A_1303] : memref<10x1024xf32, #tpu.memory_space<vmem>>, vector<1x1024xf32>
        %slice3A = vector.extract_strided_slice %convert_element_type3A_1142 {offsets = [7, 0], sizes = [1, 1024], strides = [1, 1]} : vector<10x1024xf32> to vector<1x1024xf32>
        %get3A_1305 = arith.constant 7 : index
        %get3A_1306 = arith.constant 0 : index
        %get3A_1307 = vector.load %arg6[%get3A_1305, %get3A_1306] : memref<10x1024xf32, #tpu.memory_space<vmem>>, vector<1x1024xf32>
        %sub3A_1308 = arith.subf %slice3A, %get3A_1307 : vector<1x1024xf32>
        %concatenate3A = tpu.concatenate %get3A_1304, %sub3A_1308 in 0 : vector<1x1024xf32>, vector<1x1024xf32> -> vector<2x1024xf32>
        %convert_element_type3A_1309 = arith.truncf %concatenate3A : vector<2x1024xf32> to vector<2x1024xbf16>
        %get3A_1310 = arith.constant 7 : index
        %get3A_1311 = arith.constant 0 : index
        %get3A_1312 = arith.constant 0 : index
        %get3A_1313 = vector.load %arg4[%get3A_1310, %get3A_1311, %get3A_1312] : memref<10x1024x1024xbf16, #tpu.memory_space<vmem>>, vector<1x1024x1024xbf16>
        %get3A_1314 = vector.shape_cast %get3A_1313 : vector<1x1024x1024xbf16> to vector<1024x1024xbf16>
        %dot_general3A = arith.constant dense<0.000000e+00> : vector<2x1024xf32>
        %dot_general3A_1315 = tpu.matmul %convert_element_type3A_1309, %get3A_1314, %dot_general3A {dimension_numbers = #tpu.dot_dimension_numbers<[1], [0], [0], [1], [0, 0, 1, 1], [], []>, transpose_lhs_hint = false} : vector<2x1024xbf16>, vector<1024x1024xbf16>, vector<2x1024xf32> -> vector<2x1024xf32>
        %slice3A_1316 = vector.extract_strided_slice %dot_general3A_1315 {offsets = [0, 0], sizes = [1, 1024], strides = [1, 1]} : vector<2x1024xf32> to vector<1x1024xf32>
        %gt3A_1317 = arith.constant 0.000000e+00 : f32
        %gt3A_1318 = vector.broadcast %gt3A_1317 : f32 to vector<1x1024xf32>
        %gt3A_1319 = arith.cmpf ogt, %slice3A_1316, %gt3A_1318 : vector<1x1024xf32>
        %convert_element_type3A_1320 = arith.extui %gt3A_1319 : vector<1x1024xi1> to vector<1x1024xi32>
        %convert_element_type3A_1321 = arith.sitofp %convert_element_type3A_1320 : vector<1x1024xi32> to vector<1x1024xf32>
        %mul3A_1322 = arith.mulf %get3A_1257, %convert_element_type3A_1321 : vector<1x1024xf32>
        %slice3A_1323 = vector.extract_strided_slice %dot_general3A_1315 {offsets = [1, 0], sizes = [1, 1024], strides = [1, 1]} : vector<2x1024xf32> to vector<1x1024xf32>
        %eq3A_1324 = arith.constant 0.000000e+00 : f32
        %eq3A_1325 = vector.broadcast %eq3A_1324 : f32 to vector<1x1024xf32>
        %eq3A_1326 = arith.cmpf oeq, %slice3A_1323, %eq3A_1325 : vector<1x1024xf32>
        %convert_element_type3A_1327 = arith.extui %eq3A_1326 : vector<1x1024xi1> to vector<1x1024xi32>
        %convert_element_type3A_1328 = arith.sitofp %convert_element_type3A_1327 : vector<1x1024xi32> to vector<1x1024xf32>
        %mul3A_1329 = arith.mulf %get3A_1257, %convert_element_type3A_1328 : vector<1x1024xf32>
        %add3A_1330 = arith.addf %get3A_1304, %mul3A_1329 : vector<1x1024xf32>
        %swap3A_1331 = arith.constant 7 : index
        %swap3A_1332 = arith.constant 0 : index
        %swap3A_1333 = vector.load %arg5[%swap3A_1331, %swap3A_1332] : memref<10x1024xf32, #tpu.memory_space<vmem>>, vector<1x1024xf32>
        tpu.vector_store %arg5[%swap3A_1331, %swap3A_1332], %add3A_1330 {strides = array<i32>} : memref<10x1024xf32, #tpu.memory_space<vmem>>, vector<1x1024xf32>,
        %get3A_1334 = arith.constant 7 : index
        %get3A_1335 = arith.constant 0 : index
        %get3A_1336 = vector.load %arg6[%get3A_1334, %get3A_1335] : memref<10x1024xf32, #tpu.memory_space<vmem>>, vector<1x1024xf32>
        %add3A_1337 = arith.addf %get3A_1336, %mul3A_1322 : vector<1x1024xf32>
        %swap3A_1338 = arith.constant 7 : index
        %swap3A_1339 = arith.constant 0 : index
        %swap3A_1340 = vector.load %arg6[%swap3A_1338, %swap3A_1339] : memref<10x1024xf32, #tpu.memory_space<vmem>>, vector<1x1024xf32>
        tpu.vector_store %arg6[%swap3A_1338, %swap3A_1339], %add3A_1337 {strides = array<i32>} : memref<10x1024xf32, #tpu.memory_space<vmem>>, vector<1x1024xf32>,
        %sub3A_1341 = arith.subf %get3A_1257, %mul3A_1329 : vector<1x1024xf32>
        %sub3A_1342 = arith.subf %sub3A_1341, %mul3A_1322 : vector<1x1024xf32>
        %swap3A_1343 = arith.constant 7 : index
        %swap3A_1344 = arith.constant 0 : index
        %swap3A_1345 = vector.load %arg7[%swap3A_1343, %swap3A_1344] : memref<10x1024xf32, #tpu.memory_space<vmem>>, vector<1x1024xf32>
        tpu.vector_store %arg7[%swap3A_1343, %swap3A_1344], %sub3A_1342 {strides = array<i32>} : memref<10x1024xf32, #tpu.memory_space<vmem>>, vector<1x1024xf32>,
      } else {
      }
      %get3A_1268 = arith.constant 8 : index
      %get3A_1269 = arith.constant 0 : index
      %get3A_1270 = vector.load %arg7[%get3A_1268, %get3A_1269] : memref<10x1024xf32, #tpu.memory_space<vmem>>, vector<1x1024xf32>
      %reduce_sum3A_1271 = vector.shape_cast %get3A_1270 : vector<1x1024xf32> to vector<1x1x1024xf32>
      %reduce_sum3A_1272 = arith.constant dense<0.000000e+00> : vector<1xf32>
      %reduce_sum3A_1273 = vector.multi_reduction <add>, %reduce_sum3A_1271, %reduce_sum3A_1272 [1, 2] : vector<1x1x1024xf32> to vector<1xf32>
      %reduce_sum3A_1274 = vector.shape_cast %reduce_sum3A_1273 : vector<1xf32> to vector<1x1x1xf32>
      %reduce_sum3A_1275 = vector.extract %reduce_sum3A_1274[0, 0, 0] : f32 from vector<1x1x1xf32>
      %gt3A_1276 = arith.constant 0.000000e+00 : f32
      %gt3A_1277 = arith.cmpf ogt, %reduce_sum3A_1275, %gt3A_1276 : f32
      %convert_element_type3A_1278 = arith.extui %gt3A_1277 : i1 to i32
      %cond3A_1279 = arith.constant 0 : i32
      %cond3A_1280 = arith.cmpi ne, %convert_element_type3A_1278, %cond3A_1279 : i32
      scf.if %cond3A_1280 {
        %get3A_1302 = arith.constant 8 : index
        %get3A_1303 = arith.constant 0 : index
        %get3A_1304 = vector.load %arg5[%get3A_1302, %get3A_1303] : memref<10x1024xf32, #tpu.memory_space<vmem>>, vector<1x1024xf32>
        %slice3A = vector.extract_strided_slice %convert_element_type3A_1142 {offsets = [8, 0], sizes = [1, 1024], strides = [1, 1]} : vector<10x1024xf32> to vector<1x1024xf32>
        %get3A_1305 = arith.constant 8 : index
        %get3A_1306 = arith.constant 0 : index
        %get3A_1307 = vector.load %arg6[%get3A_1305, %get3A_1306] : memref<10x1024xf32, #tpu.memory_space<vmem>>, vector<1x1024xf32>
        %sub3A_1308 = arith.subf %slice3A, %get3A_1307 : vector<1x1024xf32>
        %concatenate3A = tpu.concatenate %get3A_1304, %sub3A_1308 in 0 : vector<1x1024xf32>, vector<1x1024xf32> -> vector<2x1024xf32>
        %convert_element_type3A_1309 = arith.truncf %concatenate3A : vector<2x1024xf32> to vector<2x1024xbf16>
        %get3A_1310 = arith.constant 8 : index
        %get3A_1311 = arith.constant 0 : index
        %get3A_1312 = arith.constant 0 : index
        %get3A_1313 = vector.load %arg4[%get3A_1310, %get3A_1311, %get3A_1312] : memref<10x1024x1024xbf16, #tpu.memory_space<vmem>>, vector<1x1024x1024xbf16>
        %get3A_1314 = vector.shape_cast %get3A_1313 : vector<1x1024x1024xbf16> to vector<1024x1024xbf16>
        %dot_general3A = arith.constant dense<0.000000e+00> : vector<2x1024xf32>
        %dot_general3A_1315 = tpu.matmul %convert_element_type3A_1309, %get3A_1314, %dot_general3A {dimension_numbers = #tpu.dot_dimension_numbers<[1], [0], [0], [1], [0, 0, 1, 1], [], []>, transpose_lhs_hint = false} : vector<2x1024xbf16>, vector<1024x1024xbf16>, vector<2x1024xf32> -> vector<2x1024xf32>
        %slice3A_1316 = vector.extract_strided_slice %dot_general3A_1315 {offsets = [0, 0], sizes = [1, 1024], strides = [1, 1]} : vector<2x1024xf32> to vector<1x1024xf32>
        %gt3A_1317 = arith.constant 0.000000e+00 : f32
        %gt3A_1318 = vector.broadcast %gt3A_1317 : f32 to vector<1x1024xf32>
        %gt3A_1319 = arith.cmpf ogt, %slice3A_1316, %gt3A_1318 : vector<1x1024xf32>
        %convert_element_type3A_1320 = arith.extui %gt3A_1319 : vector<1x1024xi1> to vector<1x1024xi32>
        %convert_element_type3A_1321 = arith.sitofp %convert_element_type3A_1320 : vector<1x1024xi32> to vector<1x1024xf32>
        %mul3A_1322 = arith.mulf %get3A_1270, %convert_element_type3A_1321 : vector<1x1024xf32>
        %slice3A_1323 = vector.extract_strided_slice %dot_general3A_1315 {offsets = [1, 0], sizes = [1, 1024], strides = [1, 1]} : vector<2x1024xf32> to vector<1x1024xf32>
        %eq3A_1324 = arith.constant 0.000000e+00 : f32
        %eq3A_1325 = vector.broadcast %eq3A_1324 : f32 to vector<1x1024xf32>
        %eq3A_1326 = arith.cmpf oeq, %slice3A_1323, %eq3A_1325 : vector<1x1024xf32>
        %convert_element_type3A_1327 = arith.extui %eq3A_1326 : vector<1x1024xi1> to vector<1x1024xi32>
        %convert_element_type3A_1328 = arith.sitofp %convert_element_type3A_1327 : vector<1x1024xi32> to vector<1x1024xf32>
        %mul3A_1329 = arith.mulf %get3A_1270, %convert_element_type3A_1328 : vector<1x1024xf32>
        %add3A_1330 = arith.addf %get3A_1304, %mul3A_1329 : vector<1x1024xf32>
        %swap3A_1331 = arith.constant 8 : index
        %swap3A_1332 = arith.constant 0 : index
        %swap3A_1333 = vector.load %arg5[%swap3A_1331, %swap3A_1332] : memref<10x1024xf32, #tpu.memory_space<vmem>>, vector<1x1024xf32>
        tpu.vector_store %arg5[%swap3A_1331, %swap3A_1332], %add3A_1330 {strides = array<i32>} : memref<10x1024xf32, #tpu.memory_space<vmem>>, vector<1x1024xf32>,
        %get3A_1334 = arith.constant 8 : index
        %get3A_1335 = arith.constant 0 : index
        %get3A_1336 = vector.load %arg6[%get3A_1334, %get3A_1335] : memref<10x1024xf32, #tpu.memory_space<vmem>>, vector<1x1024xf32>
        %add3A_1337 = arith.addf %get3A_1336, %mul3A_1322 : vector<1x1024xf32>
        %swap3A_1338 = arith.constant 8 : index
        %swap3A_1339 = arith.constant 0 : index
        %swap3A_1340 = vector.load %arg6[%swap3A_1338, %swap3A_1339] : memref<10x1024xf32, #tpu.memory_space<vmem>>, vector<1x1024xf32>
        tpu.vector_store %arg6[%swap3A_1338, %swap3A_1339], %add3A_1337 {strides = array<i32>} : memref<10x1024xf32, #tpu.memory_space<vmem>>, vector<1x1024xf32>,
        %sub3A_1341 = arith.subf %get3A_1270, %mul3A_1329 : vector<1x1024xf32>
        %sub3A_1342 = arith.subf %sub3A_1341, %mul3A_1322 : vector<1x1024xf32>
        %swap3A_1343 = arith.constant 8 : index
        %swap3A_1344 = arith.constant 0 : index
        %swap3A_1345 = vector.load %arg7[%swap3A_1343, %swap3A_1344] : memref<10x1024xf32, #tpu.memory_space<vmem>>, vector<1x1024xf32>
        tpu.vector_store %arg7[%swap3A_1343, %swap3A_1344], %sub3A_1342 {strides = array<i32>} : memref<10x1024xf32, #tpu.memory_space<vmem>>, vector<1x1024xf32>,
      } else {
      }
      %get3A_1281 = arith.constant 9 : index
      %get3A_1282 = arith.constant 0 : index
      %get3A_1283 = vector.load %arg7[%get3A_1281, %get3A_1282] : memref<10x1024xf32, #tpu.memory_space<vmem>>, vector<1x1024xf32>
      %reduce_sum3A_1284 = vector.shape_cast %get3A_1283 : vector<1x1024xf32> to vector<1x1x1024xf32>
      %reduce_sum3A_1285 = arith.constant dense<0.000000e+00> : vector<1xf32>
      %reduce_sum3A_1286 = vector.multi_reduction <add>, %reduce_sum3A_1284, %reduce_sum3A_1285 [1, 2] : vector<1x1x1024xf32> to vector<1xf32>
      %reduce_sum3A_1287 = vector.shape_cast %reduce_sum3A_1286 : vector<1xf32> to vector<1x1x1xf32>
      %reduce_sum3A_1288 = vector.extract %reduce_sum3A_1287[0, 0, 0] : f32 from vector<1x1x1xf32>
      %gt3A_1289 = arith.constant 0.000000e+00 : f32
      %gt3A_1290 = arith.cmpf ogt, %reduce_sum3A_1288, %gt3A_1289 : f32
      %convert_element_type3A_1291 = arith.extui %gt3A_1290 : i1 to i32
      %cond3A_1292 = arith.constant 0 : i32
      %cond3A_1293 = arith.cmpi ne, %convert_element_type3A_1291, %cond3A_1292 : i32
      scf.if %cond3A_1293 {
        %get3A_1302 = arith.constant 9 : index
        %get3A_1303 = arith.constant 0 : index
        %get3A_1304 = vector.load %arg5[%get3A_1302, %get3A_1303] : memref<10x1024xf32, #tpu.memory_space<vmem>>, vector<1x1024xf32>
        %slice3A = vector.extract_strided_slice %convert_element_type3A_1142 {offsets = [9, 0], sizes = [1, 1024], strides = [1, 1]} : vector<10x1024xf32> to vector<1x1024xf32>
        %get3A_1305 = arith.constant 9 : index
        %get3A_1306 = arith.constant 0 : index
        %get3A_1307 = vector.load %arg6[%get3A_1305, %get3A_1306] : memref<10x1024xf32, #tpu.memory_space<vmem>>, vector<1x1024xf32>
        %sub3A_1308 = arith.subf %slice3A, %get3A_1307 : vector<1x1024xf32>
        %concatenate3A = tpu.concatenate %get3A_1304, %sub3A_1308 in 0 : vector<1x1024xf32>, vector<1x1024xf32> -> vector<2x1024xf32>
        %convert_element_type3A_1309 = arith.truncf %concatenate3A : vector<2x1024xf32> to vector<2x1024xbf16>
        %get3A_1310 = arith.constant 9 : index
        %get3A_1311 = arith.constant 0 : index
        %get3A_1312 = arith.constant 0 : index
        %get3A_1313 = vector.load %arg4[%get3A_1310, %get3A_1311, %get3A_1312] : memref<10x1024x1024xbf16, #tpu.memory_space<vmem>>, vector<1x1024x1024xbf16>
        %get3A_1314 = vector.shape_cast %get3A_1313 : vector<1x1024x1024xbf16> to vector<1024x1024xbf16>
        %dot_general3A = arith.constant dense<0.000000e+00> : vector<2x1024xf32>
        %dot_general3A_1315 = tpu.matmul %convert_element_type3A_1309, %get3A_1314, %dot_general3A {dimension_numbers = #tpu.dot_dimension_numbers<[1], [0], [0], [1], [0, 0, 1, 1], [], []>, transpose_lhs_hint = false} : vector<2x1024xbf16>, vector<1024x1024xbf16>, vector<2x1024xf32> -> vector<2x1024xf32>
        %slice3A_1316 = vector.extract_strided_slice %dot_general3A_1315 {offsets = [0, 0], sizes = [1, 1024], strides = [1, 1]} : vector<2x1024xf32> to vector<1x1024xf32>
        %gt3A_1317 = arith.constant 0.000000e+00 : f32
        %gt3A_1318 = vector.broadcast %gt3A_1317 : f32 to vector<1x1024xf32>
        %gt3A_1319 = arith.cmpf ogt, %slice3A_1316, %gt3A_1318 : vector<1x1024xf32>
        %convert_element_type3A_1320 = arith.extui %gt3A_1319 : vector<1x1024xi1> to vector<1x1024xi32>
        %convert_element_type3A_1321 = arith.sitofp %convert_element_type3A_1320 : vector<1x1024xi32> to vector<1x1024xf32>
        %mul3A_1322 = arith.mulf %get3A_1283, %convert_element_type3A_1321 : vector<1x1024xf32>
        %slice3A_1323 = vector.extract_strided_slice %dot_general3A_1315 {offsets = [1, 0], sizes = [1, 1024], strides = [1, 1]} : vector<2x1024xf32> to vector<1x1024xf32>
        %eq3A_1324 = arith.constant 0.000000e+00 : f32
        %eq3A_1325 = vector.broadcast %eq3A_1324 : f32 to vector<1x1024xf32>
        %eq3A_1326 = arith.cmpf oeq, %slice3A_1323, %eq3A_1325 : vector<1x1024xf32>
        %convert_element_type3A_1327 = arith.extui %eq3A_1326 : vector<1x1024xi1> to vector<1x1024xi32>
        %convert_element_type3A_1328 = arith.sitofp %convert_element_type3A_1327 : vector<1x1024xi32> to vector<1x1024xf32>
        %mul3A_1329 = arith.mulf %get3A_1283, %convert_element_type3A_1328 : vector<1x1024xf32>
        %add3A_1330 = arith.addf %get3A_1304, %mul3A_1329 : vector<1x1024xf32>
        %swap3A_1331 = arith.constant 9 : index
        %swap3A_1332 = arith.constant 0 : index
        %swap3A_1333 = vector.load %arg5[%swap3A_1331, %swap3A_1332] : memref<10x1024xf32, #tpu.memory_space<vmem>>, vector<1x1024xf32>
        tpu.vector_store %arg5[%swap3A_1331, %swap3A_1332], %add3A_1330 {strides = array<i32>} : memref<10x1024xf32, #tpu.memory_space<vmem>>, vector<1x1024xf32>,
        %get3A_1334 = arith.constant 9 : index
        %get3A_1335 = arith.constant 0 : index
        %get3A_1336 = vector.load %arg6[%get3A_1334, %get3A_1335] : memref<10x1024xf32, #tpu.memory_space<vmem>>, vector<1x1024xf32>
        %add3A_1337 = arith.addf %get3A_1336, %mul3A_1322 : vector<1x1024xf32>
        %swap3A_1338 = arith.constant 9 : index
        %swap3A_1339 = arith.constant 0 : index
        %swap3A_1340 = vector.load %arg6[%swap3A_1338, %swap3A_1339] : memref<10x1024xf32, #tpu.memory_space<vmem>>, vector<1x1024xf32>
        tpu.vector_store %arg6[%swap3A_1338, %swap3A_1339], %add3A_1337 {strides = array<i32>} : memref<10x1024xf32, #tpu.memory_space<vmem>>, vector<1x1024xf32>,
        %sub3A_1341 = arith.subf %get3A_1283, %mul3A_1329 : vector<1x1024xf32>
        %sub3A_1342 = arith.subf %sub3A_1341, %mul3A_1322 : vector<1x1024xf32>
        %swap3A_1343 = arith.constant 9 : index
        %swap3A_1344 = arith.constant 0 : index
        %swap3A_1345 = vector.load %arg7[%swap3A_1343, %swap3A_1344] : memref<10x1024xf32, #tpu.memory_space<vmem>>, vector<1x1024xf32>
        tpu.vector_store %arg7[%swap3A_1343, %swap3A_1344], %sub3A_1342 {strides = array<i32>} : memref<10x1024xf32, #tpu.memory_space<vmem>>, vector<1x1024xf32>,
      } else {
      }
      %get3A_1294 = arith.constant 0 : index
      %get3A_1295 = arith.constant 0 : index
      %get3A_1296 = vector.load %arg7[%get3A_1294, %get3A_1295] : memref<10x1024xf32, #tpu.memory_space<vmem>>, vector<10x1024xf32>
      %reduce_sum3A_1297 = vector.shape_cast %get3A_1296 : vector<10x1024xf32> to vector<1x10x1024xf32>
      %reduce_sum3A_1298 = arith.constant dense<0.000000e+00> : vector<1xf32>
      %reduce_sum3A_1299 = vector.multi_reduction <add>, %reduce_sum3A_1297, %reduce_sum3A_1298 [1, 2] : vector<1x10x1024xf32> to vector<1xf32>
      %reduce_sum3A_1300 = vector.shape_cast %reduce_sum3A_1299 : vector<1xf32> to vector<1x1x1xf32>
      %reduce_sum3A_1301 = vector.extract %reduce_sum3A_1300[0, 0, 0] : f32 from vector<1x1x1xf32>
      scf.yield %reduce_sum3A_1301 : f32
    }
    %get3A_1157 = arith.constant 0 : index
    %get3A_1158 = arith.constant 0 : index
    %get3A_1159 = vector.load %arg5[%get3A_1157, %get3A_1158] : memref<10x1024xf32, #tpu.memory_space<vmem>>, vector<10x1024xf32>
    %broadcast_in_dim3A_1160 = vector.shape_cast %get3A_1159 : vector<10x1024xf32> to vector<10x1x1024xf32>
    %swap3A_1161 = arith.constant 0 : index
    %swap3A_1162 = arith.constant 0 : index
    %swap3A_1163 = arith.constant 0 : index
    %swap3A_1164 = vector.load %arg3[%swap3A_1161, %swap3A_1162, %swap3A_1163] : memref<10x1x1024xf32, #tpu.memory_space<vmem>>, vector<10x1x1024xf32>
    tpu.vector_store %arg3[%swap3A_1161, %swap3A_1162, %swap3A_1163], %broadcast_in_dim3A_1160 {strides = array<i32>} : memref<10x1x1024xf32, #tpu.memory_space<vmem>>, vector<10x1x1024xf32>,
    return
  }
  func.func @transform_0(%arg0: i32) -> (i32, i32, i32) {
    %c0_i32 = arith.constant 0 : i32
    %c0_i32_0 = arith.constant 0 : i32
    %c0_i32_1 = arith.constant 0 : i32
    return %arg0, %c0_i32, %c0_i32_0 : i32, i32, i32
  }
  func.func @transform_1(%arg0: i32) -> (i32, i32, i32) {
    %c0_i32 = arith.constant 0 : i32
    %c0_i32_0 = arith.constant 0 : i32
    %c0_i32_1 = arith.constant 0 : i32
    return %arg0, %c0_i32, %c0_i32_0 : i32, i32, i32
  }
  func.func @transform_2(%arg0: i32) -> (i32, i32, i32) {
    %c0_i32 = arith.constant 0 : i32
    %c0_i32_0 = arith.constant 0 : i32
    %c0_i32_1 = arith.constant 0 : i32
    return %arg0, %c0_i32, %c0_i32_0 : i32, i32, i32
  }
}

module attributes {stable_mosaic.version = 14 : i64} {
  func.func @_objmm_body(%arg0: i32, %arg1: memref<200x4096xf32, #tpu.memory_space<vmem>>, %arg2: memref<4096x512xf32, #tpu.memory_space<vmem>>, %arg3: memref<1x512xf32, #tpu.memory_space<vmem>>, %arg4: memref<200x256xf32, #tpu.memory_space<vmem>>, %arg5: memref<200x256xf32, #tpu.memory_space<vmem>>, %arg6: memref<200x256xf32, #tpu.memory_space<vmem>>, %arg7: memref<256x512xf32, #tpu.memory_space<vmem>>, %arg8: memref<200x512xf32, #tpu.memory_space<vmem>>, %arg9: memref<200x1xi32, #tpu.memory_space<vmem>>) attributes {dimension_semantics = [#tpu.dimension_semantics<arbitrary>], iteration_bounds = array<i64: 5>, scalar_prefetch = 0 : i64, scratch_operands = 0 : i64, tpu.core_type = #tpu.core_type<tc>, window_params = [{transform_indices = @transform_0, window_bounds = array<i64: 200, 4096>}, {pipeline_mode = #tpu.pipeline_mode<synchronous>, transform_indices = @transform_1, window_bounds = array<i64: 4096, 512>}, {pipeline_mode = #tpu.pipeline_mode<synchronous>, transform_indices = @transform_2, window_bounds = array<i64: 1, 512>}, {transform_indices = @transform_3, window_bounds = array<i64: 200, 256>}, {transform_indices = @transform_4, window_bounds = array<i64: 200, 256>}, {transform_indices = @transform_5, window_bounds = array<i64: 200, 256>}, {pipeline_mode = #tpu.pipeline_mode<synchronous>, transform_indices = @transform_6, window_bounds = array<i64: 256, 512>}, {transform_indices = @transform_7, window_bounds = array<i64: 200, 512>}, {transform_indices = @transform_8, window_bounds = array<i64: 200, 1>}]} {
    %get3A = arith.constant 0 : index
    %get3A_0 = arith.constant 0 : index
    %get3A_1 = vector.load %arg4[%get3A, %get3A_0] : memref<200x256xf32, #tpu.memory_space<vmem>>, vector<200x256xf32>
    %get3A_2 = arith.constant 0 : index
    %get3A_3 = arith.constant 0 : index
    %get3A_4 = vector.load %arg5[%get3A_2, %get3A_3] : memref<200x256xf32, #tpu.memory_space<vmem>>, vector<200x256xf32>
    %iota3A = tpu.iota {dimensions = array<i32: 1>} : vector<200x256xi32>
    %mul3A = arith.mulf %get3A_4, %get3A_1 : vector<200x256xf32>
    %sub3A = arith.constant 1.000000e+00 : f32
    %sub3A_5 = vector.broadcast %sub3A : f32 to vector<200x256xf32>
    %sub3A_6 = arith.subf %sub3A_5, %get3A_4 : vector<200x256xf32>
    %mul3A_7 = arith.constant -1.000000e+03 : f32
    %mul3A_8 = vector.broadcast %mul3A_7 : f32 to vector<200x256xf32>
    %mul3A_9 = arith.mulf %sub3A_6, %mul3A_8 : vector<200x256xf32>
    %add3A = arith.addf %mul3A, %mul3A_9 : vector<200x256xf32>
    %lt3A = arith.constant 151 : i32
    %lt3A_10 = vector.broadcast %lt3A : i32 to vector<200x256xi32>
    %lt3A_11 = arith.cmpi slt, %iota3A, %lt3A_10 : vector<200x256xi32>
    %jit3A = arith.constant -1.000000e+30 : f32
    %broadcast_in_dim3A = vector.broadcast %jit3A : f32 to vector<200x256xf32>
    %select_n3A = arith.select %lt3A_11, %add3A, %broadcast_in_dim3A : vector<200x256xi1>, vector<200x256xf32>
    %reduce_max3A = arith.constant dense<0xFF800000> : vector<200xf32>
    %reduce_max3A_12 = vector.multi_reduction <maximumf>, %select_n3A, %reduce_max3A [1] : vector<200x256xf32> to vector<200xf32>
    %broadcast_in_dim3A_13 = vector.shape_cast %reduce_max3A_12 : vector<200xf32> to vector<200x1xf32>
    %sub3A_14 = vector.broadcast %broadcast_in_dim3A_13 : vector<200x1xf32> to vector<200x256xf32>
    %sub3A_15 = arith.subf %select_n3A, %sub3A_14 : vector<200x256xf32>
    %exp3A = math.exp %sub3A_15 : vector<200x256xf32>
    %reduce_sum3A = arith.constant dense<0.000000e+00> : vector<200xf32>
    %reduce_sum3A_16 = vector.multi_reduction <add>, %exp3A, %reduce_sum3A [1] : vector<200x256xf32> to vector<200xf32>
    %broadcast_in_dim3A_17 = vector.shape_cast %reduce_sum3A_16 : vector<200xf32> to vector<200x1xf32>
    %div3A = vector.broadcast %broadcast_in_dim3A_17 : vector<200x1xf32> to vector<200x256xf32>
    %div3A_18 = arith.divf %exp3A, %div3A : vector<200x256xf32>
    %get3A_19 = arith.constant 0 : index
    %get3A_20 = arith.constant 0 : index
    %get3A_21 = vector.load %arg7[%get3A_19, %get3A_20] : memref<256x512xf32, #tpu.memory_space<vmem>>, vector<256x512xf32>
    %dot_general3A = arith.constant dense<0.000000e+00> : vector<200x512xf32>
    %dot_general3A_22 = tpu.matmul %div3A_18, %get3A_21, %dot_general3A {dimension_numbers = #tpu.dot_dimension_numbers<[1], [0], [0], [1], [0, 0, 1, 1], [], []>, transpose_lhs_hint = false} : vector<200x256xf32>, vector<256x512xf32>, vector<200x512xf32> -> vector<200x512xf32>
    %get3A_23 = arith.constant 0 : index
    %get3A_24 = arith.constant 0 : index
    %get3A_25 = vector.load %arg1[%get3A_23, %get3A_24] : memref<200x4096xf32, #tpu.memory_space<vmem>>, vector<200x4096xf32>
    %get3A_26 = arith.constant 0 : index
    %get3A_27 = arith.constant 0 : index
    %get3A_28 = vector.load %arg2[%get3A_26, %get3A_27] : memref<4096x512xf32, #tpu.memory_space<vmem>>, vector<4096x512xf32>
    %dot_general3A_29 = arith.constant dense<0.000000e+00> : vector<200x512xf32>
    %dot_general3A_30 = tpu.matmul %get3A_25, %get3A_28, %dot_general3A_29 {dimension_numbers = #tpu.dot_dimension_numbers<[1], [0], [0], [1], [0, 0, 1, 1], [], []>, transpose_lhs_hint = false} : vector<200x4096xf32>, vector<4096x512xf32>, vector<200x512xf32> -> vector<200x512xf32>
    %get3A_31 = arith.constant 0 : index
    %get3A_32 = arith.constant 0 : index
    %get3A_33 = vector.load %arg3[%get3A_31, %get3A_32] : memref<1x512xf32, #tpu.memory_space<vmem>>, vector<1x512xf32>
    %add3A_34 = vector.broadcast %get3A_33 : vector<1x512xf32> to vector<200x512xf32>
    %add3A_35 = arith.addf %dot_general3A_30, %add3A_34 : vector<200x512xf32>
    %add3A_36 = arith.addf %add3A_35, %dot_general3A_22 : vector<200x512xf32>
    %tanh3A = math.tanh %add3A_36 : vector<200x512xf32>
    %swap3A = arith.constant 0 : index
    %swap3A_37 = arith.constant 0 : index
    %swap3A_38 = vector.load %arg8[%swap3A, %swap3A_37] : memref<200x512xf32, #tpu.memory_space<vmem>>, vector<200x512xf32>
    tpu.vector_store %arg8[%swap3A, %swap3A_37], %tanh3A {strides = array<i32>} : memref<200x512xf32, #tpu.memory_space<vmem>>, vector<200x512xf32>,
    %get3A_39 = arith.constant 0 : index
    %get3A_40 = arith.constant 0 : index
    %get3A_41 = vector.load %arg6[%get3A_39, %get3A_40] : memref<200x256xf32, #tpu.memory_space<vmem>>, vector<200x256xf32>
    %mul3A_42 = arith.mulf %get3A_4, %get3A_41 : vector<200x256xf32>
    %ge3A = arith.constant 1 : i32
    %ge3A_43 = vector.broadcast %ge3A : i32 to vector<200x256xi32>
    %ge3A_44 = arith.cmpi sge, %iota3A, %ge3A_43 : vector<200x256xi32>
    %lt3A_45 = arith.constant 151 : i32
    %lt3A_46 = vector.broadcast %lt3A_45 : i32 to vector<200x256xi32>
    %lt3A_47 = arith.cmpi slt, %iota3A, %lt3A_46 : vector<200x256xi32>
    %and3A = arith.andi %ge3A_44, %lt3A_47 : vector<200x256xi1>
    %jit3A_48 = arith.constant -1.000000e+00 : f32
    %broadcast_in_dim3A_49 = vector.broadcast %jit3A_48 : f32 to vector<200x256xf32>
    %select_n3A_50 = arith.select %and3A, %mul3A_42, %broadcast_in_dim3A_49 : vector<200x256xi1>, vector<200x256xf32>
    %reduce_max3A_51 = arith.constant dense<0xFF800000> : vector<200xf32>
    %reduce_max3A_52 = vector.multi_reduction <maximumf>, %select_n3A_50, %reduce_max3A_51 [1] : vector<200x256xf32> to vector<200xf32>
    %broadcast_in_dim3A_53 = vector.shape_cast %reduce_max3A_52 : vector<200xf32> to vector<200x1xf32>
    %eq3A = vector.broadcast %broadcast_in_dim3A_53 : vector<200x1xf32> to vector<200x256xf32>
    %eq3A_54 = arith.cmpf oeq, %select_n3A_50, %eq3A : vector<200x256xf32>
    %jit3A_55 = arith.constant 152 : i32
    %broadcast_in_dim3A_56 = vector.broadcast %jit3A_55 : i32 to vector<200x256xi32>
    %select_n3A_57 = arith.select %eq3A_54, %iota3A, %broadcast_in_dim3A_56 : vector<200x256xi1>, vector<200x256xi32>
    %reduce_min3A = arith.constant dense<2147483647> : vector<200xi32>
    %reduce_min3A_58 = vector.multi_reduction <minsi>, %select_n3A_57, %reduce_min3A [1] : vector<200x256xi32> to vector<200xi32>
    %broadcast_in_dim3A_59 = vector.shape_cast %reduce_min3A_58 : vector<200xi32> to vector<200x1xi32>
    %swap3A_60 = arith.constant 0 : index
    %swap3A_61 = arith.constant 0 : index
    %swap3A_62 = vector.load %arg9[%swap3A_60, %swap3A_61] : memref<200x1xi32, #tpu.memory_space<vmem>>, vector<200x1xi32>
    tpu.vector_store %arg9[%swap3A_60, %swap3A_61], %broadcast_in_dim3A_59 {strides = array<i32>} : memref<200x1xi32, #tpu.memory_space<vmem>>, vector<200x1xi32>,
    return
  }
  func.func @transform_0(%arg0: i32) -> (i32, i32) {
    %c0_i32 = arith.constant 0 : i32
    %c0_i32_0 = arith.constant 0 : i32
    return %arg0, %c0_i32 : i32, i32
  }
  func.func @transform_1(%arg0: i32) -> (i32, i32) {
    %c0_i32 = arith.constant 0 : i32
    %c0_i32_0 = arith.constant 0 : i32
    %c0_i32_1 = arith.constant 0 : i32
    return %c0_i32, %c0_i32_0 : i32, i32
  }
  func.func @transform_2(%arg0: i32) -> (i32, i32) {
    %c0_i32 = arith.constant 0 : i32
    %c0_i32_0 = arith.constant 0 : i32
    %c0_i32_1 = arith.constant 0 : i32
    return %c0_i32, %c0_i32_0 : i32, i32
  }
  func.func @transform_3(%arg0: i32) -> (i32, i32) {
    %c0_i32 = arith.constant 0 : i32
    %c0_i32_0 = arith.constant 0 : i32
    return %arg0, %c0_i32 : i32, i32
  }
  func.func @transform_4(%arg0: i32) -> (i32, i32) {
    %c0_i32 = arith.constant 0 : i32
    %c0_i32_0 = arith.constant 0 : i32
    return %arg0, %c0_i32 : i32, i32
  }
  func.func @transform_5(%arg0: i32) -> (i32, i32) {
    %c0_i32 = arith.constant 0 : i32
    %c0_i32_0 = arith.constant 0 : i32
    return %arg0, %c0_i32 : i32, i32
  }
  func.func @transform_6(%arg0: i32) -> (i32, i32) {
    %c0_i32 = arith.constant 0 : i32
    %c0_i32_0 = arith.constant 0 : i32
    %c0_i32_1 = arith.constant 0 : i32
    return %c0_i32, %c0_i32_0 : i32, i32
  }
  func.func @transform_7(%arg0: i32) -> (i32, i32) {
    %c0_i32 = arith.constant 0 : i32
    %c0_i32_0 = arith.constant 0 : i32
    return %arg0, %c0_i32 : i32, i32
  }
  func.func @transform_8(%arg0: i32) -> (i32, i32) {
    %c0_i32 = arith.constant 0 : i32
    %c0_i32_0 = arith.constant 0 : i32
    return %arg0, %c0_i32 : i32, i32
  }
}

module attributes {stable_mosaic.version = 14 : i64} {
  func.func @_relmm_body(%arg0: i32, %arg1: memref<200x4096xf32, #tpu.memory_space<vmem>>, %arg2: memref<4096x512xf32, #tpu.memory_space<vmem>>, %arg3: memref<1x512xf32, #tpu.memory_space<vmem>>, %arg4: memref<200x512xf32, #tpu.memory_space<vmem>>) attributes {dimension_semantics = [#tpu.dimension_semantics<arbitrary>], iteration_bounds = array<i64: 25>, scalar_prefetch = 0 : i64, scratch_operands = 0 : i64, tpu.core_type = #tpu.core_type<tc>, window_params = [{transform_indices = @transform_0, window_bounds = array<i64: 200, 4096>}, {pipeline_mode = #tpu.pipeline_mode<synchronous>, transform_indices = @transform_1, window_bounds = array<i64: 4096, 512>}, {pipeline_mode = #tpu.pipeline_mode<synchronous>, transform_indices = @transform_2, window_bounds = array<i64: 1, 512>}, {transform_indices = @transform_3, window_bounds = array<i64: 200, 512>}]} {
    %get3A = arith.constant 0 : index
    %get3A_0 = arith.constant 0 : index
    %get3A_1 = vector.load %arg1[%get3A, %get3A_0] : memref<200x4096xf32, #tpu.memory_space<vmem>>, vector<200x4096xf32>
    %get3A_2 = arith.constant 0 : index
    %get3A_3 = arith.constant 0 : index
    %get3A_4 = vector.load %arg2[%get3A_2, %get3A_3] : memref<4096x512xf32, #tpu.memory_space<vmem>>, vector<4096x512xf32>
    %dot_general3A = arith.constant dense<0.000000e+00> : vector<200x512xf32>
    %dot_general3A_5 = tpu.matmul %get3A_1, %get3A_4, %dot_general3A {dimension_numbers = #tpu.dot_dimension_numbers<[1], [0], [0], [1], [0, 0, 1, 1], [], []>, transpose_lhs_hint = false} : vector<200x4096xf32>, vector<4096x512xf32>, vector<200x512xf32> -> vector<200x512xf32>
    %get3A_6 = arith.constant 0 : index
    %get3A_7 = arith.constant 0 : index
    %get3A_8 = vector.load %arg3[%get3A_6, %get3A_7] : memref<1x512xf32, #tpu.memory_space<vmem>>, vector<1x512xf32>
    %add3A = vector.broadcast %get3A_8 : vector<1x512xf32> to vector<200x512xf32>
    %add3A_9 = arith.addf %dot_general3A_5, %add3A : vector<200x512xf32>
    %swap3A = arith.constant 0 : index
    %swap3A_10 = arith.constant 0 : index
    %swap3A_11 = vector.load %arg4[%swap3A, %swap3A_10] : memref<200x512xf32, #tpu.memory_space<vmem>>, vector<200x512xf32>
    tpu.vector_store %arg4[%swap3A, %swap3A_10], %add3A_9 {strides = array<i32>} : memref<200x512xf32, #tpu.memory_space<vmem>>, vector<200x512xf32>,
    return
  }
  func.func @transform_0(%arg0: i32) -> (i32, i32) {
    %c0_i32 = arith.constant 0 : i32
    %c0_i32_0 = arith.constant 0 : i32
    return %arg0, %c0_i32 : i32, i32
  }
  func.func @transform_1(%arg0: i32) -> (i32, i32) {
    %c0_i32 = arith.constant 0 : i32
    %c0_i32_0 = arith.constant 0 : i32
    %c0_i32_1 = arith.constant 0 : i32
    return %c0_i32, %c0_i32_0 : i32, i32
  }
  func.func @transform_2(%arg0: i32) -> (i32, i32) {
    %c0_i32 = arith.constant 0 : i32
    %c0_i32_0 = arith.constant 0 : i32
    %c0_i32_1 = arith.constant 0 : i32
    return %c0_i32, %c0_i32_0 : i32, i32
  }
  func.func @transform_3(%arg0: i32) -> (i32, i32) {
    %c0_i32 = arith.constant 0 : i32
    %c0_i32_0 = arith.constant 0 : i32
    return %arg0, %c0_i32 : i32, i32
  }
}

module attributes {stable_mosaic.version = 14 : i64} {
  func.func @_seg0_body(%arg0: memref<5120x512xf32, #tpu.memory_space<vmem>>, %arg1: memref<1x5120xi32, #tpu.memory_space<vmem>>, %arg2: memref<1x5120xi32, #tpu.memory_space<vmem>>, %arg3: memref<1024x512xf32, #tpu.memory_space<vmem>>, %arg4: memref<512x512xf32, #tpu.memory_space<vmem>>, %arg5: memref<1024x512xf32, #tpu.memory_space<vmem>>) attributes {dimension_semantics = [], scalar_prefetch = 0 : i64, scratch_operands = 0 : i64, tpu.core_type = #tpu.core_type<tc>} {
    %get3A = arith.constant 0 : index
    %get3A_0 = arith.constant 0 : index
    %get3A_1 = vector.load %arg3[%get3A, %get3A_0] : memref<1024x512xf32, #tpu.memory_space<vmem>>, vector<1024x512xf32>
    %iota3A = tpu.iota {dimensions = array<i32: 0>} : vector<1024x512xi32>
    %broadcast_in_dim3A = arith.constant 0.000000e+00 : f32
    %broadcast_in_dim3A_2 = vector.broadcast %broadcast_in_dim3A : f32 to vector<1024x512xf32>
    %get3A_3 = arith.constant 0 : index
    %get3A_4 = arith.constant 0 : index
    %get3A_5 = vector.load %arg1[%get3A_3, %get3A_4] : memref<1x5120xi32, #tpu.memory_space<vmem>>, vector<1x512xi32>
    %get3A_6 = arith.constant 0 : index
    %get3A_7 = arith.constant 0 : index
    %get3A_8 = vector.load %arg2[%get3A_6, %get3A_7] : memref<1x5120xi32, #tpu.memory_space<vmem>>, vector<1x512xi32>
    %eq3A = vector.broadcast %get3A_5 : vector<1x512xi32> to vector<1024x512xi32>
    %eq3A_9 = arith.cmpi eq, %eq3A, %iota3A : vector<1024x512xi32>
    %convert_element_type3A = arith.extui %eq3A_9 : vector<1024x512xi1> to vector<1024x512xi32>
    %convert_element_type3A_10 = arith.sitofp %convert_element_type3A : vector<1024x512xi32> to vector<1024x512xf32>
    %eq3A_11 = vector.broadcast %get3A_8 : vector<1x512xi32> to vector<1024x512xi32>
    %eq3A_12 = arith.cmpi eq, %eq3A_11, %iota3A : vector<1024x512xi32>
    %convert_element_type3A_13 = arith.extui %eq3A_12 : vector<1024x512xi1> to vector<1024x512xi32>
    %convert_element_type3A_14 = arith.sitofp %convert_element_type3A_13 : vector<1024x512xi32> to vector<1024x512xf32>
    %add3A = arith.addf %convert_element_type3A_10, %convert_element_type3A_14 : vector<1024x512xf32>
    %get3A_15 = arith.constant 0 : index
    %get3A_16 = arith.constant 0 : index
    %get3A_17 = vector.load %arg0[%get3A_15, %get3A_16] : memref<5120x512xf32, #tpu.memory_space<vmem>>, vector<512x512xf32>
    %dot_general3A = arith.constant dense<0.000000e+00> : vector<1024x512xf32>
    %dot_general3A_18 = tpu.matmul %add3A, %get3A_17, %dot_general3A {dimension_numbers = #tpu.dot_dimension_numbers<[1], [0], [0], [1], [0, 0, 1, 1], [], []>, transpose_lhs_hint = false} : vector<1024x512xf32>, vector<512x512xf32>, vector<1024x512xf32> -> vector<1024x512xf32>
    %add3A_19 = arith.addf %broadcast_in_dim3A_2, %dot_general3A_18 : vector<1024x512xf32>
    %get3A_20 = arith.constant 0 : index
    %get3A_21 = arith.constant 512 : index
    %get3A_22 = vector.load %arg1[%get3A_20, %get3A_21] : memref<1x5120xi32, #tpu.memory_space<vmem>>, vector<1x512xi32>
    %get3A_23 = arith.constant 0 : index
    %get3A_24 = arith.constant 512 : index
    %get3A_25 = vector.load %arg2[%get3A_23, %get3A_24] : memref<1x5120xi32, #tpu.memory_space<vmem>>, vector<1x512xi32>
    %eq3A_26 = vector.broadcast %get3A_22 : vector<1x512xi32> to vector<1024x512xi32>
    %eq3A_27 = arith.cmpi eq, %eq3A_26, %iota3A : vector<1024x512xi32>
    %convert_element_type3A_28 = arith.extui %eq3A_27 : vector<1024x512xi1> to vector<1024x512xi32>
    %convert_element_type3A_29 = arith.sitofp %convert_element_type3A_28 : vector<1024x512xi32> to vector<1024x512xf32>
    %eq3A_30 = vector.broadcast %get3A_25 : vector<1x512xi32> to vector<1024x512xi32>
    %eq3A_31 = arith.cmpi eq, %eq3A_30, %iota3A : vector<1024x512xi32>
    %convert_element_type3A_32 = arith.extui %eq3A_31 : vector<1024x512xi1> to vector<1024x512xi32>
    %convert_element_type3A_33 = arith.sitofp %convert_element_type3A_32 : vector<1024x512xi32> to vector<1024x512xf32>
    %add3A_34 = arith.addf %convert_element_type3A_29, %convert_element_type3A_33 : vector<1024x512xf32>
    %get3A_35 = arith.constant 512 : index
    %get3A_36 = arith.constant 0 : index
    %get3A_37 = vector.load %arg0[%get3A_35, %get3A_36] : memref<5120x512xf32, #tpu.memory_space<vmem>>, vector<512x512xf32>
    %dot_general3A_38 = arith.constant dense<0.000000e+00> : vector<1024x512xf32>
    %dot_general3A_39 = tpu.matmul %add3A_34, %get3A_37, %dot_general3A_38 {dimension_numbers = #tpu.dot_dimension_numbers<[1], [0], [0], [1], [0, 0, 1, 1], [], []>, transpose_lhs_hint = false} : vector<1024x512xf32>, vector<512x512xf32>, vector<1024x512xf32> -> vector<1024x512xf32>
    %add3A_40 = arith.addf %add3A_19, %dot_general3A_39 : vector<1024x512xf32>
    %get3A_41 = arith.constant 0 : index
    %get3A_42 = arith.constant 1024 : index
    %get3A_43 = vector.load %arg1[%get3A_41, %get3A_42] : memref<1x5120xi32, #tpu.memory_space<vmem>>, vector<1x512xi32>
    %get3A_44 = arith.constant 0 : index
    %get3A_45 = arith.constant 1024 : index
    %get3A_46 = vector.load %arg2[%get3A_44, %get3A_45] : memref<1x5120xi32, #tpu.memory_space<vmem>>, vector<1x512xi32>
    %eq3A_47 = vector.broadcast %get3A_43 : vector<1x512xi32> to vector<1024x512xi32>
    %eq3A_48 = arith.cmpi eq, %eq3A_47, %iota3A : vector<1024x512xi32>
    %convert_element_type3A_49 = arith.extui %eq3A_48 : vector<1024x512xi1> to vector<1024x512xi32>
    %convert_element_type3A_50 = arith.sitofp %convert_element_type3A_49 : vector<1024x512xi32> to vector<1024x512xf32>
    %eq3A_51 = vector.broadcast %get3A_46 : vector<1x512xi32> to vector<1024x512xi32>
    %eq3A_52 = arith.cmpi eq, %eq3A_51, %iota3A : vector<1024x512xi32>
    %convert_element_type3A_53 = arith.extui %eq3A_52 : vector<1024x512xi1> to vector<1024x512xi32>
    %convert_element_type3A_54 = arith.sitofp %convert_element_type3A_53 : vector<1024x512xi32> to vector<1024x512xf32>
    %add3A_55 = arith.addf %convert_element_type3A_50, %convert_element_type3A_54 : vector<1024x512xf32>
    %get3A_56 = arith.constant 1024 : index
    %get3A_57 = arith.constant 0 : index
    %get3A_58 = vector.load %arg0[%get3A_56, %get3A_57] : memref<5120x512xf32, #tpu.memory_space<vmem>>, vector<512x512xf32>
    %dot_general3A_59 = arith.constant dense<0.000000e+00> : vector<1024x512xf32>
    %dot_general3A_60 = tpu.matmul %add3A_55, %get3A_58, %dot_general3A_59 {dimension_numbers = #tpu.dot_dimension_numbers<[1], [0], [0], [1], [0, 0, 1, 1], [], []>, transpose_lhs_hint = false} : vector<1024x512xf32>, vector<512x512xf32>, vector<1024x512xf32> -> vector<1024x512xf32>
    %add3A_61 = arith.addf %add3A_40, %dot_general3A_60 : vector<1024x512xf32>
    %get3A_62 = arith.constant 0 : index
    %get3A_63 = arith.constant 1536 : index
    %get3A_64 = vector.load %arg1[%get3A_62, %get3A_63] : memref<1x5120xi32, #tpu.memory_space<vmem>>, vector<1x512xi32>
    %get3A_65 = arith.constant 0 : index
    %get3A_66 = arith.constant 1536 : index
    %get3A_67 = vector.load %arg2[%get3A_65, %get3A_66] : memref<1x5120xi32, #tpu.memory_space<vmem>>, vector<1x512xi32>
    %eq3A_68 = vector.broadcast %get3A_64 : vector<1x512xi32> to vector<1024x512xi32>
    %eq3A_69 = arith.cmpi eq, %eq3A_68, %iota3A : vector<1024x512xi32>
    %convert_element_type3A_70 = arith.extui %eq3A_69 : vector<1024x512xi1> to vector<1024x512xi32>
    %convert_element_type3A_71 = arith.sitofp %convert_element_type3A_70 : vector<1024x512xi32> to vector<1024x512xf32>
    %eq3A_72 = vector.broadcast %get3A_67 : vector<1x512xi32> to vector<1024x512xi32>
    %eq3A_73 = arith.cmpi eq, %eq3A_72, %iota3A : vector<1024x512xi32>
    %convert_element_type3A_74 = arith.extui %eq3A_73 : vector<1024x512xi1> to vector<1024x512xi32>
    %convert_element_type3A_75 = arith.sitofp %convert_element_type3A_74 : vector<1024x512xi32> to vector<1024x512xf32>
    %add3A_76 = arith.addf %convert_element_type3A_71, %convert_element_type3A_75 : vector<1024x512xf32>
    %get3A_77 = arith.constant 1536 : index
    %get3A_78 = arith.constant 0 : index
    %get3A_79 = vector.load %arg0[%get3A_77, %get3A_78] : memref<5120x512xf32, #tpu.memory_space<vmem>>, vector<512x512xf32>
    %dot_general3A_80 = arith.constant dense<0.000000e+00> : vector<1024x512xf32>
    %dot_general3A_81 = tpu.matmul %add3A_76, %get3A_79, %dot_general3A_80 {dimension_numbers = #tpu.dot_dimension_numbers<[1], [0], [0], [1], [0, 0, 1, 1], [], []>, transpose_lhs_hint = false} : vector<1024x512xf32>, vector<512x512xf32>, vector<1024x512xf32> -> vector<1024x512xf32>
    %add3A_82 = arith.addf %add3A_61, %dot_general3A_81 : vector<1024x512xf32>
    %get3A_83 = arith.constant 0 : index
    %get3A_84 = arith.constant 2048 : index
    %get3A_85 = vector.load %arg1[%get3A_83, %get3A_84] : memref<1x5120xi32, #tpu.memory_space<vmem>>, vector<1x512xi32>
    %get3A_86 = arith.constant 0 : index
    %get3A_87 = arith.constant 2048 : index
    %get3A_88 = vector.load %arg2[%get3A_86, %get3A_87] : memref<1x5120xi32, #tpu.memory_space<vmem>>, vector<1x512xi32>
    %eq3A_89 = vector.broadcast %get3A_85 : vector<1x512xi32> to vector<1024x512xi32>
    %eq3A_90 = arith.cmpi eq, %eq3A_89, %iota3A : vector<1024x512xi32>
    %convert_element_type3A_91 = arith.extui %eq3A_90 : vector<1024x512xi1> to vector<1024x512xi32>
    %convert_element_type3A_92 = arith.sitofp %convert_element_type3A_91 : vector<1024x512xi32> to vector<1024x512xf32>
    %eq3A_93 = vector.broadcast %get3A_88 : vector<1x512xi32> to vector<1024x512xi32>
    %eq3A_94 = arith.cmpi eq, %eq3A_93, %iota3A : vector<1024x512xi32>
    %convert_element_type3A_95 = arith.extui %eq3A_94 : vector<1024x512xi1> to vector<1024x512xi32>
    %convert_element_type3A_96 = arith.sitofp %convert_element_type3A_95 : vector<1024x512xi32> to vector<1024x512xf32>
    %add3A_97 = arith.addf %convert_element_type3A_92, %convert_element_type3A_96 : vector<1024x512xf32>
    %get3A_98 = arith.constant 2048 : index
    %get3A_99 = arith.constant 0 : index
    %get3A_100 = vector.load %arg0[%get3A_98, %get3A_99] : memref<5120x512xf32, #tpu.memory_space<vmem>>, vector<512x512xf32>
    %dot_general3A_101 = arith.constant dense<0.000000e+00> : vector<1024x512xf32>
    %dot_general3A_102 = tpu.matmul %add3A_97, %get3A_100, %dot_general3A_101 {dimension_numbers = #tpu.dot_dimension_numbers<[1], [0], [0], [1], [0, 0, 1, 1], [], []>, transpose_lhs_hint = false} : vector<1024x512xf32>, vector<512x512xf32>, vector<1024x512xf32> -> vector<1024x512xf32>
    %add3A_103 = arith.addf %add3A_82, %dot_general3A_102 : vector<1024x512xf32>
    %get3A_104 = arith.constant 0 : index
    %get3A_105 = arith.constant 2560 : index
    %get3A_106 = vector.load %arg1[%get3A_104, %get3A_105] : memref<1x5120xi32, #tpu.memory_space<vmem>>, vector<1x512xi32>
    %get3A_107 = arith.constant 0 : index
    %get3A_108 = arith.constant 2560 : index
    %get3A_109 = vector.load %arg2[%get3A_107, %get3A_108] : memref<1x5120xi32, #tpu.memory_space<vmem>>, vector<1x512xi32>
    %eq3A_110 = vector.broadcast %get3A_106 : vector<1x512xi32> to vector<1024x512xi32>
    %eq3A_111 = arith.cmpi eq, %eq3A_110, %iota3A : vector<1024x512xi32>
    %convert_element_type3A_112 = arith.extui %eq3A_111 : vector<1024x512xi1> to vector<1024x512xi32>
    %convert_element_type3A_113 = arith.sitofp %convert_element_type3A_112 : vector<1024x512xi32> to vector<1024x512xf32>
    %eq3A_114 = vector.broadcast %get3A_109 : vector<1x512xi32> to vector<1024x512xi32>
    %eq3A_115 = arith.cmpi eq, %eq3A_114, %iota3A : vector<1024x512xi32>
    %convert_element_type3A_116 = arith.extui %eq3A_115 : vector<1024x512xi1> to vector<1024x512xi32>
    %convert_element_type3A_117 = arith.sitofp %convert_element_type3A_116 : vector<1024x512xi32> to vector<1024x512xf32>
    %add3A_118 = arith.addf %convert_element_type3A_113, %convert_element_type3A_117 : vector<1024x512xf32>
    %get3A_119 = arith.constant 2560 : index
    %get3A_120 = arith.constant 0 : index
    %get3A_121 = vector.load %arg0[%get3A_119, %get3A_120] : memref<5120x512xf32, #tpu.memory_space<vmem>>, vector<512x512xf32>
    %dot_general3A_122 = arith.constant dense<0.000000e+00> : vector<1024x512xf32>
    %dot_general3A_123 = tpu.matmul %add3A_118, %get3A_121, %dot_general3A_122 {dimension_numbers = #tpu.dot_dimension_numbers<[1], [0], [0], [1], [0, 0, 1, 1], [], []>, transpose_lhs_hint = false} : vector<1024x512xf32>, vector<512x512xf32>, vector<1024x512xf32> -> vector<1024x512xf32>
    %add3A_124 = arith.addf %add3A_103, %dot_general3A_123 : vector<1024x512xf32>
    %get3A_125 = arith.constant 0 : index
    %get3A_126 = arith.constant 3072 : index
    %get3A_127 = vector.load %arg1[%get3A_125, %get3A_126] : memref<1x5120xi32, #tpu.memory_space<vmem>>, vector<1x512xi32>
    %get3A_128 = arith.constant 0 : index
    %get3A_129 = arith.constant 3072 : index
    %get3A_130 = vector.load %arg2[%get3A_128, %get3A_129] : memref<1x5120xi32, #tpu.memory_space<vmem>>, vector<1x512xi32>
    %eq3A_131 = vector.broadcast %get3A_127 : vector<1x512xi32> to vector<1024x512xi32>
    %eq3A_132 = arith.cmpi eq, %eq3A_131, %iota3A : vector<1024x512xi32>
    %convert_element_type3A_133 = arith.extui %eq3A_132 : vector<1024x512xi1> to vector<1024x512xi32>
    %convert_element_type3A_134 = arith.sitofp %convert_element_type3A_133 : vector<1024x512xi32> to vector<1024x512xf32>
    %eq3A_135 = vector.broadcast %get3A_130 : vector<1x512xi32> to vector<1024x512xi32>
    %eq3A_136 = arith.cmpi eq, %eq3A_135, %iota3A : vector<1024x512xi32>
    %convert_element_type3A_137 = arith.extui %eq3A_136 : vector<1024x512xi1> to vector<1024x512xi32>
    %convert_element_type3A_138 = arith.sitofp %convert_element_type3A_137 : vector<1024x512xi32> to vector<1024x512xf32>
    %add3A_139 = arith.addf %convert_element_type3A_134, %convert_element_type3A_138 : vector<1024x512xf32>
    %get3A_140 = arith.constant 3072 : index
    %get3A_141 = arith.constant 0 : index
    %get3A_142 = vector.load %arg0[%get3A_140, %get3A_141] : memref<5120x512xf32, #tpu.memory_space<vmem>>, vector<512x512xf32>
    %dot_general3A_143 = arith.constant dense<0.000000e+00> : vector<1024x512xf32>
    %dot_general3A_144 = tpu.matmul %add3A_139, %get3A_142, %dot_general3A_143 {dimension_numbers = #tpu.dot_dimension_numbers<[1], [0], [0], [1], [0, 0, 1, 1], [], []>, transpose_lhs_hint = false} : vector<1024x512xf32>, vector<512x512xf32>, vector<1024x512xf32> -> vector<1024x512xf32>
    %add3A_145 = arith.addf %add3A_124, %dot_general3A_144 : vector<1024x512xf32>
    %get3A_146 = arith.constant 0 : index
    %get3A_147 = arith.constant 3584 : index
    %get3A_148 = vector.load %arg1[%get3A_146, %get3A_147] : memref<1x5120xi32, #tpu.memory_space<vmem>>, vector<1x512xi32>
    %get3A_149 = arith.constant 0 : index
    %get3A_150 = arith.constant 3584 : index
    %get3A_151 = vector.load %arg2[%get3A_149, %get3A_150] : memref<1x5120xi32, #tpu.memory_space<vmem>>, vector<1x512xi32>
    %eq3A_152 = vector.broadcast %get3A_148 : vector<1x512xi32> to vector<1024x512xi32>
    %eq3A_153 = arith.cmpi eq, %eq3A_152, %iota3A : vector<1024x512xi32>
    %convert_element_type3A_154 = arith.extui %eq3A_153 : vector<1024x512xi1> to vector<1024x512xi32>
    %convert_element_type3A_155 = arith.sitofp %convert_element_type3A_154 : vector<1024x512xi32> to vector<1024x512xf32>
    %eq3A_156 = vector.broadcast %get3A_151 : vector<1x512xi32> to vector<1024x512xi32>
    %eq3A_157 = arith.cmpi eq, %eq3A_156, %iota3A : vector<1024x512xi32>
    %convert_element_type3A_158 = arith.extui %eq3A_157 : vector<1024x512xi1> to vector<1024x512xi32>
    %convert_element_type3A_159 = arith.sitofp %convert_element_type3A_158 : vector<1024x512xi32> to vector<1024x512xf32>
    %add3A_160 = arith.addf %convert_element_type3A_155, %convert_element_type3A_159 : vector<1024x512xf32>
    %get3A_161 = arith.constant 3584 : index
    %get3A_162 = arith.constant 0 : index
    %get3A_163 = vector.load %arg0[%get3A_161, %get3A_162] : memref<5120x512xf32, #tpu.memory_space<vmem>>, vector<512x512xf32>
    %dot_general3A_164 = arith.constant dense<0.000000e+00> : vector<1024x512xf32>
    %dot_general3A_165 = tpu.matmul %add3A_160, %get3A_163, %dot_general3A_164 {dimension_numbers = #tpu.dot_dimension_numbers<[1], [0], [0], [1], [0, 0, 1, 1], [], []>, transpose_lhs_hint = false} : vector<1024x512xf32>, vector<512x512xf32>, vector<1024x512xf32> -> vector<1024x512xf32>
    %add3A_166 = arith.addf %add3A_145, %dot_general3A_165 : vector<1024x512xf32>
    %get3A_167 = arith.constant 0 : index
    %get3A_168 = arith.constant 4096 : index
    %get3A_169 = vector.load %arg1[%get3A_167, %get3A_168] : memref<1x5120xi32, #tpu.memory_space<vmem>>, vector<1x512xi32>
    %get3A_170 = arith.constant 0 : index
    %get3A_171 = arith.constant 4096 : index
    %get3A_172 = vector.load %arg2[%get3A_170, %get3A_171] : memref<1x5120xi32, #tpu.memory_space<vmem>>, vector<1x512xi32>
    %eq3A_173 = vector.broadcast %get3A_169 : vector<1x512xi32> to vector<1024x512xi32>
    %eq3A_174 = arith.cmpi eq, %eq3A_173, %iota3A : vector<1024x512xi32>
    %convert_element_type3A_175 = arith.extui %eq3A_174 : vector<1024x512xi1> to vector<1024x512xi32>
    %convert_element_type3A_176 = arith.sitofp %convert_element_type3A_175 : vector<1024x512xi32> to vector<1024x512xf32>
    %eq3A_177 = vector.broadcast %get3A_172 : vector<1x512xi32> to vector<1024x512xi32>
    %eq3A_178 = arith.cmpi eq, %eq3A_177, %iota3A : vector<1024x512xi32>
    %convert_element_type3A_179 = arith.extui %eq3A_178 : vector<1024x512xi1> to vector<1024x512xi32>
    %convert_element_type3A_180 = arith.sitofp %convert_element_type3A_179 : vector<1024x512xi32> to vector<1024x512xf32>
    %add3A_181 = arith.addf %convert_element_type3A_176, %convert_element_type3A_180 : vector<1024x512xf32>
    %get3A_182 = arith.constant 4096 : index
    %get3A_183 = arith.constant 0 : index
    %get3A_184 = vector.load %arg0[%get3A_182, %get3A_183] : memref<5120x512xf32, #tpu.memory_space<vmem>>, vector<512x512xf32>
    %dot_general3A_185 = arith.constant dense<0.000000e+00> : vector<1024x512xf32>
    %dot_general3A_186 = tpu.matmul %add3A_181, %get3A_184, %dot_general3A_185 {dimension_numbers = #tpu.dot_dimension_numbers<[1], [0], [0], [1], [0, 0, 1, 1], [], []>, transpose_lhs_hint = false} : vector<1024x512xf32>, vector<512x512xf32>, vector<1024x512xf32> -> vector<1024x512xf32>
    %add3A_187 = arith.addf %add3A_166, %dot_general3A_186 : vector<1024x512xf32>
    %get3A_188 = arith.constant 0 : index
    %get3A_189 = arith.constant 4608 : index
    %get3A_190 = vector.load %arg1[%get3A_188, %get3A_189] : memref<1x5120xi32, #tpu.memory_space<vmem>>, vector<1x512xi32>
    %get3A_191 = arith.constant 0 : index
    %get3A_192 = arith.constant 4608 : index
    %get3A_193 = vector.load %arg2[%get3A_191, %get3A_192] : memref<1x5120xi32, #tpu.memory_space<vmem>>, vector<1x512xi32>
    %eq3A_194 = vector.broadcast %get3A_190 : vector<1x512xi32> to vector<1024x512xi32>
    %eq3A_195 = arith.cmpi eq, %eq3A_194, %iota3A : vector<1024x512xi32>
    %convert_element_type3A_196 = arith.extui %eq3A_195 : vector<1024x512xi1> to vector<1024x512xi32>
    %convert_element_type3A_197 = arith.sitofp %convert_element_type3A_196 : vector<1024x512xi32> to vector<1024x512xf32>
    %eq3A_198 = vector.broadcast %get3A_193 : vector<1x512xi32> to vector<1024x512xi32>
    %eq3A_199 = arith.cmpi eq, %eq3A_198, %iota3A : vector<1024x512xi32>
    %convert_element_type3A_200 = arith.extui %eq3A_199 : vector<1024x512xi1> to vector<1024x512xi32>
    %convert_element_type3A_201 = arith.sitofp %convert_element_type3A_200 : vector<1024x512xi32> to vector<1024x512xf32>
    %add3A_202 = arith.addf %convert_element_type3A_197, %convert_element_type3A_201 : vector<1024x512xf32>
    %get3A_203 = arith.constant 4608 : index
    %get3A_204 = arith.constant 0 : index
    %get3A_205 = vector.load %arg0[%get3A_203, %get3A_204] : memref<5120x512xf32, #tpu.memory_space<vmem>>, vector<512x512xf32>
    %dot_general3A_206 = arith.constant dense<0.000000e+00> : vector<1024x512xf32>
    %dot_general3A_207 = tpu.matmul %add3A_202, %get3A_205, %dot_general3A_206 {dimension_numbers = #tpu.dot_dimension_numbers<[1], [0], [0], [1], [0, 0, 1, 1], [], []>, transpose_lhs_hint = false} : vector<1024x512xf32>, vector<512x512xf32>, vector<1024x512xf32> -> vector<1024x512xf32>
    %add3A_208 = arith.addf %add3A_187, %dot_general3A_207 : vector<1024x512xf32>
    %mul3A = arith.mulf %add3A_208, %add3A_208 : vector<1024x512xf32>
    %reduce_sum3A = arith.constant dense<0.000000e+00> : vector<1024xf32>
    %reduce_sum3A_209 = vector.multi_reduction <add>, %mul3A, %reduce_sum3A [1] : vector<1024x512xf32> to vector<1024xf32>
    %broadcast_in_dim3A_210 = vector.shape_cast %reduce_sum3A_209 : vector<1024xf32> to vector<1024x1xf32>
    %sqrt3A = math.sqrt %broadcast_in_dim3A_210 : vector<1024x1xf32>
    %add3A_211 = arith.constant 9.99999993E-9 : f32
    %add3A_212 = vector.broadcast %add3A_211 : f32 to vector<1024x1xf32>
    %add3A_213 = arith.addf %sqrt3A, %add3A_212 : vector<1024x1xf32>
    %div3A = vector.broadcast %add3A_213 : vector<1024x1xf32> to vector<1024x512xf32>
    %div3A_214 = arith.divf %add3A_208, %div3A : vector<1024x512xf32>
    %get3A_215 = arith.constant 0 : index
    %get3A_216 = arith.constant 0 : index
    %get3A_217 = vector.load %arg4[%get3A_215, %get3A_216] : memref<512x512xf32, #tpu.memory_space<vmem>>, vector<512x512xf32>
    %dot_general3A_218 = arith.constant dense<0.000000e+00> : vector<1024x512xf32>
    %dot_general3A_219 = tpu.matmul %div3A_214, %get3A_217, %dot_general3A_218 {dimension_numbers = #tpu.dot_dimension_numbers<[1], [0], [0], [1], [0, 0, 1, 1], [], []>, transpose_lhs_hint = false} : vector<1024x512xf32>, vector<512x512xf32>, vector<1024x512xf32> -> vector<1024x512xf32>
    %add3A_220 = arith.addf %get3A_1, %dot_general3A_219 : vector<1024x512xf32>
    %tanh3A = math.tanh %add3A_220 : vector<1024x512xf32>
    %swap3A = arith.constant 0 : index
    %swap3A_221 = arith.constant 0 : index
    %swap3A_222 = vector.load %arg5[%swap3A, %swap3A_221] : memref<1024x512xf32, #tpu.memory_space<vmem>>, vector<1024x512xf32>
    tpu.vector_store %arg5[%swap3A, %swap3A_221], %tanh3A {strides = array<i32>} : memref<1024x512xf32, #tpu.memory_space<vmem>>, vector<1024x512xf32>,
    return
  }
}

module attributes {stable_mosaic.version = 14 : i64} {
  func.func @_segup_body(%arg0: memref<5120x512xf32, #tpu.memory_space<vmem>>, %arg1: memref<5120x512xf32, #tpu.memory_space<vmem>>, %arg2: memref<5120x512xf32, #tpu.memory_space<vmem>>, %arg3: memref<1x5120xi32, #tpu.memory_space<vmem>>, %arg4: memref<1x5120xi32, #tpu.memory_space<vmem>>, %arg5: memref<1024x512xf32, #tpu.memory_space<vmem>>, %arg6: memref<512x512xf32, #tpu.memory_space<vmem>>, %arg7: memref<1024x512xf32, #tpu.memory_space<vmem>>, %arg8: memref<5120x512xf32, #tpu.memory_space<vmem>>) attributes {dimension_semantics = [], scalar_prefetch = 0 : i64, scratch_operands = 0 : i64, tpu.core_type = #tpu.core_type<tc>} {
    %get3A = arith.constant 0 : index
    %get3A_0 = arith.constant 0 : index
    %get3A_1 = vector.load %arg0[%get3A, %get3A_0] : memref<5120x512xf32, #tpu.memory_space<vmem>>, vector<512x512xf32>
    %get3A_2 = arith.constant 0 : index
    %get3A_3 = arith.constant 0 : index
    %get3A_4 = vector.load %arg1[%get3A_2, %get3A_3] : memref<5120x512xf32, #tpu.memory_space<vmem>>, vector<512x512xf32>
    %add3A = arith.addf %get3A_1, %get3A_4 : vector<512x512xf32>
    %get3A_5 = arith.constant 0 : index
    %get3A_6 = arith.constant 0 : index
    %get3A_7 = vector.load %arg2[%get3A_5, %get3A_6] : memref<5120x512xf32, #tpu.memory_space<vmem>>, vector<512x512xf32>
    %add3A_8 = arith.addf %add3A, %get3A_7 : vector<512x512xf32>
    %tanh3A = math.tanh %add3A_8 : vector<512x512xf32>
    %swap3A = arith.constant 0 : index
    %swap3A_9 = arith.constant 0 : index
    %swap3A_10 = vector.load %arg8[%swap3A, %swap3A_9] : memref<5120x512xf32, #tpu.memory_space<vmem>>, vector<512x512xf32>
    tpu.vector_store %arg8[%swap3A, %swap3A_9], %tanh3A {strides = array<i32>} : memref<5120x512xf32, #tpu.memory_space<vmem>>, vector<512x512xf32>,
    %get3A_11 = arith.constant 512 : index
    %get3A_12 = arith.constant 0 : index
    %get3A_13 = vector.load %arg0[%get3A_11, %get3A_12] : memref<5120x512xf32, #tpu.memory_space<vmem>>, vector<512x512xf32>
    %get3A_14 = arith.constant 512 : index
    %get3A_15 = arith.constant 0 : index
    %get3A_16 = vector.load %arg1[%get3A_14, %get3A_15] : memref<5120x512xf32, #tpu.memory_space<vmem>>, vector<512x512xf32>
    %add3A_17 = arith.addf %get3A_13, %get3A_16 : vector<512x512xf32>
    %get3A_18 = arith.constant 512 : index
    %get3A_19 = arith.constant 0 : index
    %get3A_20 = vector.load %arg2[%get3A_18, %get3A_19] : memref<5120x512xf32, #tpu.memory_space<vmem>>, vector<512x512xf32>
    %add3A_21 = arith.addf %add3A_17, %get3A_20 : vector<512x512xf32>
    %tanh3A_22 = math.tanh %add3A_21 : vector<512x512xf32>
    %swap3A_23 = arith.constant 512 : index
    %swap3A_24 = arith.constant 0 : index
    %swap3A_25 = vector.load %arg8[%swap3A_23, %swap3A_24] : memref<5120x512xf32, #tpu.memory_space<vmem>>, vector<512x512xf32>
    tpu.vector_store %arg8[%swap3A_23, %swap3A_24], %tanh3A_22 {strides = array<i32>} : memref<5120x512xf32, #tpu.memory_space<vmem>>, vector<512x512xf32>,
    %get3A_26 = arith.constant 1024 : index
    %get3A_27 = arith.constant 0 : index
    %get3A_28 = vector.load %arg0[%get3A_26, %get3A_27] : memref<5120x512xf32, #tpu.memory_space<vmem>>, vector<512x512xf32>
    %get3A_29 = arith.constant 1024 : index
    %get3A_30 = arith.constant 0 : index
    %get3A_31 = vector.load %arg1[%get3A_29, %get3A_30] : memref<5120x512xf32, #tpu.memory_space<vmem>>, vector<512x512xf32>
    %add3A_32 = arith.addf %get3A_28, %get3A_31 : vector<512x512xf32>
    %get3A_33 = arith.constant 1024 : index
    %get3A_34 = arith.constant 0 : index
    %get3A_35 = vector.load %arg2[%get3A_33, %get3A_34] : memref<5120x512xf32, #tpu.memory_space<vmem>>, vector<512x512xf32>
    %add3A_36 = arith.addf %add3A_32, %get3A_35 : vector<512x512xf32>
    %tanh3A_37 = math.tanh %add3A_36 : vector<512x512xf32>
    %swap3A_38 = arith.constant 1024 : index
    %swap3A_39 = arith.constant 0 : index
    %swap3A_40 = vector.load %arg8[%swap3A_38, %swap3A_39] : memref<5120x512xf32, #tpu.memory_space<vmem>>, vector<512x512xf32>
    tpu.vector_store %arg8[%swap3A_38, %swap3A_39], %tanh3A_37 {strides = array<i32>} : memref<5120x512xf32, #tpu.memory_space<vmem>>, vector<512x512xf32>,
    %get3A_41 = arith.constant 1536 : index
    %get3A_42 = arith.constant 0 : index
    %get3A_43 = vector.load %arg0[%get3A_41, %get3A_42] : memref<5120x512xf32, #tpu.memory_space<vmem>>, vector<512x512xf32>
    %get3A_44 = arith.constant 1536 : index
    %get3A_45 = arith.constant 0 : index
    %get3A_46 = vector.load %arg1[%get3A_44, %get3A_45] : memref<5120x512xf32, #tpu.memory_space<vmem>>, vector<512x512xf32>
    %add3A_47 = arith.addf %get3A_43, %get3A_46 : vector<512x512xf32>
    %get3A_48 = arith.constant 1536 : index
    %get3A_49 = arith.constant 0 : index
    %get3A_50 = vector.load %arg2[%get3A_48, %get3A_49] : memref<5120x512xf32, #tpu.memory_space<vmem>>, vector<512x512xf32>
    %add3A_51 = arith.addf %add3A_47, %get3A_50 : vector<512x512xf32>
    %tanh3A_52 = math.tanh %add3A_51 : vector<512x512xf32>
    %swap3A_53 = arith.constant 1536 : index
    %swap3A_54 = arith.constant 0 : index
    %swap3A_55 = vector.load %arg8[%swap3A_53, %swap3A_54] : memref<5120x512xf32, #tpu.memory_space<vmem>>, vector<512x512xf32>
    tpu.vector_store %arg8[%swap3A_53, %swap3A_54], %tanh3A_52 {strides = array<i32>} : memref<5120x512xf32, #tpu.memory_space<vmem>>, vector<512x512xf32>,
    %get3A_56 = arith.constant 2048 : index
    %get3A_57 = arith.constant 0 : index
    %get3A_58 = vector.load %arg0[%get3A_56, %get3A_57] : memref<5120x512xf32, #tpu.memory_space<vmem>>, vector<512x512xf32>
    %get3A_59 = arith.constant 2048 : index
    %get3A_60 = arith.constant 0 : index
    %get3A_61 = vector.load %arg1[%get3A_59, %get3A_60] : memref<5120x512xf32, #tpu.memory_space<vmem>>, vector<512x512xf32>
    %add3A_62 = arith.addf %get3A_58, %get3A_61 : vector<512x512xf32>
    %get3A_63 = arith.constant 2048 : index
    %get3A_64 = arith.constant 0 : index
    %get3A_65 = vector.load %arg2[%get3A_63, %get3A_64] : memref<5120x512xf32, #tpu.memory_space<vmem>>, vector<512x512xf32>
    %add3A_66 = arith.addf %add3A_62, %get3A_65 : vector<512x512xf32>
    %tanh3A_67 = math.tanh %add3A_66 : vector<512x512xf32>
    %swap3A_68 = arith.constant 2048 : index
    %swap3A_69 = arith.constant 0 : index
    %swap3A_70 = vector.load %arg8[%swap3A_68, %swap3A_69] : memref<5120x512xf32, #tpu.memory_space<vmem>>, vector<512x512xf32>
    tpu.vector_store %arg8[%swap3A_68, %swap3A_69], %tanh3A_67 {strides = array<i32>} : memref<5120x512xf32, #tpu.memory_space<vmem>>, vector<512x512xf32>,
    %get3A_71 = arith.constant 2560 : index
    %get3A_72 = arith.constant 0 : index
    %get3A_73 = vector.load %arg0[%get3A_71, %get3A_72] : memref<5120x512xf32, #tpu.memory_space<vmem>>, vector<512x512xf32>
    %get3A_74 = arith.constant 2560 : index
    %get3A_75 = arith.constant 0 : index
    %get3A_76 = vector.load %arg1[%get3A_74, %get3A_75] : memref<5120x512xf32, #tpu.memory_space<vmem>>, vector<512x512xf32>
    %add3A_77 = arith.addf %get3A_73, %get3A_76 : vector<512x512xf32>
    %get3A_78 = arith.constant 2560 : index
    %get3A_79 = arith.constant 0 : index
    %get3A_80 = vector.load %arg2[%get3A_78, %get3A_79] : memref<5120x512xf32, #tpu.memory_space<vmem>>, vector<512x512xf32>
    %add3A_81 = arith.addf %add3A_77, %get3A_80 : vector<512x512xf32>
    %tanh3A_82 = math.tanh %add3A_81 : vector<512x512xf32>
    %swap3A_83 = arith.constant 2560 : index
    %swap3A_84 = arith.constant 0 : index
    %swap3A_85 = vector.load %arg8[%swap3A_83, %swap3A_84] : memref<5120x512xf32, #tpu.memory_space<vmem>>, vector<512x512xf32>
    tpu.vector_store %arg8[%swap3A_83, %swap3A_84], %tanh3A_82 {strides = array<i32>} : memref<5120x512xf32, #tpu.memory_space<vmem>>, vector<512x512xf32>,
    %get3A_86 = arith.constant 3072 : index
    %get3A_87 = arith.constant 0 : index
    %get3A_88 = vector.load %arg0[%get3A_86, %get3A_87] : memref<5120x512xf32, #tpu.memory_space<vmem>>, vector<512x512xf32>
    %get3A_89 = arith.constant 3072 : index
    %get3A_90 = arith.constant 0 : index
    %get3A_91 = vector.load %arg1[%get3A_89, %get3A_90] : memref<5120x512xf32, #tpu.memory_space<vmem>>, vector<512x512xf32>
    %add3A_92 = arith.addf %get3A_88, %get3A_91 : vector<512x512xf32>
    %get3A_93 = arith.constant 3072 : index
    %get3A_94 = arith.constant 0 : index
    %get3A_95 = vector.load %arg2[%get3A_93, %get3A_94] : memref<5120x512xf32, #tpu.memory_space<vmem>>, vector<512x512xf32>
    %add3A_96 = arith.addf %add3A_92, %get3A_95 : vector<512x512xf32>
    %tanh3A_97 = math.tanh %add3A_96 : vector<512x512xf32>
    %swap3A_98 = arith.constant 3072 : index
    %swap3A_99 = arith.constant 0 : index
    %swap3A_100 = vector.load %arg8[%swap3A_98, %swap3A_99] : memref<5120x512xf32, #tpu.memory_space<vmem>>, vector<512x512xf32>
    tpu.vector_store %arg8[%swap3A_98, %swap3A_99], %tanh3A_97 {strides = array<i32>} : memref<5120x512xf32, #tpu.memory_space<vmem>>, vector<512x512xf32>,
    %get3A_101 = arith.constant 3584 : index
    %get3A_102 = arith.constant 0 : index
    %get3A_103 = vector.load %arg0[%get3A_101, %get3A_102] : memref<5120x512xf32, #tpu.memory_space<vmem>>, vector<512x512xf32>
    %get3A_104 = arith.constant 3584 : index
    %get3A_105 = arith.constant 0 : index
    %get3A_106 = vector.load %arg1[%get3A_104, %get3A_105] : memref<5120x512xf32, #tpu.memory_space<vmem>>, vector<512x512xf32>
    %add3A_107 = arith.addf %get3A_103, %get3A_106 : vector<512x512xf32>
    %get3A_108 = arith.constant 3584 : index
    %get3A_109 = arith.constant 0 : index
    %get3A_110 = vector.load %arg2[%get3A_108, %get3A_109] : memref<5120x512xf32, #tpu.memory_space<vmem>>, vector<512x512xf32>
    %add3A_111 = arith.addf %add3A_107, %get3A_110 : vector<512x512xf32>
    %tanh3A_112 = math.tanh %add3A_111 : vector<512x512xf32>
    %swap3A_113 = arith.constant 3584 : index
    %swap3A_114 = arith.constant 0 : index
    %swap3A_115 = vector.load %arg8[%swap3A_113, %swap3A_114] : memref<5120x512xf32, #tpu.memory_space<vmem>>, vector<512x512xf32>
    tpu.vector_store %arg8[%swap3A_113, %swap3A_114], %tanh3A_112 {strides = array<i32>} : memref<5120x512xf32, #tpu.memory_space<vmem>>, vector<512x512xf32>,
    %get3A_116 = arith.constant 4096 : index
    %get3A_117 = arith.constant 0 : index
    %get3A_118 = vector.load %arg0[%get3A_116, %get3A_117] : memref<5120x512xf32, #tpu.memory_space<vmem>>, vector<512x512xf32>
    %get3A_119 = arith.constant 4096 : index
    %get3A_120 = arith.constant 0 : index
    %get3A_121 = vector.load %arg1[%get3A_119, %get3A_120] : memref<5120x512xf32, #tpu.memory_space<vmem>>, vector<512x512xf32>
    %add3A_122 = arith.addf %get3A_118, %get3A_121 : vector<512x512xf32>
    %get3A_123 = arith.constant 4096 : index
    %get3A_124 = arith.constant 0 : index
    %get3A_125 = vector.load %arg2[%get3A_123, %get3A_124] : memref<5120x512xf32, #tpu.memory_space<vmem>>, vector<512x512xf32>
    %add3A_126 = arith.addf %add3A_122, %get3A_125 : vector<512x512xf32>
    %tanh3A_127 = math.tanh %add3A_126 : vector<512x512xf32>
    %swap3A_128 = arith.constant 4096 : index
    %swap3A_129 = arith.constant 0 : index
    %swap3A_130 = vector.load %arg8[%swap3A_128, %swap3A_129] : memref<5120x512xf32, #tpu.memory_space<vmem>>, vector<512x512xf32>
    tpu.vector_store %arg8[%swap3A_128, %swap3A_129], %tanh3A_127 {strides = array<i32>} : memref<5120x512xf32, #tpu.memory_space<vmem>>, vector<512x512xf32>,
    %get3A_131 = arith.constant 4608 : index
    %get3A_132 = arith.constant 0 : index
    %get3A_133 = vector.load %arg0[%get3A_131, %get3A_132] : memref<5120x512xf32, #tpu.memory_space<vmem>>, vector<512x512xf32>
    %get3A_134 = arith.constant 4608 : index
    %get3A_135 = arith.constant 0 : index
    %get3A_136 = vector.load %arg1[%get3A_134, %get3A_135] : memref<5120x512xf32, #tpu.memory_space<vmem>>, vector<512x512xf32>
    %add3A_137 = arith.addf %get3A_133, %get3A_136 : vector<512x512xf32>
    %get3A_138 = arith.constant 4608 : index
    %get3A_139 = arith.constant 0 : index
    %get3A_140 = vector.load %arg2[%get3A_138, %get3A_139] : memref<5120x512xf32, #tpu.memory_space<vmem>>, vector<512x512xf32>
    %add3A_141 = arith.addf %add3A_137, %get3A_140 : vector<512x512xf32>
    %tanh3A_142 = math.tanh %add3A_141 : vector<512x512xf32>
    %swap3A_143 = arith.constant 4608 : index
    %swap3A_144 = arith.constant 0 : index
    %swap3A_145 = vector.load %arg8[%swap3A_143, %swap3A_144] : memref<5120x512xf32, #tpu.memory_space<vmem>>, vector<512x512xf32>
    tpu.vector_store %arg8[%swap3A_143, %swap3A_144], %tanh3A_142 {strides = array<i32>} : memref<5120x512xf32, #tpu.memory_space<vmem>>, vector<512x512xf32>,
    %get3A_146 = arith.constant 0 : index
    %get3A_147 = arith.constant 0 : index
    %get3A_148 = vector.load %arg5[%get3A_146, %get3A_147] : memref<1024x512xf32, #tpu.memory_space<vmem>>, vector<1024x512xf32>
    %iota3A = tpu.iota {dimensions = array<i32: 0>} : vector<1024x512xi32>
    %broadcast_in_dim3A = arith.constant 0.000000e+00 : f32
    %broadcast_in_dim3A_149 = vector.broadcast %broadcast_in_dim3A : f32 to vector<1024x512xf32>
    %get3A_150 = arith.constant 0 : index
    %get3A_151 = arith.constant 0 : index
    %get3A_152 = vector.load %arg3[%get3A_150, %get3A_151] : memref<1x5120xi32, #tpu.memory_space<vmem>>, vector<1x512xi32>
    %get3A_153 = arith.constant 0 : index
    %get3A_154 = arith.constant 0 : index
    %get3A_155 = vector.load %arg4[%get3A_153, %get3A_154] : memref<1x5120xi32, #tpu.memory_space<vmem>>, vector<1x512xi32>
    %eq3A = vector.broadcast %get3A_152 : vector<1x512xi32> to vector<1024x512xi32>
    %eq3A_156 = arith.cmpi eq, %eq3A, %iota3A : vector<1024x512xi32>
    %convert_element_type3A = arith.extui %eq3A_156 : vector<1024x512xi1> to vector<1024x512xi32>
    %convert_element_type3A_157 = arith.sitofp %convert_element_type3A : vector<1024x512xi32> to vector<1024x512xf32>
    %eq3A_158 = vector.broadcast %get3A_155 : vector<1x512xi32> to vector<1024x512xi32>
    %eq3A_159 = arith.cmpi eq, %eq3A_158, %iota3A : vector<1024x512xi32>
    %convert_element_type3A_160 = arith.extui %eq3A_159 : vector<1024x512xi1> to vector<1024x512xi32>
    %convert_element_type3A_161 = arith.sitofp %convert_element_type3A_160 : vector<1024x512xi32> to vector<1024x512xf32>
    %add3A_162 = arith.addf %convert_element_type3A_157, %convert_element_type3A_161 : vector<1024x512xf32>
    %get3A_163 = arith.constant 0 : index
    %get3A_164 = arith.constant 0 : index
    %get3A_165 = vector.load %arg8[%get3A_163, %get3A_164] : memref<5120x512xf32, #tpu.memory_space<vmem>>, vector<512x512xf32>
    %dot_general3A = arith.constant dense<0.000000e+00> : vector<1024x512xf32>
    %dot_general3A_166 = tpu.matmul %add3A_162, %get3A_165, %dot_general3A {dimension_numbers = #tpu.dot_dimension_numbers<[1], [0], [0], [1], [0, 0, 1, 1], [], []>, transpose_lhs_hint = false} : vector<1024x512xf32>, vector<512x512xf32>, vector<1024x512xf32> -> vector<1024x512xf32>
    %add3A_167 = arith.addf %broadcast_in_dim3A_149, %dot_general3A_166 : vector<1024x512xf32>
    %get3A_168 = arith.constant 0 : index
    %get3A_169 = arith.constant 512 : index
    %get3A_170 = vector.load %arg3[%get3A_168, %get3A_169] : memref<1x5120xi32, #tpu.memory_space<vmem>>, vector<1x512xi32>
    %get3A_171 = arith.constant 0 : index
    %get3A_172 = arith.constant 512 : index
    %get3A_173 = vector.load %arg4[%get3A_171, %get3A_172] : memref<1x5120xi32, #tpu.memory_space<vmem>>, vector<1x512xi32>
    %eq3A_174 = vector.broadcast %get3A_170 : vector<1x512xi32> to vector<1024x512xi32>
    %eq3A_175 = arith.cmpi eq, %eq3A_174, %iota3A : vector<1024x512xi32>
    %convert_element_type3A_176 = arith.extui %eq3A_175 : vector<1024x512xi1> to vector<1024x512xi32>
    %convert_element_type3A_177 = arith.sitofp %convert_element_type3A_176 : vector<1024x512xi32> to vector<1024x512xf32>
    %eq3A_178 = vector.broadcast %get3A_173 : vector<1x512xi32> to vector<1024x512xi32>
    %eq3A_179 = arith.cmpi eq, %eq3A_178, %iota3A : vector<1024x512xi32>
    %convert_element_type3A_180 = arith.extui %eq3A_179 : vector<1024x512xi1> to vector<1024x512xi32>
    %convert_element_type3A_181 = arith.sitofp %convert_element_type3A_180 : vector<1024x512xi32> to vector<1024x512xf32>
    %add3A_182 = arith.addf %convert_element_type3A_177, %convert_element_type3A_181 : vector<1024x512xf32>
    %get3A_183 = arith.constant 512 : index
    %get3A_184 = arith.constant 0 : index
    %get3A_185 = vector.load %arg8[%get3A_183, %get3A_184] : memref<5120x512xf32, #tpu.memory_space<vmem>>, vector<512x512xf32>
    %dot_general3A_186 = arith.constant dense<0.000000e+00> : vector<1024x512xf32>
    %dot_general3A_187 = tpu.matmul %add3A_182, %get3A_185, %dot_general3A_186 {dimension_numbers = #tpu.dot_dimension_numbers<[1], [0], [0], [1], [0, 0, 1, 1], [], []>, transpose_lhs_hint = false} : vector<1024x512xf32>, vector<512x512xf32>, vector<1024x512xf32> -> vector<1024x512xf32>
    %add3A_188 = arith.addf %add3A_167, %dot_general3A_187 : vector<1024x512xf32>
    %get3A_189 = arith.constant 0 : index
    %get3A_190 = arith.constant 1024 : index
    %get3A_191 = vector.load %arg3[%get3A_189, %get3A_190] : memref<1x5120xi32, #tpu.memory_space<vmem>>, vector<1x512xi32>
    %get3A_192 = arith.constant 0 : index
    %get3A_193 = arith.constant 1024 : index
    %get3A_194 = vector.load %arg4[%get3A_192, %get3A_193] : memref<1x5120xi32, #tpu.memory_space<vmem>>, vector<1x512xi32>
    %eq3A_195 = vector.broadcast %get3A_191 : vector<1x512xi32> to vector<1024x512xi32>
    %eq3A_196 = arith.cmpi eq, %eq3A_195, %iota3A : vector<1024x512xi32>
    %convert_element_type3A_197 = arith.extui %eq3A_196 : vector<1024x512xi1> to vector<1024x512xi32>
    %convert_element_type3A_198 = arith.sitofp %convert_element_type3A_197 : vector<1024x512xi32> to vector<1024x512xf32>
    %eq3A_199 = vector.broadcast %get3A_194 : vector<1x512xi32> to vector<1024x512xi32>
    %eq3A_200 = arith.cmpi eq, %eq3A_199, %iota3A : vector<1024x512xi32>
    %convert_element_type3A_201 = arith.extui %eq3A_200 : vector<1024x512xi1> to vector<1024x512xi32>
    %convert_element_type3A_202 = arith.sitofp %convert_element_type3A_201 : vector<1024x512xi32> to vector<1024x512xf32>
    %add3A_203 = arith.addf %convert_element_type3A_198, %convert_element_type3A_202 : vector<1024x512xf32>
    %get3A_204 = arith.constant 1024 : index
    %get3A_205 = arith.constant 0 : index
    %get3A_206 = vector.load %arg8[%get3A_204, %get3A_205] : memref<5120x512xf32, #tpu.memory_space<vmem>>, vector<512x512xf32>
    %dot_general3A_207 = arith.constant dense<0.000000e+00> : vector<1024x512xf32>
    %dot_general3A_208 = tpu.matmul %add3A_203, %get3A_206, %dot_general3A_207 {dimension_numbers = #tpu.dot_dimension_numbers<[1], [0], [0], [1], [0, 0, 1, 1], [], []>, transpose_lhs_hint = false} : vector<1024x512xf32>, vector<512x512xf32>, vector<1024x512xf32> -> vector<1024x512xf32>
    %add3A_209 = arith.addf %add3A_188, %dot_general3A_208 : vector<1024x512xf32>
    %get3A_210 = arith.constant 0 : index
    %get3A_211 = arith.constant 1536 : index
    %get3A_212 = vector.load %arg3[%get3A_210, %get3A_211] : memref<1x5120xi32, #tpu.memory_space<vmem>>, vector<1x512xi32>
    %get3A_213 = arith.constant 0 : index
    %get3A_214 = arith.constant 1536 : index
    %get3A_215 = vector.load %arg4[%get3A_213, %get3A_214] : memref<1x5120xi32, #tpu.memory_space<vmem>>, vector<1x512xi32>
    %eq3A_216 = vector.broadcast %get3A_212 : vector<1x512xi32> to vector<1024x512xi32>
    %eq3A_217 = arith.cmpi eq, %eq3A_216, %iota3A : vector<1024x512xi32>
    %convert_element_type3A_218 = arith.extui %eq3A_217 : vector<1024x512xi1> to vector<1024x512xi32>
    %convert_element_type3A_219 = arith.sitofp %convert_element_type3A_218 : vector<1024x512xi32> to vector<1024x512xf32>
    %eq3A_220 = vector.broadcast %get3A_215 : vector<1x512xi32> to vector<1024x512xi32>
    %eq3A_221 = arith.cmpi eq, %eq3A_220, %iota3A : vector<1024x512xi32>
    %convert_element_type3A_222 = arith.extui %eq3A_221 : vector<1024x512xi1> to vector<1024x512xi32>
    %convert_element_type3A_223 = arith.sitofp %convert_element_type3A_222 : vector<1024x512xi32> to vector<1024x512xf32>
    %add3A_224 = arith.addf %convert_element_type3A_219, %convert_element_type3A_223 : vector<1024x512xf32>
    %get3A_225 = arith.constant 1536 : index
    %get3A_226 = arith.constant 0 : index
    %get3A_227 = vector.load %arg8[%get3A_225, %get3A_226] : memref<5120x512xf32, #tpu.memory_space<vmem>>, vector<512x512xf32>
    %dot_general3A_228 = arith.constant dense<0.000000e+00> : vector<1024x512xf32>
    %dot_general3A_229 = tpu.matmul %add3A_224, %get3A_227, %dot_general3A_228 {dimension_numbers = #tpu.dot_dimension_numbers<[1], [0], [0], [1], [0, 0, 1, 1], [], []>, transpose_lhs_hint = false} : vector<1024x512xf32>, vector<512x512xf32>, vector<1024x512xf32> -> vector<1024x512xf32>
    %add3A_230 = arith.addf %add3A_209, %dot_general3A_229 : vector<1024x512xf32>
    %get3A_231 = arith.constant 0 : index
    %get3A_232 = arith.constant 2048 : index
    %get3A_233 = vector.load %arg3[%get3A_231, %get3A_232] : memref<1x5120xi32, #tpu.memory_space<vmem>>, vector<1x512xi32>
    %get3A_234 = arith.constant 0 : index
    %get3A_235 = arith.constant 2048 : index
    %get3A_236 = vector.load %arg4[%get3A_234, %get3A_235] : memref<1x5120xi32, #tpu.memory_space<vmem>>, vector<1x512xi32>
    %eq3A_237 = vector.broadcast %get3A_233 : vector<1x512xi32> to vector<1024x512xi32>
    %eq3A_238 = arith.cmpi eq, %eq3A_237, %iota3A : vector<1024x512xi32>
    %convert_element_type3A_239 = arith.extui %eq3A_238 : vector<1024x512xi1> to vector<1024x512xi32>
    %convert_element_type3A_240 = arith.sitofp %convert_element_type3A_239 : vector<1024x512xi32> to vector<1024x512xf32>
    %eq3A_241 = vector.broadcast %get3A_236 : vector<1x512xi32> to vector<1024x512xi32>
    %eq3A_242 = arith.cmpi eq, %eq3A_241, %iota3A : vector<1024x512xi32>
    %convert_element_type3A_243 = arith.extui %eq3A_242 : vector<1024x512xi1> to vector<1024x512xi32>
    %convert_element_type3A_244 = arith.sitofp %convert_element_type3A_243 : vector<1024x512xi32> to vector<1024x512xf32>
    %add3A_245 = arith.addf %convert_element_type3A_240, %convert_element_type3A_244 : vector<1024x512xf32>
    %get3A_246 = arith.constant 2048 : index
    %get3A_247 = arith.constant 0 : index
    %get3A_248 = vector.load %arg8[%get3A_246, %get3A_247] : memref<5120x512xf32, #tpu.memory_space<vmem>>, vector<512x512xf32>
    %dot_general3A_249 = arith.constant dense<0.000000e+00> : vector<1024x512xf32>
    %dot_general3A_250 = tpu.matmul %add3A_245, %get3A_248, %dot_general3A_249 {dimension_numbers = #tpu.dot_dimension_numbers<[1], [0], [0], [1], [0, 0, 1, 1], [], []>, transpose_lhs_hint = false} : vector<1024x512xf32>, vector<512x512xf32>, vector<1024x512xf32> -> vector<1024x512xf32>
    %add3A_251 = arith.addf %add3A_230, %dot_general3A_250 : vector<1024x512xf32>
    %get3A_252 = arith.constant 0 : index
    %get3A_253 = arith.constant 2560 : index
    %get3A_254 = vector.load %arg3[%get3A_252, %get3A_253] : memref<1x5120xi32, #tpu.memory_space<vmem>>, vector<1x512xi32>
    %get3A_255 = arith.constant 0 : index
    %get3A_256 = arith.constant 2560 : index
    %get3A_257 = vector.load %arg4[%get3A_255, %get3A_256] : memref<1x5120xi32, #tpu.memory_space<vmem>>, vector<1x512xi32>
    %eq3A_258 = vector.broadcast %get3A_254 : vector<1x512xi32> to vector<1024x512xi32>
    %eq3A_259 = arith.cmpi eq, %eq3A_258, %iota3A : vector<1024x512xi32>
    %convert_element_type3A_260 = arith.extui %eq3A_259 : vector<1024x512xi1> to vector<1024x512xi32>
    %convert_element_type3A_261 = arith.sitofp %convert_element_type3A_260 : vector<1024x512xi32> to vector<1024x512xf32>
    %eq3A_262 = vector.broadcast %get3A_257 : vector<1x512xi32> to vector<1024x512xi32>
    %eq3A_263 = arith.cmpi eq, %eq3A_262, %iota3A : vector<1024x512xi32>
    %convert_element_type3A_264 = arith.extui %eq3A_263 : vector<1024x512xi1> to vector<1024x512xi32>
    %convert_element_type3A_265 = arith.sitofp %convert_element_type3A_264 : vector<1024x512xi32> to vector<1024x512xf32>
    %add3A_266 = arith.addf %convert_element_type3A_261, %convert_element_type3A_265 : vector<1024x512xf32>
    %get3A_267 = arith.constant 2560 : index
    %get3A_268 = arith.constant 0 : index
    %get3A_269 = vector.load %arg8[%get3A_267, %get3A_268] : memref<5120x512xf32, #tpu.memory_space<vmem>>, vector<512x512xf32>
    %dot_general3A_270 = arith.constant dense<0.000000e+00> : vector<1024x512xf32>
    %dot_general3A_271 = tpu.matmul %add3A_266, %get3A_269, %dot_general3A_270 {dimension_numbers = #tpu.dot_dimension_numbers<[1], [0], [0], [1], [0, 0, 1, 1], [], []>, transpose_lhs_hint = false} : vector<1024x512xf32>, vector<512x512xf32>, vector<1024x512xf32> -> vector<1024x512xf32>
    %add3A_272 = arith.addf %add3A_251, %dot_general3A_271 : vector<1024x512xf32>
    %get3A_273 = arith.constant 0 : index
    %get3A_274 = arith.constant 3072 : index
    %get3A_275 = vector.load %arg3[%get3A_273, %get3A_274] : memref<1x5120xi32, #tpu.memory_space<vmem>>, vector<1x512xi32>
    %get3A_276 = arith.constant 0 : index
    %get3A_277 = arith.constant 3072 : index
    %get3A_278 = vector.load %arg4[%get3A_276, %get3A_277] : memref<1x5120xi32, #tpu.memory_space<vmem>>, vector<1x512xi32>
    %eq3A_279 = vector.broadcast %get3A_275 : vector<1x512xi32> to vector<1024x512xi32>
    %eq3A_280 = arith.cmpi eq, %eq3A_279, %iota3A : vector<1024x512xi32>
    %convert_element_type3A_281 = arith.extui %eq3A_280 : vector<1024x512xi1> to vector<1024x512xi32>
    %convert_element_type3A_282 = arith.sitofp %convert_element_type3A_281 : vector<1024x512xi32> to vector<1024x512xf32>
    %eq3A_283 = vector.broadcast %get3A_278 : vector<1x512xi32> to vector<1024x512xi32>
    %eq3A_284 = arith.cmpi eq, %eq3A_283, %iota3A : vector<1024x512xi32>
    %convert_element_type3A_285 = arith.extui %eq3A_284 : vector<1024x512xi1> to vector<1024x512xi32>
    %convert_element_type3A_286 = arith.sitofp %convert_element_type3A_285 : vector<1024x512xi32> to vector<1024x512xf32>
    %add3A_287 = arith.addf %convert_element_type3A_282, %convert_element_type3A_286 : vector<1024x512xf32>
    %get3A_288 = arith.constant 3072 : index
    %get3A_289 = arith.constant 0 : index
    %get3A_290 = vector.load %arg8[%get3A_288, %get3A_289] : memref<5120x512xf32, #tpu.memory_space<vmem>>, vector<512x512xf32>
    %dot_general3A_291 = arith.constant dense<0.000000e+00> : vector<1024x512xf32>
    %dot_general3A_292 = tpu.matmul %add3A_287, %get3A_290, %dot_general3A_291 {dimension_numbers = #tpu.dot_dimension_numbers<[1], [0], [0], [1], [0, 0, 1, 1], [], []>, transpose_lhs_hint = false} : vector<1024x512xf32>, vector<512x512xf32>, vector<1024x512xf32> -> vector<1024x512xf32>
    %add3A_293 = arith.addf %add3A_272, %dot_general3A_292 : vector<1024x512xf32>
    %get3A_294 = arith.constant 0 : index
    %get3A_295 = arith.constant 3584 : index
    %get3A_296 = vector.load %arg3[%get3A_294, %get3A_295] : memref<1x5120xi32, #tpu.memory_space<vmem>>, vector<1x512xi32>
    %get3A_297 = arith.constant 0 : index
    %get3A_298 = arith.constant 3584 : index
    %get3A_299 = vector.load %arg4[%get3A_297, %get3A_298] : memref<1x5120xi32, #tpu.memory_space<vmem>>, vector<1x512xi32>
    %eq3A_300 = vector.broadcast %get3A_296 : vector<1x512xi32> to vector<1024x512xi32>
    %eq3A_301 = arith.cmpi eq, %eq3A_300, %iota3A : vector<1024x512xi32>
    %convert_element_type3A_302 = arith.extui %eq3A_301 : vector<1024x512xi1> to vector<1024x512xi32>
    %convert_element_type3A_303 = arith.sitofp %convert_element_type3A_302 : vector<1024x512xi32> to vector<1024x512xf32>
    %eq3A_304 = vector.broadcast %get3A_299 : vector<1x512xi32> to vector<1024x512xi32>
    %eq3A_305 = arith.cmpi eq, %eq3A_304, %iota3A : vector<1024x512xi32>
    %convert_element_type3A_306 = arith.extui %eq3A_305 : vector<1024x512xi1> to vector<1024x512xi32>
    %convert_element_type3A_307 = arith.sitofp %convert_element_type3A_306 : vector<1024x512xi32> to vector<1024x512xf32>
    %add3A_308 = arith.addf %convert_element_type3A_303, %convert_element_type3A_307 : vector<1024x512xf32>
    %get3A_309 = arith.constant 3584 : index
    %get3A_310 = arith.constant 0 : index
    %get3A_311 = vector.load %arg8[%get3A_309, %get3A_310] : memref<5120x512xf32, #tpu.memory_space<vmem>>, vector<512x512xf32>
    %dot_general3A_312 = arith.constant dense<0.000000e+00> : vector<1024x512xf32>
    %dot_general3A_313 = tpu.matmul %add3A_308, %get3A_311, %dot_general3A_312 {dimension_numbers = #tpu.dot_dimension_numbers<[1], [0], [0], [1], [0, 0, 1, 1], [], []>, transpose_lhs_hint = false} : vector<1024x512xf32>, vector<512x512xf32>, vector<1024x512xf32> -> vector<1024x512xf32>
    %add3A_314 = arith.addf %add3A_293, %dot_general3A_313 : vector<1024x512xf32>
    %get3A_315 = arith.constant 0 : index
    %get3A_316 = arith.constant 4096 : index
    %get3A_317 = vector.load %arg3[%get3A_315, %get3A_316] : memref<1x5120xi32, #tpu.memory_space<vmem>>, vector<1x512xi32>
    %get3A_318 = arith.constant 0 : index
    %get3A_319 = arith.constant 4096 : index
    %get3A_320 = vector.load %arg4[%get3A_318, %get3A_319] : memref<1x5120xi32, #tpu.memory_space<vmem>>, vector<1x512xi32>
    %eq3A_321 = vector.broadcast %get3A_317 : vector<1x512xi32> to vector<1024x512xi32>
    %eq3A_322 = arith.cmpi eq, %eq3A_321, %iota3A : vector<1024x512xi32>
    %convert_element_type3A_323 = arith.extui %eq3A_322 : vector<1024x512xi1> to vector<1024x512xi32>
    %convert_element_type3A_324 = arith.sitofp %convert_element_type3A_323 : vector<1024x512xi32> to vector<1024x512xf32>
    %eq3A_325 = vector.broadcast %get3A_320 : vector<1x512xi32> to vector<1024x512xi32>
    %eq3A_326 = arith.cmpi eq, %eq3A_325, %iota3A : vector<1024x512xi32>
    %convert_element_type3A_327 = arith.extui %eq3A_326 : vector<1024x512xi1> to vector<1024x512xi32>
    %convert_element_type3A_328 = arith.sitofp %convert_element_type3A_327 : vector<1024x512xi32> to vector<1024x512xf32>
    %add3A_329 = arith.addf %convert_element_type3A_324, %convert_element_type3A_328 : vector<1024x512xf32>
    %get3A_330 = arith.constant 4096 : index
    %get3A_331 = arith.constant 0 : index
    %get3A_332 = vector.load %arg8[%get3A_330, %get3A_331] : memref<5120x512xf32, #tpu.memory_space<vmem>>, vector<512x512xf32>
    %dot_general3A_333 = arith.constant dense<0.000000e+00> : vector<1024x512xf32>
    %dot_general3A_334 = tpu.matmul %add3A_329, %get3A_332, %dot_general3A_333 {dimension_numbers = #tpu.dot_dimension_numbers<[1], [0], [0], [1], [0, 0, 1, 1], [], []>, transpose_lhs_hint = false} : vector<1024x512xf32>, vector<512x512xf32>, vector<1024x512xf32> -> vector<1024x512xf32>
    %add3A_335 = arith.addf %add3A_314, %dot_general3A_334 : vector<1024x512xf32>
    %get3A_336 = arith.constant 0 : index
    %get3A_337 = arith.constant 4608 : index
    %get3A_338 = vector.load %arg3[%get3A_336, %get3A_337] : memref<1x5120xi32, #tpu.memory_space<vmem>>, vector<1x512xi32>
    %get3A_339 = arith.constant 0 : index
    %get3A_340 = arith.constant 4608 : index
    %get3A_341 = vector.load %arg4[%get3A_339, %get3A_340] : memref<1x5120xi32, #tpu.memory_space<vmem>>, vector<1x512xi32>
    %eq3A_342 = vector.broadcast %get3A_338 : vector<1x512xi32> to vector<1024x512xi32>
    %eq3A_343 = arith.cmpi eq, %eq3A_342, %iota3A : vector<1024x512xi32>
    %convert_element_type3A_344 = arith.extui %eq3A_343 : vector<1024x512xi1> to vector<1024x512xi32>
    %convert_element_type3A_345 = arith.sitofp %convert_element_type3A_344 : vector<1024x512xi32> to vector<1024x512xf32>
    %eq3A_346 = vector.broadcast %get3A_341 : vector<1x512xi32> to vector<1024x512xi32>
    %eq3A_347 = arith.cmpi eq, %eq3A_346, %iota3A : vector<1024x512xi32>
    %convert_element_type3A_348 = arith.extui %eq3A_347 : vector<1024x512xi1> to vector<1024x512xi32>
    %convert_element_type3A_349 = arith.sitofp %convert_element_type3A_348 : vector<1024x512xi32> to vector<1024x512xf32>
    %add3A_350 = arith.addf %convert_element_type3A_345, %convert_element_type3A_349 : vector<1024x512xf32>
    %get3A_351 = arith.constant 4608 : index
    %get3A_352 = arith.constant 0 : index
    %get3A_353 = vector.load %arg8[%get3A_351, %get3A_352] : memref<5120x512xf32, #tpu.memory_space<vmem>>, vector<512x512xf32>
    %dot_general3A_354 = arith.constant dense<0.000000e+00> : vector<1024x512xf32>
    %dot_general3A_355 = tpu.matmul %add3A_350, %get3A_353, %dot_general3A_354 {dimension_numbers = #tpu.dot_dimension_numbers<[1], [0], [0], [1], [0, 0, 1, 1], [], []>, transpose_lhs_hint = false} : vector<1024x512xf32>, vector<512x512xf32>, vector<1024x512xf32> -> vector<1024x512xf32>
    %add3A_356 = arith.addf %add3A_335, %dot_general3A_355 : vector<1024x512xf32>
    %mul3A = arith.mulf %add3A_356, %add3A_356 : vector<1024x512xf32>
    %reduce_sum3A = arith.constant dense<0.000000e+00> : vector<1024xf32>
    %reduce_sum3A_357 = vector.multi_reduction <add>, %mul3A, %reduce_sum3A [1] : vector<1024x512xf32> to vector<1024xf32>
    %broadcast_in_dim3A_358 = vector.shape_cast %reduce_sum3A_357 : vector<1024xf32> to vector<1024x1xf32>
    %sqrt3A = math.sqrt %broadcast_in_dim3A_358 : vector<1024x1xf32>
    %add3A_359 = arith.constant 9.99999993E-9 : f32
    %add3A_360 = vector.broadcast %add3A_359 : f32 to vector<1024x1xf32>
    %add3A_361 = arith.addf %sqrt3A, %add3A_360 : vector<1024x1xf32>
    %div3A = vector.broadcast %add3A_361 : vector<1024x1xf32> to vector<1024x512xf32>
    %div3A_362 = arith.divf %add3A_356, %div3A : vector<1024x512xf32>
    %get3A_363 = arith.constant 0 : index
    %get3A_364 = arith.constant 0 : index
    %get3A_365 = vector.load %arg6[%get3A_363, %get3A_364] : memref<512x512xf32, #tpu.memory_space<vmem>>, vector<512x512xf32>
    %dot_general3A_366 = arith.constant dense<0.000000e+00> : vector<1024x512xf32>
    %dot_general3A_367 = tpu.matmul %div3A_362, %get3A_365, %dot_general3A_366 {dimension_numbers = #tpu.dot_dimension_numbers<[1], [0], [0], [1], [0, 0, 1, 1], [], []>, transpose_lhs_hint = false} : vector<1024x512xf32>, vector<512x512xf32>, vector<1024x512xf32> -> vector<1024x512xf32>
    %add3A_368 = arith.addf %get3A_148, %dot_general3A_367 : vector<1024x512xf32>
    %tanh3A_369 = math.tanh %add3A_368 : vector<1024x512xf32>
    %swap3A_370 = arith.constant 0 : index
    %swap3A_371 = arith.constant 0 : index
    %swap3A_372 = vector.load %arg7[%swap3A_370, %swap3A_371] : memref<1024x512xf32, #tpu.memory_space<vmem>>, vector<1024x512xf32>
    tpu.vector_store %arg7[%swap3A_370, %swap3A_371], %tanh3A_369 {strides = array<i32>} : memref<1024x512xf32, #tpu.memory_space<vmem>>, vector<1024x512xf32>,
    return
  }
}

module attributes {stable_mosaic.version = 14 : i64} {
  func.func @_final_body(%arg0: i32, %arg1: memref<512x512xf32, #tpu.memory_space<vmem>>, %arg2: memref<512x512xf32, #tpu.memory_space<vmem>>, %arg3: memref<512x512xf32, #tpu.memory_space<vmem>>, %arg4: memref<1536x128xf32, #tpu.memory_space<vmem>>, %arg5: memref<1x128xf32, #tpu.memory_space<vmem>>, %arg6: memref<512x128xf32, #tpu.memory_space<vmem>>) attributes {dimension_semantics = [#tpu.dimension_semantics<arbitrary>], iteration_bounds = array<i64: 10>, scalar_prefetch = 0 : i64, scratch_operands = 0 : i64, tpu.core_type = #tpu.core_type<tc>, window_params = [{transform_indices = @transform_0, window_bounds = array<i64: 512, 512>}, {transform_indices = @transform_1, window_bounds = array<i64: 512, 512>}, {transform_indices = @transform_2, window_bounds = array<i64: 512, 512>}, {pipeline_mode = #tpu.pipeline_mode<synchronous>, transform_indices = @transform_3, window_bounds = array<i64: 1536, 128>}, {pipeline_mode = #tpu.pipeline_mode<synchronous>, transform_indices = @transform_4, window_bounds = array<i64: 1, 128>}, {transform_indices = @transform_5, window_bounds = array<i64: 512, 128>}]} {
    %get3A = arith.constant 0 : index
    %get3A_0 = arith.constant 0 : index
    %get3A_1 = vector.load %arg2[%get3A, %get3A_0] : memref<512x512xf32, #tpu.memory_space<vmem>>, vector<512x512xf32>
    %get3A_2 = arith.constant 0 : index
    %get3A_3 = arith.constant 0 : index
    %get3A_4 = vector.load %arg3[%get3A_2, %get3A_3] : memref<512x512xf32, #tpu.memory_space<vmem>>, vector<512x512xf32>
    %get3A_5 = arith.constant 0 : index
    %get3A_6 = arith.constant 0 : index
    %get3A_7 = vector.load %arg1[%get3A_5, %get3A_6] : memref<512x512xf32, #tpu.memory_space<vmem>>, vector<512x512xf32>
    %add3A = arith.addf %get3A_7, %get3A_1 : vector<512x512xf32>
    %add3A_8 = arith.addf %add3A, %get3A_4 : vector<512x512xf32>
    %tanh3A = math.tanh %add3A_8 : vector<512x512xf32>
    %get3A_9 = arith.constant 0 : index
    %get3A_10 = arith.constant 0 : index
    %get3A_11 = vector.load %arg4[%get3A_9, %get3A_10] : memref<1536x128xf32, #tpu.memory_space<vmem>>, vector<512x128xf32>
    %get3A_12 = arith.constant 512 : index
    %get3A_13 = arith.constant 0 : index
    %get3A_14 = vector.load %arg4[%get3A_12, %get3A_13] : memref<1536x128xf32, #tpu.memory_space<vmem>>, vector<512x128xf32>
    %get3A_15 = arith.constant 1024 : index
    %get3A_16 = arith.constant 0 : index
    %get3A_17 = vector.load %arg4[%get3A_15, %get3A_16] : memref<1536x128xf32, #tpu.memory_space<vmem>>, vector<512x128xf32>
    %dot_general3A = arith.constant dense<0.000000e+00> : vector<512x128xf32>
    %dot_general3A_18 = tpu.matmul %get3A_1, %get3A_11, %dot_general3A {dimension_numbers = #tpu.dot_dimension_numbers<[1], [0], [0], [1], [0, 0, 1, 1], [], []>, transpose_lhs_hint = false} : vector<512x512xf32>, vector<512x128xf32>, vector<512x128xf32> -> vector<512x128xf32>
    %dot_general3A_19 = arith.constant dense<0.000000e+00> : vector<512x128xf32>
    %dot_general3A_20 = tpu.matmul %get3A_4, %get3A_14, %dot_general3A_19 {dimension_numbers = #tpu.dot_dimension_numbers<[1], [0], [0], [1], [0, 0, 1, 1], [], []>, transpose_lhs_hint = false} : vector<512x512xf32>, vector<512x128xf32>, vector<512x128xf32> -> vector<512x128xf32>
    %add3A_21 = arith.addf %dot_general3A_18, %dot_general3A_20 : vector<512x128xf32>
    %dot_general3A_22 = arith.constant dense<0.000000e+00> : vector<512x128xf32>
    %dot_general3A_23 = tpu.matmul %tanh3A, %get3A_17, %dot_general3A_22 {dimension_numbers = #tpu.dot_dimension_numbers<[1], [0], [0], [1], [0, 0, 1, 1], [], []>, transpose_lhs_hint = false} : vector<512x512xf32>, vector<512x128xf32>, vector<512x128xf32> -> vector<512x128xf32>
    %add3A_24 = arith.addf %add3A_21, %dot_general3A_23 : vector<512x128xf32>
    %get3A_25 = arith.constant 0 : index
    %get3A_26 = arith.constant 0 : index
    %get3A_27 = vector.load %arg5[%get3A_25, %get3A_26] : memref<1x128xf32, #tpu.memory_space<vmem>>, vector<1x128xf32>
    %add3A_28 = vector.broadcast %get3A_27 : vector<1x128xf32> to vector<512x128xf32>
    %add3A_29 = arith.addf %add3A_24, %add3A_28 : vector<512x128xf32>
    %swap3A = arith.constant 0 : index
    %swap3A_30 = arith.constant 0 : index
    %swap3A_31 = vector.load %arg6[%swap3A, %swap3A_30] : memref<512x128xf32, #tpu.memory_space<vmem>>, vector<512x128xf32>
    tpu.vector_store %arg6[%swap3A, %swap3A_30], %add3A_29 {strides = array<i32>} : memref<512x128xf32, #tpu.memory_space<vmem>>, vector<512x128xf32>,
    return
  }
  func.func @transform_0(%arg0: i32) -> (i32, i32) {
    %c0_i32 = arith.constant 0 : i32
    %c0_i32_0 = arith.constant 0 : i32
    return %arg0, %c0_i32 : i32, i32
  }
  func.func @transform_1(%arg0: i32) -> (i32, i32) {
    %c0_i32 = arith.constant 0 : i32
    %c0_i32_0 = arith.constant 0 : i32
    return %arg0, %c0_i32 : i32, i32
  }
  func.func @transform_2(%arg0: i32) -> (i32, i32) {
    %c0_i32 = arith.constant 0 : i32
    %c0_i32_0 = arith.constant 0 : i32
    return %arg0, %c0_i32 : i32, i32
  }
  func.func @transform_3(%arg0: i32) -> (i32, i32) {
    %c0_i32 = arith.constant 0 : i32
    %c0_i32_0 = arith.constant 0 : i32
    %c0_i32_1 = arith.constant 0 : i32
    return %c0_i32, %c0_i32_0 : i32, i32
  }
  func.func @transform_4(%arg0: i32) -> (i32, i32) {
    %c0_i32 = arith.constant 0 : i32
    %c0_i32_0 = arith.constant 0 : i32
    %c0_i32_1 = arith.constant 0 : i32
    return %c0_i32, %c0_i32_0 : i32, i32
  }
  func.func @transform_5(%arg0: i32) -> (i32, i32) {
    %c0_i32 = arith.constant 0 : i32
    %c0_i32_0 = arith.constant 0 : i32
    return %arg0, %c0_i32 : i32, i32
  }
}

</mosaic_0001>

<sc_bundles>
// kernel: kernel.13.cloned.1.call-start
scs
__scs_entry_jumppad:
0x0: {  	(pc) =	sbr.rel $0x88, $3  }
0x1: {  	(tag) =	ssettag $0x0;
	lr =	simm.s32 $0x1  }
0x2: {  	[smem:$0x3F94] =	sst lr;
	_ =	strace $0xD0000000  }
0x3: {  	_ = 	snop  }
0x4: {  	_ = 	snop  }
0x5: {  	_ = 	snop  }
0x6: {  	_ = 	snop  }
0x7: {  	_ = 	snop  }
__scs_overlays_trampoline_lowered:
0x8: {  	[smem:$0x3FA3] =	sst s0  }
0x9: {  	[smem:$0x3FA4] =	sst s1  }
0xa: {  	[smem:$0x3FA5] =	sst s2  }
0xb: {  	[smem:$0x3FA6] =	sst s3  }
0xc: {  	[smem:$0x3FA7] =	sst s4  }
0xd: {  	[smem:$0x3FA8] =	sst s5  }
0xe: {  	[smem:$0x3FA9] =	sst s6  }
0xf: {  	[smem:$0x3FAA] =	sst s7  }
0x10: {  	[smem:$0x3FAB] =	sst s8  }
0x11: {  	[smem:$0x3FAC] =	sst s9;
	s0 =	simm.s32 @!p0 $0x0  }
0x12: {  	s1 =	sld [smem:$0x3F92];
	s0 =	simm.s32 @p0 $0x1  }
0x13: {  	[smem:$0x3FAD] =	sst s0;
	s0 =	simm.s32 @!p1 $0x0  }
0x14: {  	s2 =	sld [smem:$0x3F91];
	s0 =	simm.s32 @p1 $0x1  }
0x15: {  	[smem:$0x3FAE] =	sst s0;
	s0 =	simm.s32 @!p2 $0x0  }
0x16: {  	s3 =	sld [smem:$0x3FDB];
	s0 =	simm.s32 @p2 $0x1  }
0x17: {  	s4 =	simm.s32 $0x1BF5;
	[smem:$0x3FB0] =	sst s0  }
0x18: {  	s0 =	sld [smem:$0x3F93];
	_ =	swait.ge [sflag:s4], $0x0  }
0x19: {  	s7 =	sld [smem:$0x3F94]  }
0x1a: {  	s8 =	sadd.s32 $0xFFFFE003, lr  }
0x1b: {  	s9 =	sadd.s32 $0xFFFFFEF7, lr;
	s5 =	simm.s32 $0xFFFFFFFF;
	p2 =	slt.u32 s8, $0xFFFFF086  }
0x1c: {  	p1 =	slt.u32 s9, $0xF7A;
	s5 =	simm.s32 @!p2 $0x0  }
0x1d: {  	s5 =	simm.s32 @p1 $0x1;
	p0 =	seq.s32 s7, s2  }
0x1e: {  	s7 =	smul.u32 @!p0 $0xF7A, s2;
	p2 =	seq.s32 @!p0 s5, $0x0  }
0x1f: {  	s9 =	smul.u32 $0xF7A, s1;
	s8 =	simm.s32 @!p0 $0x1BF5;
	p2 =	por !p2, p0  }
0x20: {  	[sflag:s8] =	ssyncset.s32 @!p0 $0xFFFFF086;
	s6 =	sadd.s32 @!p0 s3, s7;
	s7 =	simm.s32 @!p0 $0x108  }
0x21: {  	s3 =	sadd.s32 s3, s9;
	s6 =	sadd.s32 @!p0 $0x88, s6;
	s7 =	simm.s32 @p2 $0x1082  }
0x22: {  	[simem:s7], [sflag:s8] =	dma.local @!p0 [hbm:s6], $0xF7A  }
0x23: {  	s9 =	sor.u32 $0xD0000000, s2;
	s6 =	simm.s32 $0x108;
	_ =	swait.ge @!p0 [sflag:s8], $0x0  }
0x24: {  	s3 =	sadd.s32 $0x88, s3;
	s6 =	simm.s32 @!p1 $0x1082;
	[sflag:s4] =	ssyncset.s32 $0xFFFFF086  }
0x25: {  	[simem:s6], [sflag:s4] =	dma.local [hbm:s3], $0xF7A  }
0x26: {  	[smem:$0x3F94] =	sst s1;
	(tag) =	ssettag s2;
	_ =	strace s9  }
0x27: {  	s1 =	sld [smem:$0x3FA4]  }
0x28: {  	s2 =	sld [smem:$0x3FA5]  }
0x29: {  	s4 =	sld [smem:$0x3FA7]  }
0x2a: {  	p0 =	seq.s32 s5, $0x0;
	s5 =	sld [smem:$0x3FA8]  }
0x2b: {  	s6 =	sld [smem:$0x3FA9]  }
0x2c: {  	s7 =	sld [smem:$0x3FAA]  }
0x2d: {  	s3 =	simm.s32 $0x108;
	s8 =	sld [smem:$0x3FAB]  }
0x2e: {  	s3 =	simm.s32 @!p0 $0x1082;
	s9 =	sld [smem:$0x3FAC]  }
0x2f: {  	lr =	sadd.s32 s0, s3;
	s0 =	sld [smem:$0x3FA3]  }
0x30: {  	s3 =	sld [smem:$0x3FA6]  }
0x31: {  	[smem:$0x3FAF] =	sst s10  }
0x32: {  	s10 =	sld [smem:$0x3FAD];
	_ =	sdelay $0x3  }
0x33: {  	p0 =	seq.s32 s10, $0x1;
	s10 =	sld [smem:$0x3FAF];
	_ =	sdelay $0x3  }
0x34: {  	[smem:$0x3FAF] =	sst s10  }
0x35: {  	s10 =	sld [smem:$0x3FAE];
	_ =	sdelay $0x3  }
0x36: {  	p1 =	seq.s32 s10, $0x1;
	s10 =	sld [smem:$0x3FAF];
	_ =	sdelay $0x3  }
0x37: {  	[smem:$0x3FAF] =	sst s10  }
0x38: {  	s10 =	sld [smem:$0x3FB0]  }
0x39: {  	_ = 	snop;
	(pc) =	sbr.ind lr, $3  }
0x3a: {  	_ = 	snop  }
0x3b: {  	_ = 	snop  }
0x3c: {  	p2 =	seq.s32 s10, $0x1;
	s10 =	sld [smem:$0x3FAF]  }
0x3d: {  	_ =	shalt  }
0x3e: {  	_ =	shalt  }
0x3f: {  	_ =	shalt  }
0x40: {  	_ =	shalt  }
0x41: {  	_ =	shalt  }
0x42: {  	_ =	shalt  }
0x43: {  	_ =	shalt  }
0x44: {  	_ =	shalt  }
0x45: {  	_ =	shalt  }
0x46: {  	_ =	shalt  }
0x47: {  	_ =	shalt  }
0x48: {  	_ =	shalt  }
0x49: {  	_ =	shalt  }
0x4a: {  	_ =	shalt  }
0x4b: {  	_ =	shalt  }
0x4c: {  	_ =	shalt  }
0x4d: {  	_ =	shalt  }
0x4e: {  	_ =	shalt  }
0x4f: {  	_ =	shalt  }
0x50: {  	_ =	shalt  }
0x51: {  	_ =	shalt  }
0x52: {  	_ =	shalt  }
0x53: {  	_ =	shalt  }
0x54: {  	_ =	shalt  }
0x55: {  	_ =	shalt  }
0x56: {  	_ =	shalt  }
0x57: {  	_ =	shalt  }
0x58: {  	_ =	shalt  }
0x59: {  	_ =	shalt  }
0x5a: {  	_ =	shalt  }
0x5b: {  	_ =	shalt  }
0x5c: {  	_ =	shalt  }
0x5d: {  	_ =	shalt  }
0x5e: {  	_ =	shalt  }
0x5f: {  	_ =	shalt  }
0x60: {  	_ =	shalt  }
0x61: {  	_ =	shalt  }
0x62: {  	_ =	shalt  }
0x63: {  	_ =	shalt  }
0x64: {  	_ =	shalt  }
0x65: {  	_ =	shalt  }
0x66: {  	_ =	shalt  }
0x67: {  	_ =	shalt  }
0x68: {  	_ =	shalt  }
0x69: {  	_ =	shalt  }
0x6a: {  	_ =	shalt  }
0x6b: {  	_ =	shalt  }
0x6c: {  	_ =	shalt  }
0x6d: {  	_ =	shalt  }
0x6e: {  	_ =	shalt  }
0x6f: {  	_ =	shalt  }
0x70: {  	_ =	shalt  }
0x71: {  	_ =	shalt  }
0x72: {  	_ =	shalt  }
0x73: {  	_ =	shalt  }
0x74: {  	_ =	shalt  }
0x75: {  	_ =	shalt  }
0x76: {  	_ =	shalt  }
0x77: {  	_ =	shalt  }
0x78: {  	_ =	shalt  }
0x79: {  	_ =	shalt  }
0x7a: {  	_ =	shalt  }
0x7b: {  	_ =	shalt  }
0x7c: {  	_ =	shalt  }
0x7d: {  	_ =	shalt  }
0x7e: {  	_ =	shalt  }
0x7f: {  	_ =	shalt  }
0x80: {  	_ =	shalt  }
0x81: {  	_ =	shalt  }
0x82: {  	_ =	shalt  }
0x83: {  	_ =	shalt  }
0x84: {  	_ =	shalt  }
0x85: {  	_ =	shalt  }
0x86: {  	_ =	shalt  }
0x87: {  	_ =	shalt  }
.Lfunc_end0:
.L_simem_size_0:
called_computation_lowered:
.L_overlay_start_0:
0x88: {  	s2 =	sld [smem:$0x3FD9]  }
0x89: {  	s3 =	sld [smem:$0x3FFE];
	_ =	sdelay $0x1  }
0x8a: {  	s1 =	srdreg.scid  }
0x8b: {  	s0 =	sand.u32 $0x1, s1  }
0x8c: {  	s14 =	sshll.u32 s0, $0xA;
	s2 =	sadd.s32 s3, s2  }
0x8d: {  	s2 =	sadd.s32 s2, s14  }
0x8e: {  	[smem:$0x3FBB] =	sst s2  }
0x8f: {  	_ = 	snop  }
0x90: {  	s2 =	sld [smem:$0x3FD0];
	_ =	sdelay $0x2  }
0x91: {  	s15 =	simm.s32 $0xA;
	s4 =	simm.s32 $0x10  }
0x92: {  	[smem:s4], [sflag:s15] =	dma.local [hbm:s2], $0x1  }
0x93: {  	_ =	swait.eq [sflag:s15], $0x1  }
0x94: {  	[sflag:s15] =	ssyncset.done $0x0  }
0x95: {  	s16 =	sld [smem:$0x10];
	[sflag:s15] =	ssyncadd.s32 $0xFFFFFFFF  }
0x96: {  	s17 =	sld [smem:$0x12];
	(tm) =	ssettm $0x1  }
0x97: {  	s18 =	sld [smem:$0x3FFB];
	_ =	sdelay $0x3  }
0x98: {  	_ =	strace s18  }
0x99: {  	s4 =	sld [smem:$0x3FFC];
	_ =	sdelay $0x3  }
0x9a: {  	_ =	strace s4  }
0x9b: {  	s4 =	sld [smem:$0x3FFD];
	_ =	sdelay $0x3  }
0x9c: {  	_ =	strace s4  }
0x9d: {  	_ =	strace $0x8FFFFFFF  }
0x9e: {  	s19 =	sld [smem:$0x3FDB];
	_ =	sdelay $0x1  }
0x9f: {  	s5 =	simm.s32 $_scs_section_size  }
0xa0: {  	s6 =	simm.s32 $_size__tile_overlayer_lowered;
	s7 =	simm.s32 $_tile_overlayer_lowered  }
0xa1: {  	s22 =	simm.s32 $0x1BFF;
	s21 =	sshll.u32 s7, $0x1;
	s4 =	sadd.s32 s5, s19  }
0xa2: {  	s8 =	simm.s32 $0x0;
	s20 =	sshll.u32 s6, $0x1;
	s6 =	sadd.s32 s21, s4  }
0xa3: {  	[timem:s8], [sflag:s22] =	dma.local [hbm:s6], s20  }
0xa4: {  	_ =	swait.ge [sflag:s22], s20  }
0xa5: {  	s5 =	ssub.s32 $0x0, s20;
	[sflag:s22] =	ssyncset.done $0x0  }
0xa6: {  	[sflag:s22] =	ssyncadd.s32 s5;
	_ =	sdelay $0x1  }
0xa7: {  	s23 =	simm.s32 $0x1B8B  }
0xa8: {  	_ =	swait.ge [sflag:s23], $0x1  }
0xa9: {  	[sflag:s23] =	ssyncset.done $0x0  }
0xaa: {  	s25 =	simm.s32 $0x1B8E;
	s24 =	sld [smem:$0x3FFE];
	[sflag:s23] =	ssyncadd.s32 $0xFFFFFFFF  }
0xab: {  	s26 =	simm.s32 $execute0_lowered;
	[smem:$0x3FD2] =	sst s25  }
0xac: {  	s6 =	sshll.u32 s26, $0x1;
	_ =	strace $0x80000046;
	[dreg:$0x1] =	wrdreg $0xFFFFFFFF  }
0xad: {  	s28 =	simm.s32 $_size_execute0_lowered;
	s4 =	sadd.s32 s4, s6;
	[dreg:$0x0] =	wrdreg $0x0  }
0xae: {  	s6 =	sshll.u32 s28, $0x1;
	[dreg:$0x2] =	wrdreg s4  }
0xaf: {  	[dreg:$0x3] =	wrdreg s6  }
0xb0: {  	[dreg:$0x4] =	wrdreg $0xC0  }
0xb1: {  	_ =	task [dreg:s8], $0x5FFFF  }
0xb2: {  	[dreg:$0x1] =	wrdreg $0xFFFFFFFF  }
0xb3: {  	[dreg:$0x0] =	wrdreg $0x60  }
0xb4: {  	[dreg:$0x2] =	wrdreg s24  }
0xb5: {  	[dreg:$0x3] =	wrdreg s16  }
0xb6: {  	[dreg:$0x4] =	wrdreg s17  }
0xb7: {  	[dreg:$0x5] =	wrdreg $0x9  }
0xb8: {  	_ =	task.clear_ibuf [dreg:s8], $0x6FFFF;
	_ =	strace $0x90000046  }
0xb9: {  	s29 =	simm.s32 $0x9;
	_ =	strace $0x80000048  }
0xba: {  	_ =	swait.ge [sflag:s29], $0x1  }
0xbb: {  	[sflag:s29] =	ssyncadd.s32 $0xFFFFFFFF  }
0xbc: {  	_ =	strace $0x90000048  }
0xbd: {  	_ =	sfence  }
0xbe: {  	s30 =	sld [smem:$0x0];
	_ =	sdelay $0x2  }
0xbf: {  	s31 =	sshll.u32 s1, $0xD;
	s1 =	sshrl.u32 s1, $0x2  }
0xc0: {  	s3 =	sand.u32 $0x4000, s31;
	s1 =	sadd.s32 s1, s30  }
0xc1: {  	s0 =	sor.u32 s3, s0;
	s1 =	sshll.u32 s1, $0x11  }
0xc2: {  	s0 =	sor.u32 s1, s0  }
0xc3: {  	s0 =	sadd.s32 $0x8F2B, s0  }
0xc4: {  	[sflag:s0] =	ssyncadd.remote.s32 $0x1  }
0xc5: {  	_ =	sfence.sel $0xFFFF  }
0xc6: {  	[dreg:$0x0] =	wrdreg $0xFFFFFFFF;
	(pc) =	sbr.abs _section_cstart, $3  }
0xc7: {  	[dreg:$0x1] =	wrdreg $0xFFFFFFFF  }
0xc8: {  	_ =	task.clear_ibuf [dreg:s8], $0x2FFFF;
	_ =	strace $0x9FFFFFFF  }
0xc9: {  	(tm) =	ssettm $0x7FFFFFFF  }
tec
execute0_lowered:
.L_overlay_start_1:
0x0: {  	(tag) =	ssettag $0x1  }
0x1: {  	s0 =	rddreg [dreg:$0x0]  }
0x2: {  	s1 =	rddreg [dreg:$0x1]  }
0x3: {  	s3 =	rddreg [dreg:$0x2]  }
0x4: {  	s4 =	srdreg.scid;
	s8 =	stileid.u32;
	s2 =	simm.s32 $0x0  }
0x5: {  	s24 =	simm.s32 $0x80;
	s25 =	simm.s32 $0x100;
	s26 =	simm.s32 $0x180  }
0x6: {  	s29 =	simm.s32 $0x1A00;
	s30 =	simm.s32 $0x2200;
	s31 =	simm.s32 $0x2A00  }
0x7: {  	s12 =	simm.s32 $0x6200;
	s13 =	simm.s32 $0x6A00;
	s14 =	simm.s32 $0x7200  }
0x8: {  	s15 =	simm.s32 $0x7A00;
	s16 =	simm.s32 $0x8200;
	s28 =	simm.s32 $0xC200  }
0x9: {  	s4 =	sand.u32 $0x1, s4;
	s5 =	sshll.u32 s8, $0x1;
	[smem:$0x7FF] =	sst s2  }
0xa: {  	s6 =	sadd.s32 $0x64C00, s0;
	s8 =	sshll.u32 s8, $0x6;
	s17 =	sadd.s32 $0xB4C00, s0  }
0xb: {  	s5 =	sor.u32 s4, s5;
	_ =	strace $0x80000047;
	[dreg:$0xc] =	wrdreg s24  }
0xc: {  	s8 =	sand.u32 $0x380, s8;
	s4 =	ssub.s32 $0x2, s4;
	[dreg:$0xd] =	wrdreg s25  }
0xd: {  	[dreg:$0xe] =	wrdreg s26;
	s26 =	simm.s32 $0x1200;
	s7 =	sshllo.u32 s5, $0x1  }
0xe: {  	s9 =	sshll.u32 s5, $0x5;
	s5 =	smul.u32 $0x2800, s5;
	s23 =	sshrl.u32 s4, $0x1  }
0xf: {  	s10 =	sshll.u32 s7, $0x4;
	s11 =	sadd.s32 s1, s9;
	s9 =	sadd.s32 s3, s9  }
0x10: {  	s7 =	smul.u32 $0x1400, s7;
	s10 =	sand.u32 $0x70, s10;
	[dreg:$0x4] =	wrdreg s11  }
0x11: {  	[dreg:$0x5] =	wrdreg s9;
	s19 =	sadd.s32 s6, s5;
	s20 =	sadd.s32 s17, s5  }
0x12: {  	s5 =	ssub.s32 s4, s23;
	s4 =	sadd.s32 $0x54D00, s0;
	s9 =	simm.s32 $0x4A00  }
0x13: {  	s11 =	simm.s32 $0x5A00;
	s23 =	simm.s32 $0xCA00;
	[dreg:$0x8] =	wrdreg s19  }
0x14: {  	s8 =	sor.u32 s8, s10;
	[dreg:$0x9] =	wrdreg s20;
	s21 =	sadd.s32 s6, s7  }
0x15: {  	s22 =	sadd.s32 s17, s7;
	s20 =	smax.u32 s5, $0x1;
	s6 =	simm.s32 $0x3  }
0x16: {  	s7 =	simm.s32 $0x3200;
	s10 =	simm.s32 $0x5200;
	s17 =	simm.s32 $0x8A00  }
0x17: {  	s19 =	simm.s32 $0x9A00;
	s1 =	sadd.s32 s1, s8;
	[dreg:$0xa] =	wrdreg s21  }
0x18: {  	v2 =	vlaneseq.u32;
	s18 =	sadd.s32 s3, s8;
	s3 =	sadd.s32 $0x54C00, s0;
	[dreg:$0xb] =	wrdreg s22  }
0x19: {  	vm0 =	vmmov $0xffff;
	v1 =	vshrl.u32 v2, $0x3;
	s8 =	simm.s32 $0x4200;
	s22 =	simm.s32 $0xA200;
	[dreg:$0x6] =	wrdreg s1  }
0x1a: {  	v0 =	vand.u32 $0x7, v2;
	v2 =	vor.u32 $0x8, v2;
	v1 =	vmul.u32 $0x8, v1;
	s21 =	simm.s32 $0xB200;
	[dreg:$0x7] =	wrdreg s18;
	s18 =	simm.s32 $0x9200  }
.LBB2_1:
0x1b: {  	s24 =	rddreg [dreg:$0x4]  }
0x1c: {  	[tilespmem:s2], [sflag:$0x3] =	stream.linear.gather [hbm4b:s24+s2], $0x80, $0x38;
	[tilespmem:$0x14200] =	vst v63  }
0x1d: {  	_ =	swait.ge [sflag:s6], $0x80  }
0x1e: {  	s0 =	rddreg [dreg:$0x5];
	[sflag:s6] =	ssyncset.done $0x0  }
0x1f: {  	s25 =	rddreg [dreg:$0xc];
	[sflag:s6] =	ssyncadd.s32 $0xFFFFFF80  }
0x20: {  	[tilespmem:s25], [sflag:$0x3] =	stream.linear.gather [hbm4b:s0+s2], $0x80, $0x38;
	[tilespmem:$0x14200] =	vst v63  }
0x21: {  	_ =	swait.ge [sflag:s6], $0x80  }
0x22: {  	s1 =	rddreg [dreg:$0x6];
	[sflag:s6] =	ssyncset.done $0x0  }
0x23: {  	s5 =	rddreg [dreg:$0xd];
	[sflag:s6] =	ssyncadd.s32 $0xFFFFFF80  }
0x24: {  	[tilespmem:s5], [sflag:$0x3] =	stream.linear.gather [hbm4b:s1+s2], $0x80, $0x38;
	[tilespmem:$0x14200] =	vst v63  }
0x25: {  	_ =	swait.ge [sflag:s6], $0x80  }
0x26: {  	s0 =	rddreg [dreg:$0x7];
	[sflag:s6] =	ssyncset.done $0x0  }
0x27: {  	s1 =	rddreg [dreg:$0xe];
	[sflag:s6] =	ssyncadd.s32 $0xFFFFFF80  }
0x28: {  	[tilespmem:s1], [sflag:$0x3] =	stream.linear.gather [hbm4b:s0+s2], $0x80, $0x38;
	[tilespmem:$0x14200] =	vst v63  }
0x29: {  	_ =	swait.ge [sflag:s6], $0x80  }
0x2a: {  	[sflag:s6] =	ssyncset.done $0x0  }
0x2b: {  	[sflag:s6] =	ssyncadd.s32 $0xFFFFFF80  }
0x2c: {  	v3 =	vld [tilespmem:$0x0];
	_ =	sdelay $0x4  }
0x2d: {  	v4 =	vshll.u32 v3, $0x2  }
0x2e: {  	v3 =	vand.u32 $0x7, v3;
	v4 =	vand.u32 $0xFFFFFFE0, v4  }
0x2f: {  	v3 =	vor.u32 v3, v4  }
0x30: {  	v4 =	vperm.xlane v3, v0;
	_ =	sdelay $0x1  }
0x31: {  	v4 =	vadd.s32 v1, v4;
	_ =	sdelay $0x1  }
0x32: {  	v3 =	vperm.xlane v3, v2;
	_ =	sdelay $0x1  }
0x33: {  	s0 =	simm.s32 $0x200;
	v3 =	vadd.s32 v1, v3  }
0x34: {  	[tilespmem:s0], [sflag:$0x1] =	stream.indirect_vreg.gather [hbm4b:s3+s2], $0x80, v4, vm0, $0xb8;
	[tilespmem:$0x14200] =	vst v63  }
0x35: {  	s25 =	simm.s32 $0xA00  }
0x36: {  	[tilespmem:s25], [sflag:$0x1] =	stream.indirect_vreg.gather [hbm4b:s4+s2], $0x80, v4, vm0, $0xb8;
	[tilespmem:$0x14200] =	vst v63  }
0x37: {  	_ = 	snop  }
0x38: {  	[tilespmem:s26], [sflag:$0x1] =	stream.indirect_vreg.gather [hbm4b:s3+s2], $0x80, v3, vm0, $0xb8;
	[tilespmem:$0x14200] =	vst v63  }
0x39: {  	_ = 	snop  }
0x3a: {  	[tilespmem:s29], [sflag:$0x1] =	stream.indirect_vreg.gather [hbm4b:s4+s2], $0x80, v3, vm0, $0xb8;
	[tilespmem:$0x14200] =	vst v63  }
0x3b: {  	v3 =	vld [tilespmem:$0x10];
	_ =	sdelay $0x4  }
0x3c: {  	v45 =	vshll.u32 v3, $0x2  }
0x3d: {  	v3 =	vand.u32 $0x7, v3;
	v4 =	vand.u32 $0xFFFFFFE0, v45  }
0x3e: {  	v3 =	vor.u32 v3, v4  }
0x3f: {  	v4 =	vperm.xlane v3, v0;
	_ =	sdelay $0x1  }
0x40: {  	v4 =	vadd.s32 v1, v4;
	_ =	sdelay $0x1  }
0x41: {  	v3 =	vperm.xlane v3, v2;
	_ =	sdelay $0x1  }
0x42: {  	v3 =	vadd.s32 v1, v3  }
0x43: {  	[tilespmem:s30], [sflag:$0x1] =	stream.indirect_vreg.gather [hbm4b:s3+s2], $0x80, v4, vm0, $0xb8;
	[tilespmem:$0x14200] =	vst v63  }
0x44: {  	_ = 	snop  }
0x45: {  	[tilespmem:s31], [sflag:$0x1] =	stream.indirect_vreg.gather [hbm4b:s4+s2], $0x80, v4, vm0, $0xb8;
	[tilespmem:$0x14200] =	vst v63  }
0x46: {  	_ = 	snop  }
0x47: {  	[tilespmem:s7], [sflag:$0x1] =	stream.indirect_vreg.gather [hbm4b:s3+s2], $0x80, v3, vm0, $0xb8;
	[tilespmem:$0x14200] =	vst v63  }
0x48: {  	s1 =	simm.s32 $0x3A00  }
0x49: {  	[tilespmem:s1], [sflag:$0x1] =	stream.indirect_vreg.gather [hbm4b:s4+s2], $0x80, v3, vm0, $0xb8;
	[tilespmem:$0x14200] =	vst v63  }
0x4a: {  	v3 =	vld [tilespmem:$0x20];
	_ =	sdelay $0x4  }
0x4b: {  	v46 =	vshll.u32 v3, $0x2  }
0x4c: {  	v3 =	vand.u32 $0x7, v3;
	v4 =	vand.u32 $0xFFFFFFE0, v46  }
0x4d: {  	v3 =	vor.u32 v3, v4  }
0x4e: {  	v4 =	vperm.xlane v3, v0;
	_ =	sdelay $0x1  }
0x4f: {  	v4 =	vadd.s32 v1, v4;
	_ =	sdelay $0x1  }
0x50: {  	v3 =	vperm.xlane v3, v2;
	_ =	sdelay $0x1  }
0x51: {  	v3 =	vadd.s32 v1, v3  }
0x52: {  	[tilespmem:s8], [sflag:$0x1] =	stream.indirect_vreg.gather [hbm4b:s3+s2], $0x80, v4, vm0, $0xb8;
	[tilespmem:$0x14200] =	vst v63  }
0x53: {  	_ = 	snop  }
0x54: {  	[tilespmem:s9], [sflag:$0x1] =	stream.indirect_vreg.gather [hbm4b:s4+s2], $0x80, v4, vm0, $0xb8;
	[tilespmem:$0x14200] =	vst v63  }
0x55: {  	_ = 	snop  }
0x56: {  	[tilespmem:s10], [sflag:$0x1] =	stream.indirect_vreg.gather [hbm4b:s3+s2], $0x80, v3, vm0, $0xb8;
	[tilespmem:$0x14200] =	vst v63  }
0x57: {  	_ = 	snop  }
0x58: {  	[tilespmem:s11], [sflag:$0x1] =	stream.indirect_vreg.gather [hbm4b:s4+s2], $0x80, v3, vm0, $0xb8;
	[tilespmem:$0x14200] =	vst v63  }
0x59: {  	v3 =	vld [tilespmem:$0x30];
	_ =	sdelay $0x4  }
0x5a: {  	v47 =	vshll.u32 v3, $0x2  }
0x5b: {  	v3 =	vand.u32 $0x7, v3;
	v4 =	vand.u32 $0xFFFFFFE0, v47  }
0x5c: {  	v3 =	vor.u32 v3, v4  }
0x5d: {  	v4 =	vperm.xlane v3, v0;
	_ =	sdelay $0x1  }
0x5e: {  	v4 =	vadd.s32 v1, v4;
	_ =	sdelay $0x1  }
0x5f: {  	v3 =	vperm.xlane v3, v2;
	_ =	sdelay $0x1  }
0x60: {  	v3 =	vadd.s32 v1, v3  }
0x61: {  	[tilespmem:s12], [sflag:$0x1] =	stream.indirect_vreg.gather [hbm4b:s3+s2], $0x80, v4, vm0, $0xb8;
	[tilespmem:$0x14200] =	vst v63  }
0x62: {  	_ = 	snop  }
0x63: {  	[tilespmem:s13], [sflag:$0x1] =	stream.indirect_vreg.gather [hbm4b:s4+s2], $0x80, v4, vm0, $0xb8;
	[tilespmem:$0x14200] =	vst v63  }
0x64: {  	_ = 	snop  }
0x65: {  	[tilespmem:s14], [sflag:$0x1] =	stream.indirect_vreg.gather [hbm4b:s3+s2], $0x80, v3, vm0, $0xb8;
	[tilespmem:$0x14200] =	vst v63  }
0x66: {  	_ = 	snop  }
0x67: {  	[tilespmem:s15], [sflag:$0x1] =	stream.indirect_vreg.gather [hbm4b:s4+s2], $0x80, v3, vm0, $0xb8;
	[tilespmem:$0x14200] =	vst v63  }
0x68: {  	v3 =	vld [tilespmem:$0x40];
	_ =	sdelay $0x4  }
0x69: {  	v48 =	vshll.u32 v3, $0x2  }
0x6a: {  	v3 =	vand.u32 $0x7, v3;
	v4 =	vand.u32 $0xFFFFFFE0, v48  }
0x6b: {  	v3 =	vor.u32 v3, v4  }
0x6c: {  	v4 =	vperm.xlane v3, v0;
	_ =	sdelay $0x1  }
0x6d: {  	v4 =	vadd.s32 v1, v4;
	_ =	sdelay $0x1  }
0x6e: {  	v3 =	vperm.xlane v3, v2;
	_ =	sdelay $0x1  }
0x6f: {  	v3 =	vadd.s32 v1, v3  }
0x70: {  	[tilespmem:s16], [sflag:$0x1] =	stream.indirect_vreg.gather [hbm4b:s3+s2], $0x80, v4, vm0, $0xb8;
	[tilespmem:$0x14200] =	vst v63  }
0x71: {  	_ = 	snop  }
0x72: {  	[tilespmem:s17], [sflag:$0x1] =	stream.indirect_vreg.gather [hbm4b:s4+s2], $0x80, v4, vm0, $0xb8;
	[tilespmem:$0x14200] =	vst v63  }
0x73: {  	_ = 	snop  }
0x74: {  	[tilespmem:s18], [sflag:$0x1] =	stream.indirect_vreg.gather [hbm4b:s3+s2], $0x80, v3, vm0, $0xb8;
	[tilespmem:$0x14200] =	vst v63  }
0x75: {  	_ = 	snop  }
0x76: {  	[tilespmem:s19], [sflag:$0x1] =	stream.indirect_vreg.gather [hbm4b:s4+s2], $0x80, v3, vm0, $0xb8;
	[tilespmem:$0x14200] =	vst v63  }
0x77: {  	v3 =	vld [tilespmem:$0x80];
	_ =	sdelay $0x4  }
0x78: {  	v49 =	vshll.u32 v3, $0x2  }
0x79: {  	v3 =	vand.u32 $0x7, v3;
	v4 =	vand.u32 $0xFFFFFFE0, v49  }
0x7a: {  	v3 =	vor.u32 v3, v4  }
0x7b: {  	v4 =	vperm.xlane v3, v0;
	_ =	sdelay $0x1  }
0x7c: {  	v4 =	vadd.s32 v1, v4;
	_ =	sdelay $0x1  }
0x7d: {  	v3 =	vperm.xlane v3, v2;
	_ =	sdelay $0x1  }
0x7e: {  	v3 =	vadd.s32 v1, v3  }
0x7f: {  	[tilespmem:s22], [sflag:$0x2] =	stream.indirect_vreg.gather [hbm4b:s3+s2], $0x80, v4, vm0, $0xb8;
	[tilespmem:$0x14200] =	vst v63  }
0x80: {  	s5 =	simm.s32 $0xAA00  }
0x81: {  	[tilespmem:s5], [sflag:$0x2] =	stream.indirect_vreg.gather [hbm4b:s4+s2], $0x80, v4, vm0, $0xb8;
	[tilespmem:$0x14200] =	vst v63  }
0x82: {  	_ = 	snop  }
0x83: {  	[tilespmem:s21], [sflag:$0x2] =	stream.indirect_vreg.gather [hbm4b:s3+s2], $0x80, v3, vm0, $0xb8;
	[tilespmem:$0x14200] =	vst v63  }
0x84: {  	s24 =	simm.s32 $0xBA00  }
0x85: {  	[tilespmem:s24], [sflag:$0x2] =	stream.indirect_vreg.gather [hbm4b:s4+s2], $0x80, v3, vm0, $0xb8;
	[tilespmem:$0x14200] =	vst v63  }
0x86: {  	v3 =	vld [tilespmem:$0x90];
	_ =	sdelay $0x4  }
0x87: {  	v50 =	vshll.u32 v3, $0x2  }
0x88: {  	v3 =	vand.u32 $0x7, v3;
	v4 =	vand.u32 $0xFFFFFFE0, v50  }
0x89: {  	v3 =	vor.u32 v3, v4  }
0x8a: {  	v4 =	vperm.xlane v3, v0;
	_ =	sdelay $0x1  }
0x8b: {  	v4 =	vadd.s32 v1, v4;
	_ =	sdelay $0x1  }
0x8c: {  	v3 =	vperm.xlane v3, v2;
	_ =	sdelay $0x1  }
0x8d: {  	v3 =	vadd.s32 v1, v3  }
0x8e: {  	[tilespmem:s28], [sflag:$0x2] =	stream.indirect_vreg.gather [hbm4b:s3+s2], $0x80, v4, vm0, $0xb8;
	[tilespmem:$0x14200] =	vst v63  }
0x8f: {  	_ = 	snop  }
0x90: {  	[tilespmem:s23], [sflag:$0x2] =	stream.indirect_vreg.gather [hbm4b:s4+s2], $0x80, v4, vm0, $0xb8;
	[tilespmem:$0x14200] =	vst v63  }
0x91: {  	s5 =	simm.s32 $0xD200  }
0x92: {  	[tilespmem:s5], [sflag:$0x2] =	stream.indirect_vreg.gather [hbm4b:s3+s2], $0x80, v3, vm0, $0xb8;
	[tilespmem:$0x14200] =	vst v63  }
0x93: {  	s24 =	simm.s32 $0xDA00  }
0x94: {  	[tilespmem:s24], [sflag:$0x2] =	stream.indirect_vreg.gather [hbm4b:s4+s2], $0x80, v3, vm0, $0xb8;
	[tilespmem:$0x14200] =	vst v63  }
0x95: {  	v3 =	vld [tilespmem:$0xA0];
	_ =	sdelay $0x4  }
0x96: {  	v51 =	vshll.u32 v3, $0x2  }
0x97: {  	v3 =	vand.u32 $0x7, v3;
	v4 =	vand.u32 $0xFFFFFFE0, v51  }
0x98: {  	v3 =	vor.u32 v3, v4  }
0x99: {  	v4 =	vperm.xlane v3, v0;
	_ =	sdelay $0x1  }
0x9a: {  	v4 =	vadd.s32 v1, v4;
	_ =	sdelay $0x1  }
0x9b: {  	v3 =	vperm.xlane v3, v2;
	_ =	sdelay $0x1  }
0x9c: {  	s5 =	simm.s32 $0xE200;
	v3 =	vadd.s32 v1, v3  }
0x9d: {  	[tilespmem:s5], [sflag:$0x2] =	stream.indirect_vreg.gather [hbm4b:s3+s2], $0x80, v4, vm0, $0xb8;
	[tilespmem:$0x14200] =	vst v63  }
0x9e: {  	s24 =	simm.s32 $0xEA00  }
0x9f: {  	[tilespmem:s24], [sflag:$0x2] =	stream.indirect_vreg.gather [hbm4b:s4+s2], $0x80, v4, vm0, $0xb8;
	[tilespmem:$0x14200] =	vst v63  }
0xa0: {  	s5 =	simm.s32 $0xF200  }
0xa1: {  	[tilespmem:s5], [sflag:$0x2] =	stream.indirect_vreg.gather [hbm4b:s3+s2], $0x80, v3, vm0, $0xb8;
	[tilespmem:$0x14200] =	vst v63  }
0xa2: {  	s24 =	simm.s32 $0xFA00  }
0xa3: {  	[tilespmem:s24], [sflag:$0x2] =	stream.indirect_vreg.gather [hbm4b:s4+s2], $0x80, v3, vm0, $0xb8;
	[tilespmem:$0x14200] =	vst v63  }
0xa4: {  	v3 =	vld [tilespmem:$0xB0];
	_ =	sdelay $0x4  }
0xa5: {  	v52 =	vshll.u32 v3, $0x2  }
0xa6: {  	v3 =	vand.u32 $0x7, v3;
	v4 =	vand.u32 $0xFFFFFFE0, v52  }
0xa7: {  	v3 =	vor.u32 v3, v4  }
0xa8: {  	v4 =	vperm.xlane v3, v0;
	_ =	sdelay $0x1  }
0xa9: {  	v4 =	vadd.s32 v1, v4;
	_ =	sdelay $0x1  }
0xaa: {  	v3 =	vperm.xlane v3, v2;
	_ =	sdelay $0x1  }
0xab: {  	s5 =	simm.s32 $0x10200;
	v3 =	vadd.s32 v1, v3  }
0xac: {  	[tilespmem:s5], [sflag:$0x2] =	stream.indirect_vreg.gather [hbm4b:s3+s2], $0x80, v4, vm0, $0xb8;
	[tilespmem:$0x14200] =	vst v63  }
0xad: {  	s24 =	simm.s32 $0x10A00  }
0xae: {  	[tilespmem:s24], [sflag:$0x2] =	stream.indirect_vreg.gather [hbm4b:s4+s2], $0x80, v4, vm0, $0xb8;
	[tilespmem:$0x14200] =	vst v63  }
0xaf: {  	s5 =	simm.s32 $0x11200  }
0xb0: {  	[tilespmem:s5], [sflag:$0x2] =	stream.indirect_vreg.gather [hbm4b:s3+s2], $0x80, v3, vm0, $0xb8;
	[tilespmem:$0x14200] =	vst v63  }
0xb1: {  	s24 =	simm.s32 $0x11A00  }
0xb2: {  	[tilespmem:s24], [sflag:$0x2] =	stream.indirect_vreg.gather [hbm4b:s4+s2], $0x80, v3, vm0, $0xb8;
	[tilespmem:$0x14200] =	vst v63  }
0xb3: {  	v3 =	vld [tilespmem:$0xC0];
	_ =	sdelay $0x4  }
0xb4: {  	v53 =	vshll.u32 v3, $0x2  }
0xb5: {  	v3 =	vand.u32 $0x7, v3;
	v4 =	vand.u32 $0xFFFFFFE0, v53  }
0xb6: {  	v3 =	vor.u32 v3, v4  }
0xb7: {  	v4 =	vperm.xlane v3, v0;
	_ =	sdelay $0x1  }
0xb8: {  	v4 =	vadd.s32 v1, v4;
	_ =	sdelay $0x1  }
0xb9: {  	v3 =	vperm.xlane v3, v2;
	_ =	sdelay $0x1  }
0xba: {  	s5 =	simm.s32 $0x12200;
	v3 =	vadd.s32 v1, v3  }
0xbb: {  	[tilespmem:s5], [sflag:$0x2] =	stream.indirect_vreg.gather [hbm4b:s3+s2], $0x80, v4, vm0, $0xb8;
	[tilespmem:$0x14200] =	vst v63  }
0xbc: {  	s24 =	simm.s32 $0x12A00  }
0xbd: {  	[tilespmem:s24], [sflag:$0x2] =	stream.indirect_vreg.gather [hbm4b:s4+s2], $0x80, v4, vm0, $0xb8;
	[tilespmem:$0x14200] =	vst v63  }
0xbe: {  	s5 =	simm.s32 $0x13200  }
0xbf: {  	[tilespmem:s5], [sflag:$0x2] =	stream.indirect_vreg.gather [hbm4b:s3+s2], $0x80, v3, vm0, $0xb8;
	[tilespmem:$0x14200] =	vst v63  }
0xc0: {  	s0 =	simm.s32 $0x1;
	s24 =	simm.s32 $0x13A00  }
0xc1: {  	[tilespmem:s24], [sflag:$0x2] =	stream.indirect_vreg.gather [hbm4b:s4+s2], $0x80, v3, vm0, $0xb8;
	[tilespmem:$0x14200] =	vst v63  }
0xc2: {  	_ =	swait.ge [sflag:s0], $0xA000  }
0xc3: {  	[sflag:s0] =	ssyncset.done $0x0  }
0xc4: {  	s5 =	simm.s32 $0x200;
	s24 =	rddreg [dreg:$0x8];
	[sflag:s0] =	ssyncadd.s32 $0xFFFF6000  }
0xc5: {  	[hbm4b:s24+s2] =	stream.linear.scatter [tilespmem:s5], [sflag:$0x3], $0xA000, $0x38;
	[tilespmem:$0x14200] =	vst v63  }
0xc6: {  	_ =	swait.ge [sflag:s6], $0xA000  }
0xc7: {  	[sflag:s6] =	ssyncset.done $0x0  }
0xc8: {  	[sflag:s6] =	ssyncadd.s32 $0xFFFF6000  }
0xc9: {  	v3 =	vld [tilespmem:$0x100];
	_ =	sdelay $0x4  }
0xca: {  	v54 =	vshll.u32 v3, $0x2  }
0xcb: {  	v3 =	vand.u32 $0x7, v3;
	v4 =	vand.u32 $0xFFFFFFE0, v54  }
0xcc: {  	v3 =	vor.u32 v3, v4  }
0xcd: {  	v4 =	vperm.xlane v3, v0;
	_ =	sdelay $0x1  }
0xce: {  	v4 =	vadd.s32 v1, v4;
	_ =	sdelay $0x1  }
0xcf: {  	v3 =	vperm.xlane v3, v2;
	_ =	sdelay $0x1  }
0xd0: {  	v3 =	vadd.s32 v1, v3  }
0xd1: {  	[tilespmem:s5], [sflag:$0x1] =	stream.indirect_vreg.gather [hbm4b:s3+s2], $0x80, v4, vm0, $0xb8;
	[tilespmem:$0x14200] =	vst v63  }
0xd2: {  	_ = 	snop  }
0xd3: {  	[tilespmem:s25], [sflag:$0x1] =	stream.indirect_vreg.gather [hbm4b:s4+s2], $0x80, v4, vm0, $0xb8;
	[tilespmem:$0x14200] =	vst v63  }
0xd4: {  	_ = 	snop  }
0xd5: {  	[tilespmem:s26], [sflag:$0x1] =	stream.indirect_vreg.gather [hbm4b:s3+s2], $0x80, v3, vm0, $0xb8;
	[tilespmem:$0x14200] =	vst v63  }
0xd6: {  	_ = 	snop  }
0xd7: {  	[tilespmem:s29], [sflag:$0x1] =	stream.indirect_vreg.gather [hbm4b:s4+s2], $0x80, v3, vm0, $0xb8;
	[tilespmem:$0x14200] =	vst v63  }
0xd8: {  	v3 =	vld [tilespmem:$0x110];
	_ =	sdelay $0x4  }
0xd9: {  	v55 =	vshll.u32 v3, $0x2  }
0xda: {  	v3 =	vand.u32 $0x7, v3;
	v4 =	vand.u32 $0xFFFFFFE0, v55  }
0xdb: {  	v3 =	vor.u32 v3, v4  }
0xdc: {  	v4 =	vperm.xlane v3, v0;
	_ =	sdelay $0x1  }
0xdd: {  	v4 =	vadd.s32 v1, v4;
	_ =	sdelay $0x1  }
0xde: {  	v3 =	vperm.xlane v3, v2;
	_ =	sdelay $0x1  }
0xdf: {  	v3 =	vadd.s32 v1, v3  }
0xe0: {  	[tilespmem:s30], [sflag:$0x1] =	stream.indirect_vreg.gather [hbm4b:s3+s2], $0x80, v4, vm0, $0xb8;
	[tilespmem:$0x14200] =	vst v63  }
0xe1: {  	_ = 	snop  }
0xe2: {  	[tilespmem:s31], [sflag:$0x1] =	stream.indirect_vreg.gather [hbm4b:s4+s2], $0x80, v4, vm0, $0xb8;
	[tilespmem:$0x14200] =	vst v63  }
0xe3: {  	_ = 	snop  }
0xe4: {  	[tilespmem:s7], [sflag:$0x1] =	stream.indirect_vreg.gather [hbm4b:s3+s2], $0x80, v3, vm0, $0xb8;
	[tilespmem:$0x14200] =	vst v63  }
0xe5: {  	_ = 	snop  }
0xe6: {  	[tilespmem:s1], [sflag:$0x1] =	stream.indirect_vreg.gather [hbm4b:s4+s2], $0x80, v3, vm0, $0xb8;
	[tilespmem:$0x14200] =	vst v63  }
0xe7: {  	v3 =	vld [tilespmem:$0x120];
	_ =	sdelay $0x4  }
0xe8: {  	v56 =	vshll.u32 v3, $0x2  }
0xe9: {  	v3 =	vand.u32 $0x7, v3;
	v4 =	vand.u32 $0xFFFFFFE0, v56  }
0xea: {  	v3 =	vor.u32 v3, v4  }
0xeb: {  	v4 =	vperm.xlane v3, v0;
	_ =	sdelay $0x1  }
0xec: {  	v4 =	vadd.s32 v1, v4;
	_ =	sdelay $0x1  }
0xed: {  	v3 =	vperm.xlane v3, v2;
	_ =	sdelay $0x1  }
0xee: {  	v3 =	vadd.s32 v1, v3  }
0xef: {  	[tilespmem:s8], [sflag:$0x1] =	stream.indirect_vreg.gather [hbm4b:s3+s2], $0x80, v4, vm0, $0xb8;
	[tilespmem:$0x14200] =	vst v63  }
0xf0: {  	_ = 	snop  }
0xf1: {  	[tilespmem:s9], [sflag:$0x1] =	stream.indirect_vreg.gather [hbm4b:s4+s2], $0x80, v4, vm0, $0xb8;
	[tilespmem:$0x14200] =	vst v63  }
0xf2: {  	_ = 	snop  }
0xf3: {  	[tilespmem:s10], [sflag:$0x1] =	stream.indirect_vreg.gather [hbm4b:s3+s2], $0x80, v3, vm0, $0xb8;
	[tilespmem:$0x14200] =	vst v63  }
0xf4: {  	_ = 	snop  }
0xf5: {  	[tilespmem:s11], [sflag:$0x1] =	stream.indirect_vreg.gather [hbm4b:s4+s2], $0x80, v3, vm0, $0xb8;
	[tilespmem:$0x14200] =	vst v63  }
0xf6: {  	v3 =	vld [tilespmem:$0x130];
	_ =	sdelay $0x4  }
0xf7: {  	v57 =	vshll.u32 v3, $0x2  }
0xf8: {  	v3 =	vand.u32 $0x7, v3;
	v4 =	vand.u32 $0xFFFFFFE0, v57  }
0xf9: {  	v3 =	vor.u32 v3, v4  }
0xfa: {  	v4 =	vperm.xlane v3, v0;
	_ =	sdelay $0x1  }
0xfb: {  	v4 =	vadd.s32 v1, v4;
	_ =	sdelay $0x1  }
0xfc: {  	v3 =	vperm.xlane v3, v2;
	_ =	sdelay $0x1  }
0xfd: {  	v3 =	vadd.s32 v1, v3  }
0xfe: {  	[tilespmem:s12], [sflag:$0x1] =	stream.indirect_vreg.gather [hbm4b:s3+s2], $0x80, v4, vm0, $0xb8;
	[tilespmem:$0x14200] =	vst v63  }
0xff: {  	_ = 	snop  }
0x100: {  	[tilespmem:s13], [sflag:$0x1] =	stream.indirect_vreg.gather [hbm4b:s4+s2], $0x80, v4, vm0, $0xb8;
	[tilespmem:$0x14200] =	vst v63  }
0x101: {  	_ = 	snop  }
0x102: {  	[tilespmem:s14], [sflag:$0x1] =	stream.indirect_vreg.gather [hbm4b:s3+s2], $0x80, v3, vm0, $0xb8;
	[tilespmem:$0x14200] =	vst v63  }
0x103: {  	_ = 	snop  }
0x104: {  	[tilespmem:s15], [sflag:$0x1] =	stream.indirect_vreg.gather [hbm4b:s4+s2], $0x80, v3, vm0, $0xb8;
	[tilespmem:$0x14200] =	vst v63  }
0x105: {  	v3 =	vld [tilespmem:$0x140];
	_ =	sdelay $0x4  }
0x106: {  	v58 =	vshll.u32 v3, $0x2  }
0x107: {  	v3 =	vand.u32 $0x7, v3;
	v4 =	vand.u32 $0xFFFFFFE0, v58  }
0x108: {  	v3 =	vor.u32 v3, v4  }
0x109: {  	v4 =	vperm.xlane v3, v0;
	_ =	sdelay $0x1  }
0x10a: {  	v4 =	vadd.s32 v1, v4;
	_ =	sdelay $0x1  }
0x10b: {  	v3 =	vperm.xlane v3, v2;
	_ =	sdelay $0x1  }
0x10c: {  	v3 =	vadd.s32 v1, v3  }
0x10d: {  	[tilespmem:s16], [sflag:$0x1] =	stream.indirect_vreg.gather [hbm4b:s3+s2], $0x80, v4, vm0, $0xb8;
	[tilespmem:$0x14200] =	vst v63  }
0x10e: {  	_ = 	snop  }
0x10f: {  	[tilespmem:s17], [sflag:$0x1] =	stream.indirect_vreg.gather [hbm4b:s4+s2], $0x80, v4, vm0, $0xb8;
	[tilespmem:$0x14200] =	vst v63  }
0x110: {  	_ = 	snop  }
0x111: {  	[tilespmem:s18], [sflag:$0x1] =	stream.indirect_vreg.gather [hbm4b:s3+s2], $0x80, v3, vm0, $0xb8;
	[tilespmem:$0x14200] =	vst v63  }
0x112: {  	s1 =	simm.s32 $0x2  }
0x113: {  	[tilespmem:s19], [sflag:$0x1] =	stream.indirect_vreg.gather [hbm4b:s4+s2], $0x80, v3, vm0, $0xb8;
	[tilespmem:$0x14200] =	vst v63  }
0x114: {  	_ =	swait.ge [sflag:s1], $0xA000  }
0x115: {  	[sflag:s1] =	ssyncset.done $0x0  }
0x116: {  	s5 =	rddreg [dreg:$0x9];
	[sflag:s1] =	ssyncadd.s32 $0xFFFF6000  }
0x117: {  	[hbm4b:s5+s2] =	stream.linear.scatter [tilespmem:s22], [sflag:$0x3], $0xA000, $0x38;
	[tilespmem:$0x14200] =	vst v63  }
0x118: {  	_ =	swait.ge [sflag:s6], $0xA000  }
0x119: {  	[sflag:s6] =	ssyncset.done $0x0  }
0x11a: {  	[sflag:s6] =	ssyncadd.s32 $0xFFFF6000  }
0x11b: {  	v3 =	vld [tilespmem:$0x180];
	_ =	sdelay $0x4  }
0x11c: {  	v59 =	vshll.u32 v3, $0x2  }
0x11d: {  	v3 =	vand.u32 $0x7, v3;
	v4 =	vand.u32 $0xFFFFFFE0, v59  }
0x11e: {  	v3 =	vor.u32 v3, v4  }
0x11f: {  	v4 =	vperm.xlane v3, v0;
	_ =	sdelay $0x1  }
0x120: {  	v4 =	vadd.s32 v1, v4;
	_ =	sdelay $0x1  }
0x121: {  	v3 =	vperm.xlane v3, v2;
	_ =	sdelay $0x1  }
0x122: {  	v3 =	vadd.s32 v1, v3  }
0x123: {  	[tilespmem:s22], [sflag:$0x2] =	stream.indirect_vreg.gather [hbm4b:s3+s2], $0x80, v4, vm0, $0xb8;
	[tilespmem:$0x14200] =	vst v63  }
0x124: {  	s25 =	simm.s32 $0xAA00  }
0x125: {  	[tilespmem:s25], [sflag:$0x2] =	stream.indirect_vreg.gather [hbm4b:s4+s2], $0x80, v4, vm0, $0xb8;
	[tilespmem:$0x14200] =	vst v63  }
0x126: {  	_ = 	snop  }
0x127: {  	[tilespmem:s21], [sflag:$0x2] =	stream.indirect_vreg.gather [hbm4b:s3+s2], $0x80, v3, vm0, $0xb8;
	[tilespmem:$0x14200] =	vst v63  }
0x128: {  	s24 =	simm.s32 $0xBA00  }
0x129: {  	[tilespmem:s24], [sflag:$0x2] =	stream.indirect_vreg.gather [hbm4b:s4+s2], $0x80, v3, vm0, $0xb8;
	[tilespmem:$0x14200] =	vst v63  }
0x12a: {  	v3 =	vld [tilespmem:$0x190];
	_ =	sdelay $0x4  }
0x12b: {  	v60 =	vshll.u32 v3, $0x2  }
0x12c: {  	v3 =	vand.u32 $0x7, v3;
	v4 =	vand.u32 $0xFFFFFFE0, v60  }
0x12d: {  	v3 =	vor.u32 v3, v4  }
0x12e: {  	v4 =	vperm.xlane v3, v0;
	_ =	sdelay $0x1  }
0x12f: {  	v4 =	vadd.s32 v1, v4;
	_ =	sdelay $0x1  }
0x130: {  	v3 =	vperm.xlane v3, v2;
	_ =	sdelay $0x1  }
0x131: {  	v3 =	vadd.s32 v1, v3  }
0x132: {  	[tilespmem:s28], [sflag:$0x2] =	stream.indirect_vreg.gather [hbm4b:s3+s2], $0x80, v4, vm0, $0xb8;
	[tilespmem:$0x14200] =	vst v63  }
0x133: {  	_ = 	snop  }
0x134: {  	[tilespmem:s23], [sflag:$0x2] =	stream.indirect_vreg.gather [hbm4b:s4+s2], $0x80, v4, vm0, $0xb8;
	[tilespmem:$0x14200] =	vst v63  }
0x135: {  	s25 =	simm.s32 $0xD200  }
0x136: {  	[tilespmem:s25], [sflag:$0x2] =	stream.indirect_vreg.gather [hbm4b:s3+s2], $0x80, v3, vm0, $0xb8;
	[tilespmem:$0x14200] =	vst v63  }
0x137: {  	s24 =	simm.s32 $0xDA00  }
0x138: {  	[tilespmem:s24], [sflag:$0x2] =	stream.indirect_vreg.gather [hbm4b:s4+s2], $0x80, v3, vm0, $0xb8;
	[tilespmem:$0x14200] =	vst v63  }
0x139: {  	v3 =	vld [tilespmem:$0x1A0];
	_ =	sdelay $0x4  }
0x13a: {  	v61 =	vshll.u32 v3, $0x2  }
0x13b: {  	v3 =	vand.u32 $0x7, v3;
	v4 =	vand.u32 $0xFFFFFFE0, v61  }
0x13c: {  	v3 =	vor.u32 v3, v4  }
0x13d: {  	v4 =	vperm.xlane v3, v0;
	_ =	sdelay $0x1  }
0x13e: {  	v4 =	vadd.s32 v1, v4;
	_ =	sdelay $0x1  }
0x13f: {  	v3 =	vperm.xlane v3, v2;
	_ =	sdelay $0x1  }
0x140: {  	s25 =	simm.s32 $0xE200;
	v3 =	vadd.s32 v1, v3  }
0x141: {  	[tilespmem:s25], [sflag:$0x2] =	stream.indirect_vreg.gather [hbm4b:s3+s2], $0x80, v4, vm0, $0xb8;
	[tilespmem:$0x14200] =	vst v63  }
0x142: {  	s24 =	simm.s32 $0xEA00  }
0x143: {  	[tilespmem:s24], [sflag:$0x2] =	stream.indirect_vreg.gather [hbm4b:s4+s2], $0x80, v4, vm0, $0xb8;
	[tilespmem:$0x14200] =	vst v63  }
0x144: {  	s25 =	simm.s32 $0xF200  }
0x145: {  	[tilespmem:s25], [sflag:$0x2] =	stream.indirect_vreg.gather [hbm4b:s3+s2], $0x80, v3, vm0, $0xb8;
	[tilespmem:$0x14200] =	vst v63  }
0x146: {  	s24 =	simm.s32 $0xFA00  }
0x147: {  	[tilespmem:s24], [sflag:$0x2] =	stream.indirect_vreg.gather [hbm4b:s4+s2], $0x80, v3, vm0, $0xb8;
	[tilespmem:$0x14200] =	vst v63  }
0x148: {  	v3 =	vld [tilespmem:$0x1B0];
	_ =	sdelay $0x4  }
0x149: {  	v62 =	vshll.u32 v3, $0x2  }
0x14a: {  	v3 =	vand.u32 $0x7, v3;
	v4 =	vand.u32 $0xFFFFFFE0, v62  }
0x14b: {  	v3 =	vor.u32 v3, v4  }
0x14c: {  	v4 =	vperm.xlane v3, v0;
	_ =	sdelay $0x1  }
0x14d: {  	v4 =	vadd.s32 v1, v4;
	_ =	sdelay $0x1  }
0x14e: {  	v3 =	vperm.xlane v3, v2;
	_ =	sdelay $0x1  }
0x14f: {  	s25 =	simm.s32 $0x10200;
	v3 =	vadd.s32 v1, v3  }
0x150: {  	[tilespmem:s25], [sflag:$0x2] =	stream.indirect_vreg.gather [hbm4b:s3+s2], $0x80, v4, vm0, $0xb8;
	[tilespmem:$0x14200] =	vst v63  }
0x151: {  	s24 =	simm.s32 $0x10A00  }
0x152: {  	[tilespmem:s24], [sflag:$0x2] =	stream.indirect_vreg.gather [hbm4b:s4+s2], $0x80, v4, vm0, $0xb8;
	[tilespmem:$0x14200] =	vst v63  }
0x153: {  	s25 =	simm.s32 $0x11200  }
0x154: {  	[tilespmem:s25], [sflag:$0x2] =	stream.indirect_vreg.gather [hbm4b:s3+s2], $0x80, v3, vm0, $0xb8;
	[tilespmem:$0x14200] =	vst v63  }
0x155: {  	s24 =	simm.s32 $0x11A00  }
0x156: {  	[tilespmem:s24], [sflag:$0x2] =	stream.indirect_vreg.gather [hbm4b:s4+s2], $0x80, v3, vm0, $0xb8;
	[tilespmem:$0x14200] =	vst v63  }
0x157: {  	v3 =	vld [tilespmem:$0x1C0];
	_ =	sdelay $0x4  }
0x158: {  	v63 =	vshll.u32 v3, $0x2  }
0x159: {  	v3 =	vand.u32 $0x7, v3;
	v4 =	vand.u32 $0xFFFFFFE0, v63  }
0x15a: {  	v3 =	vor.u32 v3, v4  }
0x15b: {  	v4 =	vperm.xlane v3, v0;
	_ =	sdelay $0x1  }
0x15c: {  	v4 =	vadd.s32 v1, v4;
	_ =	sdelay $0x1  }
0x15d: {  	v3 =	vperm.xlane v3, v2;
	_ =	sdelay $0x1  }
0x15e: {  	s25 =	simm.s32 $0x12200;
	v3 =	vadd.s32 v1, v3  }
0x15f: {  	[tilespmem:s25], [sflag:$0x2] =	stream.indirect_vreg.gather [hbm4b:s3+s2], $0x80, v4, vm0, $0xb8;
	[tilespmem:$0x14200] =	vst v63  }
0x160: {  	s24 =	simm.s32 $0x12A00  }
0x161: {  	[tilespmem:s24], [sflag:$0x2] =	stream.indirect_vreg.gather [hbm4b:s4+s2], $0x80, v4, vm0, $0xb8;
	[tilespmem:$0x14200] =	vst v63  }
0x162: {  	s25 =	simm.s32 $0x13200  }
0x163: {  	[tilespmem:s25], [sflag:$0x2] =	stream.indirect_vreg.gather [hbm4b:s3+s2], $0x80, v3, vm0, $0xb8;
	[tilespmem:$0x14200] =	vst v63  }
0x164: {  	s24 =	simm.s32 $0x13A00  }
0x165: {  	[tilespmem:s24], [sflag:$0x2] =	stream.indirect_vreg.gather [hbm4b:s4+s2], $0x80, v3, vm0, $0xb8;
	[tilespmem:$0x14200] =	vst v63  }
0x166: {  	_ =	swait.ge [sflag:s0], $0xA000  }
0x167: {  	[sflag:s0] =	ssyncset.done $0x0  }
0x168: {  	s5 =	simm.s32 $0x200;
	s25 =	rddreg [dreg:$0xa];
	[sflag:s0] =	ssyncadd.s32 $0xFFFF6000  }
0x169: {  	[hbm4b:s25+s2] =	stream.linear.scatter [tilespmem:s5], [sflag:$0x3], $0xA000, $0x38;
	[tilespmem:$0x14200] =	vst v63  }
0x16a: {  	_ =	swait.ge [sflag:s6], $0xA000  }
0x16b: {  	[sflag:s6] =	ssyncset.done $0x0  }
0x16c: {  	[sflag:s6] =	ssyncadd.s32 $0xFFFF6000  }
0x16d: {  	_ =	swait.ge [sflag:s1], $0xA000  }
0x16e: {  	p0 =	sne.s32 s20, $0x1;
	[sflag:s1] =	ssyncset.done $0x0  }
.Ltmp0:
0x16f: {  	s25 =	rddreg [dreg:$0xb];
	[sflag:s1] =	ssyncadd.s32 $0xFFFF6000;
	(pc) =	sbr.rel @p0 .LBB2_1-.Ltmp0, $4  }
0x170: {  	[hbm4b:s25+s2] =	stream.linear.scatter [tilespmem:s22], [sflag:$0x3], $0xA000, $0x38;
	[tilespmem:$0x14200] =	vst v63  }
0x171: {  	_ =	swait.ge [sflag:s6], $0xA000  }
0x172: {  	[sflag:s6] =	ssyncset.done $0x0  }
0x173: {  	s20 =	sadd.s32 $0xFFFFFFFF, s20;
	[sflag:s6] =	ssyncadd.s32 $0xFFFF6000  }
0x174: {  	_ =	sfence.sel $0x180000  }
0x175: {  	[bflag:$0x0] =	sbarrier.arrive $0xFFFF  }
0x176: {  	_ =	strace $0x90000047  }
0x177: {  	s0 =	stileid.u32;
	[bflag:$0x2] =	sbarrier.arrive $0xFFFF  }
0x178: {  	p0 =	sne.s32 s0, $0x0;
	s0 =	rddreg [dreg:$0x3]  }
0x179: {  	s0 =	sadd.s32 @!p0 $0x100000, s0  }
0x17a: {  	[sflag:s0] =	ssyncadd.tile.s32 @!p0 $0x1;
	_ =	shalt  }
.Lfunc_end2:
_tile_overlayer_lowered:
.L_overlay_start_2:
0x17b: {  	(tag) =	ssettag $0x2  }
0x17c: {  	s0 =	rddreg [dreg:$0x0];
	s2 =	stileid.u32  }
0x17d: {  	s1 =	rddreg [dreg:$0x1];
	p0 =	sne.s32 s2, $0x0  }
0x17e: {  	s3 =	rddreg [dreg:$0x2];
	[bflag:$0x3] =	sbarrier.arrive $0xFFFF;
	s2 =	simm.s32 @!p0 $0x1C03  }
0x17f: {  	[timem:s3], [sflag:s2] =	dma.local @!p0 [hbm:s0], s1  }
0x180: {  	s0 =	simm.s32 @!p0 $0x3  }
0x181: {  	_ =	swait.ge @!p0 [sflag:s0], s1  }
0x182: {  	s1 =	ssub.s32 @!p0 $0x0, s1;
	[sflag:s0] =	ssyncset.done @!p0 $0x0  }
0x183: {  	[sflag:s0] =	ssyncadd.s32 @!p0 s1  }
0x184: {  	[bflag:$0x3] =	sbarrier.arrive $0xFFFF  }
0x185: {  	_ =	shalt  }

// kernel: kernel.16.cloned.1.call-start
scs
__scs_entry_jumppad:
0x0: {  	(pc) =	sbr.rel $0x88, $3  }
0x1: {  	(tag) =	ssettag $0x0;
	lr =	simm.s32 $0x1  }
0x2: {  	[smem:$0x3F94] =	sst lr;
	_ =	strace $0xD0000000  }
0x3: {  	_ = 	snop  }
0x4: {  	_ = 	snop  }
0x5: {  	_ = 	snop  }
0x6: {  	_ = 	snop  }
0x7: {  	_ = 	snop  }
__scs_overlays_trampoline_lowered:
0x8: {  	[smem:$0x3FA3] =	sst s0  }
0x9: {  	[smem:$0x3FA4] =	sst s1  }
0xa: {  	[smem:$0x3FA5] =	sst s2  }
0xb: {  	[smem:$0x3FA6] =	sst s3  }
0xc: {  	[smem:$0x3FA7] =	sst s4  }
0xd: {  	[smem:$0x3FA8] =	sst s5  }
0xe: {  	[smem:$0x3FA9] =	sst s6  }
0xf: {  	[smem:$0x3FAA] =	sst s7  }
0x10: {  	[smem:$0x3FAB] =	sst s8  }
0x11: {  	[smem:$0x3FAC] =	sst s9;
	s0 =	simm.s32 @!p0 $0x0  }
0x12: {  	s1 =	sld [smem:$0x3F92];
	s0 =	simm.s32 @p0 $0x1  }
0x13: {  	[smem:$0x3FAD] =	sst s0;
	s0 =	simm.s32 @!p1 $0x0  }
0x14: {  	s2 =	sld [smem:$0x3F91];
	s0 =	simm.s32 @p1 $0x1  }
0x15: {  	[smem:$0x3FAE] =	sst s0;
	s0 =	simm.s32 @!p2 $0x0  }
0x16: {  	s3 =	sld [smem:$0x3FDB];
	s0 =	simm.s32 @p2 $0x1  }
0x17: {  	s4 =	simm.s32 $0x1BF5;
	[smem:$0x3FB0] =	sst s0  }
0x18: {  	s0 =	sld [smem:$0x3F93];
	_ =	swait.ge [sflag:s4], $0x0  }
0x19: {  	s7 =	sld [smem:$0x3F94]  }
0x1a: {  	s8 =	sadd.s32 $0xFFFFE003, lr  }
0x1b: {  	s9 =	sadd.s32 $0xFFFFFEF7, lr;
	s5 =	simm.s32 $0xFFFFFFFF;
	p2 =	slt.u32 s8, $0xFFFFF086  }
0x1c: {  	p1 =	slt.u32 s9, $0xF7A;
	s5 =	simm.s32 @!p2 $0x0  }
0x1d: {  	s5 =	simm.s32 @p1 $0x1;
	p0 =	seq.s32 s7, s2  }
0x1e: {  	s7 =	smul.u32 @!p0 $0xF7A, s2;
	p2 =	seq.s32 @!p0 s5, $0x0  }
0x1f: {  	s9 =	smul.u32 $0xF7A, s1;
	s8 =	simm.s32 @!p0 $0x1BF5;
	p2 =	por !p2, p0  }
0x20: {  	[sflag:s8] =	ssyncset.s32 @!p0 $0xFFFFF086;
	s6 =	sadd.s32 @!p0 s3, s7;
	s7 =	simm.s32 @!p0 $0x108  }
0x21: {  	s3 =	sadd.s32 s3, s9;
	s6 =	sadd.s32 @!p0 $0x88, s6;
	s7 =	simm.s32 @p2 $0x1082  }
0x22: {  	[simem:s7], [sflag:s8] =	dma.local @!p0 [hbm:s6], $0xF7A  }
0x23: {  	s9 =	sor.u32 $0xD0000000, s2;
	s6 =	simm.s32 $0x108;
	_ =	swait.ge @!p0 [sflag:s8], $0x0  }
0x24: {  	s3 =	sadd.s32 $0x88, s3;
	s6 =	simm.s32 @!p1 $0x1082;
	[sflag:s4] =	ssyncset.s32 $0xFFFFF086  }
0x25: {  	[simem:s6], [sflag:s4] =	dma.local [hbm:s3], $0xF7A  }
0x26: {  	[smem:$0x3F94] =	sst s1;
	(tag) =	ssettag s2;
	_ =	strace s9  }
0x27: {  	s1 =	sld [smem:$0x3FA4]  }
0x28: {  	s2 =	sld [smem:$0x3FA5]  }
0x29: {  	s4 =	sld [smem:$0x3FA7]  }
0x2a: {  	p0 =	seq.s32 s5, $0x0;
	s5 =	sld [smem:$0x3FA8]  }
0x2b: {  	s6 =	sld [smem:$0x3FA9]  }
0x2c: {  	s7 =	sld [smem:$0x3FAA]  }
0x2d: {  	s3 =	simm.s32 $0x108;
	s8 =	sld [smem:$0x3FAB]  }
0x2e: {  	s3 =	simm.s32 @!p0 $0x1082;
	s9 =	sld [smem:$0x3FAC]  }
0x2f: {  	lr =	sadd.s32 s0, s3;
	s0 =	sld [smem:$0x3FA3]  }
0x30: {  	s3 =	sld [smem:$0x3FA6]  }
0x31: {  	[smem:$0x3FAF] =	sst s10  }
0x32: {  	s10 =	sld [smem:$0x3FAD];
	_ =	sdelay $0x3  }
0x33: {  	p0 =	seq.s32 s10, $0x1;
	s10 =	sld [smem:$0x3FAF];
	_ =	sdelay $0x3  }
0x34: {  	[smem:$0x3FAF] =	sst s10  }
0x35: {  	s10 =	sld [smem:$0x3FAE];
	_ =	sdelay $0x3  }
0x36: {  	p1 =	seq.s32 s10, $0x1;
	s10 =	sld [smem:$0x3FAF];
	_ =	sdelay $0x3  }
0x37: {  	[smem:$0x3FAF] =	sst s10  }
0x38: {  	s10 =	sld [smem:$0x3FB0]  }
0x39: {  	_ = 	snop;
	(pc) =	sbr.ind lr, $3  }
0x3a: {  	_ = 	snop  }
0x3b: {  	_ = 	snop  }
0x3c: {  	p2 =	seq.s32 s10, $0x1;
	s10 =	sld [smem:$0x3FAF]  }
0x3d: {  	_ =	shalt  }
0x3e: {  	_ =	shalt  }
0x3f: {  	_ =	shalt  }
0x40: {  	_ =	shalt  }
0x41: {  	_ =	shalt  }
0x42: {  	_ =	shalt  }
0x43: {  	_ =	shalt  }
0x44: {  	_ =	shalt  }
0x45: {  	_ =	shalt  }
0x46: {  	_ =	shalt  }
0x47: {  	_ =	shalt  }
0x48: {  	_ =	shalt  }
0x49: {  	_ =	shalt  }
0x4a: {  	_ =	shalt  }
0x4b: {  	_ =	shalt  }
0x4c: {  	_ =	shalt  }
0x4d: {  	_ =	shalt  }
0x4e: {  	_ =	shalt  }
0x4f: {  	_ =	shalt  }
0x50: {  	_ =	shalt  }
0x51: {  	_ =	shalt  }
0x52: {  	_ =	shalt  }
0x53: {  	_ =	shalt  }
0x54: {  	_ =	shalt  }
0x55: {  	_ =	shalt  }
0x56: {  	_ =	shalt  }
0x57: {  	_ =	shalt  }
0x58: {  	_ =	shalt  }
0x59: {  	_ =	shalt  }
0x5a: {  	_ =	shalt  }
0x5b: {  	_ =	shalt  }
0x5c: {  	_ =	shalt  }
0x5d: {  	_ =	shalt  }
0x5e: {  	_ =	shalt  }
0x5f: {  	_ =	shalt  }
0x60: {  	_ =	shalt  }
0x61: {  	_ =	shalt  }
0x62: {  	_ =	shalt  }
0x63: {  	_ =	shalt  }
0x64: {  	_ =	shalt  }
0x65: {  	_ =	shalt  }
0x66: {  	_ =	shalt  }
0x67: {  	_ =	shalt  }
0x68: {  	_ =	shalt  }
0x69: {  	_ =	shalt  }
0x6a: {  	_ =	shalt  }
0x6b: {  	_ =	shalt  }
0x6c: {  	_ =	shalt  }
0x6d: {  	_ =	shalt  }
0x6e: {  	_ =	shalt  }
0x6f: {  	_ =	shalt  }
0x70: {  	_ =	shalt  }
0x71: {  	_ =	shalt  }
0x72: {  	_ =	shalt  }
0x73: {  	_ =	shalt  }
0x74: {  	_ =	shalt  }
0x75: {  	_ =	shalt  }
0x76: {  	_ =	shalt  }
0x77: {  	_ =	shalt  }
0x78: {  	_ =	shalt  }
0x79: {  	_ =	shalt  }
0x7a: {  	_ =	shalt  }
0x7b: {  	_ =	shalt  }
0x7c: {  	_ =	shalt  }
0x7d: {  	_ =	shalt  }
0x7e: {  	_ =	shalt  }
0x7f: {  	_ =	shalt  }
0x80: {  	_ =	shalt  }
0x81: {  	_ =	shalt  }
0x82: {  	_ =	shalt  }
0x83: {  	_ =	shalt  }
0x84: {  	_ =	shalt  }
0x85: {  	_ =	shalt  }
0x86: {  	_ =	shalt  }
0x87: {  	_ =	shalt  }
.Lfunc_end0:
.L_simem_size_0:
called_computation.1_lowered:
.L_overlay_start_0:
0x88: {  	s2 =	sld [smem:$0x3FD9]  }
0x89: {  	s3 =	sld [smem:$0x3FFE];
	_ =	sdelay $0x1  }
0x8a: {  	s1 =	srdreg.scid  }
0x8b: {  	s0 =	sand.u32 $0x1, s1  }
0x8c: {  	s14 =	sshll.u32 s0, $0xA;
	s2 =	sadd.s32 s3, s2  }
0x8d: {  	s2 =	sadd.s32 s2, s14  }
0x8e: {  	[smem:$0x3FBB] =	sst s2  }
0x8f: {  	_ = 	snop  }
0x90: {  	s2 =	sld [smem:$0x3FD0];
	_ =	sdelay $0x2  }
0x91: {  	s15 =	simm.s32 $0xA;
	s4 =	simm.s32 $0x10  }
0x92: {  	[smem:s4], [sflag:s15] =	dma.local [hbm:s2], $0x1  }
0x93: {  	_ =	swait.eq [sflag:s15], $0x1  }
0x94: {  	[sflag:s15] =	ssyncset.done $0x0  }
0x95: {  	s16 =	sld [smem:$0x10];
	[sflag:s15] =	ssyncadd.s32 $0xFFFFFFFF  }
0x96: {  	s17 =	sld [smem:$0x12];
	(tm) =	ssettm $0x1  }
0x97: {  	s18 =	sld [smem:$0x3FFB];
	_ =	sdelay $0x3  }
0x98: {  	_ =	strace s18  }
0x99: {  	s4 =	sld [smem:$0x3FFC];
	_ =	sdelay $0x3  }
0x9a: {  	_ =	strace s4  }
0x9b: {  	s4 =	sld [smem:$0x3FFD];
	_ =	sdelay $0x3  }
0x9c: {  	_ =	strace s4  }
0x9d: {  	_ =	strace $0x8FFFFFFF  }
0x9e: {  	s19 =	sld [smem:$0x3FDB];
	_ =	sdelay $0x1  }
0x9f: {  	s5 =	simm.s32 $_scs_section_size  }
0xa0: {  	s6 =	simm.s32 $_size__tile_overlayer_lowered;
	s7 =	simm.s32 $_tile_overlayer_lowered  }
0xa1: {  	s22 =	simm.s32 $0x1BFF;
	s21 =	sshll.u32 s7, $0x1;
	s4 =	sadd.s32 s5, s19  }
0xa2: {  	s8 =	simm.s32 $0x0;
	s20 =	sshll.u32 s6, $0x1;
	s6 =	sadd.s32 s21, s4  }
0xa3: {  	[timem:s8], [sflag:s22] =	dma.local [hbm:s6], s20  }
0xa4: {  	_ =	swait.ge [sflag:s22], s20  }
0xa5: {  	s5 =	ssub.s32 $0x0, s20;
	[sflag:s22] =	ssyncset.done $0x0  }
0xa6: {  	[sflag:s22] =	ssyncadd.s32 s5;
	_ =	sdelay $0x1  }
0xa7: {  	s23 =	simm.s32 $0x1B8B  }
0xa8: {  	_ =	swait.ge [sflag:s23], $0x1  }
0xa9: {  	[sflag:s23] =	ssyncset.done $0x0  }
0xaa: {  	s25 =	simm.s32 $0x1B8E;
	s24 =	sld [smem:$0x3FFE];
	[sflag:s23] =	ssyncadd.s32 $0xFFFFFFFF  }
0xab: {  	s26 =	simm.s32 $execute0_lowered;
	[smem:$0x3FD2] =	sst s25  }
0xac: {  	s6 =	sshll.u32 s26, $0x1;
	_ =	strace $0x80000049;
	[dreg:$0x1] =	wrdreg $0xFFFFFFFF  }
0xad: {  	s28 =	simm.s32 $_size_execute0_lowered;
	s4 =	sadd.s32 s4, s6;
	[dreg:$0x0] =	wrdreg $0x0  }
0xae: {  	s6 =	sshll.u32 s28, $0x1;
	[dreg:$0x2] =	wrdreg s4  }
0xaf: {  	[dreg:$0x3] =	wrdreg s6  }
0xb0: {  	[dreg:$0x4] =	wrdreg $0xC0  }
0xb1: {  	_ =	task [dreg:s8], $0x5FFFF  }
0xb2: {  	[dreg:$0x1] =	wrdreg $0xFFFFFFFF  }
0xb3: {  	[dreg:$0x0] =	wrdreg $0x60  }
0xb4: {  	[dreg:$0x2] =	wrdreg s24  }
0xb5: {  	[dreg:$0x3] =	wrdreg s16  }
0xb6: {  	[dreg:$0x4] =	wrdreg s17  }
0xb7: {  	[dreg:$0x5] =	wrdreg $0x9  }
0xb8: {  	_ =	task.clear_ibuf [dreg:s8], $0x6FFFF;
	_ =	strace $0x90000049  }
0xb9: {  	s29 =	simm.s32 $0x9;
	_ =	strace $0x8000004B  }
0xba: {  	_ =	swait.ge [sflag:s29], $0x1  }
0xbb: {  	[sflag:s29] =	ssyncadd.s32 $0xFFFFFFFF  }
0xbc: {  	_ =	strace $0x9000004B  }
0xbd: {  	_ =	sfence  }
0xbe: {  	s30 =	sld [smem:$0x0];
	_ =	sdelay $0x2  }
0xbf: {  	s31 =	sshll.u32 s1, $0xD;
	s1 =	sshrl.u32 s1, $0x2  }
0xc0: {  	s3 =	sand.u32 $0x4000, s31;
	s1 =	sadd.s32 s1, s30  }
0xc1: {  	s0 =	sor.u32 s3, s0;
	s1 =	sshll.u32 s1, $0x11  }
0xc2: {  	s0 =	sor.u32 s1, s0  }
0xc3: {  	s0 =	sadd.s32 $0x8F2B, s0  }
0xc4: {  	[sflag:s0] =	ssyncadd.remote.s32 $0x1  }
0xc5: {  	_ =	sfence.sel $0xFFFF  }
0xc6: {  	[dreg:$0x0] =	wrdreg $0xFFFFFFFF;
	(pc) =	sbr.abs _section_cstart, $3  }
0xc7: {  	[dreg:$0x1] =	wrdreg $0xFFFFFFFF  }
0xc8: {  	_ =	task.clear_ibuf [dreg:s8], $0x2FFFF;
	_ =	strace $0x9FFFFFFF  }
0xc9: {  	(tm) =	ssettm $0x7FFFFFFF  }
tec
execute0_lowered:
.L_overlay_start_1:
0x0: {  	(tag) =	ssettag $0x1  }
0x1: {  	s0 =	rddreg [dreg:$0x0]  }
0x2: {  	s1 =	rddreg [dreg:$0x1]  }
0x3: {  	s3 =	rddreg [dreg:$0x2]  }
0x4: {  	s4 =	srdreg.scid;
	s8 =	stileid.u32;
	s2 =	simm.s32 $0x0  }
0x5: {  	s24 =	simm.s32 $0x80;
	s25 =	simm.s32 $0x100;
	s26 =	simm.s32 $0x180  }
0x6: {  	s29 =	simm.s32 $0x1A00;
	s30 =	simm.s32 $0x2200;
	s31 =	simm.s32 $0x2A00  }
0x7: {  	s12 =	simm.s32 $0x6200;
	s13 =	simm.s32 $0x6A00;
	s14 =	simm.s32 $0x7200  }
0x8: {  	s15 =	simm.s32 $0x7A00;
	s16 =	simm.s32 $0x8200;
	s28 =	simm.s32 $0xC200  }
0x9: {  	s4 =	sand.u32 $0x1, s4;
	s5 =	sshll.u32 s8, $0x1;
	[smem:$0x7FF] =	sst s2  }
0xa: {  	s6 =	sadd.s32 $0x64C00, s0;
	s8 =	sshll.u32 s8, $0x6;
	s17 =	sadd.s32 $0xB4C00, s0  }
0xb: {  	s5 =	sor.u32 s4, s5;
	_ =	strace $0x8000004A;
	[dreg:$0xc] =	wrdreg s24  }
0xc: {  	s8 =	sand.u32 $0x380, s8;
	s4 =	ssub.s32 $0x2, s4;
	[dreg:$0xd] =	wrdreg s25  }
0xd: {  	[dreg:$0xe] =	wrdreg s26;
	s26 =	simm.s32 $0x1200;
	s7 =	sshllo.u32 s5, $0x1  }
0xe: {  	s9 =	sshll.u32 s5, $0x5;
	s5 =	smul.u32 $0x2800, s5;
	s23 =	sshrl.u32 s4, $0x1  }
0xf: {  	s10 =	sshll.u32 s7, $0x4;
	s11 =	sadd.s32 s1, s9;
	s9 =	sadd.s32 s3, s9  }
0x10: {  	s7 =	smul.u32 $0x1400, s7;
	s10 =	sand.u32 $0x70, s10;
	[dreg:$0x4] =	wrdreg s11  }
0x11: {  	[dreg:$0x5] =	wrdreg s9;
	s19 =	sadd.s32 s6, s5;
	s20 =	sadd.s32 s17, s5  }
0x12: {  	s5 =	ssub.s32 s4, s23;
	s4 =	sadd.s32 $0x4D00, s0;
	s9 =	simm.s32 $0x4A00  }
0x13: {  	s11 =	simm.s32 $0x5A00;
	s23 =	simm.s32 $0xCA00;
	[dreg:$0x8] =	wrdreg s19  }
0x14: {  	s8 =	sor.u32 s8, s10;
	[dreg:$0x9] =	wrdreg s20;
	s21 =	sadd.s32 s6, s7  }
0x15: {  	s22 =	sadd.s32 s17, s7;
	s20 =	smax.u32 s5, $0x1;
	s6 =	simm.s32 $0x3  }
0x16: {  	s7 =	simm.s32 $0x3200;
	s10 =	simm.s32 $0x5200;
	s17 =	simm.s32 $0x8A00  }
0x17: {  	s19 =	simm.s32 $0x9A00;
	s1 =	sadd.s32 s1, s8;
	[dreg:$0xa] =	wrdreg s21  }
0x18: {  	v2 =	vlaneseq.u32;
	s18 =	sadd.s32 s3, s8;
	s3 =	sadd.s32 $0x4C00, s0;
	[dreg:$0xb] =	wrdreg s22  }
0x19: {  	vm0 =	vmmov $0xffff;
	v1 =	vshrl.u32 v2, $0x3;
	s8 =	simm.s32 $0x4200;
	s22 =	simm.s32 $0xA200;
	[dreg:$0x6] =	wrdreg s1  }
0x1a: {  	v0 =	vand.u32 $0x7, v2;
	v2 =	vor.u32 $0x8, v2;
	v1 =	vmul.u32 $0x8, v1;
	s21 =	simm.s32 $0xB200;
	[dreg:$0x7] =	wrdreg s18;
	s18 =	simm.s32 $0x9200  }
.LBB2_1:
0x1b: {  	s24 =	rddreg [dreg:$0x4]  }
0x1c: {  	[tilespmem:s2], [sflag:$0x3] =	stream.linear.gather [hbm4b:s24+s2], $0x80, $0x38;
	[tilespmem:$0x14200] =	vst v63  }
0x1d: {  	_ =	swait.ge [sflag:s6], $0x80  }
0x1e: {  	s0 =	rddreg [dreg:$0x5];
	[sflag:s6] =	ssyncset.done $0x0  }
0x1f: {  	s25 =	rddreg [dreg:$0xc];
	[sflag:s6] =	ssyncadd.s32 $0xFFFFFF80  }
0x20: {  	[tilespmem:s25], [sflag:$0x3] =	stream.linear.gather [hbm4b:s0+s2], $0x80, $0x38;
	[tilespmem:$0x14200] =	vst v63  }
0x21: {  	_ =	swait.ge [sflag:s6], $0x80  }
0x22: {  	s1 =	rddreg [dreg:$0x6];
	[sflag:s6] =	ssyncset.done $0x0  }
0x23: {  	s5 =	rddreg [dreg:$0xd];
	[sflag:s6] =	ssyncadd.s32 $0xFFFFFF80  }
0x24: {  	[tilespmem:s5], [sflag:$0x3] =	stream.linear.gather [hbm4b:s1+s2], $0x80, $0x38;
	[tilespmem:$0x14200] =	vst v63  }
0x25: {  	_ =	swait.ge [sflag:s6], $0x80  }
0x26: {  	s0 =	rddreg [dreg:$0x7];
	[sflag:s6] =	ssyncset.done $0x0  }
0x27: {  	s1 =	rddreg [dreg:$0xe];
	[sflag:s6] =	ssyncadd.s32 $0xFFFFFF80  }
0x28: {  	[tilespmem:s1], [sflag:$0x3] =	stream.linear.gather [hbm4b:s0+s2], $0x80, $0x38;
	[tilespmem:$0x14200] =	vst v63  }
0x29: {  	_ =	swait.ge [sflag:s6], $0x80  }
0x2a: {  	[sflag:s6] =	ssyncset.done $0x0  }
0x2b: {  	[sflag:s6] =	ssyncadd.s32 $0xFFFFFF80  }
0x2c: {  	v3 =	vld [tilespmem:$0x0];
	_ =	sdelay $0x4  }
0x2d: {  	v4 =	vshll.u32 v3, $0x2  }
0x2e: {  	v3 =	vand.u32 $0x7, v3;
	v4 =	vand.u32 $0xFFFFFFE0, v4  }
0x2f: {  	v3 =	vor.u32 v3, v4  }
0x30: {  	v4 =	vperm.xlane v3, v0;
	_ =	sdelay $0x1  }
0x31: {  	v4 =	vadd.s32 v1, v4;
	_ =	sdelay $0x1  }
0x32: {  	v3 =	vperm.xlane v3, v2;
	_ =	sdelay $0x1  }
0x33: {  	s0 =	simm.s32 $0x200;
	v3 =	vadd.s32 v1, v3  }
0x34: {  	[tilespmem:s0], [sflag:$0x1] =	stream.indirect_vreg.gather [hbm4b:s3+s2], $0x80, v4, vm0, $0xb8;
	[tilespmem:$0x14200] =	vst v63  }
0x35: {  	s25 =	simm.s32 $0xA00  }
0x36: {  	[tilespmem:s25], [sflag:$0x1] =	stream.indirect_vreg.gather [hbm4b:s4+s2], $0x80, v4, vm0, $0xb8;
	[tilespmem:$0x14200] =	vst v63  }
0x37: {  	_ = 	snop  }
0x38: {  	[tilespmem:s26], [sflag:$0x1] =	stream.indirect_vreg.gather [hbm4b:s3+s2], $0x80, v3, vm0, $0xb8;
	[tilespmem:$0x14200] =	vst v63  }
0x39: {  	_ = 	snop  }
0x3a: {  	[tilespmem:s29], [sflag:$0x1] =	stream.indirect_vreg.gather [hbm4b:s4+s2], $0x80, v3, vm0, $0xb8;
	[tilespmem:$0x14200] =	vst v63  }
0x3b: {  	v3 =	vld [tilespmem:$0x10];
	_ =	sdelay $0x4  }
0x3c: {  	v45 =	vshll.u32 v3, $0x2  }
0x3d: {  	v3 =	vand.u32 $0x7, v3;
	v4 =	vand.u32 $0xFFFFFFE0, v45  }
0x3e: {  	v3 =	vor.u32 v3, v4  }
0x3f: {  	v4 =	vperm.xlane v3, v0;
	_ =	sdelay $0x1  }
0x40: {  	v4 =	vadd.s32 v1, v4;
	_ =	sdelay $0x1  }
0x41: {  	v3 =	vperm.xlane v3, v2;
	_ =	sdelay $0x1  }
0x42: {  	v3 =	vadd.s32 v1, v3  }
0x43: {  	[tilespmem:s30], [sflag:$0x1] =	stream.indirect_vreg.gather [hbm4b:s3+s2], $0x80, v4, vm0, $0xb8;
	[tilespmem:$0x14200] =	vst v63  }
0x44: {  	_ = 	snop  }
0x45: {  	[tilespmem:s31], [sflag:$0x1] =	stream.indirect_vreg.gather [hbm4b:s4+s2], $0x80, v4, vm0, $0xb8;
	[tilespmem:$0x14200] =	vst v63  }
0x46: {  	_ = 	snop  }
0x47: {  	[tilespmem:s7], [sflag:$0x1] =	stream.indirect_vreg.gather [hbm4b:s3+s2], $0x80, v3, vm0, $0xb8;
	[tilespmem:$0x14200] =	vst v63  }
0x48: {  	s1 =	simm.s32 $0x3A00  }
0x49: {  	[tilespmem:s1], [sflag:$0x1] =	stream.indirect_vreg.gather [hbm4b:s4+s2], $0x80, v3, vm0, $0xb8;
	[tilespmem:$0x14200] =	vst v63  }
0x4a: {  	v3 =	vld [tilespmem:$0x20];
	_ =	sdelay $0x4  }
0x4b: {  	v46 =	vshll.u32 v3, $0x2  }
0x4c: {  	v3 =	vand.u32 $0x7, v3;
	v4 =	vand.u32 $0xFFFFFFE0, v46  }
0x4d: {  	v3 =	vor.u32 v3, v4  }
0x4e: {  	v4 =	vperm.xlane v3, v0;
	_ =	sdelay $0x1  }
0x4f: {  	v4 =	vadd.s32 v1, v4;
	_ =	sdelay $0x1  }
0x50: {  	v3 =	vperm.xlane v3, v2;
	_ =	sdelay $0x1  }
0x51: {  	v3 =	vadd.s32 v1, v3  }
0x52: {  	[tilespmem:s8], [sflag:$0x1] =	stream.indirect_vreg.gather [hbm4b:s3+s2], $0x80, v4, vm0, $0xb8;
	[tilespmem:$0x14200] =	vst v63  }
0x53: {  	_ = 	snop  }
0x54: {  	[tilespmem:s9], [sflag:$0x1] =	stream.indirect_vreg.gather [hbm4b:s4+s2], $0x80, v4, vm0, $0xb8;
	[tilespmem:$0x14200] =	vst v63  }
0x55: {  	_ = 	snop  }
0x56: {  	[tilespmem:s10], [sflag:$0x1] =	stream.indirect_vreg.gather [hbm4b:s3+s2], $0x80, v3, vm0, $0xb8;
	[tilespmem:$0x14200] =	vst v63  }
0x57: {  	_ = 	snop  }
0x58: {  	[tilespmem:s11], [sflag:$0x1] =	stream.indirect_vreg.gather [hbm4b:s4+s2], $0x80, v3, vm0, $0xb8;
	[tilespmem:$0x14200] =	vst v63  }
0x59: {  	v3 =	vld [tilespmem:$0x30];
	_ =	sdelay $0x4  }
0x5a: {  	v47 =	vshll.u32 v3, $0x2  }
0x5b: {  	v3 =	vand.u32 $0x7, v3;
	v4 =	vand.u32 $0xFFFFFFE0, v47  }
0x5c: {  	v3 =	vor.u32 v3, v4  }
0x5d: {  	v4 =	vperm.xlane v3, v0;
	_ =	sdelay $0x1  }
0x5e: {  	v4 =	vadd.s32 v1, v4;
	_ =	sdelay $0x1  }
0x5f: {  	v3 =	vperm.xlane v3, v2;
	_ =	sdelay $0x1  }
0x60: {  	v3 =	vadd.s32 v1, v3  }
0x61: {  	[tilespmem:s12], [sflag:$0x1] =	stream.indirect_vreg.gather [hbm4b:s3+s2], $0x80, v4, vm0, $0xb8;
	[tilespmem:$0x14200] =	vst v63  }
0x62: {  	_ = 	snop  }
0x63: {  	[tilespmem:s13], [sflag:$0x1] =	stream.indirect_vreg.gather [hbm4b:s4+s2], $0x80, v4, vm0, $0xb8;
	[tilespmem:$0x14200] =	vst v63  }
0x64: {  	_ = 	snop  }
0x65: {  	[tilespmem:s14], [sflag:$0x1] =	stream.indirect_vreg.gather [hbm4b:s3+s2], $0x80, v3, vm0, $0xb8;
	[tilespmem:$0x14200] =	vst v63  }
0x66: {  	_ = 	snop  }
0x67: {  	[tilespmem:s15], [sflag:$0x1] =	stream.indirect_vreg.gather [hbm4b:s4+s2], $0x80, v3, vm0, $0xb8;
	[tilespmem:$0x14200] =	vst v63  }
0x68: {  	v3 =	vld [tilespmem:$0x40];
	_ =	sdelay $0x4  }
0x69: {  	v48 =	vshll.u32 v3, $0x2  }
0x6a: {  	v3 =	vand.u32 $0x7, v3;
	v4 =	vand.u32 $0xFFFFFFE0, v48  }
0x6b: {  	v3 =	vor.u32 v3, v4  }
0x6c: {  	v4 =	vperm.xlane v3, v0;
	_ =	sdelay $0x1  }
0x6d: {  	v4 =	vadd.s32 v1, v4;
	_ =	sdelay $0x1  }
0x6e: {  	v3 =	vperm.xlane v3, v2;
	_ =	sdelay $0x1  }
0x6f: {  	v3 =	vadd.s32 v1, v3  }
0x70: {  	[tilespmem:s16], [sflag:$0x1] =	stream.indirect_vreg.gather [hbm4b:s3+s2], $0x80, v4, vm0, $0xb8;
	[tilespmem:$0x14200] =	vst v63  }
0x71: {  	_ = 	snop  }
0x72: {  	[tilespmem:s17], [sflag:$0x1] =	stream.indirect_vreg.gather [hbm4b:s4+s2], $0x80, v4, vm0, $0xb8;
	[tilespmem:$0x14200] =	vst v63  }
0x73: {  	_ = 	snop  }
0x74: {  	[tilespmem:s18], [sflag:$0x1] =	stream.indirect_vreg.gather [hbm4b:s3+s2], $0x80, v3, vm0, $0xb8;
	[tilespmem:$0x14200] =	vst v63  }
0x75: {  	_ = 	snop  }
0x76: {  	[tilespmem:s19], [sflag:$0x1] =	stream.indirect_vreg.gather [hbm4b:s4+s2], $0x80, v3, vm0, $0xb8;
	[tilespmem:$0x14200] =	vst v63  }
0x77: {  	v3 =	vld [tilespmem:$0x80];
	_ =	sdelay $0x4  }
0x78: {  	v49 =	vshll.u32 v3, $0x2  }
0x79: {  	v3 =	vand.u32 $0x7, v3;
	v4 =	vand.u32 $0xFFFFFFE0, v49  }
0x7a: {  	v3 =	vor.u32 v3, v4  }
0x7b: {  	v4 =	vperm.xlane v3, v0;
	_ =	sdelay $0x1  }
0x7c: {  	v4 =	vadd.s32 v1, v4;
	_ =	sdelay $0x1  }
0x7d: {  	v3 =	vperm.xlane v3, v2;
	_ =	sdelay $0x1  }
0x7e: {  	v3 =	vadd.s32 v1, v3  }
0x7f: {  	[tilespmem:s22], [sflag:$0x2] =	stream.indirect_vreg.gather [hbm4b:s3+s2], $0x80, v4, vm0, $0xb8;
	[tilespmem:$0x14200] =	vst v63  }
0x80: {  	s5 =	simm.s32 $0xAA00  }
0x81: {  	[tilespmem:s5], [sflag:$0x2] =	stream.indirect_vreg.gather [hbm4b:s4+s2], $0x80, v4, vm0, $0xb8;
	[tilespmem:$0x14200] =	vst v63  }
0x82: {  	_ = 	snop  }
0x83: {  	[tilespmem:s21], [sflag:$0x2] =	stream.indirect_vreg.gather [hbm4b:s3+s2], $0x80, v3, vm0, $0xb8;
	[tilespmem:$0x14200] =	vst v63  }
0x84: {  	s24 =	simm.s32 $0xBA00  }
0x85: {  	[tilespmem:s24], [sflag:$0x2] =	stream.indirect_vreg.gather [hbm4b:s4+s2], $0x80, v3, vm0, $0xb8;
	[tilespmem:$0x14200] =	vst v63  }
0x86: {  	v3 =	vld [tilespmem:$0x90];
	_ =	sdelay $0x4  }
0x87: {  	v50 =	vshll.u32 v3, $0x2  }
0x88: {  	v3 =	vand.u32 $0x7, v3;
	v4 =	vand.u32 $0xFFFFFFE0, v50  }
0x89: {  	v3 =	vor.u32 v3, v4  }
0x8a: {  	v4 =	vperm.xlane v3, v0;
	_ =	sdelay $0x1  }
0x8b: {  	v4 =	vadd.s32 v1, v4;
	_ =	sdelay $0x1  }
0x8c: {  	v3 =	vperm.xlane v3, v2;
	_ =	sdelay $0x1  }
0x8d: {  	v3 =	vadd.s32 v1, v3  }
0x8e: {  	[tilespmem:s28], [sflag:$0x2] =	stream.indirect_vreg.gather [hbm4b:s3+s2], $0x80, v4, vm0, $0xb8;
	[tilespmem:$0x14200] =	vst v63  }
0x8f: {  	_ = 	snop  }
0x90: {  	[tilespmem:s23], [sflag:$0x2] =	stream.indirect_vreg.gather [hbm4b:s4+s2], $0x80, v4, vm0, $0xb8;
	[tilespmem:$0x14200] =	vst v63  }
0x91: {  	s5 =	simm.s32 $0xD200  }
0x92: {  	[tilespmem:s5], [sflag:$0x2] =	stream.indirect_vreg.gather [hbm4b:s3+s2], $0x80, v3, vm0, $0xb8;
	[tilespmem:$0x14200] =	vst v63  }
0x93: {  	s24 =	simm.s32 $0xDA00  }
0x94: {  	[tilespmem:s24], [sflag:$0x2] =	stream.indirect_vreg.gather [hbm4b:s4+s2], $0x80, v3, vm0, $0xb8;
	[tilespmem:$0x14200] =	vst v63  }
0x95: {  	v3 =	vld [tilespmem:$0xA0];
	_ =	sdelay $0x4  }
0x96: {  	v51 =	vshll.u32 v3, $0x2  }
0x97: {  	v3 =	vand.u32 $0x7, v3;
	v4 =	vand.u32 $0xFFFFFFE0, v51  }
0x98: {  	v3 =	vor.u32 v3, v4  }
0x99: {  	v4 =	vperm.xlane v3, v0;
	_ =	sdelay $0x1  }
0x9a: {  	v4 =	vadd.s32 v1, v4;
	_ =	sdelay $0x1  }
0x9b: {  	v3 =	vperm.xlane v3, v2;
	_ =	sdelay $0x1  }
0x9c: {  	s5 =	simm.s32 $0xE200;
	v3 =	vadd.s32 v1, v3  }
0x9d: {  	[tilespmem:s5], [sflag:$0x2] =	stream.indirect_vreg.gather [hbm4b:s3+s2], $0x80, v4, vm0, $0xb8;
	[tilespmem:$0x14200] =	vst v63  }
0x9e: {  	s24 =	simm.s32 $0xEA00  }
0x9f: {  	[tilespmem:s24], [sflag:$0x2] =	stream.indirect_vreg.gather [hbm4b:s4+s2], $0x80, v4, vm0, $0xb8;
	[tilespmem:$0x14200] =	vst v63  }
0xa0: {  	s5 =	simm.s32 $0xF200  }
0xa1: {  	[tilespmem:s5], [sflag:$0x2] =	stream.indirect_vreg.gather [hbm4b:s3+s2], $0x80, v3, vm0, $0xb8;
	[tilespmem:$0x14200] =	vst v63  }
0xa2: {  	s24 =	simm.s32 $0xFA00  }
0xa3: {  	[tilespmem:s24], [sflag:$0x2] =	stream.indirect_vreg.gather [hbm4b:s4+s2], $0x80, v3, vm0, $0xb8;
	[tilespmem:$0x14200] =	vst v63  }
0xa4: {  	v3 =	vld [tilespmem:$0xB0];
	_ =	sdelay $0x4  }
0xa5: {  	v52 =	vshll.u32 v3, $0x2  }
0xa6: {  	v3 =	vand.u32 $0x7, v3;
	v4 =	vand.u32 $0xFFFFFFE0, v52  }
0xa7: {  	v3 =	vor.u32 v3, v4  }
0xa8: {  	v4 =	vperm.xlane v3, v0;
	_ =	sdelay $0x1  }
0xa9: {  	v4 =	vadd.s32 v1, v4;
	_ =	sdelay $0x1  }
0xaa: {  	v3 =	vperm.xlane v3, v2;
	_ =	sdelay $0x1  }
0xab: {  	s5 =	simm.s32 $0x10200;
	v3 =	vadd.s32 v1, v3  }
0xac: {  	[tilespmem:s5], [sflag:$0x2] =	stream.indirect_vreg.gather [hbm4b:s3+s2], $0x80, v4, vm0, $0xb8;
	[tilespmem:$0x14200] =	vst v63  }
0xad: {  	s24 =	simm.s32 $0x10A00  }
0xae: {  	[tilespmem:s24], [sflag:$0x2] =	stream.indirect_vreg.gather [hbm4b:s4+s2], $0x80, v4, vm0, $0xb8;
	[tilespmem:$0x14200] =	vst v63  }
0xaf: {  	s5 =	simm.s32 $0x11200  }
0xb0: {  	[tilespmem:s5], [sflag:$0x2] =	stream.indirect_vreg.gather [hbm4b:s3+s2], $0x80, v3, vm0, $0xb8;
	[tilespmem:$0x14200] =	vst v63  }
0xb1: {  	s24 =	simm.s32 $0x11A00  }
0xb2: {  	[tilespmem:s24], [sflag:$0x2] =	stream.indirect_vreg.gather [hbm4b:s4+s2], $0x80, v3, vm0, $0xb8;
	[tilespmem:$0x14200] =	vst v63  }
0xb3: {  	v3 =	vld [tilespmem:$0xC0];
	_ =	sdelay $0x4  }
0xb4: {  	v53 =	vshll.u32 v3, $0x2  }
0xb5: {  	v3 =	vand.u32 $0x7, v3;
	v4 =	vand.u32 $0xFFFFFFE0, v53  }
0xb6: {  	v3 =	vor.u32 v3, v4  }
0xb7: {  	v4 =	vperm.xlane v3, v0;
	_ =	sdelay $0x1  }
0xb8: {  	v4 =	vadd.s32 v1, v4;
	_ =	sdelay $0x1  }
0xb9: {  	v3 =	vperm.xlane v3, v2;
	_ =	sdelay $0x1  }
0xba: {  	s5 =	simm.s32 $0x12200;
	v3 =	vadd.s32 v1, v3  }
0xbb: {  	[tilespmem:s5], [sflag:$0x2] =	stream.indirect_vreg.gather [hbm4b:s3+s2], $0x80, v4, vm0, $0xb8;
	[tilespmem:$0x14200] =	vst v63  }
0xbc: {  	s24 =	simm.s32 $0x12A00  }
0xbd: {  	[tilespmem:s24], [sflag:$0x2] =	stream.indirect_vreg.gather [hbm4b:s4+s2], $0x80, v4, vm0, $0xb8;
	[tilespmem:$0x14200] =	vst v63  }
0xbe: {  	s5 =	simm.s32 $0x13200  }
0xbf: {  	[tilespmem:s5], [sflag:$0x2] =	stream.indirect_vreg.gather [hbm4b:s3+s2], $0x80, v3, vm0, $0xb8;
	[tilespmem:$0x14200] =	vst v63  }
0xc0: {  	s0 =	simm.s32 $0x1;
	s24 =	simm.s32 $0x13A00  }
0xc1: {  	[tilespmem:s24], [sflag:$0x2] =	stream.indirect_vreg.gather [hbm4b:s4+s2], $0x80, v3, vm0, $0xb8;
	[tilespmem:$0x14200] =	vst v63  }
0xc2: {  	_ =	swait.ge [sflag:s0], $0xA000  }
0xc3: {  	[sflag:s0] =	ssyncset.done $0x0  }
0xc4: {  	s5 =	simm.s32 $0x200;
	s24 =	rddreg [dreg:$0x8];
	[sflag:s0] =	ssyncadd.s32 $0xFFFF6000  }
0xc5: {  	[hbm4b:s24+s2] =	stream.linear.scatter [tilespmem:s5], [sflag:$0x3], $0xA000, $0x38;
	[tilespmem:$0x14200] =	vst v63  }
0xc6: {  	_ =	swait.ge [sflag:s6], $0xA000  }
0xc7: {  	[sflag:s6] =	ssyncset.done $0x0  }
0xc8: {  	[sflag:s6] =	ssyncadd.s32 $0xFFFF6000  }
0xc9: {  	v3 =	vld [tilespmem:$0x100];
	_ =	sdelay $0x4  }
0xca: {  	v54 =	vshll.u32 v3, $0x2  }
0xcb: {  	v3 =	vand.u32 $0x7, v3;
	v4 =	vand.u32 $0xFFFFFFE0, v54  }
0xcc: {  	v3 =	vor.u32 v3, v4  }
0xcd: {  	v4 =	vperm.xlane v3, v0;
	_ =	sdelay $0x1  }
0xce: {  	v4 =	vadd.s32 v1, v4;
	_ =	sdelay $0x1  }
0xcf: {  	v3 =	vperm.xlane v3, v2;
	_ =	sdelay $0x1  }
0xd0: {  	v3 =	vadd.s32 v1, v3  }
0xd1: {  	[tilespmem:s5], [sflag:$0x1] =	stream.indirect_vreg.gather [hbm4b:s3+s2], $0x80, v4, vm0, $0xb8;
	[tilespmem:$0x14200] =	vst v63  }
0xd2: {  	_ = 	snop  }
0xd3: {  	[tilespmem:s25], [sflag:$0x1] =	stream.indirect_vreg.gather [hbm4b:s4+s2], $0x80, v4, vm0, $0xb8;
	[tilespmem:$0x14200] =	vst v63  }
0xd4: {  	_ = 	snop  }
0xd5: {  	[tilespmem:s26], [sflag:$0x1] =	stream.indirect_vreg.gather [hbm4b:s3+s2], $0x80, v3, vm0, $0xb8;
	[tilespmem:$0x14200] =	vst v63  }
0xd6: {  	_ = 	snop  }
0xd7: {  	[tilespmem:s29], [sflag:$0x1] =	stream.indirect_vreg.gather [hbm4b:s4+s2], $0x80, v3, vm0, $0xb8;
	[tilespmem:$0x14200] =	vst v63  }
0xd8: {  	v3 =	vld [tilespmem:$0x110];
	_ =	sdelay $0x4  }
0xd9: {  	v55 =	vshll.u32 v3, $0x2  }
0xda: {  	v3 =	vand.u32 $0x7, v3;
	v4 =	vand.u32 $0xFFFFFFE0, v55  }
0xdb: {  	v3 =	vor.u32 v3, v4  }
0xdc: {  	v4 =	vperm.xlane v3, v0;
	_ =	sdelay $0x1  }
0xdd: {  	v4 =	vadd.s32 v1, v4;
	_ =	sdelay $0x1  }
0xde: {  	v3 =	vperm.xlane v3, v2;
	_ =	sdelay $0x1  }
0xdf: {  	v3 =	vadd.s32 v1, v3  }
0xe0: {  	[tilespmem:s30], [sflag:$0x1] =	stream.indirect_vreg.gather [hbm4b:s3+s2], $0x80, v4, vm0, $0xb8;
	[tilespmem:$0x14200] =	vst v63  }
0xe1: {  	_ = 	snop  }
0xe2: {  	[tilespmem:s31], [sflag:$0x1] =	stream.indirect_vreg.gather [hbm4b:s4+s2], $0x80, v4, vm0, $0xb8;
	[tilespmem:$0x14200] =	vst v63  }
0xe3: {  	_ = 	snop  }
0xe4: {  	[tilespmem:s7], [sflag:$0x1] =	stream.indirect_vreg.gather [hbm4b:s3+s2], $0x80, v3, vm0, $0xb8;
	[tilespmem:$0x14200] =	vst v63  }
0xe5: {  	_ = 	snop  }
0xe6: {  	[tilespmem:s1], [sflag:$0x1] =	stream.indirect_vreg.gather [hbm4b:s4+s2], $0x80, v3, vm0, $0xb8;
	[tilespmem:$0x14200] =	vst v63  }
0xe7: {  	v3 =	vld [tilespmem:$0x120];
	_ =	sdelay $0x4  }
0xe8: {  	v56 =	vshll.u32 v3, $0x2  }
0xe9: {  	v3 =	vand.u32 $0x7, v3;
	v4 =	vand.u32 $0xFFFFFFE0, v56  }
0xea: {  	v3 =	vor.u32 v3, v4  }
0xeb: {  	v4 =	vperm.xlane v3, v0;
	_ =	sdelay $0x1  }
0xec: {  	v4 =	vadd.s32 v1, v4;
	_ =	sdelay $0x1  }
0xed: {  	v3 =	vperm.xlane v3, v2;
	_ =	sdelay $0x1  }
0xee: {  	v3 =	vadd.s32 v1, v3  }
0xef: {  	[tilespmem:s8], [sflag:$0x1] =	stream.indirect_vreg.gather [hbm4b:s3+s2], $0x80, v4, vm0, $0xb8;
	[tilespmem:$0x14200] =	vst v63  }
0xf0: {  	_ = 	snop  }
0xf1: {  	[tilespmem:s9], [sflag:$0x1] =	stream.indirect_vreg.gather [hbm4b:s4+s2], $0x80, v4, vm0, $0xb8;
	[tilespmem:$0x14200] =	vst v63  }
0xf2: {  	_ = 	snop  }
0xf3: {  	[tilespmem:s10], [sflag:$0x1] =	stream.indirect_vreg.gather [hbm4b:s3+s2], $0x80, v3, vm0, $0xb8;
	[tilespmem:$0x14200] =	vst v63  }
0xf4: {  	_ = 	snop  }
0xf5: {  	[tilespmem:s11], [sflag:$0x1] =	stream.indirect_vreg.gather [hbm4b:s4+s2], $0x80, v3, vm0, $0xb8;
	[tilespmem:$0x14200] =	vst v63  }
0xf6: {  	v3 =	vld [tilespmem:$0x130];
	_ =	sdelay $0x4  }
0xf7: {  	v57 =	vshll.u32 v3, $0x2  }
0xf8: {  	v3 =	vand.u32 $0x7, v3;
	v4 =	vand.u32 $0xFFFFFFE0, v57  }
0xf9: {  	v3 =	vor.u32 v3, v4  }
0xfa: {  	v4 =	vperm.xlane v3, v0;
	_ =	sdelay $0x1  }
0xfb: {  	v4 =	vadd.s32 v1, v4;
	_ =	sdelay $0x1  }
0xfc: {  	v3 =	vperm.xlane v3, v2;
	_ =	sdelay $0x1  }
0xfd: {  	v3 =	vadd.s32 v1, v3  }
0xfe: {  	[tilespmem:s12], [sflag:$0x1] =	stream.indirect_vreg.gather [hbm4b:s3+s2], $0x80, v4, vm0, $0xb8;
	[tilespmem:$0x14200] =	vst v63  }
0xff: {  	_ = 	snop  }
0x100: {  	[tilespmem:s13], [sflag:$0x1] =	stream.indirect_vreg.gather [hbm4b:s4+s2], $0x80, v4, vm0, $0xb8;
	[tilespmem:$0x14200] =	vst v63  }
0x101: {  	_ = 	snop  }
0x102: {  	[tilespmem:s14], [sflag:$0x1] =	stream.indirect_vreg.gather [hbm4b:s3+s2], $0x80, v3, vm0, $0xb8;
	[tilespmem:$0x14200] =	vst v63  }
0x103: {  	_ = 	snop  }
0x104: {  	[tilespmem:s15], [sflag:$0x1] =	stream.indirect_vreg.gather [hbm4b:s4+s2], $0x80, v3, vm0, $0xb8;
	[tilespmem:$0x14200] =	vst v63  }
0x105: {  	v3 =	vld [tilespmem:$0x140];
	_ =	sdelay $0x4  }
0x106: {  	v58 =	vshll.u32 v3, $0x2  }
0x107: {  	v3 =	vand.u32 $0x7, v3;
	v4 =	vand.u32 $0xFFFFFFE0, v58  }
0x108: {  	v3 =	vor.u32 v3, v4  }
0x109: {  	v4 =	vperm.xlane v3, v0;
	_ =	sdelay $0x1  }
0x10a: {  	v4 =	vadd.s32 v1, v4;
	_ =	sdelay $0x1  }
0x10b: {  	v3 =	vperm.xlane v3, v2;
	_ =	sdelay $0x1  }
0x10c: {  	v3 =	vadd.s32 v1, v3  }
0x10d: {  	[tilespmem:s16], [sflag:$0x1] =	stream.indirect_vreg.gather [hbm4b:s3+s2], $0x80, v4, vm0, $0xb8;
	[tilespmem:$0x14200] =	vst v63  }
0x10e: {  	_ = 	snop  }
0x10f: {  	[tilespmem:s17], [sflag:$0x1] =	stream.indirect_vreg.gather [hbm4b:s4+s2], $0x80, v4, vm0, $0xb8;
	[tilespmem:$0x14200] =	vst v63  }
0x110: {  	_ = 	snop  }
0x111: {  	[tilespmem:s18], [sflag:$0x1] =	stream.indirect_vreg.gather [hbm4b:s3+s2], $0x80, v3, vm0, $0xb8;
	[tilespmem:$0x14200] =	vst v63  }
0x112: {  	s1 =	simm.s32 $0x2  }
0x113: {  	[tilespmem:s19], [sflag:$0x1] =	stream.indirect_vreg.gather [hbm4b:s4+s2], $0x80, v3, vm0, $0xb8;
	[tilespmem:$0x14200] =	vst v63  }
0x114: {  	_ =	swait.ge [sflag:s1], $0xA000  }
0x115: {  	[sflag:s1] =	ssyncset.done $0x0  }
0x116: {  	s5 =	rddreg [dreg:$0x9];
	[sflag:s1] =	ssyncadd.s32 $0xFFFF6000  }
0x117: {  	[hbm4b:s5+s2] =	stream.linear.scatter [tilespmem:s22], [sflag:$0x3], $0xA000, $0x38;
	[tilespmem:$0x14200] =	vst v63  }
0x118: {  	_ =	swait.ge [sflag:s6], $0xA000  }
0x119: {  	[sflag:s6] =	ssyncset.done $0x0  }
0x11a: {  	[sflag:s6] =	ssyncadd.s32 $0xFFFF6000  }
0x11b: {  	v3 =	vld [tilespmem:$0x180];
	_ =	sdelay $0x4  }
0x11c: {  	v59 =	vshll.u32 v3, $0x2  }
0x11d: {  	v3 =	vand.u32 $0x7, v3;
	v4 =	vand.u32 $0xFFFFFFE0, v59  }
0x11e: {  	v3 =	vor.u32 v3, v4  }
0x11f: {  	v4 =	vperm.xlane v3, v0;
	_ =	sdelay $0x1  }
0x120: {  	v4 =	vadd.s32 v1, v4;
	_ =	sdelay $0x1  }
0x121: {  	v3 =	vperm.xlane v3, v2;
	_ =	sdelay $0x1  }
0x122: {  	v3 =	vadd.s32 v1, v3  }
0x123: {  	[tilespmem:s22], [sflag:$0x2] =	stream.indirect_vreg.gather [hbm4b:s3+s2], $0x80, v4, vm0, $0xb8;
	[tilespmem:$0x14200] =	vst v63  }
0x124: {  	s25 =	simm.s32 $0xAA00  }
0x125: {  	[tilespmem:s25], [sflag:$0x2] =	stream.indirect_vreg.gather [hbm4b:s4+s2], $0x80, v4, vm0, $0xb8;
	[tilespmem:$0x14200] =	vst v63  }
0x126: {  	_ = 	snop  }
0x127: {  	[tilespmem:s21], [sflag:$0x2] =	stream.indirect_vreg.gather [hbm4b:s3+s2], $0x80, v3, vm0, $0xb8;
	[tilespmem:$0x14200] =	vst v63  }
0x128: {  	s24 =	simm.s32 $0xBA00  }
0x129: {  	[tilespmem:s24], [sflag:$0x2] =	stream.indirect_vreg.gather [hbm4b:s4+s2], $0x80, v3, vm0, $0xb8;
	[tilespmem:$0x14200] =	vst v63  }
0x12a: {  	v3 =	vld [tilespmem:$0x190];
	_ =	sdelay $0x4  }
0x12b: {  	v60 =	vshll.u32 v3, $0x2  }
0x12c: {  	v3 =	vand.u32 $0x7, v3;
	v4 =	vand.u32 $0xFFFFFFE0, v60  }
0x12d: {  	v3 =	vor.u32 v3, v4  }
0x12e: {  	v4 =	vperm.xlane v3, v0;
	_ =	sdelay $0x1  }
0x12f: {  	v4 =	vadd.s32 v1, v4;
	_ =	sdelay $0x1  }
0x130: {  	v3 =	vperm.xlane v3, v2;
	_ =	sdelay $0x1  }
0x131: {  	v3 =	vadd.s32 v1, v3  }
0x132: {  	[tilespmem:s28], [sflag:$0x2] =	stream.indirect_vreg.gather [hbm4b:s3+s2], $0x80, v4, vm0, $0xb8;
	[tilespmem:$0x14200] =	vst v63  }
0x133: {  	_ = 	snop  }
0x134: {  	[tilespmem:s23], [sflag:$0x2] =	stream.indirect_vreg.gather [hbm4b:s4+s2], $0x80, v4, vm0, $0xb8;
	[tilespmem:$0x14200] =	vst v63  }
0x135: {  	s25 =	simm.s32 $0xD200  }
0x136: {  	[tilespmem:s25], [sflag:$0x2] =	stream.indirect_vreg.gather [hbm4b:s3+s2], $0x80, v3, vm0, $0xb8;
	[tilespmem:$0x14200] =	vst v63  }
0x137: {  	s24 =	simm.s32 $0xDA00  }
0x138: {  	[tilespmem:s24], [sflag:$0x2] =	stream.indirect_vreg.gather [hbm4b:s4+s2], $0x80, v3, vm0, $0xb8;
	[tilespmem:$0x14200] =	vst v63  }
0x139: {  	v3 =	vld [tilespmem:$0x1A0];
	_ =	sdelay $0x4  }
0x13a: {  	v61 =	vshll.u32 v3, $0x2  }
0x13b: {  	v3 =	vand.u32 $0x7, v3;
	v4 =	vand.u32 $0xFFFFFFE0, v61  }
0x13c: {  	v3 =	vor.u32 v3, v4  }
0x13d: {  	v4 =	vperm.xlane v3, v0;
	_ =	sdelay $0x1  }
0x13e: {  	v4 =	vadd.s32 v1, v4;
	_ =	sdelay $0x1  }
0x13f: {  	v3 =	vperm.xlane v3, v2;
	_ =	sdelay $0x1  }
0x140: {  	s25 =	simm.s32 $0xE200;
	v3 =	vadd.s32 v1, v3  }
0x141: {  	[tilespmem:s25], [sflag:$0x2] =	stream.indirect_vreg.gather [hbm4b:s3+s2], $0x80, v4, vm0, $0xb8;
	[tilespmem:$0x14200] =	vst v63  }
0x142: {  	s24 =	simm.s32 $0xEA00  }
0x143: {  	[tilespmem:s24], [sflag:$0x2] =	stream.indirect_vreg.gather [hbm4b:s4+s2], $0x80, v4, vm0, $0xb8;
	[tilespmem:$0x14200] =	vst v63  }
0x144: {  	s25 =	simm.s32 $0xF200  }
0x145: {  	[tilespmem:s25], [sflag:$0x2] =	stream.indirect_vreg.gather [hbm4b:s3+s2], $0x80, v3, vm0, $0xb8;
	[tilespmem:$0x14200] =	vst v63  }
0x146: {  	s24 =	simm.s32 $0xFA00  }
0x147: {  	[tilespmem:s24], [sflag:$0x2] =	stream.indirect_vreg.gather [hbm4b:s4+s2], $0x80, v3, vm0, $0xb8;
	[tilespmem:$0x14200] =	vst v63  }
0x148: {  	v3 =	vld [tilespmem:$0x1B0];
	_ =	sdelay $0x4  }
0x149: {  	v62 =	vshll.u32 v3, $0x2  }
0x14a: {  	v3 =	vand.u32 $0x7, v3;
	v4 =	vand.u32 $0xFFFFFFE0, v62  }
0x14b: {  	v3 =	vor.u32 v3, v4  }
0x14c: {  	v4 =	vperm.xlane v3, v0;
	_ =	sdelay $0x1  }
0x14d: {  	v4 =	vadd.s32 v1, v4;
	_ =	sdelay $0x1  }
0x14e: {  	v3 =	vperm.xlane v3, v2;
	_ =	sdelay $0x1  }
0x14f: {  	s25 =	simm.s32 $0x10200;
	v3 =	vadd.s32 v1, v3  }
0x150: {  	[tilespmem:s25], [sflag:$0x2] =	stream.indirect_vreg.gather [hbm4b:s3+s2], $0x80, v4, vm0, $0xb8;
	[tilespmem:$0x14200] =	vst v63  }
0x151: {  	s24 =	simm.s32 $0x10A00  }
0x152: {  	[tilespmem:s24], [sflag:$0x2] =	stream.indirect_vreg.gather [hbm4b:s4+s2], $0x80, v4, vm0, $0xb8;
	[tilespmem:$0x14200] =	vst v63  }
0x153: {  	s25 =	simm.s32 $0x11200  }
0x154: {  	[tilespmem:s25], [sflag:$0x2] =	stream.indirect_vreg.gather [hbm4b:s3+s2], $0x80, v3, vm0, $0xb8;
	[tilespmem:$0x14200] =	vst v63  }
0x155: {  	s24 =	simm.s32 $0x11A00  }
0x156: {  	[tilespmem:s24], [sflag:$0x2] =	stream.indirect_vreg.gather [hbm4b:s4+s2], $0x80, v3, vm0, $0xb8;
	[tilespmem:$0x14200] =	vst v63  }
0x157: {  	v3 =	vld [tilespmem:$0x1C0];
	_ =	sdelay $0x4  }
0x158: {  	v63 =	vshll.u32 v3, $0x2  }
0x159: {  	v3 =	vand.u32 $0x7, v3;
	v4 =	vand.u32 $0xFFFFFFE0, v63  }
0x15a: {  	v3 =	vor.u32 v3, v4  }
0x15b: {  	v4 =	vperm.xlane v3, v0;
	_ =	sdelay $0x1  }
0x15c: {  	v4 =	vadd.s32 v1, v4;
	_ =	sdelay $0x1  }
0x15d: {  	v3 =	vperm.xlane v3, v2;
	_ =	sdelay $0x1  }
0x15e: {  	s25 =	simm.s32 $0x12200;
	v3 =	vadd.s32 v1, v3  }
0x15f: {  	[tilespmem:s25], [sflag:$0x2] =	stream.indirect_vreg.gather [hbm4b:s3+s2], $0x80, v4, vm0, $0xb8;
	[tilespmem:$0x14200] =	vst v63  }
0x160: {  	s24 =	simm.s32 $0x12A00  }
0x161: {  	[tilespmem:s24], [sflag:$0x2] =	stream.indirect_vreg.gather [hbm4b:s4+s2], $0x80, v4, vm0, $0xb8;
	[tilespmem:$0x14200] =	vst v63  }
0x162: {  	s25 =	simm.s32 $0x13200  }
0x163: {  	[tilespmem:s25], [sflag:$0x2] =	stream.indirect_vreg.gather [hbm4b:s3+s2], $0x80, v3, vm0, $0xb8;
	[tilespmem:$0x14200] =	vst v63  }
0x164: {  	s24 =	simm.s32 $0x13A00  }
0x165: {  	[tilespmem:s24], [sflag:$0x2] =	stream.indirect_vreg.gather [hbm4b:s4+s2], $0x80, v3, vm0, $0xb8;
	[tilespmem:$0x14200] =	vst v63  }
0x166: {  	_ =	swait.ge [sflag:s0], $0xA000  }
0x167: {  	[sflag:s0] =	ssyncset.done $0x0  }
0x168: {  	s5 =	simm.s32 $0x200;
	s25 =	rddreg [dreg:$0xa];
	[sflag:s0] =	ssyncadd.s32 $0xFFFF6000  }
0x169: {  	[hbm4b:s25+s2] =	stream.linear.scatter [tilespmem:s5], [sflag:$0x3], $0xA000, $0x38;
	[tilespmem:$0x14200] =	vst v63  }
0x16a: {  	_ =	swait.ge [sflag:s6], $0xA000  }
0x16b: {  	[sflag:s6] =	ssyncset.done $0x0  }
0x16c: {  	[sflag:s6] =	ssyncadd.s32 $0xFFFF6000  }
0x16d: {  	_ =	swait.ge [sflag:s1], $0xA000  }
0x16e: {  	p0 =	sne.s32 s20, $0x1;
	[sflag:s1] =	ssyncset.done $0x0  }
.Ltmp0:
0x16f: {  	s25 =	rddreg [dreg:$0xb];
	[sflag:s1] =	ssyncadd.s32 $0xFFFF6000;
	(pc) =	sbr.rel @p0 .LBB2_1-.Ltmp0, $4  }
0x170: {  	[hbm4b:s25+s2] =	stream.linear.scatter [tilespmem:s22], [sflag:$0x3], $0xA000, $0x38;
	[tilespmem:$0x14200] =	vst v63  }
0x171: {  	_ =	swait.ge [sflag:s6], $0xA000  }
0x172: {  	[sflag:s6] =	ssyncset.done $0x0  }
0x173: {  	s20 =	sadd.s32 $0xFFFFFFFF, s20;
	[sflag:s6] =	ssyncadd.s32 $0xFFFF6000  }
0x174: {  	_ =	sfence.sel $0x180000  }
0x175: {  	[bflag:$0x0] =	sbarrier.arrive $0xFFFF  }
0x176: {  	_ =	strace $0x9000004A  }
0x177: {  	s0 =	stileid.u32;
	[bflag:$0x2] =	sbarrier.arrive $0xFFFF  }
0x178: {  	p0 =	sne.s32 s0, $0x0;
	s0 =	rddreg [dreg:$0x3]  }
0x179: {  	s0 =	sadd.s32 @!p0 $0x100000, s0  }
0x17a: {  	[sflag:s0] =	ssyncadd.tile.s32 @!p0 $0x1;
	_ =	shalt  }
.Lfunc_end2:
_tile_overlayer_lowered:
.L_overlay_start_2:
0x17b: {  	(tag) =	ssettag $0x2  }
0x17c: {  	s0 =	rddreg [dreg:$0x0];
	s2 =	stileid.u32  }
0x17d: {  	s1 =	rddreg [dreg:$0x1];
	p0 =	sne.s32 s2, $0x0  }
0x17e: {  	s3 =	rddreg [dreg:$0x2];
	[bflag:$0x3] =	sbarrier.arrive $0xFFFF;
	s2 =	simm.s32 @!p0 $0x1C03  }
0x17f: {  	[timem:s3], [sflag:s2] =	dma.local @!p0 [hbm:s0], s1  }
0x180: {  	s0 =	simm.s32 @!p0 $0x3  }
0x181: {  	_ =	swait.ge @!p0 [sflag:s0], s1  }
0x182: {  	s1 =	ssub.s32 @!p0 $0x0, s1;
	[sflag:s0] =	ssyncset.done @!p0 $0x0  }
0x183: {  	[sflag:s0] =	ssyncadd.s32 @!p0 s1  }
0x184: {  	[bflag:$0x3] =	sbarrier.arrive $0xFFFF  }
0x185: {  	_ =	shalt  }

// kernel: kernel.19.cloned.1.call-start
scs
__scs_entry_jumppad:
0x0: {  	(pc) =	sbr.rel $0x88, $3  }
0x1: {  	(tag) =	ssettag $0x0;
	lr =	simm.s32 $0x1  }
0x2: {  	[smem:$0x3F94] =	sst lr;
	_ =	strace $0xD0000000  }
0x3: {  	_ = 	snop  }
0x4: {  	_ = 	snop  }
0x5: {  	_ = 	snop  }
0x6: {  	_ = 	snop  }
0x7: {  	_ = 	snop  }
__scs_overlays_trampoline_lowered:
0x8: {  	[smem:$0x3FA3] =	sst s0  }
0x9: {  	[smem:$0x3FA4] =	sst s1  }
0xa: {  	[smem:$0x3FA5] =	sst s2  }
0xb: {  	[smem:$0x3FA6] =	sst s3  }
0xc: {  	[smem:$0x3FA7] =	sst s4  }
0xd: {  	[smem:$0x3FA8] =	sst s5  }
0xe: {  	[smem:$0x3FA9] =	sst s6  }
0xf: {  	[smem:$0x3FAA] =	sst s7  }
0x10: {  	[smem:$0x3FAB] =	sst s8  }
0x11: {  	[smem:$0x3FAC] =	sst s9;
	s0 =	simm.s32 @!p0 $0x0  }
0x12: {  	s1 =	sld [smem:$0x3F92];
	s0 =	simm.s32 @p0 $0x1  }
0x13: {  	[smem:$0x3FAD] =	sst s0;
	s0 =	simm.s32 @!p1 $0x0  }
0x14: {  	s2 =	sld [smem:$0x3F91];
	s0 =	simm.s32 @p1 $0x1  }
0x15: {  	[smem:$0x3FAE] =	sst s0;
	s0 =	simm.s32 @!p2 $0x0  }
0x16: {  	s3 =	sld [smem:$0x3FDB];
	s0 =	simm.s32 @p2 $0x1  }
0x17: {  	s4 =	simm.s32 $0x1BF5;
	[smem:$0x3FB0] =	sst s0  }
0x18: {  	s0 =	sld [smem:$0x3F93];
	_ =	swait.ge [sflag:s4], $0x0  }
0x19: {  	s7 =	sld [smem:$0x3F94]  }
0x1a: {  	s8 =	sadd.s32 $0xFFFFE003, lr  }
0x1b: {  	s9 =	sadd.s32 $0xFFFFFEF7, lr;
	s5 =	simm.s32 $0xFFFFFFFF;
	p2 =	slt.u32 s8, $0xFFFFF086  }
0x1c: {  	p1 =	slt.u32 s9, $0xF7A;
	s5 =	simm.s32 @!p2 $0x0  }
0x1d: {  	s5 =	simm.s32 @p1 $0x1;
	p0 =	seq.s32 s7, s2  }
0x1e: {  	s7 =	smul.u32 @!p0 $0xF7A, s2;
	p2 =	seq.s32 @!p0 s5, $0x0  }
0x1f: {  	s9 =	smul.u32 $0xF7A, s1;
	s8 =	simm.s32 @!p0 $0x1BF5;
	p2 =	por !p2, p0  }
0x20: {  	[sflag:s8] =	ssyncset.s32 @!p0 $0xFFFFF086;
	s6 =	sadd.s32 @!p0 s3, s7;
	s7 =	simm.s32 @!p0 $0x108  }
0x21: {  	s3 =	sadd.s32 s3, s9;
	s6 =	sadd.s32 @!p0 $0x88, s6;
	s7 =	simm.s32 @p2 $0x1082  }
0x22: {  	[simem:s7], [sflag:s8] =	dma.local @!p0 [hbm:s6], $0xF7A  }
0x23: {  	s9 =	sor.u32 $0xD0000000, s2;
	s6 =	simm.s32 $0x108;
	_ =	swait.ge @!p0 [sflag:s8], $0x0  }
0x24: {  	s3 =	sadd.s32 $0x88, s3;
	s6 =	simm.s32 @!p1 $0x1082;
	[sflag:s4] =	ssyncset.s32 $0xFFFFF086  }
0x25: {  	[simem:s6], [sflag:s4] =	dma.local [hbm:s3], $0xF7A  }
0x26: {  	[smem:$0x3F94] =	sst s1;
	(tag) =	ssettag s2;
	_ =	strace s9  }
0x27: {  	s1 =	sld [smem:$0x3FA4]  }
0x28: {  	s2 =	sld [smem:$0x3FA5]  }
0x29: {  	s4 =	sld [smem:$0x3FA7]  }
0x2a: {  	p0 =	seq.s32 s5, $0x0;
	s5 =	sld [smem:$0x3FA8]  }
0x2b: {  	s6 =	sld [smem:$0x3FA9]  }
0x2c: {  	s7 =	sld [smem:$0x3FAA]  }
0x2d: {  	s3 =	simm.s32 $0x108;
	s8 =	sld [smem:$0x3FAB]  }
0x2e: {  	s3 =	simm.s32 @!p0 $0x1082;
	s9 =	sld [smem:$0x3FAC]  }
0x2f: {  	lr =	sadd.s32 s0, s3;
	s0 =	sld [smem:$0x3FA3]  }
0x30: {  	s3 =	sld [smem:$0x3FA6]  }
0x31: {  	[smem:$0x3FAF] =	sst s10  }
0x32: {  	s10 =	sld [smem:$0x3FAD];
	_ =	sdelay $0x3  }
0x33: {  	p0 =	seq.s32 s10, $0x1;
	s10 =	sld [smem:$0x3FAF];
	_ =	sdelay $0x3  }
0x34: {  	[smem:$0x3FAF] =	sst s10  }
0x35: {  	s10 =	sld [smem:$0x3FAE];
	_ =	sdelay $0x3  }
0x36: {  	p1 =	seq.s32 s10, $0x1;
	s10 =	sld [smem:$0x3FAF];
	_ =	sdelay $0x3  }
0x37: {  	[smem:$0x3FAF] =	sst s10  }
0x38: {  	s10 =	sld [smem:$0x3FB0]  }
0x39: {  	_ = 	snop;
	(pc) =	sbr.ind lr, $3  }
0x3a: {  	_ = 	snop  }
0x3b: {  	_ = 	snop  }
0x3c: {  	p2 =	seq.s32 s10, $0x1;
	s10 =	sld [smem:$0x3FAF]  }
0x3d: {  	_ =	shalt  }
0x3e: {  	_ =	shalt  }
0x3f: {  	_ =	shalt  }
0x40: {  	_ =	shalt  }
0x41: {  	_ =	shalt  }
0x42: {  	_ =	shalt  }
0x43: {  	_ =	shalt  }
0x44: {  	_ =	shalt  }
0x45: {  	_ =	shalt  }
0x46: {  	_ =	shalt  }
0x47: {  	_ =	shalt  }
0x48: {  	_ =	shalt  }
0x49: {  	_ =	shalt  }
0x4a: {  	_ =	shalt  }
0x4b: {  	_ =	shalt  }
0x4c: {  	_ =	shalt  }
0x4d: {  	_ =	shalt  }
0x4e: {  	_ =	shalt  }
0x4f: {  	_ =	shalt  }
0x50: {  	_ =	shalt  }
0x51: {  	_ =	shalt  }
0x52: {  	_ =	shalt  }
0x53: {  	_ =	shalt  }
0x54: {  	_ =	shalt  }
0x55: {  	_ =	shalt  }
0x56: {  	_ =	shalt  }
0x57: {  	_ =	shalt  }
0x58: {  	_ =	shalt  }
0x59: {  	_ =	shalt  }
0x5a: {  	_ =	shalt  }
0x5b: {  	_ =	shalt  }
0x5c: {  	_ =	shalt  }
0x5d: {  	_ =	shalt  }
0x5e: {  	_ =	shalt  }
0x5f: {  	_ =	shalt  }
0x60: {  	_ =	shalt  }
0x61: {  	_ =	shalt  }
0x62: {  	_ =	shalt  }
0x63: {  	_ =	shalt  }
0x64: {  	_ =	shalt  }
0x65: {  	_ =	shalt  }
0x66: {  	_ =	shalt  }
0x67: {  	_ =	shalt  }
0x68: {  	_ =	shalt  }
0x69: {  	_ =	shalt  }
0x6a: {  	_ =	shalt  }
0x6b: {  	_ =	shalt  }
0x6c: {  	_ =	shalt  }
0x6d: {  	_ =	shalt  }
0x6e: {  	_ =	shalt  }
0x6f: {  	_ =	shalt  }
0x70: {  	_ =	shalt  }
0x71: {  	_ =	shalt  }
0x72: {  	_ =	shalt  }
0x73: {  	_ =	shalt  }
0x74: {  	_ =	shalt  }
0x75: {  	_ =	shalt  }
0x76: {  	_ =	shalt  }
0x77: {  	_ =	shalt  }
0x78: {  	_ =	shalt  }
0x79: {  	_ =	shalt  }
0x7a: {  	_ =	shalt  }
0x7b: {  	_ =	shalt  }
0x7c: {  	_ =	shalt  }
0x7d: {  	_ =	shalt  }
0x7e: {  	_ =	shalt  }
0x7f: {  	_ =	shalt  }
0x80: {  	_ =	shalt  }
0x81: {  	_ =	shalt  }
0x82: {  	_ =	shalt  }
0x83: {  	_ =	shalt  }
0x84: {  	_ =	shalt  }
0x85: {  	_ =	shalt  }
0x86: {  	_ =	shalt  }
0x87: {  	_ =	shalt  }
.Lfunc_end0:
.L_simem_size_0:
called_computation.2_lowered:
.L_overlay_start_0:
0x88: {  	s2 =	sld [smem:$0x3FD9]  }
0x89: {  	s3 =	sld [smem:$0x3FFE];
	_ =	sdelay $0x1  }
0x8a: {  	s1 =	srdreg.scid  }
0x8b: {  	s0 =	sand.u32 $0x1, s1  }
0x8c: {  	s14 =	sshll.u32 s0, $0xA;
	s2 =	sadd.s32 s3, s2  }
0x8d: {  	s2 =	sadd.s32 s2, s14  }
0x8e: {  	[smem:$0x3FBB] =	sst s2  }
0x8f: {  	_ = 	snop  }
0x90: {  	s2 =	sld [smem:$0x3FD0];
	_ =	sdelay $0x2  }
0x91: {  	s15 =	simm.s32 $0xA;
	s4 =	simm.s32 $0x10  }
0x92: {  	[smem:s4], [sflag:s15] =	dma.local [hbm:s2], $0x1  }
0x93: {  	_ =	swait.eq [sflag:s15], $0x1  }
0x94: {  	[sflag:s15] =	ssyncset.done $0x0  }
0x95: {  	s16 =	sld [smem:$0x10];
	[sflag:s15] =	ssyncadd.s32 $0xFFFFFFFF  }
0x96: {  	s17 =	sld [smem:$0x12];
	(tm) =	ssettm $0x1  }
0x97: {  	s18 =	sld [smem:$0x3FFB];
	_ =	sdelay $0x3  }
0x98: {  	_ =	strace s18  }
0x99: {  	s4 =	sld [smem:$0x3FFC];
	_ =	sdelay $0x3  }
0x9a: {  	_ =	strace s4  }
0x9b: {  	s4 =	sld [smem:$0x3FFD];
	_ =	sdelay $0x3  }
0x9c: {  	_ =	strace s4  }
0x9d: {  	_ =	strace $0x8FFFFFFF  }
0x9e: {  	s19 =	sld [smem:$0x3FDB];
	_ =	sdelay $0x1  }
0x9f: {  	s5 =	simm.s32 $_scs_section_size  }
0xa0: {  	s6 =	simm.s32 $_size__tile_overlayer_lowered;
	s7 =	simm.s32 $_tile_overlayer_lowered  }
0xa1: {  	s22 =	simm.s32 $0x1BFF;
	s21 =	sshll.u32 s7, $0x1;
	s4 =	sadd.s32 s5, s19  }
0xa2: {  	s8 =	simm.s32 $0x0;
	s20 =	sshll.u32 s6, $0x1;
	s6 =	sadd.s32 s21, s4  }
0xa3: {  	[timem:s8], [sflag:s22] =	dma.local [hbm:s6], s20  }
0xa4: {  	_ =	swait.ge [sflag:s22], s20  }
0xa5: {  	s5 =	ssub.s32 $0x0, s20;
	[sflag:s22] =	ssyncset.done $0x0  }
0xa6: {  	[sflag:s22] =	ssyncadd.s32 s5;
	_ =	sdelay $0x1  }
0xa7: {  	s23 =	simm.s32 $0x1B8B  }
0xa8: {  	_ =	swait.ge [sflag:s23], $0x1  }
0xa9: {  	[sflag:s23] =	ssyncset.done $0x0  }
0xaa: {  	s25 =	simm.s32 $0x1B8E;
	s24 =	sld [smem:$0x3FFE];
	[sflag:s23] =	ssyncadd.s32 $0xFFFFFFFF  }
0xab: {  	s26 =	simm.s32 $execute0_lowered;
	[smem:$0x3FD2] =	sst s25  }
0xac: {  	s6 =	sshll.u32 s26, $0x1;
	_ =	strace $0x8000004C;
	[dreg:$0x1] =	wrdreg $0xFFFFFFFF  }
0xad: {  	s28 =	simm.s32 $_size_execute0_lowered;
	s4 =	sadd.s32 s4, s6;
	[dreg:$0x0] =	wrdreg $0x0  }
0xae: {  	s6 =	sshll.u32 s28, $0x1;
	[dreg:$0x2] =	wrdreg s4  }
0xaf: {  	[dreg:$0x3] =	wrdreg s6  }
0xb0: {  	[dreg:$0x4] =	wrdreg $0xC0  }
0xb1: {  	_ =	task [dreg:s8], $0x5FFFF  }
0xb2: {  	[dreg:$0x1] =	wrdreg $0xFFFFFFFF  }
0xb3: {  	[dreg:$0x0] =	wrdreg $0x60  }
0xb4: {  	[dreg:$0x2] =	wrdreg s24  }
0xb5: {  	[dreg:$0x3] =	wrdreg s16  }
0xb6: {  	[dreg:$0x4] =	wrdreg s17  }
0xb7: {  	[dreg:$0x5] =	wrdreg $0x9  }
0xb8: {  	_ =	task.clear_ibuf [dreg:s8], $0x6FFFF;
	_ =	strace $0x9000004C  }
0xb9: {  	s29 =	simm.s32 $0x9;
	_ =	strace $0x8000004E  }
0xba: {  	_ =	swait.ge [sflag:s29], $0x1  }
0xbb: {  	[sflag:s29] =	ssyncadd.s32 $0xFFFFFFFF  }
0xbc: {  	_ =	strace $0x9000004E  }
0xbd: {  	_ =	sfence  }
0xbe: {  	s30 =	sld [smem:$0x0];
	_ =	sdelay $0x2  }
0xbf: {  	s31 =	sshll.u32 s1, $0xD;
	s1 =	sshrl.u32 s1, $0x2  }
0xc0: {  	s3 =	sand.u32 $0x4000, s31;
	s1 =	sadd.s32 s1, s30  }
0xc1: {  	s0 =	sor.u32 s3, s0;
	s1 =	sshll.u32 s1, $0x11  }
0xc2: {  	s0 =	sor.u32 s1, s0  }
0xc3: {  	s0 =	sadd.s32 $0x8F2B, s0  }
0xc4: {  	[sflag:s0] =	ssyncadd.remote.s32 $0x1  }
0xc5: {  	_ =	sfence.sel $0xFFFF  }
0xc6: {  	[dreg:$0x0] =	wrdreg $0xFFFFFFFF;
	(pc) =	sbr.abs _section_cstart, $3  }
0xc7: {  	[dreg:$0x1] =	wrdreg $0xFFFFFFFF  }
0xc8: {  	_ =	task.clear_ibuf [dreg:s8], $0x2FFFF;
	_ =	strace $0x9FFFFFFF  }
0xc9: {  	(tm) =	ssettm $0x7FFFFFFF  }
tec
execute0_lowered:
.L_overlay_start_1:
0x0: {  	(tag) =	ssettag $0x1  }
0x1: {  	s0 =	rddreg [dreg:$0x0]  }
0x2: {  	s1 =	rddreg [dreg:$0x1]  }
0x3: {  	s3 =	rddreg [dreg:$0x2]  }
0x4: {  	s4 =	srdreg.scid;
	s8 =	stileid.u32;
	s2 =	simm.s32 $0x0  }
0x5: {  	s24 =	simm.s32 $0x80;
	s25 =	simm.s32 $0x100;
	s26 =	simm.s32 $0x180  }
0x6: {  	s29 =	simm.s32 $0x1A00;
	s30 =	simm.s32 $0x2200;
	s31 =	simm.s32 $0x2A00  }
0x7: {  	s12 =	simm.s32 $0x6200;
	s13 =	simm.s32 $0x6A00;
	s14 =	simm.s32 $0x7200  }
0x8: {  	s15 =	simm.s32 $0x7A00;
	s16 =	simm.s32 $0x8200;
	s28 =	simm.s32 $0xC200  }
0x9: {  	s4 =	sand.u32 $0x1, s4;
	s5 =	sshll.u32 s8, $0x1;
	[smem:$0x7FF] =	sst s2  }
0xa: {  	s6 =	sadd.s32 $0x14C00, s0;
	s8 =	sshll.u32 s8, $0x6;
	s17 =	sadd.s32 $0x64C00, s0  }
0xb: {  	s5 =	sor.u32 s4, s5;
	_ =	strace $0x8000004D;
	[dreg:$0xc] =	wrdreg s24  }
0xc: {  	s8 =	sand.u32 $0x380, s8;
	s4 =	ssub.s32 $0x2, s4;
	[dreg:$0xd] =	wrdreg s25  }
0xd: {  	[dreg:$0xe] =	wrdreg s26;
	s26 =	simm.s32 $0x1200;
	s7 =	sshllo.u32 s5, $0x1  }
0xe: {  	s9 =	sshll.u32 s5, $0x5;
	s5 =	smul.u32 $0x2800, s5;
	s23 =	sshrl.u32 s4, $0x1  }
0xf: {  	s10 =	sshll.u32 s7, $0x4;
	s11 =	sadd.s32 s1, s9;
	s9 =	sadd.s32 s3, s9  }
0x10: {  	s7 =	smul.u32 $0x1400, s7;
	s10 =	sand.u32 $0x70, s10;
	[dreg:$0x4] =	wrdreg s11  }
0x11: {  	[dreg:$0x5] =	wrdreg s9;
	s19 =	sadd.s32 s6, s5;
	s20 =	sadd.s32 s17, s5  }
0x12: {  	s5 =	ssub.s32 s4, s23;
	s4 =	sadd.s32 $0x4D00, s0;
	s9 =	simm.s32 $0x4A00  }
0x13: {  	s11 =	simm.s32 $0x5A00;
	s23 =	simm.s32 $0xCA00;
	[dreg:$0x8] =	wrdreg s19  }
0x14: {  	s8 =	sor.u32 s8, s10;
	[dreg:$0x9] =	wrdreg s20;
	s21 =	sadd.s32 s6, s7  }
0x15: {  	s22 =	sadd.s32 s17, s7;
	s20 =	smax.u32 s5, $0x1;
	s6 =	simm.s32 $0x3  }
0x16: {  	s7 =	simm.s32 $0x3200;
	s10 =	simm.s32 $0x5200;
	s17 =	simm.s32 $0x8A00  }
0x17: {  	s19 =	simm.s32 $0x9A00;
	s1 =	sadd.s32 s1, s8;
	[dreg:$0xa] =	wrdreg s21  }
0x18: {  	v2 =	vlaneseq.u32;
	s18 =	sadd.s32 s3, s8;
	s3 =	sadd.s32 $0x4C00, s0;
	[dreg:$0xb] =	wrdreg s22  }
0x19: {  	vm0 =	vmmov $0xffff;
	v1 =	vshrl.u32 v2, $0x3;
	s8 =	simm.s32 $0x4200;
	s22 =	simm.s32 $0xA200;
	[dreg:$0x6] =	wrdreg s1  }
0x1a: {  	v0 =	vand.u32 $0x7, v2;
	v2 =	vor.u32 $0x8, v2;
	v1 =	vmul.u32 $0x8, v1;
	s21 =	simm.s32 $0xB200;
	[dreg:$0x7] =	wrdreg s18;
	s18 =	simm.s32 $0x9200  }
.LBB2_1:
0x1b: {  	s24 =	rddreg [dreg:$0x4]  }
0x1c: {  	[tilespmem:s2], [sflag:$0x3] =	stream.linear.gather [hbm4b:s24+s2], $0x80, $0x38;
	[tilespmem:$0x14200] =	vst v63  }
0x1d: {  	_ =	swait.ge [sflag:s6], $0x80  }
0x1e: {  	s0 =	rddreg [dreg:$0x5];
	[sflag:s6] =	ssyncset.done $0x0  }
0x1f: {  	s25 =	rddreg [dreg:$0xc];
	[sflag:s6] =	ssyncadd.s32 $0xFFFFFF80  }
0x20: {  	[tilespmem:s25], [sflag:$0x3] =	stream.linear.gather [hbm4b:s0+s2], $0x80, $0x38;
	[tilespmem:$0x14200] =	vst v63  }
0x21: {  	_ =	swait.ge [sflag:s6], $0x80  }
0x22: {  	s1 =	rddreg [dreg:$0x6];
	[sflag:s6] =	ssyncset.done $0x0  }
0x23: {  	s5 =	rddreg [dreg:$0xd];
	[sflag:s6] =	ssyncadd.s32 $0xFFFFFF80  }
0x24: {  	[tilespmem:s5], [sflag:$0x3] =	stream.linear.gather [hbm4b:s1+s2], $0x80, $0x38;
	[tilespmem:$0x14200] =	vst v63  }
0x25: {  	_ =	swait.ge [sflag:s6], $0x80  }
0x26: {  	s0 =	rddreg [dreg:$0x7];
	[sflag:s6] =	ssyncset.done $0x0  }
0x27: {  	s1 =	rddreg [dreg:$0xe];
	[sflag:s6] =	ssyncadd.s32 $0xFFFFFF80  }
0x28: {  	[tilespmem:s1], [sflag:$0x3] =	stream.linear.gather [hbm4b:s0+s2], $0x80, $0x38;
	[tilespmem:$0x14200] =	vst v63  }
0x29: {  	_ =	swait.ge [sflag:s6], $0x80  }
0x2a: {  	[sflag:s6] =	ssyncset.done $0x0  }
0x2b: {  	[sflag:s6] =	ssyncadd.s32 $0xFFFFFF80  }
0x2c: {  	v3 =	vld [tilespmem:$0x0];
	_ =	sdelay $0x4  }
0x2d: {  	v4 =	vshll.u32 v3, $0x2  }
0x2e: {  	v3 =	vand.u32 $0x7, v3;
	v4 =	vand.u32 $0xFFFFFFE0, v4  }
0x2f: {  	v3 =	vor.u32 v3, v4  }
0x30: {  	v4 =	vperm.xlane v3, v0;
	_ =	sdelay $0x1  }
0x31: {  	v4 =	vadd.s32 v1, v4;
	_ =	sdelay $0x1  }
0x32: {  	v3 =	vperm.xlane v3, v2;
	_ =	sdelay $0x1  }
0x33: {  	s0 =	simm.s32 $0x200;
	v3 =	vadd.s32 v1, v3  }
0x34: {  	[tilespmem:s0], [sflag:$0x1] =	stream.indirect_vreg.gather [hbm4b:s3+s2], $0x80, v4, vm0, $0xb8;
	[tilespmem:$0x14200] =	vst v63  }
0x35: {  	s25 =	simm.s32 $0xA00  }
0x36: {  	[tilespmem:s25], [sflag:$0x1] =	stream.indirect_vreg.gather [hbm4b:s4+s2], $0x80, v4, vm0, $0xb8;
	[tilespmem:$0x14200] =	vst v63  }
0x37: {  	_ = 	snop  }
0x38: {  	[tilespmem:s26], [sflag:$0x1] =	stream.indirect_vreg.gather [hbm4b:s3+s2], $0x80, v3, vm0, $0xb8;
	[tilespmem:$0x14200] =	vst v63  }
0x39: {  	_ = 	snop  }
0x3a: {  	[tilespmem:s29], [sflag:$0x1] =	stream.indirect_vreg.gather [hbm4b:s4+s2], $0x80, v3, vm0, $0xb8;
	[tilespmem:$0x14200] =	vst v63  }
0x3b: {  	v3 =	vld [tilespmem:$0x10];
	_ =	sdelay $0x4  }
0x3c: {  	v45 =	vshll.u32 v3, $0x2  }
0x3d: {  	v3 =	vand.u32 $0x7, v3;
	v4 =	vand.u32 $0xFFFFFFE0, v45  }
0x3e: {  	v3 =	vor.u32 v3, v4  }
0x3f: {  	v4 =	vperm.xlane v3, v0;
	_ =	sdelay $0x1  }
0x40: {  	v4 =	vadd.s32 v1, v4;
	_ =	sdelay $0x1  }
0x41: {  	v3 =	vperm.xlane v3, v2;
	_ =	sdelay $0x1  }
0x42: {  	v3 =	vadd.s32 v1, v3  }
0x43: {  	[tilespmem:s30], [sflag:$0x1] =	stream.indirect_vreg.gather [hbm4b:s3+s2], $0x80, v4, vm0, $0xb8;
	[tilespmem:$0x14200] =	vst v63  }
0x44: {  	_ = 	snop  }
0x45: {  	[tilespmem:s31], [sflag:$0x1] =	stream.indirect_vreg.gather [hbm4b:s4+s2], $0x80, v4, vm0, $0xb8;
	[tilespmem:$0x14200] =	vst v63  }
0x46: {  	_ = 	snop  }
0x47: {  	[tilespmem:s7], [sflag:$0x1] =	stream.indirect_vreg.gather [hbm4b:s3+s2], $0x80, v3, vm0, $0xb8;
	[tilespmem:$0x14200] =	vst v63  }
0x48: {  	s1 =	simm.s32 $0x3A00  }
0x49: {  	[tilespmem:s1], [sflag:$0x1] =	stream.indirect_vreg.gather [hbm4b:s4+s2], $0x80, v3, vm0, $0xb8;
	[tilespmem:$0x14200] =	vst v63  }
0x4a: {  	v3 =	vld [tilespmem:$0x20];
	_ =	sdelay $0x4  }
0x4b: {  	v46 =	vshll.u32 v3, $0x2  }
0x4c: {  	v3 =	vand.u32 $0x7, v3;
	v4 =	vand.u32 $0xFFFFFFE0, v46  }
0x4d: {  	v3 =	vor.u32 v3, v4  }
0x4e: {  	v4 =	vperm.xlane v3, v0;
	_ =	sdelay $0x1  }
0x4f: {  	v4 =	vadd.s32 v1, v4;
	_ =	sdelay $0x1  }
0x50: {  	v3 =	vperm.xlane v3, v2;
	_ =	sdelay $0x1  }
0x51: {  	v3 =	vadd.s32 v1, v3  }
0x52: {  	[tilespmem:s8], [sflag:$0x1] =	stream.indirect_vreg.gather [hbm4b:s3+s2], $0x80, v4, vm0, $0xb8;
	[tilespmem:$0x14200] =	vst v63  }
0x53: {  	_ = 	snop  }
0x54: {  	[tilespmem:s9], [sflag:$0x1] =	stream.indirect_vreg.gather [hbm4b:s4+s2], $0x80, v4, vm0, $0xb8;
	[tilespmem:$0x14200] =	vst v63  }
0x55: {  	_ = 	snop  }
0x56: {  	[tilespmem:s10], [sflag:$0x1] =	stream.indirect_vreg.gather [hbm4b:s3+s2], $0x80, v3, vm0, $0xb8;
	[tilespmem:$0x14200] =	vst v63  }
0x57: {  	_ = 	snop  }
0x58: {  	[tilespmem:s11], [sflag:$0x1] =	stream.indirect_vreg.gather [hbm4b:s4+s2], $0x80, v3, vm0, $0xb8;
	[tilespmem:$0x14200] =	vst v63  }
0x59: {  	v3 =	vld [tilespmem:$0x30];
	_ =	sdelay $0x4  }
0x5a: {  	v47 =	vshll.u32 v3, $0x2  }
0x5b: {  	v3 =	vand.u32 $0x7, v3;
	v4 =	vand.u32 $0xFFFFFFE0, v47  }
0x5c: {  	v3 =	vor.u32 v3, v4  }
0x5d: {  	v4 =	vperm.xlane v3, v0;
	_ =	sdelay $0x1  }
0x5e: {  	v4 =	vadd.s32 v1, v4;
	_ =	sdelay $0x1  }
0x5f: {  	v3 =	vperm.xlane v3, v2;
	_ =	sdelay $0x1  }
0x60: {  	v3 =	vadd.s32 v1, v3  }
0x61: {  	[tilespmem:s12], [sflag:$0x1] =	stream.indirect_vreg.gather [hbm4b:s3+s2], $0x80, v4, vm0, $0xb8;
	[tilespmem:$0x14200] =	vst v63  }
0x62: {  	_ = 	snop  }
0x63: {  	[tilespmem:s13], [sflag:$0x1] =	stream.indirect_vreg.gather [hbm4b:s4+s2], $0x80, v4, vm0, $0xb8;
	[tilespmem:$0x14200] =	vst v63  }
0x64: {  	_ = 	snop  }
0x65: {  	[tilespmem:s14], [sflag:$0x1] =	stream.indirect_vreg.gather [hbm4b:s3+s2], $0x80, v3, vm0, $0xb8;
	[tilespmem:$0x14200] =	vst v63  }
0x66: {  	_ = 	snop  }
0x67: {  	[tilespmem:s15], [sflag:$0x1] =	stream.indirect_vreg.gather [hbm4b:s4+s2], $0x80, v3, vm0, $0xb8;
	[tilespmem:$0x14200] =	vst v63  }
0x68: {  	v3 =	vld [tilespmem:$0x40];
	_ =	sdelay $0x4  }
0x69: {  	v48 =	vshll.u32 v3, $0x2  }
0x6a: {  	v3 =	vand.u32 $0x7, v3;
	v4 =	vand.u32 $0xFFFFFFE0, v48  }
0x6b: {  	v3 =	vor.u32 v3, v4  }
0x6c: {  	v4 =	vperm.xlane v3, v0;
	_ =	sdelay $0x1  }
0x6d: {  	v4 =	vadd.s32 v1, v4;
	_ =	sdelay $0x1  }
0x6e: {  	v3 =	vperm.xlane v3, v2;
	_ =	sdelay $0x1  }
0x6f: {  	v3 =	vadd.s32 v1, v3  }
0x70: {  	[tilespmem:s16], [sflag:$0x1] =	stream.indirect_vreg.gather [hbm4b:s3+s2], $0x80, v4, vm0, $0xb8;
	[tilespmem:$0x14200] =	vst v63  }
0x71: {  	_ = 	snop  }
0x72: {  	[tilespmem:s17], [sflag:$0x1] =	stream.indirect_vreg.gather [hbm4b:s4+s2], $0x80, v4, vm0, $0xb8;
	[tilespmem:$0x14200] =	vst v63  }
0x73: {  	_ = 	snop  }
0x74: {  	[tilespmem:s18], [sflag:$0x1] =	stream.indirect_vreg.gather [hbm4b:s3+s2], $0x80, v3, vm0, $0xb8;
	[tilespmem:$0x14200] =	vst v63  }
0x75: {  	_ = 	snop  }
0x76: {  	[tilespmem:s19], [sflag:$0x1] =	stream.indirect_vreg.gather [hbm4b:s4+s2], $0x80, v3, vm0, $0xb8;
	[tilespmem:$0x14200] =	vst v63  }
0x77: {  	v3 =	vld [tilespmem:$0x80];
	_ =	sdelay $0x4  }
0x78: {  	v49 =	vshll.u32 v3, $0x2  }
0x79: {  	v3 =	vand.u32 $0x7, v3;
	v4 =	vand.u32 $0xFFFFFFE0, v49  }
0x7a: {  	v3 =	vor.u32 v3, v4  }
0x7b: {  	v4 =	vperm.xlane v3, v0;
	_ =	sdelay $0x1  }
0x7c: {  	v4 =	vadd.s32 v1, v4;
	_ =	sdelay $0x1  }
0x7d: {  	v3 =	vperm.xlane v3, v2;
	_ =	sdelay $0x1  }
0x7e: {  	v3 =	vadd.s32 v1, v3  }
0x7f: {  	[tilespmem:s22], [sflag:$0x2] =	stream.indirect_vreg.gather [hbm4b:s3+s2], $0x80, v4, vm0, $0xb8;
	[tilespmem:$0x14200] =	vst v63  }
0x80: {  	s5 =	simm.s32 $0xAA00  }
0x81: {  	[tilespmem:s5], [sflag:$0x2] =	stream.indirect_vreg.gather [hbm4b:s4+s2], $0x80, v4, vm0, $0xb8;
	[tilespmem:$0x14200] =	vst v63  }
0x82: {  	_ = 	snop  }
0x83: {  	[tilespmem:s21], [sflag:$0x2] =	stream.indirect_vreg.gather [hbm4b:s3+s2], $0x80, v3, vm0, $0xb8;
	[tilespmem:$0x14200] =	vst v63  }
0x84: {  	s24 =	simm.s32 $0xBA00  }
0x85: {  	[tilespmem:s24], [sflag:$0x2] =	stream.indirect_vreg.gather [hbm4b:s4+s2], $0x80, v3, vm0, $0xb8;
	[tilespmem:$0x14200] =	vst v63  }
0x86: {  	v3 =	vld [tilespmem:$0x90];
	_ =	sdelay $0x4  }
0x87: {  	v50 =	vshll.u32 v3, $0x2  }
0x88: {  	v3 =	vand.u32 $0x7, v3;
	v4 =	vand.u32 $0xFFFFFFE0, v50  }
0x89: {  	v3 =	vor.u32 v3, v4  }
0x8a: {  	v4 =	vperm.xlane v3, v0;
	_ =	sdelay $0x1  }
0x8b: {  	v4 =	vadd.s32 v1, v4;
	_ =	sdelay $0x1  }
0x8c: {  	v3 =	vperm.xlane v3, v2;
	_ =	sdelay $0x1  }
0x8d: {  	v3 =	vadd.s32 v1, v3  }
0x8e: {  	[tilespmem:s28], [sflag:$0x2] =	stream.indirect_vreg.gather [hbm4b:s3+s2], $0x80, v4, vm0, $0xb8;
	[tilespmem:$0x14200] =	vst v63  }
0x8f: {  	_ = 	snop  }
0x90: {  	[tilespmem:s23], [sflag:$0x2] =	stream.indirect_vreg.gather [hbm4b:s4+s2], $0x80, v4, vm0, $0xb8;
	[tilespmem:$0x14200] =	vst v63  }
0x91: {  	s5 =	simm.s32 $0xD200  }
0x92: {  	[tilespmem:s5], [sflag:$0x2] =	stream.indirect_vreg.gather [hbm4b:s3+s2], $0x80, v3, vm0, $0xb8;
	[tilespmem:$0x14200] =	vst v63  }
0x93: {  	s24 =	simm.s32 $0xDA00  }
0x94: {  	[tilespmem:s24], [sflag:$0x2] =	stream.indirect_vreg.gather [hbm4b:s4+s2], $0x80, v3, vm0, $0xb8;
	[tilespmem:$0x14200] =	vst v63  }
0x95: {  	v3 =	vld [tilespmem:$0xA0];
	_ =	sdelay $0x4  }
0x96: {  	v51 =	vshll.u32 v3, $0x2  }
0x97: {  	v3 =	vand.u32 $0x7, v3;
	v4 =	vand.u32 $0xFFFFFFE0, v51  }
0x98: {  	v3 =	vor.u32 v3, v4  }
0x99: {  	v4 =	vperm.xlane v3, v0;
	_ =	sdelay $0x1  }
0x9a: {  	v4 =	vadd.s32 v1, v4;
	_ =	sdelay $0x1  }
0x9b: {  	v3 =	vperm.xlane v3, v2;
	_ =	sdelay $0x1  }
0x9c: {  	s5 =	simm.s32 $0xE200;
	v3 =	vadd.s32 v1, v3  }
0x9d: {  	[tilespmem:s5], [sflag:$0x2] =	stream.indirect_vreg.gather [hbm4b:s3+s2], $0x80, v4, vm0, $0xb8;
	[tilespmem:$0x14200] =	vst v63  }
0x9e: {  	s24 =	simm.s32 $0xEA00  }
0x9f: {  	[tilespmem:s24], [sflag:$0x2] =	stream.indirect_vreg.gather [hbm4b:s4+s2], $0x80, v4, vm0, $0xb8;
	[tilespmem:$0x14200] =	vst v63  }
0xa0: {  	s5 =	simm.s32 $0xF200  }
0xa1: {  	[tilespmem:s5], [sflag:$0x2] =	stream.indirect_vreg.gather [hbm4b:s3+s2], $0x80, v3, vm0, $0xb8;
	[tilespmem:$0x14200] =	vst v63  }
0xa2: {  	s24 =	simm.s32 $0xFA00  }
0xa3: {  	[tilespmem:s24], [sflag:$0x2] =	stream.indirect_vreg.gather [hbm4b:s4+s2], $0x80, v3, vm0, $0xb8;
	[tilespmem:$0x14200] =	vst v63  }
0xa4: {  	v3 =	vld [tilespmem:$0xB0];
	_ =	sdelay $0x4  }
0xa5: {  	v52 =	vshll.u32 v3, $0x2  }
0xa6: {  	v3 =	vand.u32 $0x7, v3;
	v4 =	vand.u32 $0xFFFFFFE0, v52  }
0xa7: {  	v3 =	vor.u32 v3, v4  }
0xa8: {  	v4 =	vperm.xlane v3, v0;
	_ =	sdelay $0x1  }
0xa9: {  	v4 =	vadd.s32 v1, v4;
	_ =	sdelay $0x1  }
0xaa: {  	v3 =	vperm.xlane v3, v2;
	_ =	sdelay $0x1  }
0xab: {  	s5 =	simm.s32 $0x10200;
	v3 =	vadd.s32 v1, v3  }
0xac: {  	[tilespmem:s5], [sflag:$0x2] =	stream.indirect_vreg.gather [hbm4b:s3+s2], $0x80, v4, vm0, $0xb8;
	[tilespmem:$0x14200] =	vst v63  }
0xad: {  	s24 =	simm.s32 $0x10A00  }
0xae: {  	[tilespmem:s24], [sflag:$0x2] =	stream.indirect_vreg.gather [hbm4b:s4+s2], $0x80, v4, vm0, $0xb8;
	[tilespmem:$0x14200] =	vst v63  }
0xaf: {  	s5 =	simm.s32 $0x11200  }
0xb0: {  	[tilespmem:s5], [sflag:$0x2] =	stream.indirect_vreg.gather [hbm4b:s3+s2], $0x80, v3, vm0, $0xb8;
	[tilespmem:$0x14200] =	vst v63  }
0xb1: {  	s24 =	simm.s32 $0x11A00  }
0xb2: {  	[tilespmem:s24], [sflag:$0x2] =	stream.indirect_vreg.gather [hbm4b:s4+s2], $0x80, v3, vm0, $0xb8;
	[tilespmem:$0x14200] =	vst v63  }
0xb3: {  	v3 =	vld [tilespmem:$0xC0];
	_ =	sdelay $0x4  }
0xb4: {  	v53 =	vshll.u32 v3, $0x2  }
0xb5: {  	v3 =	vand.u32 $0x7, v3;
	v4 =	vand.u32 $0xFFFFFFE0, v53  }
0xb6: {  	v3 =	vor.u32 v3, v4  }
0xb7: {  	v4 =	vperm.xlane v3, v0;
	_ =	sdelay $0x1  }
0xb8: {  	v4 =	vadd.s32 v1, v4;
	_ =	sdelay $0x1  }
0xb9: {  	v3 =	vperm.xlane v3, v2;
	_ =	sdelay $0x1  }
0xba: {  	s5 =	simm.s32 $0x12200;
	v3 =	vadd.s32 v1, v3  }
0xbb: {  	[tilespmem:s5], [sflag:$0x2] =	stream.indirect_vreg.gather [hbm4b:s3+s2], $0x80, v4, vm0, $0xb8;
	[tilespmem:$0x14200] =	vst v63  }
0xbc: {  	s24 =	simm.s32 $0x12A00  }
0xbd: {  	[tilespmem:s24], [sflag:$0x2] =	stream.indirect_vreg.gather [hbm4b:s4+s2], $0x80, v4, vm0, $0xb8;
	[tilespmem:$0x14200] =	vst v63  }
0xbe: {  	s5 =	simm.s32 $0x13200  }
0xbf: {  	[tilespmem:s5], [sflag:$0x2] =	stream.indirect_vreg.gather [hbm4b:s3+s2], $0x80, v3, vm0, $0xb8;
	[tilespmem:$0x14200] =	vst v63  }
0xc0: {  	s0 =	simm.s32 $0x1;
	s24 =	simm.s32 $0x13A00  }
0xc1: {  	[tilespmem:s24], [sflag:$0x2] =	stream.indirect_vreg.gather [hbm4b:s4+s2], $0x80, v3, vm0, $0xb8;
	[tilespmem:$0x14200] =	vst v63  }
0xc2: {  	_ =	swait.ge [sflag:s0], $0xA000  }
0xc3: {  	[sflag:s0] =	ssyncset.done $0x0  }
0xc4: {  	s5 =	simm.s32 $0x200;
	s24 =	rddreg [dreg:$0x8];
	[sflag:s0] =	ssyncadd.s32 $0xFFFF6000  }
0xc5: {  	[hbm4b:s24+s2] =	stream.linear.scatter [tilespmem:s5], [sflag:$0x3], $0xA000, $0x38;
	[tilespmem:$0x14200] =	vst v63  }
0xc6: {  	_ =	swait.ge [sflag:s6], $0xA000  }
0xc7: {  	[sflag:s6] =	ssyncset.done $0x0  }
0xc8: {  	[sflag:s6] =	ssyncadd.s32 $0xFFFF6000  }
0xc9: {  	v3 =	vld [tilespmem:$0x100];
	_ =	sdelay $0x4  }
0xca: {  	v54 =	vshll.u32 v3, $0x2  }
0xcb: {  	v3 =	vand.u32 $0x7, v3;
	v4 =	vand.u32 $0xFFFFFFE0, v54  }
0xcc: {  	v3 =	vor.u32 v3, v4  }
0xcd: {  	v4 =	vperm.xlane v3, v0;
	_ =	sdelay $0x1  }
0xce: {  	v4 =	vadd.s32 v1, v4;
	_ =	sdelay $0x1  }
0xcf: {  	v3 =	vperm.xlane v3, v2;
	_ =	sdelay $0x1  }
0xd0: {  	v3 =	vadd.s32 v1, v3  }
0xd1: {  	[tilespmem:s5], [sflag:$0x1] =	stream.indirect_vreg.gather [hbm4b:s3+s2], $0x80, v4, vm0, $0xb8;
	[tilespmem:$0x14200] =	vst v63  }
0xd2: {  	_ = 	snop  }
0xd3: {  	[tilespmem:s25], [sflag:$0x1] =	stream.indirect_vreg.gather [hbm4b:s4+s2], $0x80, v4, vm0, $0xb8;
	[tilespmem:$0x14200] =	vst v63  }
0xd4: {  	_ = 	snop  }
0xd5: {  	[tilespmem:s26], [sflag:$0x1] =	stream.indirect_vreg.gather [hbm4b:s3+s2], $0x80, v3, vm0, $0xb8;
	[tilespmem:$0x14200] =	vst v63  }
0xd6: {  	_ = 	snop  }
0xd7: {  	[tilespmem:s29], [sflag:$0x1] =	stream.indirect_vreg.gather [hbm4b:s4+s2], $0x80, v3, vm0, $0xb8;
	[tilespmem:$0x14200] =	vst v63  }
0xd8: {  	v3 =	vld [tilespmem:$0x110];
	_ =	sdelay $0x4  }
0xd9: {  	v55 =	vshll.u32 v3, $0x2  }
0xda: {  	v3 =	vand.u32 $0x7, v3;
	v4 =	vand.u32 $0xFFFFFFE0, v55  }
0xdb: {  	v3 =	vor.u32 v3, v4  }
0xdc: {  	v4 =	vperm.xlane v3, v0;
	_ =	sdelay $0x1  }
0xdd: {  	v4 =	vadd.s32 v1, v4;
	_ =	sdelay $0x1  }
0xde: {  	v3 =	vperm.xlane v3, v2;
	_ =	sdelay $0x1  }
0xdf: {  	v3 =	vadd.s32 v1, v3  }
0xe0: {  	[tilespmem:s30], [sflag:$0x1] =	stream.indirect_vreg.gather [hbm4b:s3+s2], $0x80, v4, vm0, $0xb8;
	[tilespmem:$0x14200] =	vst v63  }
0xe1: {  	_ = 	snop  }
0xe2: {  	[tilespmem:s31], [sflag:$0x1] =	stream.indirect_vreg.gather [hbm4b:s4+s2], $0x80, v4, vm0, $0xb8;
	[tilespmem:$0x14200] =	vst v63  }
0xe3: {  	_ = 	snop  }
0xe4: {  	[tilespmem:s7], [sflag:$0x1] =	stream.indirect_vreg.gather [hbm4b:s3+s2], $0x80, v3, vm0, $0xb8;
	[tilespmem:$0x14200] =	vst v63  }
0xe5: {  	_ = 	snop  }
0xe6: {  	[tilespmem:s1], [sflag:$0x1] =	stream.indirect_vreg.gather [hbm4b:s4+s2], $0x80, v3, vm0, $0xb8;
	[tilespmem:$0x14200] =	vst v63  }
0xe7: {  	v3 =	vld [tilespmem:$0x120];
	_ =	sdelay $0x4  }
0xe8: {  	v56 =	vshll.u32 v3, $0x2  }
0xe9: {  	v3 =	vand.u32 $0x7, v3;
	v4 =	vand.u32 $0xFFFFFFE0, v56  }
0xea: {  	v3 =	vor.u32 v3, v4  }
0xeb: {  	v4 =	vperm.xlane v3, v0;
	_ =	sdelay $0x1  }
0xec: {  	v4 =	vadd.s32 v1, v4;
	_ =	sdelay $0x1  }
0xed: {  	v3 =	vperm.xlane v3, v2;
	_ =	sdelay $0x1  }
0xee: {  	v3 =	vadd.s32 v1, v3  }
0xef: {  	[tilespmem:s8], [sflag:$0x1] =	stream.indirect_vreg.gather [hbm4b:s3+s2], $0x80, v4, vm0, $0xb8;
	[tilespmem:$0x14200] =	vst v63  }
0xf0: {  	_ = 	snop  }
0xf1: {  	[tilespmem:s9], [sflag:$0x1] =	stream.indirect_vreg.gather [hbm4b:s4+s2], $0x80, v4, vm0, $0xb8;
	[tilespmem:$0x14200] =	vst v63  }
0xf2: {  	_ = 	snop  }
0xf3: {  	[tilespmem:s10], [sflag:$0x1] =	stream.indirect_vreg.gather [hbm4b:s3+s2], $0x80, v3, vm0, $0xb8;
	[tilespmem:$0x14200] =	vst v63  }
0xf4: {  	_ = 	snop  }
0xf5: {  	[tilespmem:s11], [sflag:$0x1] =	stream.indirect_vreg.gather [hbm4b:s4+s2], $0x80, v3, vm0, $0xb8;
	[tilespmem:$0x14200] =	vst v63  }
0xf6: {  	v3 =	vld [tilespmem:$0x130];
	_ =	sdelay $0x4  }
0xf7: {  	v57 =	vshll.u32 v3, $0x2  }
0xf8: {  	v3 =	vand.u32 $0x7, v3;
	v4 =	vand.u32 $0xFFFFFFE0, v57  }
0xf9: {  	v3 =	vor.u32 v3, v4  }
0xfa: {  	v4 =	vperm.xlane v3, v0;
	_ =	sdelay $0x1  }
0xfb: {  	v4 =	vadd.s32 v1, v4;
	_ =	sdelay $0x1  }
0xfc: {  	v3 =	vperm.xlane v3, v2;
	_ =	sdelay $0x1  }
0xfd: {  	v3 =	vadd.s32 v1, v3  }
0xfe: {  	[tilespmem:s12], [sflag:$0x1] =	stream.indirect_vreg.gather [hbm4b:s3+s2], $0x80, v4, vm0, $0xb8;
	[tilespmem:$0x14200] =	vst v63  }
0xff: {  	_ = 	snop  }
0x100: {  	[tilespmem:s13], [sflag:$0x1] =	stream.indirect_vreg.gather [hbm4b:s4+s2], $0x80, v4, vm0, $0xb8;
	[tilespmem:$0x14200] =	vst v63  }
0x101: {  	_ = 	snop  }
0x102: {  	[tilespmem:s14], [sflag:$0x1] =	stream.indirect_vreg.gather [hbm4b:s3+s2], $0x80, v3, vm0, $0xb8;
	[tilespmem:$0x14200] =	vst v63  }
0x103: {  	_ = 	snop  }
0x104: {  	[tilespmem:s15], [sflag:$0x1] =	stream.indirect_vreg.gather [hbm4b:s4+s2], $0x80, v3, vm0, $0xb8;
	[tilespmem:$0x14200] =	vst v63  }
0x105: {  	v3 =	vld [tilespmem:$0x140];
	_ =	sdelay $0x4  }
0x106: {  	v58 =	vshll.u32 v3, $0x2  }
0x107: {  	v3 =	vand.u32 $0x7, v3;
	v4 =	vand.u32 $0xFFFFFFE0, v58  }
0x108: {  	v3 =	vor.u32 v3, v4  }
0x109: {  	v4 =	vperm.xlane v3, v0;
	_ =	sdelay $0x1  }
0x10a: {  	v4 =	vadd.s32 v1, v4;
	_ =	sdelay $0x1  }
0x10b: {  	v3 =	vperm.xlane v3, v2;
	_ =	sdelay $0x1  }
0x10c: {  	v3 =	vadd.s32 v1, v3  }
0x10d: {  	[tilespmem:s16], [sflag:$0x1] =	stream.indirect_vreg.gather [hbm4b:s3+s2], $0x80, v4, vm0, $0xb8;
	[tilespmem:$0x14200] =	vst v63  }
0x10e: {  	_ = 	snop  }
0x10f: {  	[tilespmem:s17], [sflag:$0x1] =	stream.indirect_vreg.gather [hbm4b:s4+s2], $0x80, v4, vm0, $0xb8;
	[tilespmem:$0x14200] =	vst v63  }
0x110: {  	_ = 	snop  }
0x111: {  	[tilespmem:s18], [sflag:$0x1] =	stream.indirect_vreg.gather [hbm4b:s3+s2], $0x80, v3, vm0, $0xb8;
	[tilespmem:$0x14200] =	vst v63  }
0x112: {  	s1 =	simm.s32 $0x2  }
0x113: {  	[tilespmem:s19], [sflag:$0x1] =	stream.indirect_vreg.gather [hbm4b:s4+s2], $0x80, v3, vm0, $0xb8;
	[tilespmem:$0x14200] =	vst v63  }
0x114: {  	_ =	swait.ge [sflag:s1], $0xA000  }
0x115: {  	[sflag:s1] =	ssyncset.done $0x0  }
0x116: {  	s5 =	rddreg [dreg:$0x9];
	[sflag:s1] =	ssyncadd.s32 $0xFFFF6000  }
0x117: {  	[hbm4b:s5+s2] =	stream.linear.scatter [tilespmem:s22], [sflag:$0x3], $0xA000, $0x38;
	[tilespmem:$0x14200] =	vst v63  }
0x118: {  	_ =	swait.ge [sflag:s6], $0xA000  }
0x119: {  	[sflag:s6] =	ssyncset.done $0x0  }
0x11a: {  	[sflag:s6] =	ssyncadd.s32 $0xFFFF6000  }
0x11b: {  	v3 =	vld [tilespmem:$0x180];
	_ =	sdelay $0x4  }
0x11c: {  	v59 =	vshll.u32 v3, $0x2  }
0x11d: {  	v3 =	vand.u32 $0x7, v3;
	v4 =	vand.u32 $0xFFFFFFE0, v59  }
0x11e: {  	v3 =	vor.u32 v3, v4  }
0x11f: {  	v4 =	vperm.xlane v3, v0;
	_ =	sdelay $0x1  }
0x120: {  	v4 =	vadd.s32 v1, v4;
	_ =	sdelay $0x1  }
0x121: {  	v3 =	vperm.xlane v3, v2;
	_ =	sdelay $0x1  }
0x122: {  	v3 =	vadd.s32 v1, v3  }
0x123: {  	[tilespmem:s22], [sflag:$0x2] =	stream.indirect_vreg.gather [hbm4b:s3+s2], $0x80, v4, vm0, $0xb8;
	[tilespmem:$0x14200] =	vst v63  }
0x124: {  	s25 =	simm.s32 $0xAA00  }
0x125: {  	[tilespmem:s25], [sflag:$0x2] =	stream.indirect_vreg.gather [hbm4b:s4+s2], $0x80, v4, vm0, $0xb8;
	[tilespmem:$0x14200] =	vst v63  }
0x126: {  	_ = 	snop  }
0x127: {  	[tilespmem:s21], [sflag:$0x2] =	stream.indirect_vreg.gather [hbm4b:s3+s2], $0x80, v3, vm0, $0xb8;
	[tilespmem:$0x14200] =	vst v63  }
0x128: {  	s24 =	simm.s32 $0xBA00  }
0x129: {  	[tilespmem:s24], [sflag:$0x2] =	stream.indirect_vreg.gather [hbm4b:s4+s2], $0x80, v3, vm0, $0xb8;
	[tilespmem:$0x14200] =	vst v63  }
0x12a: {  	v3 =	vld [tilespmem:$0x190];
	_ =	sdelay $0x4  }
0x12b: {  	v60 =	vshll.u32 v3, $0x2  }
0x12c: {  	v3 =	vand.u32 $0x7, v3;
	v4 =	vand.u32 $0xFFFFFFE0, v60  }
0x12d: {  	v3 =	vor.u32 v3, v4  }
0x12e: {  	v4 =	vperm.xlane v3, v0;
	_ =	sdelay $0x1  }
0x12f: {  	v4 =	vadd.s32 v1, v4;
	_ =	sdelay $0x1  }
0x130: {  	v3 =	vperm.xlane v3, v2;
	_ =	sdelay $0x1  }
0x131: {  	v3 =	vadd.s32 v1, v3  }
0x132: {  	[tilespmem:s28], [sflag:$0x2] =	stream.indirect_vreg.gather [hbm4b:s3+s2], $0x80, v4, vm0, $0xb8;
	[tilespmem:$0x14200] =	vst v63  }
0x133: {  	_ = 	snop  }
0x134: {  	[tilespmem:s23], [sflag:$0x2] =	stream.indirect_vreg.gather [hbm4b:s4+s2], $0x80, v4, vm0, $0xb8;
	[tilespmem:$0x14200] =	vst v63  }
0x135: {  	s25 =	simm.s32 $0xD200  }
0x136: {  	[tilespmem:s25], [sflag:$0x2] =	stream.indirect_vreg.gather [hbm4b:s3+s2], $0x80, v3, vm0, $0xb8;
	[tilespmem:$0x14200] =	vst v63  }
0x137: {  	s24 =	simm.s32 $0xDA00  }
0x138: {  	[tilespmem:s24], [sflag:$0x2] =	stream.indirect_vreg.gather [hbm4b:s4+s2], $0x80, v3, vm0, $0xb8;
	[tilespmem:$0x14200] =	vst v63  }
0x139: {  	v3 =	vld [tilespmem:$0x1A0];
	_ =	sdelay $0x4  }
0x13a: {  	v61 =	vshll.u32 v3, $0x2  }
0x13b: {  	v3 =	vand.u32 $0x7, v3;
	v4 =	vand.u32 $0xFFFFFFE0, v61  }
0x13c: {  	v3 =	vor.u32 v3, v4  }
0x13d: {  	v4 =	vperm.xlane v3, v0;
	_ =	sdelay $0x1  }
0x13e: {  	v4 =	vadd.s32 v1, v4;
	_ =	sdelay $0x1  }
0x13f: {  	v3 =	vperm.xlane v3, v2;
	_ =	sdelay $0x1  }
0x140: {  	s25 =	simm.s32 $0xE200;
	v3 =	vadd.s32 v1, v3  }
0x141: {  	[tilespmem:s25], [sflag:$0x2] =	stream.indirect_vreg.gather [hbm4b:s3+s2], $0x80, v4, vm0, $0xb8;
	[tilespmem:$0x14200] =	vst v63  }
0x142: {  	s24 =	simm.s32 $0xEA00  }
0x143: {  	[tilespmem:s24], [sflag:$0x2] =	stream.indirect_vreg.gather [hbm4b:s4+s2], $0x80, v4, vm0, $0xb8;
	[tilespmem:$0x14200] =	vst v63  }
0x144: {  	s25 =	simm.s32 $0xF200  }
0x145: {  	[tilespmem:s25], [sflag:$0x2] =	stream.indirect_vreg.gather [hbm4b:s3+s2], $0x80, v3, vm0, $0xb8;
	[tilespmem:$0x14200] =	vst v63  }
0x146: {  	s24 =	simm.s32 $0xFA00  }
0x147: {  	[tilespmem:s24], [sflag:$0x2] =	stream.indirect_vreg.gather [hbm4b:s4+s2], $0x80, v3, vm0, $0xb8;
	[tilespmem:$0x14200] =	vst v63  }
0x148: {  	v3 =	vld [tilespmem:$0x1B0];
	_ =	sdelay $0x4  }
0x149: {  	v62 =	vshll.u32 v3, $0x2  }
0x14a: {  	v3 =	vand.u32 $0x7, v3;
	v4 =	vand.u32 $0xFFFFFFE0, v62  }
0x14b: {  	v3 =	vor.u32 v3, v4  }
0x14c: {  	v4 =	vperm.xlane v3, v0;
	_ =	sdelay $0x1  }
0x14d: {  	v4 =	vadd.s32 v1, v4;
	_ =	sdelay $0x1  }
0x14e: {  	v3 =	vperm.xlane v3, v2;
	_ =	sdelay $0x1  }
0x14f: {  	s25 =	simm.s32 $0x10200;
	v3 =	vadd.s32 v1, v3  }
0x150: {  	[tilespmem:s25], [sflag:$0x2] =	stream.indirect_vreg.gather [hbm4b:s3+s2], $0x80, v4, vm0, $0xb8;
	[tilespmem:$0x14200] =	vst v63  }
0x151: {  	s24 =	simm.s32 $0x10A00  }
0x152: {  	[tilespmem:s24], [sflag:$0x2] =	stream.indirect_vreg.gather [hbm4b:s4+s2], $0x80, v4, vm0, $0xb8;
	[tilespmem:$0x14200] =	vst v63  }
0x153: {  	s25 =	simm.s32 $0x11200  }
0x154: {  	[tilespmem:s25], [sflag:$0x2] =	stream.indirect_vreg.gather [hbm4b:s3+s2], $0x80, v3, vm0, $0xb8;
	[tilespmem:$0x14200] =	vst v63  }
0x155: {  	s24 =	simm.s32 $0x11A00  }
0x156: {  	[tilespmem:s24], [sflag:$0x2] =	stream.indirect_vreg.gather [hbm4b:s4+s2], $0x80, v3, vm0, $0xb8;
	[tilespmem:$0x14200] =	vst v63  }
0x157: {  	v3 =	vld [tilespmem:$0x1C0];
	_ =	sdelay $0x4  }
0x158: {  	v63 =	vshll.u32 v3, $0x2  }
0x159: {  	v3 =	vand.u32 $0x7, v3;
	v4 =	vand.u32 $0xFFFFFFE0, v63  }
0x15a: {  	v3 =	vor.u32 v3, v4  }
0x15b: {  	v4 =	vperm.xlane v3, v0;
	_ =	sdelay $0x1  }
0x15c: {  	v4 =	vadd.s32 v1, v4;
	_ =	sdelay $0x1  }
0x15d: {  	v3 =	vperm.xlane v3, v2;
	_ =	sdelay $0x1  }
0x15e: {  	s25 =	simm.s32 $0x12200;
	v3 =	vadd.s32 v1, v3  }
0x15f: {  	[tilespmem:s25], [sflag:$0x2] =	stream.indirect_vreg.gather [hbm4b:s3+s2], $0x80, v4, vm0, $0xb8;
	[tilespmem:$0x14200] =	vst v63  }
0x160: {  	s24 =	simm.s32 $0x12A00  }
0x161: {  	[tilespmem:s24], [sflag:$0x2] =	stream.indirect_vreg.gather [hbm4b:s4+s2], $0x80, v4, vm0, $0xb8;
	[tilespmem:$0x14200] =	vst v63  }
0x162: {  	s25 =	simm.s32 $0x13200  }
0x163: {  	[tilespmem:s25], [sflag:$0x2] =	stream.indirect_vreg.gather [hbm4b:s3+s2], $0x80, v3, vm0, $0xb8;
	[tilespmem:$0x14200] =	vst v63  }
0x164: {  	s24 =	simm.s32 $0x13A00  }
0x165: {  	[tilespmem:s24], [sflag:$0x2] =	stream.indirect_vreg.gather [hbm4b:s4+s2], $0x80, v3, vm0, $0xb8;
	[tilespmem:$0x14200] =	vst v63  }
0x166: {  	_ =	swait.ge [sflag:s0], $0xA000  }
0x167: {  	[sflag:s0] =	ssyncset.done $0x0  }
0x168: {  	s5 =	simm.s32 $0x200;
	s25 =	rddreg [dreg:$0xa];
	[sflag:s0] =	ssyncadd.s32 $0xFFFF6000  }
0x169: {  	[hbm4b:s25+s2] =	stream.linear.scatter [tilespmem:s5], [sflag:$0x3], $0xA000, $0x38;
	[tilespmem:$0x14200] =	vst v63  }
0x16a: {  	_ =	swait.ge [sflag:s6], $0xA000  }
0x16b: {  	[sflag:s6] =	ssyncset.done $0x0  }
0x16c: {  	[sflag:s6] =	ssyncadd.s32 $0xFFFF6000  }
0x16d: {  	_ =	swait.ge [sflag:s1], $0xA000  }
0x16e: {  	p0 =	sne.s32 s20, $0x1;
	[sflag:s1] =	ssyncset.done $0x0  }
.Ltmp0:
0x16f: {  	s25 =	rddreg [dreg:$0xb];
	[sflag:s1] =	ssyncadd.s32 $0xFFFF6000;
	(pc) =	sbr.rel @p0 .LBB2_1-.Ltmp0, $4  }
0x170: {  	[hbm4b:s25+s2] =	stream.linear.scatter [tilespmem:s22], [sflag:$0x3], $0xA000, $0x38;
	[tilespmem:$0x14200] =	vst v63  }
0x171: {  	_ =	swait.ge [sflag:s6], $0xA000  }
0x172: {  	[sflag:s6] =	ssyncset.done $0x0  }
0x173: {  	s20 =	sadd.s32 $0xFFFFFFFF, s20;
	[sflag:s6] =	ssyncadd.s32 $0xFFFF6000  }
0x174: {  	_ =	sfence.sel $0x180000  }
0x175: {  	[bflag:$0x0] =	sbarrier.arrive $0xFFFF  }
0x176: {  	_ =	strace $0x9000004D  }
0x177: {  	s0 =	stileid.u32;
	[bflag:$0x2] =	sbarrier.arrive $0xFFFF  }
0x178: {  	p0 =	sne.s32 s0, $0x0;
	s0 =	rddreg [dreg:$0x3]  }
0x179: {  	s0 =	sadd.s32 @!p0 $0x100000, s0  }
0x17a: {  	[sflag:s0] =	ssyncadd.tile.s32 @!p0 $0x1;
	_ =	shalt  }
.Lfunc_end2:
_tile_overlayer_lowered:
.L_overlay_start_2:
0x17b: {  	(tag) =	ssettag $0x2  }
0x17c: {  	s0 =	rddreg [dreg:$0x0];
	s2 =	stileid.u32  }
0x17d: {  	s1 =	rddreg [dreg:$0x1];
	p0 =	sne.s32 s2, $0x0  }
0x17e: {  	s3 =	rddreg [dreg:$0x2];
	[bflag:$0x3] =	sbarrier.arrive $0xFFFF;
	s2 =	simm.s32 @!p0 $0x1C03  }
0x17f: {  	[timem:s3], [sflag:s2] =	dma.local @!p0 [hbm:s0], s1  }
0x180: {  	s0 =	simm.s32 @!p0 $0x3  }
0x181: {  	_ =	swait.ge @!p0 [sflag:s0], s1  }
0x182: {  	s1 =	ssub.s32 @!p0 $0x0, s1;
	[sflag:s0] =	ssyncset.done @!p0 $0x0  }
0x183: {  	[sflag:s0] =	ssyncadd.s32 @!p0 s1  }
0x184: {  	[bflag:$0x3] =	sbarrier.arrive $0xFFFF  }
0x185: {  	_ =	shalt  }

</sc_bundles>
